<compile_context>
chip_gen: v7x
topology: tpu7x:2x2x1
jax: 0.10.2.dev20260603
libtpu: 0.0.44.dev20260713+nightly
codegen_flags: <defaults>
</compile_context>

<pallas_src>
import functools

import jax
import jax.numpy as jnp
from jax import lax
from jax.experimental import pallas as pl
from jax.experimental.pallas import tpu as pltpu
from jax.experimental.pallas import tpu_sc as plsc

N = 10000
E = 640000
HID = 128
OUT = 256
LAYERS = 4
GRAPHS = 64

NW = 32
L = 128
CH = 160
E_PAD = NW * L * CH
N_PAD = 10112
RT = N_PAD // 16
IB = 32
DEGW = 128

_mesh = plsc.VectorSubcoreMesh(core_axis_name="c", subcore_axis_name="s")



@functools.partial(
    pl.kernel,
    mesh=_mesh,
    out_type=jax.ShapeDtypeStruct((2, N_PAD, HID), jnp.float32),
    scratch_types=[
        pltpu.VMEM((IB, L), jnp.int32),
        pltpu.VMEM((IB, L), jnp.int32),
        pltpu.VMEM((L, HID), jnp.float32),
        pltpu.VMEM((L, HID), jnp.float32),
        pltpu.VMEM_SHARED((N_PAD, HID), jnp.float32),
        pltpu.SemaphoreType.DMA,
        pltpu.SemaphoreType.DMA,
    ],
)
def _edge_scatter(g_h, src_h, dst_h, zeros_h, out_h,
                  src_v, dst_v, buf_a, buf_b, acc_sh, sem_a, sem_b):
    c = lax.axis_index("c")
    s = lax.axis_index("s")
    wid = s * 2 + c
    pltpu.sync_copy(zeros_h.at[pl.ds(s * RT, RT)], acc_sh.at[pl.ds(s * RT, RT)])
    plsc.subcore_barrier()
    base = wid * CH

    def group(b, carry):
        pltpu.sync_copy(src_h.at[pl.ds(base + b * IB, IB)], src_v)
        pltpu.sync_copy(dst_h.at[pl.ds(base + b * IB, IB)], dst_v)
        pltpu.async_copy(g_h.at[src_v.at[0]], buf_a, sem_a)
        pltpu.async_copy(g_h.at[src_v.at[1]], buf_b, sem_b)

        def pair(q, carry2):
            pltpu.make_async_copy(g_h.at[src_v.at[2 * q]], buf_a, sem_a).wait()
            pltpu.sync_copy(buf_a, acc_sh.at[dst_v.at[2 * q]], add=True)

            @pl.when(q < IB // 2 - 1)
            def _fire_a():
                pltpu.async_copy(g_h.at[src_v.at[2 * q + 2]], buf_a, sem_a)

            pltpu.make_async_copy(g_h.at[src_v.at[2 * q + 1]], buf_b, sem_b).wait()
            pltpu.sync_copy(buf_b, acc_sh.at[dst_v.at[2 * q + 1]], add=True)

            @pl.when(q < IB // 2 - 1)
            def _fire_b():
                pltpu.async_copy(g_h.at[src_v.at[2 * q + 3]], buf_b, sem_b)

            return carry2

        return lax.fori_loop(0, IB // 2, pair, carry)

    lax.fori_loop(0, CH // IB, group, 0)
    plsc.subcore_barrier()
    pltpu.sync_copy(acc_sh.at[pl.ds(s * RT, RT)],
                    out_h.at[c, pl.ds(s * RT, RT)])



@functools.partial(
    pl.kernel,
    mesh=_mesh,
    out_type=jax.ShapeDtypeStruct((2, N_PAD, DEGW), jnp.float32),
    scratch_types=[
        pltpu.VMEM((CH, L), jnp.int32),
        pltpu.VMEM((L, DEGW), jnp.float32),
        pltpu.VMEM_SHARED((N_PAD, DEGW), jnp.float32),
    ],
)
def _degree(dst_h, zeros_h, ones_h, out_h, dst_v, ones_v, acc_sh):
    c = lax.axis_index("c")
    s = lax.axis_index("s")
    wid = s * 2 + c
    pltpu.sync_copy(zeros_h.at[pl.ds(s * RT, RT)], acc_sh.at[pl.ds(s * RT, RT)])
    pltpu.sync_copy(dst_h.at[pl.ds(wid * CH, CH)], dst_v)
    pltpu.sync_copy(ones_h, ones_v)
    plsc.subcore_barrier()

    def chunk(j, carry):
        pltpu.sync_copy(ones_v, acc_sh.at[dst_v.at[j]], add=True)
        return carry

    lax.fori_loop(0, CH, chunk, 0)
    plsc.subcore_barrier()
    pltpu.sync_copy(acc_sh.at[pl.ds(s * RT, RT)],
                    out_h.at[c, pl.ds(s * RT, RT)])



_BS = 2000


def _preprep_body(x_ref, wp_ref, b_ref, w1_ref, d0_ref, d1_ref,
                  h_ref, g_ref):
    dinv = lax.rsqrt(d0_ref[...] + d1_ref[...] + 1.0)
    h = (jnp.dot(x_ref[...], wp_ref[...],
                 preferred_element_type=jnp.float32) + b_ref[...])
    h_ref[...] = h
    g_ref[...] = jnp.dot(h, w1_ref[...],
                         preferred_element_type=jnp.float32) * dinv


def _postprep_body(a0_ref, a1_ref, g_ref, d0_ref, d1_ref, s_ref, b_ref,
                   w_ref, h_ref, gn_ref):
    dinv = lax.rsqrt(d0_ref[...] + d1_ref[...] + 1.0)
    conv = (a0_ref[...] + a1_ref[...] + g_ref[...]) * dinv
    h = jnp.maximum(conv * s_ref[...] + b_ref[...], 0.0)
    h_ref[...] = h
    gn_ref[...] = jnp.dot(h, w_ref[...],
                          preferred_element_type=jnp.float32) * dinv


def _post_body(a0_ref, a1_ref, g_ref, d0_ref, d1_ref, s_ref, b_ref, o_ref):
    dinv = lax.rsqrt(d0_ref[...] + d1_ref[...] + 1.0)
    conv = (a0_ref[...] + a1_ref[...] + g_ref[...]) * dinv
    o_ref[...] = jnp.maximum(conv * s_ref[...] + b_ref[...], 0.0)


def _pool_body(h_ref, brow_ref, bcol_ref, sum_ref, max_ref, cnt_ref):
    i = pl.program_id(0)

    @pl.when(i == 0)
    def _init():
        sum_ref[...] = jnp.zeros_like(sum_ref)
        cnt_ref[...] = jnp.zeros_like(cnt_ref)
        max_ref[...] = jnp.full_like(max_ref, -1e30)

    h = h_ref[...]
    ids_row = brow_ref[...].reshape(1, _BS)
    gid = lax.broadcasted_iota(jnp.int32, (GRAPHS, _BS), 0)
    onehot = (gid == ids_row).astype(jnp.float32)
    sum_ref[...] += jnp.dot(onehot, h, preferred_element_type=jnp.float32)
    cnt_ref[...] += jnp.sum(onehot, axis=1, keepdims=True)
    ids_col = bcol_ref[...]
    m = max_ref[...]
    rowid = lax.broadcasted_iota(jnp.int32, (GRAPHS, 1), 0)
    for g in range(GRAPHS):
        vals = jnp.where(ids_col == g, h, -1e30)
        mg = jnp.max(vals, axis=0, keepdims=True)
        m = jnp.where(rowid == g, jnp.maximum(m, mg), m)
    max_ref[...] = m


def _mlp_body(sum_ref, max_ref, cnt_ref, w1a_ref, w1b_ref, b1_ref,
              w2_ref, b2_ref, o_ref):
    gmean = sum_ref[...] / jnp.maximum(cnt_ref[...], 1.0)
    hmid = (jnp.dot(gmean, w1a_ref[...], preferred_element_type=jnp.float32)
            + jnp.dot(max_ref[...], w1b_ref[...],
                      preferred_element_type=jnp.float32)
            + b1_ref[...])
    hmid = jnp.maximum(hmid, 0.0)
    o_ref[...] = (jnp.dot(hmid, w2_ref[...],
                          preferred_element_type=jnp.float32) + b2_ref[...])


def _node_spec(i):
    return (i, 0)


def _fixed_spec(i):
    return (0, 0)


def kernel(x, edge_index, batch, Wp, bp, convW, convb, bn_gamma, bn_beta,
           bn_rm, bn_rv, Wa1, ba1, Wa2, ba2, Wo1, bo1, Wo2, bo2):
    f32 = jnp.float32
    src = edge_index[0]
    dst = edge_index[1]
    pad = E_PAD - E
    src2d = jnp.concatenate([src, jnp.zeros((pad,), jnp.int32)]).reshape(E_PAD // L, L)
    dst2d = jnp.concatenate([dst, jnp.full((pad,), N, jnp.int32)]).reshape(E_PAD // L, L)
    zeros_big = jnp.zeros((N_PAD, HID), f32)
    ones_deg = jnp.ones((L, DEGW), f32)

    degp = _degree(dst2d, zeros_big, ones_deg)
    d0 = degp[0, :N, :1]
    d1 = degp[1, :N, :1]

    A = bn_gamma / jnp.sqrt(bn_rv + 1e-5)
    B = (convb - bn_rm) * A + bn_beta

    x_p = jnp.pad(x, ((0, 0), (0, HID - x.shape[1])))
    Wp_p = jnp.pad(Wp, ((0, HID - Wp.shape[0]), (0, 0)))
    h, g = pl.pallas_call(
        _preprep_body,
        grid=(N // _BS,),
        in_specs=[pl.BlockSpec((_BS, HID), _node_spec),
                  pl.BlockSpec((HID, HID), _fixed_spec),
                  pl.BlockSpec((1, HID), _fixed_spec),
                  pl.BlockSpec((HID, HID), _fixed_spec),
                  pl.BlockSpec((_BS, 1), _node_spec),
                  pl.BlockSpec((_BS, 1), _node_spec)],
        out_specs=[pl.BlockSpec((_BS, HID), _node_spec),
                   pl.BlockSpec((_BS, HID), _node_spec)],
        out_shape=[jax.ShapeDtypeStruct((N, HID), f32),
                   jax.ShapeDtypeStruct((N, HID), f32)],
    )(x_p, Wp_p, bp[None, :], convW[0], d0, d1)

    postprep = pl.pallas_call(
        _postprep_body,
        grid=(N // _BS,),
        in_specs=[pl.BlockSpec((_BS, HID), _node_spec),
                  pl.BlockSpec((_BS, HID), _node_spec),
                  pl.BlockSpec((_BS, HID), _node_spec),
                  pl.BlockSpec((_BS, 1), _node_spec),
                  pl.BlockSpec((_BS, 1), _node_spec),
                  pl.BlockSpec((1, HID), _fixed_spec),
                  pl.BlockSpec((1, HID), _fixed_spec),
                  pl.BlockSpec((HID, HID), _fixed_spec)],
        out_specs=[pl.BlockSpec((_BS, HID), _node_spec),
                   pl.BlockSpec((_BS, HID), _node_spec)],
        out_shape=[jax.ShapeDtypeStruct((N, HID), f32),
                   jax.ShapeDtypeStruct((N, HID), f32)],
    )

    post = pl.pallas_call(
        _post_body,
        grid=(N // _BS,),
        in_specs=[pl.BlockSpec((_BS, HID), _node_spec),
                  pl.BlockSpec((_BS, HID), _node_spec),
                  pl.BlockSpec((_BS, HID), _node_spec),
                  pl.BlockSpec((_BS, 1), _node_spec),
                  pl.BlockSpec((_BS, 1), _node_spec),
                  pl.BlockSpec((1, HID), _fixed_spec),
                  pl.BlockSpec((1, HID), _fixed_spec)],
        out_specs=pl.BlockSpec((_BS, HID), _node_spec),
        out_shape=jax.ShapeDtypeStruct((N, HID), f32),
    )

    for i in range(LAYERS):
        accp = _edge_scatter(g, src2d, dst2d, zeros_big)
        if i < LAYERS - 1:
            h, g = postprep(accp[0, :N], accp[1, :N], g, d0, d1,
                            A[i][None, :], B[i][None, :], convW[i + 1])
        else:
            h = post(accp[0, :N], accp[1, :N], g, d0, d1,
                     A[i][None, :], B[i][None, :])

    node_features = h

    gsum, gmax, gcnt = pl.pallas_call(
        _pool_body,
        grid=(N // _BS,),
        in_specs=[pl.BlockSpec((_BS, HID), _node_spec),
                  pl.BlockSpec((1, 1, _BS), lambda i: (i, 0, 0)),
                  pl.BlockSpec((_BS, 1), _node_spec)],
        out_specs=[pl.BlockSpec((GRAPHS, HID), _fixed_spec),
                   pl.BlockSpec((GRAPHS, HID), _fixed_spec),
                   pl.BlockSpec((GRAPHS, 1), _fixed_spec)],
        out_shape=[jax.ShapeDtypeStruct((GRAPHS, HID), f32),
                   jax.ShapeDtypeStruct((GRAPHS, HID), f32),
                   jax.ShapeDtypeStruct((GRAPHS, 1), f32)],
    )(h, batch.reshape(N // _BS, 1, _BS), batch[:, None])

    mol = pl.pallas_call(
        _mlp_body,
        in_specs=[pl.BlockSpec((GRAPHS, HID), None),
                  pl.BlockSpec((GRAPHS, HID), None),
                  pl.BlockSpec((GRAPHS, 1), None),
                  pl.BlockSpec((HID, HID), None),
                  pl.BlockSpec((HID, HID), None),
                  pl.BlockSpec((1, HID), None),
                  pl.BlockSpec((HID, OUT), None),
                  pl.BlockSpec((1, OUT), None)],
        out_specs=pl.BlockSpec((GRAPHS, OUT), None),
        out_shape=jax.ShapeDtypeStruct((GRAPHS, OUT), f32),
    )(gsum, gmax, gcnt, Wo1[:HID], Wo1[HID:], bo1[None, :],
      Wo2, bo2[None, :])

    return (mol, node_features)

# --- scband reference (transcript-rebuilt; emitter-appended) ---
"""Pipeline reference for scband-molecular-gnn-23115513987316 (READ-ONLY COPY).

The authoritative reference and input builder live on the scoring server;
editing this copy changes nothing except your own understanding.
"""

import jax, jax.numpy as jnp
import numpy as np

N = 10000
E = 640000
NODE_DIM = 6
HIDDEN = 128
OUT = 256
LAYERS = 4
GRAPHS = 64


def setup_inputs(seed: int = 0):
    key = jax.random.key(seed)
    ks = jax.random.split(key, 20)
    x = jax.random.normal(ks[0], (N, NODE_DIM), dtype=jnp.float32)
    edge_index = jax.random.randint(ks[1], (2, E), 0, N, dtype=jnp.int32)
    # sorted segment ids; guarantee every graph id appears at least once
    rest = jax.random.randint(ks[2], (N - GRAPHS,), 0, GRAPHS, dtype=jnp.int32)
    batch = jnp.sort(jnp.concatenate([jnp.arange(GRAPHS, dtype=jnp.int32), rest]))
    s = 0.05
    Wp = jax.random.normal(ks[3], (NODE_DIM, HIDDEN), dtype=jnp.float32) * s
    bp = jnp.zeros((HIDDEN,), dtype=jnp.float32)
    convW = jax.random.normal(ks[4], (LAYERS, HIDDEN, HIDDEN), dtype=jnp.float32) * s
    convb = jnp.zeros((LAYERS, HIDDEN), dtype=jnp.float32)
    bn_gamma = jnp.ones((LAYERS, HIDDEN), dtype=jnp.float32)
    bn_beta = jnp.zeros((LAYERS, HIDDEN), dtype=jnp.float32)
    bn_rm = jnp.zeros((LAYERS, HIDDEN), dtype=jnp.float32)
    bn_rv = jnp.ones((LAYERS, HIDDEN), dtype=jnp.float32)
    Wa1 = jax.random.normal(ks[5], (HIDDEN, HIDDEN // 2), dtype=jnp.float32) * s
    ba1 = jnp.zeros((HIDDEN // 2,), dtype=jnp.float32)
    Wa2 = jax.random.normal(ks[6], (HIDDEN // 2, 1), dtype=jnp.float32) * s
    ba2 = jnp.zeros((1,), dtype=jnp.float32)
    Wo1 = jax.random.normal(ks[7], (HIDDEN * 2, HIDDEN), dtype=jnp.float32) * s
    bo1 = jnp.zeros((HIDDEN,), dtype=jnp.float32)
    Wo2 = jax.random.normal(ks[8], (HIDDEN, OUT), dtype=jnp.float32) * s
    bo2 = jnp.zeros((OUT,), dtype=jnp.float32)
    return {"x": x, "edge_index": edge_index, "batch": batch, "Wp": Wp, "bp": bp,
            "convW": convW, "convb": convb, "bn_gamma": bn_gamma, "bn_beta": bn_beta,
            "bn_rm": bn_rm, "bn_rv": bn_rv, "Wa1": Wa1, "ba1": ba1, "Wa2": Wa2, "ba2": ba2,
            "Wo1": Wo1, "bo1": bo1, "Wo2": Wo2, "bo2": bo2}


def gcn_conv(h, edge_index, W, b):
    # torch_geometric GCNConv: lin -> add self loops -> sym-normalized scatter-add
    h = h @ W
    loop = jnp.arange(N, dtype=edge_index.dtype)
    src = jnp.concatenate([edge_index[0], loop])
    dst = jnp.concatenate([edge_index[1], loop])
    ones = jnp.ones(src.shape[0], dtype=h.dtype)
    deg = jax.ops.segment_sum(ones, dst, num_segments=N)
    dinv = jnp.where(deg > 0, deg ** -0.5, 0.0)
    norm = dinv[src] * dinv[dst]
    msg = h[src] * norm[:, None]
    out = jax.ops.segment_sum(msg, dst, num_segments=N)
    return out + b


def reference(x, edge_index, batch, Wp, bp, convW, convb, bn_gamma, bn_beta, bn_rm, bn_rv,
              Wa1, ba1, Wa2, ba2, Wo1, bo1, Wo2, bo2):
    h = x @ Wp + bp
    for i in range(LAYERS):
        h = gcn_conv(h, edge_index, convW[i], convb[i])
        # BatchNorm1d in eval mode with running stats
        h = (h - bn_rm[i]) / jnp.sqrt(bn_rv[i] + 1e-5) * bn_gamma[i] + bn_beta[i]
        h = jax.nn.relu(h)
        # dropout is identity in eval mode
    node_features = h
    att = jnp.tanh(h @ Wa1 + ba1) @ Wa2 + ba2
    attw = jax.nn.softmax(att, axis=0)
    weighted_sum = jnp.sum(h * attw, axis=0)  # computed but unused, matches torch code
    counts = jax.ops.segment_sum(jnp.ones((N,), dtype=h.dtype), batch, num_segments=GRAPHS)
    gmean = jax.ops.segment_sum(h, batch, num_segments=GRAPHS) / jnp.maximum(counts, 1.0)[:, None]
    gmax = jax.ops.segment_max(h, batch, num_segments=GRAPHS)
    pooled = jnp.concatenate([gmean, gmax], axis=1)
    mol = jax.nn.relu(pooled @ Wo1 + bo1) @ Wo2 + bo2
    return (mol, node_features)

if __name__ == "__main__":
    import jax
    _d = setup_inputs()
    print(jax.jit(kernel)(*tuple(_d.values())))

</pallas_src>

<mosaic_0001>
#map = affine_map<(d0, d1) -> (0, 0)>
#map1 = affine_map<(d0, d1) -> (0, 0, 0)>
module attributes {stable_mosaic.version = 14 : i64} {
  func.func @_edge_scatter(%arg0: i32, %arg1: i32, %arg2: memref<10000x128xf32, #tpu.memory_space<hbm>>, %arg3: memref<5120x128xi32, #tpu.memory_space<hbm>>, %arg4: memref<5120x128xi32, #tpu.memory_space<hbm>>, %arg5: memref<10112x128xf32, #tpu.memory_space<hbm>>, %arg6: memref<2x10112x128xf32, #tpu.memory_space<hbm>>, %arg7: memref<32x128xi32, #tpu.memory_space<vmem>>, %arg8: memref<32x128xi32, #tpu.memory_space<vmem>>, %arg9: memref<128x128xf32, #tpu.memory_space<vmem>>, %arg10: memref<128x128xf32, #tpu.memory_space<vmem>>, %arg11: memref<10112x128xf32, #tpu.memory_space<vmem_shared>>, %arg12: memref<!tpu.dma_semaphore, #tpu.memory_space<semaphore_mem>>, %arg13: memref<!tpu.dma_semaphore, #tpu.memory_space<semaphore_mem>>) attributes {dimension_semantics = [#tpu.dimension_semantics<core_parallel>, #tpu.dimension_semantics<subcore_parallel>], iteration_bounds = array<i64: 2, 16>, scalar_prefetch = 0 : i64, scratch_operands = 7 : i64, tpu.core_type = #tpu.core_type<sc_vector_subcore>, window_params = [{transform_indices = #map}, {transform_indices = #map}, {transform_indices = #map}, {transform_indices = #map}, {transform_indices = #map1}]} {
    %mul3A = arith.constant 2 : i32
    %mul3A_0 = arith.muli %arg1, %mul3A : i32
    %add3A = arith.addi %mul3A_0, %arg0 : i32
    %mul3A_1 = arith.constant 632 : i32
    %mul3A_2 = arith.muli %arg1, %mul3A_1 : i32
    %mul3A_3 = arith.constant 632 : i32
    %mul3A_4 = arith.muli %arg1, %mul3A_3 : i32
    "tpu.region"() ({
      %run_scoped3A = tpu.sem_alloc : memref<!tpu.dma_semaphore, #tpu.memory_space<semaphore_mem>>
      %dma_start3A = arith.constant 0 : i32
      %dma_start3A_17 = tpu.memref_slice %arg11[%mul3A_4, %dma_start3A] : memref<10112x128xf32, #tpu.memory_space<vmem_shared>> -> memref<632x128xf32, #tpu.memory_space<vmem_shared>>
      %dma_start3A_18 = arith.constant 0 : i32
      %dma_start3A_19 = tpu.memref_slice %arg5[%mul3A_2, %dma_start3A_18] : memref<10112x128xf32, #tpu.memory_space<hbm>> -> memref<632x128xf32, #tpu.memory_space<hbm>>
      tpu.enqueue_dma source(%dma_start3A_19 : memref<632x128xf32, #tpu.memory_space<hbm>>) target(%dma_start3A_17 : memref<632x128xf32, #tpu.memory_space<vmem_shared>>) target_semaphore(%run_scoped3A : memref<!tpu.dma_semaphore, #tpu.memory_space<semaphore_mem>>)
      %dma_wait3A = arith.constant 0 : i32
      %dma_wait3A_20 = tpu.memref_slice %arg11[%mul3A_4, %dma_wait3A] : memref<10112x128xf32, #tpu.memory_space<vmem_shared>> -> memref<632x128xf32, #tpu.memory_space<vmem_shared>>
      %dma_wait3A_21 = arith.constant 0 : i32
      %dma_wait3A_22 = tpu.memref_slice %arg5[%mul3A_2, %dma_wait3A_21] : memref<10112x128xf32, #tpu.memory_space<hbm>> -> memref<632x128xf32, #tpu.memory_space<hbm>>
      tpu.wait_dma2 semaphore(%run_scoped3A : memref<!tpu.dma_semaphore, #tpu.memory_space<semaphore_mem>>) src(%dma_wait3A_22 : memref<632x128xf32, #tpu.memory_space<hbm>>) dst(%dma_wait3A_20 : memref<632x128xf32, #tpu.memory_space<vmem_shared>>)
      tpu.yield
    }) : () -> ()
    %barrier3A = arith.constant 0 : index
    tpu.barrier barrier_id(%barrier3A)
    %mul3A_5 = arith.constant 160 : i32
    %mul3A_6 = arith.muli %add3A, %mul3A_5 : i32
    %scan3A = arith.constant 0 : i32
    %scan3A_7 = arith.constant 0 : i32
    %scan3A_8 = arith.constant 5 : i32
    %scan3A_9 = arith.addi %scan3A_7, %scan3A_8 : i32
    %scan3A_10 = arith.constant 1 : i32
    scf.for %scan3A_17 = %scan3A_7 to %scan3A_9 step %scan3A_10  : i32 {
      %mul3A_18 = arith.constant 32 : i32
      %mul3A_19 = arith.muli %scan3A_17, %mul3A_18 : i32
      %add3A_20 = arith.addi %mul3A_6, %mul3A_19 : i32
      "tpu.region"() ({
        %run_scoped3A = tpu.sem_alloc : memref<!tpu.dma_semaphore, #tpu.memory_space<semaphore_mem>>
        %dma_start3A_42 = arith.constant 0 : i32
        %dma_start3A_43 = tpu.memref_slice %arg3[%add3A_20, %dma_start3A_42] : memref<5120x128xi32, #tpu.memory_space<hbm>> -> memref<32x128xi32, #tpu.memory_space<hbm>>
        %dma_start3A_44 = arith.constant 0 : i32
        %dma_start3A_45 = tpu.memref_slice %arg3[%add3A_20, %dma_start3A_44] : memref<5120x128xi32, #tpu.memory_space<hbm>> -> memref<32x128xi32, #tpu.memory_space<hbm>>
        tpu.enqueue_dma source(%dma_start3A_45 : memref<32x128xi32, #tpu.memory_space<hbm>>) target(%arg7 : memref<32x128xi32, #tpu.memory_space<vmem>>) target_semaphore(%run_scoped3A : memref<!tpu.dma_semaphore, #tpu.memory_space<semaphore_mem>>)
        %dma_wait3A = arith.constant 0 : i32
        %dma_wait3A_46 = tpu.memref_slice %arg3[%add3A_20, %dma_wait3A] : memref<5120x128xi32, #tpu.memory_space<hbm>> -> memref<32x128xi32, #tpu.memory_space<hbm>>
        %dma_wait3A_47 = arith.constant 0 : i32
        %dma_wait3A_48 = tpu.memref_slice %arg3[%add3A_20, %dma_wait3A_47] : memref<5120x128xi32, #tpu.memory_space<hbm>> -> memref<32x128xi32, #tpu.memory_space<hbm>>
        tpu.wait_dma2 semaphore(%run_scoped3A : memref<!tpu.dma_semaphore, #tpu.memory_space<semaphore_mem>>) src(%dma_wait3A_48 : memref<32x128xi32, #tpu.memory_space<hbm>>) dst(%arg7 : memref<32x128xi32, #tpu.memory_space<vmem>>)
        tpu.yield
      }) : () -> ()
      %mul3A_21 = arith.constant 32 : i32
      %mul3A_22 = arith.muli %scan3A_17, %mul3A_21 : i32
      %add3A_23 = arith.addi %mul3A_6, %mul3A_22 : i32
      "tpu.region"() ({
        %run_scoped3A = tpu.sem_alloc : memref<!tpu.dma_semaphore, #tpu.memory_space<semaphore_mem>>
        %dma_start3A_42 = arith.constant 0 : i32
        %dma_start3A_43 = tpu.memref_slice %arg4[%add3A_23, %dma_start3A_42] : memref<5120x128xi32, #tpu.memory_space<hbm>> -> memref<32x128xi32, #tpu.memory_space<hbm>>
        %dma_start3A_44 = arith.constant 0 : i32
        %dma_start3A_45 = tpu.memref_slice %arg4[%add3A_23, %dma_start3A_44] : memref<5120x128xi32, #tpu.memory_space<hbm>> -> memref<32x128xi32, #tpu.memory_space<hbm>>
        tpu.enqueue_dma source(%dma_start3A_45 : memref<32x128xi32, #tpu.memory_space<hbm>>) target(%arg8 : memref<32x128xi32, #tpu.memory_space<vmem>>) target_semaphore(%run_scoped3A : memref<!tpu.dma_semaphore, #tpu.memory_space<semaphore_mem>>)
        %dma_wait3A = arith.constant 0 : i32
        %dma_wait3A_46 = tpu.memref_slice %arg4[%add3A_23, %dma_wait3A] : memref<5120x128xi32, #tpu.memory_space<hbm>> -> memref<32x128xi32, #tpu.memory_space<hbm>>
        %dma_wait3A_47 = arith.constant 0 : i32
        %dma_wait3A_48 = tpu.memref_slice %arg4[%add3A_23, %dma_wait3A_47] : memref<5120x128xi32, #tpu.memory_space<hbm>> -> memref<32x128xi32, #tpu.memory_space<hbm>>
        tpu.wait_dma2 semaphore(%run_scoped3A : memref<!tpu.dma_semaphore, #tpu.memory_space<semaphore_mem>>) src(%dma_wait3A_48 : memref<32x128xi32, #tpu.memory_space<hbm>>) dst(%arg8 : memref<32x128xi32, #tpu.memory_space<vmem>>)
        tpu.yield
      }) : () -> ()
      %dma_start3A = arith.constant 0 : i32
      %dma_start3A_24 = arith.constant 0 : i32
      %dma_start3A_25 = tpu.memref_slice %arg7[%dma_start3A, %dma_start3A_24] : memref<32x128xi32, #tpu.memory_space<vmem>> -> memref<1x128xi32, #tpu.memory_space<vmem>>
      %dma_start3A_26 = tpu.memref_squeeze %dma_start3A_25 : memref<1x128xi32, #tpu.memory_space<vmem>> -> memref<128xi32, #tpu.memory_space<vmem>>
      %dma_start3A_27 = arith.constant 0 : i32
      %dma_start3A_28 = arith.constant 0 : i32
      %dma_start3A_29 = tpu.memref_slice %arg2[%dma_start3A_27, %dma_start3A_28] : memref<10000x128xf32, #tpu.memory_space<hbm>> -> memref<10000x128xf32, #tpu.memory_space<hbm>>
      tpu.enqueue_indirect_dma source(%dma_start3A_29 : memref<10000x128xf32, #tpu.memory_space<hbm>>) target(%arg9 : memref<128x128xf32, #tpu.memory_space<vmem>>) offsets(%dma_start3A_26 : memref<128xi32, #tpu.memory_space<vmem>>) semaphore(%arg12 : memref<!tpu.dma_semaphore, #tpu.memory_space<semaphore_mem>>)
      %dma_start3A_30 = arith.constant 1 : i32
      %dma_start3A_31 = arith.constant 0 : i32
      %dma_start3A_32 = tpu.memref_slice %arg7[%dma_start3A_30, %dma_start3A_31] : memref<32x128xi32, #tpu.memory_space<vmem>> -> memref<1x128xi32, #tpu.memory_space<vmem>>
      %dma_start3A_33 = tpu.memref_squeeze %dma_start3A_32 : memref<1x128xi32, #tpu.memory_space<vmem>> -> memref<128xi32, #tpu.memory_space<vmem>>
      %dma_start3A_34 = arith.constant 0 : i32
      %dma_start3A_35 = arith.constant 0 : i32
      %dma_start3A_36 = tpu.memref_slice %arg2[%dma_start3A_34, %dma_start3A_35] : memref<10000x128xf32, #tpu.memory_space<hbm>> -> memref<10000x128xf32, #tpu.memory_space<hbm>>
      tpu.enqueue_indirect_dma source(%dma_start3A_36 : memref<10000x128xf32, #tpu.memory_space<hbm>>) target(%arg10 : memref<128x128xf32, #tpu.memory_space<vmem>>) offsets(%dma_start3A_33 : memref<128xi32, #tpu.memory_space<vmem>>) semaphore(%arg13 : memref<!tpu.dma_semaphore, #tpu.memory_space<semaphore_mem>>)
      %scan3A_37 = arith.constant 0 : i32
      %scan3A_38 = arith.constant 16 : i32
      %scan3A_39 = arith.addi %scan3A_37, %scan3A_38 : i32
      %scan3A_40 = arith.constant 1 : i32
      scf.for %scan3A_42 = %scan3A_37 to %scan3A_39 step %scan3A_40  : i32 {
        %mul3A_43 = arith.constant 2 : i32
        %mul3A_44 = arith.muli %mul3A_43, %scan3A_42 : i32
        %dma_wait3A = arith.constant 0 : i32
        %dma_wait3A_45 = tpu.memref_slice %arg7[%mul3A_44, %dma_wait3A] : memref<32x128xi32, #tpu.memory_space<vmem>> -> memref<1x128xi32, #tpu.memory_space<vmem>>
        %dma_wait3A_46 = tpu.memref_squeeze %dma_wait3A_45 : memref<1x128xi32, #tpu.memory_space<vmem>> -> memref<128xi32, #tpu.memory_space<vmem>>
        %dma_wait3A_47 = arith.constant 0 : i32
        %dma_wait3A_48 = arith.constant 0 : i32
        %dma_wait3A_49 = tpu.memref_slice %arg2[%dma_wait3A_47, %dma_wait3A_48] : memref<10000x128xf32, #tpu.memory_space<hbm>> -> memref<10000x128xf32, #tpu.memory_space<hbm>>
        tpu.wait_indirect_dma semaphore(%arg12 : memref<!tpu.dma_semaphore, #tpu.memory_space<semaphore_mem>>) src(%dma_wait3A_49 : memref<10000x128xf32, #tpu.memory_space<hbm>>) dst(%arg9 : memref<128x128xf32, #tpu.memory_space<vmem>>)
        %mul3A_50 = arith.constant 2 : i32
        %mul3A_51 = arith.muli %mul3A_50, %scan3A_42 : i32
        "tpu.region"() ({
          %run_scoped3A = tpu.sem_alloc : memref<!tpu.dma_semaphore, #tpu.memory_space<semaphore_mem>>
          %dma_start3A_73 = arith.constant 0 : i32
          %dma_start3A_74 = tpu.memref_slice %arg8[%mul3A_51, %dma_start3A_73] : memref<32x128xi32, #tpu.memory_space<vmem>> -> memref<1x128xi32, #tpu.memory_space<vmem>>
          %dma_start3A_75 = tpu.memref_squeeze %dma_start3A_74 : memref<1x128xi32, #tpu.memory_space<vmem>> -> memref<128xi32, #tpu.memory_space<vmem>>
          %dma_start3A_76 = arith.constant 0 : i32
          %dma_start3A_77 = arith.constant 0 : i32
          %dma_start3A_78 = tpu.memref_slice %arg11[%dma_start3A_76, %dma_start3A_77] : memref<10112x128xf32, #tpu.memory_space<vmem_shared>> -> memref<10112x128xf32, #tpu.memory_space<vmem_shared>>
          tpu.enqueue_indirect_dma source(%arg9 : memref<128x128xf32, #tpu.memory_space<vmem>>) target(%dma_start3A_78 : memref<10112x128xf32, #tpu.memory_space<vmem_shared>>) offsets(%dma_start3A_75 : memref<128xi32, #tpu.memory_space<vmem>>) semaphore(%run_scoped3A : memref<!tpu.dma_semaphore, #tpu.memory_space<semaphore_mem>>) {add = true}
          %dma_wait3A_79 = arith.constant 0 : i32
          %dma_wait3A_80 = tpu.memref_slice %arg8[%mul3A_51, %dma_wait3A_79] : memref<32x128xi32, #tpu.memory_space<vmem>> -> memref<1x128xi32, #tpu.memory_space<vmem>>
          %dma_wait3A_81 = tpu.memref_squeeze %dma_wait3A_80 : memref<1x128xi32, #tpu.memory_space<vmem>> -> memref<128xi32, #tpu.memory_space<vmem>>
          %dma_wait3A_82 = arith.constant 0 : i32
          %dma_wait3A_83 = arith.constant 0 : i32
          %dma_wait3A_84 = tpu.memref_slice %arg11[%dma_wait3A_82, %dma_wait3A_83] : memref<10112x128xf32, #tpu.memory_space<vmem_shared>> -> memref<10112x128xf32, #tpu.memory_space<vmem_shared>>
          tpu.wait_indirect_dma semaphore(%run_scoped3A : memref<!tpu.dma_semaphore, #tpu.memory_space<semaphore_mem>>) src(%arg9 : memref<128x128xf32, #tpu.memory_space<vmem>>) dst(%dma_wait3A_84 : memref<10112x128xf32, #tpu.memory_space<vmem_shared>>)
          tpu.yield
        }) : () -> ()
        %lt3A = arith.constant 15 : i32
        %lt3A_52 = arith.cmpi slt, %scan3A_42, %lt3A : i32
        %convert_element_type3A = arith.extui %lt3A_52 : i1 to i32
        %cond3A = arith.constant 0 : i32
        %cond3A_53 = arith.cmpi ne, %convert_element_type3A, %cond3A : i32
        scf.if %cond3A_53 {
          %mul3A_73 = arith.constant 2 : i32
          %mul3A_74 = arith.muli %mul3A_73, %scan3A_42 : i32
          %add3A_75 = arith.constant 2 : i32
          %add3A_76 = arith.addi %mul3A_74, %add3A_75 : i32
          %dma_start3A_77 = arith.constant 0 : i32
          %dma_start3A_78 = tpu.memref_slice %arg7[%add3A_76, %dma_start3A_77] : memref<32x128xi32, #tpu.memory_space<vmem>> -> memref<1x128xi32, #tpu.memory_space<vmem>>
          %dma_start3A_79 = tpu.memref_squeeze %dma_start3A_78 : memref<1x128xi32, #tpu.memory_space<vmem>> -> memref<128xi32, #tpu.memory_space<vmem>>
          %dma_start3A_80 = arith.constant 0 : i32
          %dma_start3A_81 = arith.constant 0 : i32
          %dma_start3A_82 = tpu.memref_slice %arg2[%dma_start3A_80, %dma_start3A_81] : memref<10000x128xf32, #tpu.memory_space<hbm>> -> memref<10000x128xf32, #tpu.memory_space<hbm>>
          tpu.enqueue_indirect_dma source(%dma_start3A_82 : memref<10000x128xf32, #tpu.memory_space<hbm>>) target(%arg9 : memref<128x128xf32, #tpu.memory_space<vmem>>) offsets(%dma_start3A_79 : memref<128xi32, #tpu.memory_space<vmem>>) semaphore(%arg12 : memref<!tpu.dma_semaphore, #tpu.memory_space<semaphore_mem>>)
        } else {
        }
        %mul3A_54 = arith.constant 2 : i32
        %mul3A_55 = arith.muli %mul3A_54, %scan3A_42 : i32
        %add3A_56 = arith.constant 1 : i32
        %add3A_57 = arith.addi %mul3A_55, %add3A_56 : i32
        %dma_wait3A_58 = arith.constant 0 : i32
        %dma_wait3A_59 = tpu.memref_slice %arg7[%add3A_57, %dma_wait3A_58] : memref<32x128xi32, #tpu.memory_space<vmem>> -> memref<1x128xi32, #tpu.memory_space<vmem>>
        %dma_wait3A_60 = tpu.memref_squeeze %dma_wait3A_59 : memref<1x128xi32, #tpu.memory_space<vmem>> -> memref<128xi32, #tpu.memory_space<vmem>>
        %dma_wait3A_61 = arith.constant 0 : i32
        %dma_wait3A_62 = arith.constant 0 : i32
        %dma_wait3A_63 = tpu.memref_slice %arg2[%dma_wait3A_61, %dma_wait3A_62] : memref<10000x128xf32, #tpu.memory_space<hbm>> -> memref<10000x128xf32, #tpu.memory_space<hbm>>
        tpu.wait_indirect_dma semaphore(%arg13 : memref<!tpu.dma_semaphore, #tpu.memory_space<semaphore_mem>>) src(%dma_wait3A_63 : memref<10000x128xf32, #tpu.memory_space<hbm>>) dst(%arg10 : memref<128x128xf32, #tpu.memory_space<vmem>>)
        %mul3A_64 = arith.constant 2 : i32
        %mul3A_65 = arith.muli %mul3A_64, %scan3A_42 : i32
        %add3A_66 = arith.constant 1 : i32
        %add3A_67 = arith.addi %mul3A_65, %add3A_66 : i32
        "tpu.region"() ({
          %run_scoped3A = tpu.sem_alloc : memref<!tpu.dma_semaphore, #tpu.memory_space<semaphore_mem>>
          %dma_start3A_73 = arith.constant 0 : i32
          %dma_start3A_74 = tpu.memref_slice %arg8[%add3A_67, %dma_start3A_73] : memref<32x128xi32, #tpu.memory_space<vmem>> -> memref<1x128xi32, #tpu.memory_space<vmem>>
          %dma_start3A_75 = tpu.memref_squeeze %dma_start3A_74 : memref<1x128xi32, #tpu.memory_space<vmem>> -> memref<128xi32, #tpu.memory_space<vmem>>
          %dma_start3A_76 = arith.constant 0 : i32
          %dma_start3A_77 = arith.constant 0 : i32
          %dma_start3A_78 = tpu.memref_slice %arg11[%dma_start3A_76, %dma_start3A_77] : memref<10112x128xf32, #tpu.memory_space<vmem_shared>> -> memref<10112x128xf32, #tpu.memory_space<vmem_shared>>
          tpu.enqueue_indirect_dma source(%arg10 : memref<128x128xf32, #tpu.memory_space<vmem>>) target(%dma_start3A_78 : memref<10112x128xf32, #tpu.memory_space<vmem_shared>>) offsets(%dma_start3A_75 : memref<128xi32, #tpu.memory_space<vmem>>) semaphore(%run_scoped3A : memref<!tpu.dma_semaphore, #tpu.memory_space<semaphore_mem>>) {add = true}
          %dma_wait3A_79 = arith.constant 0 : i32
          %dma_wait3A_80 = tpu.memref_slice %arg8[%add3A_67, %dma_wait3A_79] : memref<32x128xi32, #tpu.memory_space<vmem>> -> memref<1x128xi32, #tpu.memory_space<vmem>>
          %dma_wait3A_81 = tpu.memref_squeeze %dma_wait3A_80 : memref<1x128xi32, #tpu.memory_space<vmem>> -> memref<128xi32, #tpu.memory_space<vmem>>
          %dma_wait3A_82 = arith.constant 0 : i32
          %dma_wait3A_83 = arith.constant 0 : i32
          %dma_wait3A_84 = tpu.memref_slice %arg11[%dma_wait3A_82, %dma_wait3A_83] : memref<10112x128xf32, #tpu.memory_space<vmem_shared>> -> memref<10112x128xf32, #tpu.memory_space<vmem_shared>>
          tpu.wait_indirect_dma semaphore(%run_scoped3A : memref<!tpu.dma_semaphore, #tpu.memory_space<semaphore_mem>>) src(%arg10 : memref<128x128xf32, #tpu.memory_space<vmem>>) dst(%dma_wait3A_84 : memref<10112x128xf32, #tpu.memory_space<vmem_shared>>)
          tpu.yield
        }) : () -> ()
        %lt3A_68 = arith.constant 15 : i32
        %lt3A_69 = arith.cmpi slt, %scan3A_42, %lt3A_68 : i32
        %convert_element_type3A_70 = arith.extui %lt3A_69 : i1 to i32
        %cond3A_71 = arith.constant 0 : i32
        %cond3A_72 = arith.cmpi ne, %convert_element_type3A_70, %cond3A_71 : i32
        scf.if %cond3A_72 {
          %mul3A_73 = arith.constant 2 : i32
          %mul3A_74 = arith.muli %mul3A_73, %scan3A_42 : i32
          %add3A_75 = arith.constant 3 : i32
          %add3A_76 = arith.addi %mul3A_74, %add3A_75 : i32
          %dma_start3A_77 = arith.constant 0 : i32
          %dma_start3A_78 = tpu.memref_slice %arg7[%add3A_76, %dma_start3A_77] : memref<32x128xi32, #tpu.memory_space<vmem>> -> memref<1x128xi32, #tpu.memory_space<vmem>>
          %dma_start3A_79 = tpu.memref_squeeze %dma_start3A_78 : memref<1x128xi32, #tpu.memory_space<vmem>> -> memref<128xi32, #tpu.memory_space<vmem>>
          %dma_start3A_80 = arith.constant 0 : i32
          %dma_start3A_81 = arith.constant 0 : i32
          %dma_start3A_82 = tpu.memref_slice %arg2[%dma_start3A_80, %dma_start3A_81] : memref<10000x128xf32, #tpu.memory_space<hbm>> -> memref<10000x128xf32, #tpu.memory_space<hbm>>
          tpu.enqueue_indirect_dma source(%dma_start3A_82 : memref<10000x128xf32, #tpu.memory_space<hbm>>) target(%arg10 : memref<128x128xf32, #tpu.memory_space<vmem>>) offsets(%dma_start3A_79 : memref<128xi32, #tpu.memory_space<vmem>>) semaphore(%arg13 : memref<!tpu.dma_semaphore, #tpu.memory_space<semaphore_mem>>)
        } else {
        }
      }
      %scan3A_41 = arith.constant 16 : i32
    }
    %scan3A_11 = arith.constant 5 : i32
    %barrier3A_12 = arith.constant 0 : index
    tpu.barrier barrier_id(%barrier3A_12)
    %mul3A_13 = arith.constant 632 : i32
    %mul3A_14 = arith.muli %arg1, %mul3A_13 : i32
    %mul3A_15 = arith.constant 632 : i32
    %mul3A_16 = arith.muli %arg1, %mul3A_15 : i32
    "tpu.region"() ({
      %run_scoped3A = tpu.sem_alloc : memref<!tpu.dma_semaphore, #tpu.memory_space<semaphore_mem>>
      %dma_start3A = arith.constant 0 : i32
      %dma_start3A_17 = tpu.memref_slice %arg6[%arg0, %mul3A_16, %dma_start3A] : memref<2x10112x128xf32, #tpu.memory_space<hbm>> -> memref<1x632x128xf32, #tpu.memory_space<hbm>>
      %dma_start3A_18 = tpu.memref_squeeze %dma_start3A_17 : memref<1x632x128xf32, #tpu.memory_space<hbm>> -> memref<632x128xf32, #tpu.memory_space<hbm>>
      %dma_start3A_19 = arith.constant 0 : i32
      %dma_start3A_20 = tpu.memref_slice %arg11[%mul3A_14, %dma_start3A_19] : memref<10112x128xf32, #tpu.memory_space<vmem_shared>> -> memref<632x128xf32, #tpu.memory_space<vmem_shared>>
      tpu.enqueue_dma source(%dma_start3A_20 : memref<632x128xf32, #tpu.memory_space<vmem_shared>>) target(%dma_start3A_18 : memref<632x128xf32, #tpu.memory_space<hbm>>) target_semaphore(%run_scoped3A : memref<!tpu.dma_semaphore, #tpu.memory_space<semaphore_mem>>)
      %dma_wait3A = arith.constant 0 : i32
      %dma_wait3A_21 = tpu.memref_slice %arg6[%arg0, %mul3A_16, %dma_wait3A] : memref<2x10112x128xf32, #tpu.memory_space<hbm>> -> memref<1x632x128xf32, #tpu.memory_space<hbm>>
      %dma_wait3A_22 = tpu.memref_squeeze %dma_wait3A_21 : memref<1x632x128xf32, #tpu.memory_space<hbm>> -> memref<632x128xf32, #tpu.memory_space<hbm>>
      %dma_wait3A_23 = arith.constant 0 : i32
      %dma_wait3A_24 = tpu.memref_slice %arg11[%mul3A_14, %dma_wait3A_23] : memref<10112x128xf32, #tpu.memory_space<vmem_shared>> -> memref<632x128xf32, #tpu.memory_space<vmem_shared>>
      tpu.wait_dma2 semaphore(%run_scoped3A : memref<!tpu.dma_semaphore, #tpu.memory_space<semaphore_mem>>) src(%dma_wait3A_24 : memref<632x128xf32, #tpu.memory_space<vmem_shared>>) dst(%dma_wait3A_22 : memref<632x128xf32, #tpu.memory_space<hbm>>)
      tpu.yield
    }) : () -> ()
    return
  }
}

#map = affine_map<(d0, d1) -> (0, 0)>
#map1 = affine_map<(d0, d1) -> (0, 0, 0)>
module attributes {stable_mosaic.version = 14 : i64} {
  func.func @_edge_scatter(%arg0: i32, %arg1: i32, %arg2: memref<10000x128xf32, #tpu.memory_space<hbm>>, %arg3: memref<5120x128xi32, #tpu.memory_space<hbm>>, %arg4: memref<5120x128xi32, #tpu.memory_space<hbm>>, %arg5: memref<10112x128xf32, #tpu.memory_space<hbm>>, %arg6: memref<2x10112x128xf32, #tpu.memory_space<hbm>>, %arg7: memref<32x128xi32, #tpu.memory_space<vmem>>, %arg8: memref<32x128xi32, #tpu.memory_space<vmem>>, %arg9: memref<128x128xf32, #tpu.memory_space<vmem>>, %arg10: memref<128x128xf32, #tpu.memory_space<vmem>>, %arg11: memref<10112x128xf32, #tpu.memory_space<vmem_shared>>, %arg12: memref<!tpu.dma_semaphore, #tpu.memory_space<semaphore_mem>>, %arg13: memref<!tpu.dma_semaphore, #tpu.memory_space<semaphore_mem>>) attributes {dimension_semantics = [#tpu.dimension_semantics<core_parallel>, #tpu.dimension_semantics<subcore_parallel>], iteration_bounds = array<i64: 2, 16>, scalar_prefetch = 0 : i64, scratch_operands = 7 : i64, tpu.core_type = #tpu.core_type<sc_vector_subcore>, window_params = [{transform_indices = #map}, {transform_indices = #map}, {transform_indices = #map}, {transform_indices = #map}, {transform_indices = #map1}]} {
    %mul3A = arith.constant 2 : i32
    %mul3A_0 = arith.muli %arg1, %mul3A : i32
    %add3A = arith.addi %mul3A_0, %arg0 : i32
    %mul3A_1 = arith.constant 632 : i32
    %mul3A_2 = arith.muli %arg1, %mul3A_1 : i32
    %mul3A_3 = arith.constant 632 : i32
    %mul3A_4 = arith.muli %arg1, %mul3A_3 : i32
    "tpu.region"() ({
      %run_scoped3A = tpu.sem_alloc : memref<!tpu.dma_semaphore, #tpu.memory_space<semaphore_mem>>
      %dma_start3A = arith.constant 0 : i32
      %dma_start3A_17 = tpu.memref_slice %arg11[%mul3A_4, %dma_start3A] : memref<10112x128xf32, #tpu.memory_space<vmem_shared>> -> memref<632x128xf32, #tpu.memory_space<vmem_shared>>
      %dma_start3A_18 = arith.constant 0 : i32
      %dma_start3A_19 = tpu.memref_slice %arg5[%mul3A_2, %dma_start3A_18] : memref<10112x128xf32, #tpu.memory_space<hbm>> -> memref<632x128xf32, #tpu.memory_space<hbm>>
      tpu.enqueue_dma source(%dma_start3A_19 : memref<632x128xf32, #tpu.memory_space<hbm>>) target(%dma_start3A_17 : memref<632x128xf32, #tpu.memory_space<vmem_shared>>) target_semaphore(%run_scoped3A : memref<!tpu.dma_semaphore, #tpu.memory_space<semaphore_mem>>)
      %dma_wait3A = arith.constant 0 : i32
      %dma_wait3A_20 = tpu.memref_slice %arg11[%mul3A_4, %dma_wait3A] : memref<10112x128xf32, #tpu.memory_space<vmem_shared>> -> memref<632x128xf32, #tpu.memory_space<vmem_shared>>
      %dma_wait3A_21 = arith.constant 0 : i32
      %dma_wait3A_22 = tpu.memref_slice %arg5[%mul3A_2, %dma_wait3A_21] : memref<10112x128xf32, #tpu.memory_space<hbm>> -> memref<632x128xf32, #tpu.memory_space<hbm>>
      tpu.wait_dma2 semaphore(%run_scoped3A : memref<!tpu.dma_semaphore, #tpu.memory_space<semaphore_mem>>) src(%dma_wait3A_22 : memref<632x128xf32, #tpu.memory_space<hbm>>) dst(%dma_wait3A_20 : memref<632x128xf32, #tpu.memory_space<vmem_shared>>)
      tpu.yield
    }) : () -> ()
    %barrier3A = arith.constant 0 : index
    tpu.barrier barrier_id(%barrier3A)
    %mul3A_5 = arith.constant 160 : i32
    %mul3A_6 = arith.muli %add3A, %mul3A_5 : i32
    %scan3A = arith.constant 0 : i32
    %scan3A_7 = arith.constant 0 : i32
    %scan3A_8 = arith.constant 5 : i32
    %scan3A_9 = arith.addi %scan3A_7, %scan3A_8 : i32
    %scan3A_10 = arith.constant 1 : i32
    scf.for %scan3A_17 = %scan3A_7 to %scan3A_9 step %scan3A_10  : i32 {
      %mul3A_18 = arith.constant 32 : i32
      %mul3A_19 = arith.muli %scan3A_17, %mul3A_18 : i32
      %add3A_20 = arith.addi %mul3A_6, %mul3A_19 : i32
      "tpu.region"() ({
        %run_scoped3A = tpu.sem_alloc : memref<!tpu.dma_semaphore, #tpu.memory_space<semaphore_mem>>
        %dma_start3A_42 = arith.constant 0 : i32
        %dma_start3A_43 = tpu.memref_slice %arg3[%add3A_20, %dma_start3A_42] : memref<5120x128xi32, #tpu.memory_space<hbm>> -> memref<32x128xi32, #tpu.memory_space<hbm>>
        %dma_start3A_44 = arith.constant 0 : i32
        %dma_start3A_45 = tpu.memref_slice %arg3[%add3A_20, %dma_start3A_44] : memref<5120x128xi32, #tpu.memory_space<hbm>> -> memref<32x128xi32, #tpu.memory_space<hbm>>
        tpu.enqueue_dma source(%dma_start3A_45 : memref<32x128xi32, #tpu.memory_space<hbm>>) target(%arg7 : memref<32x128xi32, #tpu.memory_space<vmem>>) target_semaphore(%run_scoped3A : memref<!tpu.dma_semaphore, #tpu.memory_space<semaphore_mem>>)
        %dma_wait3A = arith.constant 0 : i32
        %dma_wait3A_46 = tpu.memref_slice %arg3[%add3A_20, %dma_wait3A] : memref<5120x128xi32, #tpu.memory_space<hbm>> -> memref<32x128xi32, #tpu.memory_space<hbm>>
        %dma_wait3A_47 = arith.constant 0 : i32
        %dma_wait3A_48 = tpu.memref_slice %arg3[%add3A_20, %dma_wait3A_47] : memref<5120x128xi32, #tpu.memory_space<hbm>> -> memref<32x128xi32, #tpu.memory_space<hbm>>
        tpu.wait_dma2 semaphore(%run_scoped3A : memref<!tpu.dma_semaphore, #tpu.memory_space<semaphore_mem>>) src(%dma_wait3A_48 : memref<32x128xi32, #tpu.memory_space<hbm>>) dst(%arg7 : memref<32x128xi32, #tpu.memory_space<vmem>>)
        tpu.yield
      }) : () -> ()
      %mul3A_21 = arith.constant 32 : i32
      %mul3A_22 = arith.muli %scan3A_17, %mul3A_21 : i32
      %add3A_23 = arith.addi %mul3A_6, %mul3A_22 : i32
      "tpu.region"() ({
        %run_scoped3A = tpu.sem_alloc : memref<!tpu.dma_semaphore, #tpu.memory_space<semaphore_mem>>
        %dma_start3A_42 = arith.constant 0 : i32
        %dma_start3A_43 = tpu.memref_slice %arg4[%add3A_23, %dma_start3A_42] : memref<5120x128xi32, #tpu.memory_space<hbm>> -> memref<32x128xi32, #tpu.memory_space<hbm>>
        %dma_start3A_44 = arith.constant 0 : i32
        %dma_start3A_45 = tpu.memref_slice %arg4[%add3A_23, %dma_start3A_44] : memref<5120x128xi32, #tpu.memory_space<hbm>> -> memref<32x128xi32, #tpu.memory_space<hbm>>
        tpu.enqueue_dma source(%dma_start3A_45 : memref<32x128xi32, #tpu.memory_space<hbm>>) target(%arg8 : memref<32x128xi32, #tpu.memory_space<vmem>>) target_semaphore(%run_scoped3A : memref<!tpu.dma_semaphore, #tpu.memory_space<semaphore_mem>>)
        %dma_wait3A = arith.constant 0 : i32
        %dma_wait3A_46 = tpu.memref_slice %arg4[%add3A_23, %dma_wait3A] : memref<5120x128xi32, #tpu.memory_space<hbm>> -> memref<32x128xi32, #tpu.memory_space<hbm>>
        %dma_wait3A_47 = arith.constant 0 : i32
        %dma_wait3A_48 = tpu.memref_slice %arg4[%add3A_23, %dma_wait3A_47] : memref<5120x128xi32, #tpu.memory_space<hbm>> -> memref<32x128xi32, #tpu.memory_space<hbm>>
        tpu.wait_dma2 semaphore(%run_scoped3A : memref<!tpu.dma_semaphore, #tpu.memory_space<semaphore_mem>>) src(%dma_wait3A_48 : memref<32x128xi32, #tpu.memory_space<hbm>>) dst(%arg8 : memref<32x128xi32, #tpu.memory_space<vmem>>)
        tpu.yield
      }) : () -> ()
      %dma_start3A = arith.constant 0 : i32
      %dma_start3A_24 = arith.constant 0 : i32
      %dma_start3A_25 = tpu.memref_slice %arg7[%dma_start3A, %dma_start3A_24] : memref<32x128xi32, #tpu.memory_space<vmem>> -> memref<1x128xi32, #tpu.memory_space<vmem>>
      %dma_start3A_26 = tpu.memref_squeeze %dma_start3A_25 : memref<1x128xi32, #tpu.memory_space<vmem>> -> memref<128xi32, #tpu.memory_space<vmem>>
      %dma_start3A_27 = arith.constant 0 : i32
      %dma_start3A_28 = arith.constant 0 : i32
      %dma_start3A_29 = tpu.memref_slice %arg2[%dma_start3A_27, %dma_start3A_28] : memref<10000x128xf32, #tpu.memory_space<hbm>> -> memref<10000x128xf32, #tpu.memory_space<hbm>>
      tpu.enqueue_indirect_dma source(%dma_start3A_29 : memref<10000x128xf32, #tpu.memory_space<hbm>>) target(%arg9 : memref<128x128xf32, #tpu.memory_space<vmem>>) offsets(%dma_start3A_26 : memref<128xi32, #tpu.memory_space<vmem>>) semaphore(%arg12 : memref<!tpu.dma_semaphore, #tpu.memory_space<semaphore_mem>>)
      %dma_start3A_30 = arith.constant 1 : i32
      %dma_start3A_31 = arith.constant 0 : i32
      %dma_start3A_32 = tpu.memref_slice %arg7[%dma_start3A_30, %dma_start3A_31] : memref<32x128xi32, #tpu.memory_space<vmem>> -> memref<1x128xi32, #tpu.memory_space<vmem>>
      %dma_start3A_33 = tpu.memref_squeeze %dma_start3A_32 : memref<1x128xi32, #tpu.memory_space<vmem>> -> memref<128xi32, #tpu.memory_space<vmem>>
      %dma_start3A_34 = arith.constant 0 : i32
      %dma_start3A_35 = arith.constant 0 : i32
      %dma_start3A_36 = tpu.memref_slice %arg2[%dma_start3A_34, %dma_start3A_35] : memref<10000x128xf32, #tpu.memory_space<hbm>> -> memref<10000x128xf32, #tpu.memory_space<hbm>>
      tpu.enqueue_indirect_dma source(%dma_start3A_36 : memref<10000x128xf32, #tpu.memory_space<hbm>>) target(%arg10 : memref<128x128xf32, #tpu.memory_space<vmem>>) offsets(%dma_start3A_33 : memref<128xi32, #tpu.memory_space<vmem>>) semaphore(%arg13 : memref<!tpu.dma_semaphore, #tpu.memory_space<semaphore_mem>>)
      %scan3A_37 = arith.constant 0 : i32
      %scan3A_38 = arith.constant 16 : i32
      %scan3A_39 = arith.addi %scan3A_37, %scan3A_38 : i32
      %scan3A_40 = arith.constant 1 : i32
      scf.for %scan3A_42 = %scan3A_37 to %scan3A_39 step %scan3A_40  : i32 {
        %mul3A_43 = arith.constant 2 : i32
        %mul3A_44 = arith.muli %mul3A_43, %scan3A_42 : i32
        %dma_wait3A = arith.constant 0 : i32
        %dma_wait3A_45 = tpu.memref_slice %arg7[%mul3A_44, %dma_wait3A] : memref<32x128xi32, #tpu.memory_space<vmem>> -> memref<1x128xi32, #tpu.memory_space<vmem>>
        %dma_wait3A_46 = tpu.memref_squeeze %dma_wait3A_45 : memref<1x128xi32, #tpu.memory_space<vmem>> -> memref<128xi32, #tpu.memory_space<vmem>>
        %dma_wait3A_47 = arith.constant 0 : i32
        %dma_wait3A_48 = arith.constant 0 : i32
        %dma_wait3A_49 = tpu.memref_slice %arg2[%dma_wait3A_47, %dma_wait3A_48] : memref<10000x128xf32, #tpu.memory_space<hbm>> -> memref<10000x128xf32, #tpu.memory_space<hbm>>
        tpu.wait_indirect_dma semaphore(%arg12 : memref<!tpu.dma_semaphore, #tpu.memory_space<semaphore_mem>>) src(%dma_wait3A_49 : memref<10000x128xf32, #tpu.memory_space<hbm>>) dst(%arg9 : memref<128x128xf32, #tpu.memory_space<vmem>>)
        %mul3A_50 = arith.constant 2 : i32
        %mul3A_51 = arith.muli %mul3A_50, %scan3A_42 : i32
        "tpu.region"() ({
          %run_scoped3A = tpu.sem_alloc : memref<!tpu.dma_semaphore, #tpu.memory_space<semaphore_mem>>
          %dma_start3A_73 = arith.constant 0 : i32
          %dma_start3A_74 = tpu.memref_slice %arg8[%mul3A_51, %dma_start3A_73] : memref<32x128xi32, #tpu.memory_space<vmem>> -> memref<1x128xi32, #tpu.memory_space<vmem>>
          %dma_start3A_75 = tpu.memref_squeeze %dma_start3A_74 : memref<1x128xi32, #tpu.memory_space<vmem>> -> memref<128xi32, #tpu.memory_space<vmem>>
          %dma_start3A_76 = arith.constant 0 : i32
          %dma_start3A_77 = arith.constant 0 : i32
          %dma_start3A_78 = tpu.memref_slice %arg11[%dma_start3A_76, %dma_start3A_77] : memref<10112x128xf32, #tpu.memory_space<vmem_shared>> -> memref<10112x128xf32, #tpu.memory_space<vmem_shared>>
          tpu.enqueue_indirect_dma source(%arg9 : memref<128x128xf32, #tpu.memory_space<vmem>>) target(%dma_start3A_78 : memref<10112x128xf32, #tpu.memory_space<vmem_shared>>) offsets(%dma_start3A_75 : memref<128xi32, #tpu.memory_space<vmem>>) semaphore(%run_scoped3A : memref<!tpu.dma_semaphore, #tpu.memory_space<semaphore_mem>>) {add = true}
          %dma_wait3A_79 = arith.constant 0 : i32
          %dma_wait3A_80 = tpu.memref_slice %arg8[%mul3A_51, %dma_wait3A_79] : memref<32x128xi32, #tpu.memory_space<vmem>> -> memref<1x128xi32, #tpu.memory_space<vmem>>
          %dma_wait3A_81 = tpu.memref_squeeze %dma_wait3A_80 : memref<1x128xi32, #tpu.memory_space<vmem>> -> memref<128xi32, #tpu.memory_space<vmem>>
          %dma_wait3A_82 = arith.constant 0 : i32
          %dma_wait3A_83 = arith.constant 0 : i32
          %dma_wait3A_84 = tpu.memref_slice %arg11[%dma_wait3A_82, %dma_wait3A_83] : memref<10112x128xf32, #tpu.memory_space<vmem_shared>> -> memref<10112x128xf32, #tpu.memory_space<vmem_shared>>
          tpu.wait_indirect_dma semaphore(%run_scoped3A : memref<!tpu.dma_semaphore, #tpu.memory_space<semaphore_mem>>) src(%arg9 : memref<128x128xf32, #tpu.memory_space<vmem>>) dst(%dma_wait3A_84 : memref<10112x128xf32, #tpu.memory_space<vmem_shared>>)
          tpu.yield
        }) : () -> ()
        %lt3A = arith.constant 15 : i32
        %lt3A_52 = arith.cmpi slt, %scan3A_42, %lt3A : i32
        %convert_element_type3A = arith.extui %lt3A_52 : i1 to i32
        %cond3A = arith.constant 0 : i32
        %cond3A_53 = arith.cmpi ne, %convert_element_type3A, %cond3A : i32
        scf.if %cond3A_53 {
          %mul3A_73 = arith.constant 2 : i32
          %mul3A_74 = arith.muli %mul3A_73, %scan3A_42 : i32
          %add3A_75 = arith.constant 2 : i32
          %add3A_76 = arith.addi %mul3A_74, %add3A_75 : i32
          %dma_start3A_77 = arith.constant 0 : i32
          %dma_start3A_78 = tpu.memref_slice %arg7[%add3A_76, %dma_start3A_77] : memref<32x128xi32, #tpu.memory_space<vmem>> -> memref<1x128xi32, #tpu.memory_space<vmem>>
          %dma_start3A_79 = tpu.memref_squeeze %dma_start3A_78 : memref<1x128xi32, #tpu.memory_space<vmem>> -> memref<128xi32, #tpu.memory_space<vmem>>
          %dma_start3A_80 = arith.constant 0 : i32
          %dma_start3A_81 = arith.constant 0 : i32
          %dma_start3A_82 = tpu.memref_slice %arg2[%dma_start3A_80, %dma_start3A_81] : memref<10000x128xf32, #tpu.memory_space<hbm>> -> memref<10000x128xf32, #tpu.memory_space<hbm>>
          tpu.enqueue_indirect_dma source(%dma_start3A_82 : memref<10000x128xf32, #tpu.memory_space<hbm>>) target(%arg9 : memref<128x128xf32, #tpu.memory_space<vmem>>) offsets(%dma_start3A_79 : memref<128xi32, #tpu.memory_space<vmem>>) semaphore(%arg12 : memref<!tpu.dma_semaphore, #tpu.memory_space<semaphore_mem>>)
        } else {
        }
        %mul3A_54 = arith.constant 2 : i32
        %mul3A_55 = arith.muli %mul3A_54, %scan3A_42 : i32
        %add3A_56 = arith.constant 1 : i32
        %add3A_57 = arith.addi %mul3A_55, %add3A_56 : i32
        %dma_wait3A_58 = arith.constant 0 : i32
        %dma_wait3A_59 = tpu.memref_slice %arg7[%add3A_57, %dma_wait3A_58] : memref<32x128xi32, #tpu.memory_space<vmem>> -> memref<1x128xi32, #tpu.memory_space<vmem>>
        %dma_wait3A_60 = tpu.memref_squeeze %dma_wait3A_59 : memref<1x128xi32, #tpu.memory_space<vmem>> -> memref<128xi32, #tpu.memory_space<vmem>>
        %dma_wait3A_61 = arith.constant 0 : i32
        %dma_wait3A_62 = arith.constant 0 : i32
        %dma_wait3A_63 = tpu.memref_slice %arg2[%dma_wait3A_61, %dma_wait3A_62] : memref<10000x128xf32, #tpu.memory_space<hbm>> -> memref<10000x128xf32, #tpu.memory_space<hbm>>
        tpu.wait_indirect_dma semaphore(%arg13 : memref<!tpu.dma_semaphore, #tpu.memory_space<semaphore_mem>>) src(%dma_wait3A_63 : memref<10000x128xf32, #tpu.memory_space<hbm>>) dst(%arg10 : memref<128x128xf32, #tpu.memory_space<vmem>>)
        %mul3A_64 = arith.constant 2 : i32
        %mul3A_65 = arith.muli %mul3A_64, %scan3A_42 : i32
        %add3A_66 = arith.constant 1 : i32
        %add3A_67 = arith.addi %mul3A_65, %add3A_66 : i32
        "tpu.region"() ({
          %run_scoped3A = tpu.sem_alloc : memref<!tpu.dma_semaphore, #tpu.memory_space<semaphore_mem>>
          %dma_start3A_73 = arith.constant 0 : i32
          %dma_start3A_74 = tpu.memref_slice %arg8[%add3A_67, %dma_start3A_73] : memref<32x128xi32, #tpu.memory_space<vmem>> -> memref<1x128xi32, #tpu.memory_space<vmem>>
          %dma_start3A_75 = tpu.memref_squeeze %dma_start3A_74 : memref<1x128xi32, #tpu.memory_space<vmem>> -> memref<128xi32, #tpu.memory_space<vmem>>
          %dma_start3A_76 = arith.constant 0 : i32
          %dma_start3A_77 = arith.constant 0 : i32
          %dma_start3A_78 = tpu.memref_slice %arg11[%dma_start3A_76, %dma_start3A_77] : memref<10112x128xf32, #tpu.memory_space<vmem_shared>> -> memref<10112x128xf32, #tpu.memory_space<vmem_shared>>
          tpu.enqueue_indirect_dma source(%arg10 : memref<128x128xf32, #tpu.memory_space<vmem>>) target(%dma_start3A_78 : memref<10112x128xf32, #tpu.memory_space<vmem_shared>>) offsets(%dma_start3A_75 : memref<128xi32, #tpu.memory_space<vmem>>) semaphore(%run_scoped3A : memref<!tpu.dma_semaphore, #tpu.memory_space<semaphore_mem>>) {add = true}
          %dma_wait3A_79 = arith.constant 0 : i32
          %dma_wait3A_80 = tpu.memref_slice %arg8[%add3A_67, %dma_wait3A_79] : memref<32x128xi32, #tpu.memory_space<vmem>> -> memref<1x128xi32, #tpu.memory_space<vmem>>
          %dma_wait3A_81 = tpu.memref_squeeze %dma_wait3A_80 : memref<1x128xi32, #tpu.memory_space<vmem>> -> memref<128xi32, #tpu.memory_space<vmem>>
          %dma_wait3A_82 = arith.constant 0 : i32
          %dma_wait3A_83 = arith.constant 0 : i32
          %dma_wait3A_84 = tpu.memref_slice %arg11[%dma_wait3A_82, %dma_wait3A_83] : memref<10112x128xf32, #tpu.memory_space<vmem_shared>> -> memref<10112x128xf32, #tpu.memory_space<vmem_shared>>
          tpu.wait_indirect_dma semaphore(%run_scoped3A : memref<!tpu.dma_semaphore, #tpu.memory_space<semaphore_mem>>) src(%arg10 : memref<128x128xf32, #tpu.memory_space<vmem>>) dst(%dma_wait3A_84 : memref<10112x128xf32, #tpu.memory_space<vmem_shared>>)
          tpu.yield
        }) : () -> ()
        %lt3A_68 = arith.constant 15 : i32
        %lt3A_69 = arith.cmpi slt, %scan3A_42, %lt3A_68 : i32
        %convert_element_type3A_70 = arith.extui %lt3A_69 : i1 to i32
        %cond3A_71 = arith.constant 0 : i32
        %cond3A_72 = arith.cmpi ne, %convert_element_type3A_70, %cond3A_71 : i32
        scf.if %cond3A_72 {
          %mul3A_73 = arith.constant 2 : i32
          %mul3A_74 = arith.muli %mul3A_73, %scan3A_42 : i32
          %add3A_75 = arith.constant 3 : i32
          %add3A_76 = arith.addi %mul3A_74, %add3A_75 : i32
          %dma_start3A_77 = arith.constant 0 : i32
          %dma_start3A_78 = tpu.memref_slice %arg7[%add3A_76, %dma_start3A_77] : memref<32x128xi32, #tpu.memory_space<vmem>> -> memref<1x128xi32, #tpu.memory_space<vmem>>
          %dma_start3A_79 = tpu.memref_squeeze %dma_start3A_78 : memref<1x128xi32, #tpu.memory_space<vmem>> -> memref<128xi32, #tpu.memory_space<vmem>>
          %dma_start3A_80 = arith.constant 0 : i32
          %dma_start3A_81 = arith.constant 0 : i32
          %dma_start3A_82 = tpu.memref_slice %arg2[%dma_start3A_80, %dma_start3A_81] : memref<10000x128xf32, #tpu.memory_space<hbm>> -> memref<10000x128xf32, #tpu.memory_space<hbm>>
          tpu.enqueue_indirect_dma source(%dma_start3A_82 : memref<10000x128xf32, #tpu.memory_space<hbm>>) target(%arg10 : memref<128x128xf32, #tpu.memory_space<vmem>>) offsets(%dma_start3A_79 : memref<128xi32, #tpu.memory_space<vmem>>) semaphore(%arg13 : memref<!tpu.dma_semaphore, #tpu.memory_space<semaphore_mem>>)
        } else {
        }
      }
      %scan3A_41 = arith.constant 16 : i32
    }
    %scan3A_11 = arith.constant 5 : i32
    %barrier3A_12 = arith.constant 0 : index
    tpu.barrier barrier_id(%barrier3A_12)
    %mul3A_13 = arith.constant 632 : i32
    %mul3A_14 = arith.muli %arg1, %mul3A_13 : i32
    %mul3A_15 = arith.constant 632 : i32
    %mul3A_16 = arith.muli %arg1, %mul3A_15 : i32
    "tpu.region"() ({
      %run_scoped3A = tpu.sem_alloc : memref<!tpu.dma_semaphore, #tpu.memory_space<semaphore_mem>>
      %dma_start3A = arith.constant 0 : i32
      %dma_start3A_17 = tpu.memref_slice %arg6[%arg0, %mul3A_16, %dma_start3A] : memref<2x10112x128xf32, #tpu.memory_space<hbm>> -> memref<1x632x128xf32, #tpu.memory_space<hbm>>
      %dma_start3A_18 = tpu.memref_squeeze %dma_start3A_17 : memref<1x632x128xf32, #tpu.memory_space<hbm>> -> memref<632x128xf32, #tpu.memory_space<hbm>>
      %dma_start3A_19 = arith.constant 0 : i32
      %dma_start3A_20 = tpu.memref_slice %arg11[%mul3A_14, %dma_start3A_19] : memref<10112x128xf32, #tpu.memory_space<vmem_shared>> -> memref<632x128xf32, #tpu.memory_space<vmem_shared>>
      tpu.enqueue_dma source(%dma_start3A_20 : memref<632x128xf32, #tpu.memory_space<vmem_shared>>) target(%dma_start3A_18 : memref<632x128xf32, #tpu.memory_space<hbm>>) target_semaphore(%run_scoped3A : memref<!tpu.dma_semaphore, #tpu.memory_space<semaphore_mem>>)
      %dma_wait3A = arith.constant 0 : i32
      %dma_wait3A_21 = tpu.memref_slice %arg6[%arg0, %mul3A_16, %dma_wait3A] : memref<2x10112x128xf32, #tpu.memory_space<hbm>> -> memref<1x632x128xf32, #tpu.memory_space<hbm>>
      %dma_wait3A_22 = tpu.memref_squeeze %dma_wait3A_21 : memref<1x632x128xf32, #tpu.memory_space<hbm>> -> memref<632x128xf32, #tpu.memory_space<hbm>>
      %dma_wait3A_23 = arith.constant 0 : i32
      %dma_wait3A_24 = tpu.memref_slice %arg11[%mul3A_14, %dma_wait3A_23] : memref<10112x128xf32, #tpu.memory_space<vmem_shared>> -> memref<632x128xf32, #tpu.memory_space<vmem_shared>>
      tpu.wait_dma2 semaphore(%run_scoped3A : memref<!tpu.dma_semaphore, #tpu.memory_space<semaphore_mem>>) src(%dma_wait3A_24 : memref<632x128xf32, #tpu.memory_space<vmem_shared>>) dst(%dma_wait3A_22 : memref<632x128xf32, #tpu.memory_space<hbm>>)
      tpu.yield
    }) : () -> ()
    return
  }
}

#map = affine_map<(d0, d1) -> (0, 0)>
#map1 = affine_map<(d0, d1) -> (0, 0, 0)>
module attributes {stable_mosaic.version = 14 : i64} {
  func.func @_degree(%arg0: i32, %arg1: i32, %arg2: memref<5120x128xi32, #tpu.memory_space<hbm>>, %arg3: memref<10112x128xf32, #tpu.memory_space<hbm>>, %arg4: memref<128x128xf32, #tpu.memory_space<hbm>>, %arg5: memref<2x10112x128xf32, #tpu.memory_space<hbm>>, %arg6: memref<160x128xi32, #tpu.memory_space<vmem>>, %arg7: memref<128x128xf32, #tpu.memory_space<vmem>>, %arg8: memref<10112x128xf32, #tpu.memory_space<vmem_shared>>) attributes {dimension_semantics = [#tpu.dimension_semantics<core_parallel>, #tpu.dimension_semantics<subcore_parallel>], iteration_bounds = array<i64: 2, 16>, scalar_prefetch = 0 : i64, scratch_operands = 3 : i64, tpu.core_type = #tpu.core_type<sc_vector_subcore>, window_params = [{transform_indices = #map}, {transform_indices = #map}, {transform_indices = #map}, {transform_indices = #map1}]} {
    %mul3A = arith.constant 2 : i32
    %mul3A_0 = arith.muli %arg1, %mul3A : i32
    %add3A = arith.addi %mul3A_0, %arg0 : i32
    %mul3A_1 = arith.constant 632 : i32
    %mul3A_2 = arith.muli %arg1, %mul3A_1 : i32
    %mul3A_3 = arith.constant 632 : i32
    %mul3A_4 = arith.muli %arg1, %mul3A_3 : i32
    "tpu.region"() ({
      %run_scoped3A = tpu.sem_alloc : memref<!tpu.dma_semaphore, #tpu.memory_space<semaphore_mem>>
      %dma_start3A = arith.constant 0 : i32
      %dma_start3A_17 = tpu.memref_slice %arg8[%mul3A_4, %dma_start3A] : memref<10112x128xf32, #tpu.memory_space<vmem_shared>> -> memref<632x128xf32, #tpu.memory_space<vmem_shared>>
      %dma_start3A_18 = arith.constant 0 : i32
      %dma_start3A_19 = tpu.memref_slice %arg3[%mul3A_2, %dma_start3A_18] : memref<10112x128xf32, #tpu.memory_space<hbm>> -> memref<632x128xf32, #tpu.memory_space<hbm>>
      tpu.enqueue_dma source(%dma_start3A_19 : memref<632x128xf32, #tpu.memory_space<hbm>>) target(%dma_start3A_17 : memref<632x128xf32, #tpu.memory_space<vmem_shared>>) target_semaphore(%run_scoped3A : memref<!tpu.dma_semaphore, #tpu.memory_space<semaphore_mem>>)
      %dma_wait3A = arith.constant 0 : i32
      %dma_wait3A_20 = tpu.memref_slice %arg8[%mul3A_4, %dma_wait3A] : memref<10112x128xf32, #tpu.memory_space<vmem_shared>> -> memref<632x128xf32, #tpu.memory_space<vmem_shared>>
      %dma_wait3A_21 = arith.constant 0 : i32
      %dma_wait3A_22 = tpu.memref_slice %arg3[%mul3A_2, %dma_wait3A_21] : memref<10112x128xf32, #tpu.memory_space<hbm>> -> memref<632x128xf32, #tpu.memory_space<hbm>>
      tpu.wait_dma2 semaphore(%run_scoped3A : memref<!tpu.dma_semaphore, #tpu.memory_space<semaphore_mem>>) src(%dma_wait3A_22 : memref<632x128xf32, #tpu.memory_space<hbm>>) dst(%dma_wait3A_20 : memref<632x128xf32, #tpu.memory_space<vmem_shared>>)
      tpu.yield
    }) : () -> ()
    %mul3A_5 = arith.constant 160 : i32
    %mul3A_6 = arith.muli %add3A, %mul3A_5 : i32
    "tpu.region"() ({
      %run_scoped3A = tpu.sem_alloc : memref<!tpu.dma_semaphore, #tpu.memory_space<semaphore_mem>>
      %dma_start3A = arith.constant 0 : i32
      %dma_start3A_17 = tpu.memref_slice %arg2[%mul3A_6, %dma_start3A] : memref<5120x128xi32, #tpu.memory_space<hbm>> -> memref<160x128xi32, #tpu.memory_space<hbm>>
      %dma_start3A_18 = arith.constant 0 : i32
      %dma_start3A_19 = tpu.memref_slice %arg2[%mul3A_6, %dma_start3A_18] : memref<5120x128xi32, #tpu.memory_space<hbm>> -> memref<160x128xi32, #tpu.memory_space<hbm>>
      tpu.enqueue_dma source(%dma_start3A_19 : memref<160x128xi32, #tpu.memory_space<hbm>>) target(%arg6 : memref<160x128xi32, #tpu.memory_space<vmem>>) target_semaphore(%run_scoped3A : memref<!tpu.dma_semaphore, #tpu.memory_space<semaphore_mem>>)
      %dma_wait3A = arith.constant 0 : i32
      %dma_wait3A_20 = tpu.memref_slice %arg2[%mul3A_6, %dma_wait3A] : memref<5120x128xi32, #tpu.memory_space<hbm>> -> memref<160x128xi32, #tpu.memory_space<hbm>>
      %dma_wait3A_21 = arith.constant 0 : i32
      %dma_wait3A_22 = tpu.memref_slice %arg2[%mul3A_6, %dma_wait3A_21] : memref<5120x128xi32, #tpu.memory_space<hbm>> -> memref<160x128xi32, #tpu.memory_space<hbm>>
      tpu.wait_dma2 semaphore(%run_scoped3A : memref<!tpu.dma_semaphore, #tpu.memory_space<semaphore_mem>>) src(%dma_wait3A_22 : memref<160x128xi32, #tpu.memory_space<hbm>>) dst(%arg6 : memref<160x128xi32, #tpu.memory_space<vmem>>)
      tpu.yield
    }) : () -> ()
    "tpu.region"() ({
      %run_scoped3A = tpu.sem_alloc : memref<!tpu.dma_semaphore, #tpu.memory_space<semaphore_mem>>
      tpu.enqueue_dma source(%arg4 : memref<128x128xf32, #tpu.memory_space<hbm>>) target(%arg7 : memref<128x128xf32, #tpu.memory_space<vmem>>) target_semaphore(%run_scoped3A : memref<!tpu.dma_semaphore, #tpu.memory_space<semaphore_mem>>)
      tpu.wait_dma2 semaphore(%run_scoped3A : memref<!tpu.dma_semaphore, #tpu.memory_space<semaphore_mem>>) src(%arg4 : memref<128x128xf32, #tpu.memory_space<hbm>>) dst(%arg7 : memref<128x128xf32, #tpu.memory_space<vmem>>)
      tpu.yield
    }) : () -> ()
    %barrier3A = arith.constant 0 : index
    tpu.barrier barrier_id(%barrier3A)
    %scan3A = arith.constant 0 : i32
    %scan3A_7 = arith.constant 0 : i32
    %scan3A_8 = arith.constant 160 : i32
    %scan3A_9 = arith.addi %scan3A_7, %scan3A_8 : i32
    %scan3A_10 = arith.constant 1 : i32
    scf.for %scan3A_17 = %scan3A_7 to %scan3A_9 step %scan3A_10  : i32 {
      "tpu.region"() ({
        %run_scoped3A = tpu.sem_alloc : memref<!tpu.dma_semaphore, #tpu.memory_space<semaphore_mem>>
        %dma_start3A = arith.constant 0 : i32
        %dma_start3A_18 = tpu.memref_slice %arg6[%scan3A_17, %dma_start3A] : memref<160x128xi32, #tpu.memory_space<vmem>> -> memref<1x128xi32, #tpu.memory_space<vmem>>
        %dma_start3A_19 = tpu.memref_squeeze %dma_start3A_18 : memref<1x128xi32, #tpu.memory_space<vmem>> -> memref<128xi32, #tpu.memory_space<vmem>>
        %dma_start3A_20 = arith.constant 0 : i32
        %dma_start3A_21 = arith.constant 0 : i32
        %dma_start3A_22 = tpu.memref_slice %arg8[%dma_start3A_20, %dma_start3A_21] : memref<10112x128xf32, #tpu.memory_space<vmem_shared>> -> memref<10112x128xf32, #tpu.memory_space<vmem_shared>>
        tpu.enqueue_indirect_dma source(%arg7 : memref<128x128xf32, #tpu.memory_space<vmem>>) target(%dma_start3A_22 : memref<10112x128xf32, #tpu.memory_space<vmem_shared>>) offsets(%dma_start3A_19 : memref<128xi32, #tpu.memory_space<vmem>>) semaphore(%run_scoped3A : memref<!tpu.dma_semaphore, #tpu.memory_space<semaphore_mem>>) {add = true}
        %dma_wait3A = arith.constant 0 : i32
        %dma_wait3A_23 = tpu.memref_slice %arg6[%scan3A_17, %dma_wait3A] : memref<160x128xi32, #tpu.memory_space<vmem>> -> memref<1x128xi32, #tpu.memory_space<vmem>>
        %dma_wait3A_24 = tpu.memref_squeeze %dma_wait3A_23 : memref<1x128xi32, #tpu.memory_space<vmem>> -> memref<128xi32, #tpu.memory_space<vmem>>
        %dma_wait3A_25 = arith.constant 0 : i32
        %dma_wait3A_26 = arith.constant 0 : i32
        %dma_wait3A_27 = tpu.memref_slice %arg8[%dma_wait3A_25, %dma_wait3A_26] : memref<10112x128xf32, #tpu.memory_space<vmem_shared>> -> memref<10112x128xf32, #tpu.memory_space<vmem_shared>>
        tpu.wait_indirect_dma semaphore(%run_scoped3A : memref<!tpu.dma_semaphore, #tpu.memory_space<semaphore_mem>>) src(%arg7 : memref<128x128xf32, #tpu.memory_space<vmem>>) dst(%dma_wait3A_27 : memref<10112x128xf32, #tpu.memory_space<vmem_shared>>)
        tpu.yield
      }) : () -> ()
    }
    %scan3A_11 = arith.constant 160 : i32
    %barrier3A_12 = arith.constant 0 : index
    tpu.barrier barrier_id(%barrier3A_12)
    %mul3A_13 = arith.constant 632 : i32
    %mul3A_14 = arith.muli %arg1, %mul3A_13 : i32
    %mul3A_15 = arith.constant 632 : i32
    %mul3A_16 = arith.muli %arg1, %mul3A_15 : i32
    "tpu.region"() ({
      %run_scoped3A = tpu.sem_alloc : memref<!tpu.dma_semaphore, #tpu.memory_space<semaphore_mem>>
      %dma_start3A = arith.constant 0 : i32
      %dma_start3A_17 = tpu.memref_slice %arg5[%arg0, %mul3A_16, %dma_start3A] : memref<2x10112x128xf32, #tpu.memory_space<hbm>> -> memref<1x632x128xf32, #tpu.memory_space<hbm>>
      %dma_start3A_18 = tpu.memref_squeeze %dma_start3A_17 : memref<1x632x128xf32, #tpu.memory_space<hbm>> -> memref<632x128xf32, #tpu.memory_space<hbm>>
      %dma_start3A_19 = arith.constant 0 : i32
      %dma_start3A_20 = tpu.memref_slice %arg8[%mul3A_14, %dma_start3A_19] : memref<10112x128xf32, #tpu.memory_space<vmem_shared>> -> memref<632x128xf32, #tpu.memory_space<vmem_shared>>
      tpu.enqueue_dma source(%dma_start3A_20 : memref<632x128xf32, #tpu.memory_space<vmem_shared>>) target(%dma_start3A_18 : memref<632x128xf32, #tpu.memory_space<hbm>>) target_semaphore(%run_scoped3A : memref<!tpu.dma_semaphore, #tpu.memory_space<semaphore_mem>>)
      %dma_wait3A = arith.constant 0 : i32
      %dma_wait3A_21 = tpu.memref_slice %arg5[%arg0, %mul3A_16, %dma_wait3A] : memref<2x10112x128xf32, #tpu.memory_space<hbm>> -> memref<1x632x128xf32, #tpu.memory_space<hbm>>
      %dma_wait3A_22 = tpu.memref_squeeze %dma_wait3A_21 : memref<1x632x128xf32, #tpu.memory_space<hbm>> -> memref<632x128xf32, #tpu.memory_space<hbm>>
      %dma_wait3A_23 = arith.constant 0 : i32
      %dma_wait3A_24 = tpu.memref_slice %arg8[%mul3A_14, %dma_wait3A_23] : memref<10112x128xf32, #tpu.memory_space<vmem_shared>> -> memref<632x128xf32, #tpu.memory_space<vmem_shared>>
      tpu.wait_dma2 semaphore(%run_scoped3A : memref<!tpu.dma_semaphore, #tpu.memory_space<semaphore_mem>>) src(%dma_wait3A_24 : memref<632x128xf32, #tpu.memory_space<vmem_shared>>) dst(%dma_wait3A_22 : memref<632x128xf32, #tpu.memory_space<hbm>>)
      tpu.yield
    }) : () -> ()
    return
  }
}

#map = affine_map<(d0, d1) -> (0, 0)>
#map1 = affine_map<(d0, d1) -> (0, 0, 0)>
module attributes {stable_mosaic.version = 14 : i64} {
  func.func @_edge_scatter(%arg0: i32, %arg1: i32, %arg2: memref<10000x128xf32, #tpu.memory_space<hbm>>, %arg3: memref<5120x128xi32, #tpu.memory_space<hbm>>, %arg4: memref<5120x128xi32, #tpu.memory_space<hbm>>, %arg5: memref<10112x128xf32, #tpu.memory_space<hbm>>, %arg6: memref<2x10112x128xf32, #tpu.memory_space<hbm>>, %arg7: memref<32x128xi32, #tpu.memory_space<vmem>>, %arg8: memref<32x128xi32, #tpu.memory_space<vmem>>, %arg9: memref<128x128xf32, #tpu.memory_space<vmem>>, %arg10: memref<128x128xf32, #tpu.memory_space<vmem>>, %arg11: memref<10112x128xf32, #tpu.memory_space<vmem_shared>>, %arg12: memref<!tpu.dma_semaphore, #tpu.memory_space<semaphore_mem>>, %arg13: memref<!tpu.dma_semaphore, #tpu.memory_space<semaphore_mem>>) attributes {dimension_semantics = [#tpu.dimension_semantics<core_parallel>, #tpu.dimension_semantics<subcore_parallel>], iteration_bounds = array<i64: 2, 16>, scalar_prefetch = 0 : i64, scratch_operands = 7 : i64, tpu.core_type = #tpu.core_type<sc_vector_subcore>, window_params = [{transform_indices = #map}, {transform_indices = #map}, {transform_indices = #map}, {transform_indices = #map}, {transform_indices = #map1}]} {
    %mul3A = arith.constant 2 : i32
    %mul3A_0 = arith.muli %arg1, %mul3A : i32
    %add3A = arith.addi %mul3A_0, %arg0 : i32
    %mul3A_1 = arith.constant 632 : i32
    %mul3A_2 = arith.muli %arg1, %mul3A_1 : i32
    %mul3A_3 = arith.constant 632 : i32
    %mul3A_4 = arith.muli %arg1, %mul3A_3 : i32
    "tpu.region"() ({
      %run_scoped3A = tpu.sem_alloc : memref<!tpu.dma_semaphore, #tpu.memory_space<semaphore_mem>>
      %dma_start3A = arith.constant 0 : i32
      %dma_start3A_17 = tpu.memref_slice %arg11[%mul3A_4, %dma_start3A] : memref<10112x128xf32, #tpu.memory_space<vmem_shared>> -> memref<632x128xf32, #tpu.memory_space<vmem_shared>>
      %dma_start3A_18 = arith.constant 0 : i32
      %dma_start3A_19 = tpu.memref_slice %arg5[%mul3A_2, %dma_start3A_18] : memref<10112x128xf32, #tpu.memory_space<hbm>> -> memref<632x128xf32, #tpu.memory_space<hbm>>
      tpu.enqueue_dma source(%dma_start3A_19 : memref<632x128xf32, #tpu.memory_space<hbm>>) target(%dma_start3A_17 : memref<632x128xf32, #tpu.memory_space<vmem_shared>>) target_semaphore(%run_scoped3A : memref<!tpu.dma_semaphore, #tpu.memory_space<semaphore_mem>>)
      %dma_wait3A = arith.constant 0 : i32
      %dma_wait3A_20 = tpu.memref_slice %arg11[%mul3A_4, %dma_wait3A] : memref<10112x128xf32, #tpu.memory_space<vmem_shared>> -> memref<632x128xf32, #tpu.memory_space<vmem_shared>>
      %dma_wait3A_21 = arith.constant 0 : i32
      %dma_wait3A_22 = tpu.memref_slice %arg5[%mul3A_2, %dma_wait3A_21] : memref<10112x128xf32, #tpu.memory_space<hbm>> -> memref<632x128xf32, #tpu.memory_space<hbm>>
      tpu.wait_dma2 semaphore(%run_scoped3A : memref<!tpu.dma_semaphore, #tpu.memory_space<semaphore_mem>>) src(%dma_wait3A_22 : memref<632x128xf32, #tpu.memory_space<hbm>>) dst(%dma_wait3A_20 : memref<632x128xf32, #tpu.memory_space<vmem_shared>>)
      tpu.yield
    }) : () -> ()
    %barrier3A = arith.constant 0 : index
    tpu.barrier barrier_id(%barrier3A)
    %mul3A_5 = arith.constant 160 : i32
    %mul3A_6 = arith.muli %add3A, %mul3A_5 : i32
    %scan3A = arith.constant 0 : i32
    %scan3A_7 = arith.constant 0 : i32
    %scan3A_8 = arith.constant 5 : i32
    %scan3A_9 = arith.addi %scan3A_7, %scan3A_8 : i32
    %scan3A_10 = arith.constant 1 : i32
    scf.for %scan3A_17 = %scan3A_7 to %scan3A_9 step %scan3A_10  : i32 {
      %mul3A_18 = arith.constant 32 : i32
      %mul3A_19 = arith.muli %scan3A_17, %mul3A_18 : i32
      %add3A_20 = arith.addi %mul3A_6, %mul3A_19 : i32
      "tpu.region"() ({
        %run_scoped3A = tpu.sem_alloc : memref<!tpu.dma_semaphore, #tpu.memory_space<semaphore_mem>>
        %dma_start3A_42 = arith.constant 0 : i32
        %dma_start3A_43 = tpu.memref_slice %arg3[%add3A_20, %dma_start3A_42] : memref<5120x128xi32, #tpu.memory_space<hbm>> -> memref<32x128xi32, #tpu.memory_space<hbm>>
        %dma_start3A_44 = arith.constant 0 : i32
        %dma_start3A_45 = tpu.memref_slice %arg3[%add3A_20, %dma_start3A_44] : memref<5120x128xi32, #tpu.memory_space<hbm>> -> memref<32x128xi32, #tpu.memory_space<hbm>>
        tpu.enqueue_dma source(%dma_start3A_45 : memref<32x128xi32, #tpu.memory_space<hbm>>) target(%arg7 : memref<32x128xi32, #tpu.memory_space<vmem>>) target_semaphore(%run_scoped3A : memref<!tpu.dma_semaphore, #tpu.memory_space<semaphore_mem>>)
        %dma_wait3A = arith.constant 0 : i32
        %dma_wait3A_46 = tpu.memref_slice %arg3[%add3A_20, %dma_wait3A] : memref<5120x128xi32, #tpu.memory_space<hbm>> -> memref<32x128xi32, #tpu.memory_space<hbm>>
        %dma_wait3A_47 = arith.constant 0 : i32
        %dma_wait3A_48 = tpu.memref_slice %arg3[%add3A_20, %dma_wait3A_47] : memref<5120x128xi32, #tpu.memory_space<hbm>> -> memref<32x128xi32, #tpu.memory_space<hbm>>
        tpu.wait_dma2 semaphore(%run_scoped3A : memref<!tpu.dma_semaphore, #tpu.memory_space<semaphore_mem>>) src(%dma_wait3A_48 : memref<32x128xi32, #tpu.memory_space<hbm>>) dst(%arg7 : memref<32x128xi32, #tpu.memory_space<vmem>>)
        tpu.yield
      }) : () -> ()
      %mul3A_21 = arith.constant 32 : i32
      %mul3A_22 = arith.muli %scan3A_17, %mul3A_21 : i32
      %add3A_23 = arith.addi %mul3A_6, %mul3A_22 : i32
      "tpu.region"() ({
        %run_scoped3A = tpu.sem_alloc : memref<!tpu.dma_semaphore, #tpu.memory_space<semaphore_mem>>
        %dma_start3A_42 = arith.constant 0 : i32
        %dma_start3A_43 = tpu.memref_slice %arg4[%add3A_23, %dma_start3A_42] : memref<5120x128xi32, #tpu.memory_space<hbm>> -> memref<32x128xi32, #tpu.memory_space<hbm>>
        %dma_start3A_44 = arith.constant 0 : i32
        %dma_start3A_45 = tpu.memref_slice %arg4[%add3A_23, %dma_start3A_44] : memref<5120x128xi32, #tpu.memory_space<hbm>> -> memref<32x128xi32, #tpu.memory_space<hbm>>
        tpu.enqueue_dma source(%dma_start3A_45 : memref<32x128xi32, #tpu.memory_space<hbm>>) target(%arg8 : memref<32x128xi32, #tpu.memory_space<vmem>>) target_semaphore(%run_scoped3A : memref<!tpu.dma_semaphore, #tpu.memory_space<semaphore_mem>>)
        %dma_wait3A = arith.constant 0 : i32
        %dma_wait3A_46 = tpu.memref_slice %arg4[%add3A_23, %dma_wait3A] : memref<5120x128xi32, #tpu.memory_space<hbm>> -> memref<32x128xi32, #tpu.memory_space<hbm>>
        %dma_wait3A_47 = arith.constant 0 : i32
        %dma_wait3A_48 = tpu.memref_slice %arg4[%add3A_23, %dma_wait3A_47] : memref<5120x128xi32, #tpu.memory_space<hbm>> -> memref<32x128xi32, #tpu.memory_space<hbm>>
        tpu.wait_dma2 semaphore(%run_scoped3A : memref<!tpu.dma_semaphore, #tpu.memory_space<semaphore_mem>>) src(%dma_wait3A_48 : memref<32x128xi32, #tpu.memory_space<hbm>>) dst(%arg8 : memref<32x128xi32, #tpu.memory_space<vmem>>)
        tpu.yield
      }) : () -> ()
      %dma_start3A = arith.constant 0 : i32
      %dma_start3A_24 = arith.constant 0 : i32
      %dma_start3A_25 = tpu.memref_slice %arg7[%dma_start3A, %dma_start3A_24] : memref<32x128xi32, #tpu.memory_space<vmem>> -> memref<1x128xi32, #tpu.memory_space<vmem>>
      %dma_start3A_26 = tpu.memref_squeeze %dma_start3A_25 : memref<1x128xi32, #tpu.memory_space<vmem>> -> memref<128xi32, #tpu.memory_space<vmem>>
      %dma_start3A_27 = arith.constant 0 : i32
      %dma_start3A_28 = arith.constant 0 : i32
      %dma_start3A_29 = tpu.memref_slice %arg2[%dma_start3A_27, %dma_start3A_28] : memref<10000x128xf32, #tpu.memory_space<hbm>> -> memref<10000x128xf32, #tpu.memory_space<hbm>>
      tpu.enqueue_indirect_dma source(%dma_start3A_29 : memref<10000x128xf32, #tpu.memory_space<hbm>>) target(%arg9 : memref<128x128xf32, #tpu.memory_space<vmem>>) offsets(%dma_start3A_26 : memref<128xi32, #tpu.memory_space<vmem>>) semaphore(%arg12 : memref<!tpu.dma_semaphore, #tpu.memory_space<semaphore_mem>>)
      %dma_start3A_30 = arith.constant 1 : i32
      %dma_start3A_31 = arith.constant 0 : i32
      %dma_start3A_32 = tpu.memref_slice %arg7[%dma_start3A_30, %dma_start3A_31] : memref<32x128xi32, #tpu.memory_space<vmem>> -> memref<1x128xi32, #tpu.memory_space<vmem>>
      %dma_start3A_33 = tpu.memref_squeeze %dma_start3A_32 : memref<1x128xi32, #tpu.memory_space<vmem>> -> memref<128xi32, #tpu.memory_space<vmem>>
      %dma_start3A_34 = arith.constant 0 : i32
      %dma_start3A_35 = arith.constant 0 : i32
      %dma_start3A_36 = tpu.memref_slice %arg2[%dma_start3A_34, %dma_start3A_35] : memref<10000x128xf32, #tpu.memory_space<hbm>> -> memref<10000x128xf32, #tpu.memory_space<hbm>>
      tpu.enqueue_indirect_dma source(%dma_start3A_36 : memref<10000x128xf32, #tpu.memory_space<hbm>>) target(%arg10 : memref<128x128xf32, #tpu.memory_space<vmem>>) offsets(%dma_start3A_33 : memref<128xi32, #tpu.memory_space<vmem>>) semaphore(%arg13 : memref<!tpu.dma_semaphore, #tpu.memory_space<semaphore_mem>>)
      %scan3A_37 = arith.constant 0 : i32
      %scan3A_38 = arith.constant 16 : i32
      %scan3A_39 = arith.addi %scan3A_37, %scan3A_38 : i32
      %scan3A_40 = arith.constant 1 : i32
      scf.for %scan3A_42 = %scan3A_37 to %scan3A_39 step %scan3A_40  : i32 {
        %mul3A_43 = arith.constant 2 : i32
        %mul3A_44 = arith.muli %mul3A_43, %scan3A_42 : i32
        %dma_wait3A = arith.constant 0 : i32
        %dma_wait3A_45 = tpu.memref_slice %arg7[%mul3A_44, %dma_wait3A] : memref<32x128xi32, #tpu.memory_space<vmem>> -> memref<1x128xi32, #tpu.memory_space<vmem>>
        %dma_wait3A_46 = tpu.memref_squeeze %dma_wait3A_45 : memref<1x128xi32, #tpu.memory_space<vmem>> -> memref<128xi32, #tpu.memory_space<vmem>>
        %dma_wait3A_47 = arith.constant 0 : i32
        %dma_wait3A_48 = arith.constant 0 : i32
        %dma_wait3A_49 = tpu.memref_slice %arg2[%dma_wait3A_47, %dma_wait3A_48] : memref<10000x128xf32, #tpu.memory_space<hbm>> -> memref<10000x128xf32, #tpu.memory_space<hbm>>
        tpu.wait_indirect_dma semaphore(%arg12 : memref<!tpu.dma_semaphore, #tpu.memory_space<semaphore_mem>>) src(%dma_wait3A_49 : memref<10000x128xf32, #tpu.memory_space<hbm>>) dst(%arg9 : memref<128x128xf32, #tpu.memory_space<vmem>>)
        %mul3A_50 = arith.constant 2 : i32
        %mul3A_51 = arith.muli %mul3A_50, %scan3A_42 : i32
        "tpu.region"() ({
          %run_scoped3A = tpu.sem_alloc : memref<!tpu.dma_semaphore, #tpu.memory_space<semaphore_mem>>
          %dma_start3A_73 = arith.constant 0 : i32
          %dma_start3A_74 = tpu.memref_slice %arg8[%mul3A_51, %dma_start3A_73] : memref<32x128xi32, #tpu.memory_space<vmem>> -> memref<1x128xi32, #tpu.memory_space<vmem>>
          %dma_start3A_75 = tpu.memref_squeeze %dma_start3A_74 : memref<1x128xi32, #tpu.memory_space<vmem>> -> memref<128xi32, #tpu.memory_space<vmem>>
          %dma_start3A_76 = arith.constant 0 : i32
          %dma_start3A_77 = arith.constant 0 : i32
          %dma_start3A_78 = tpu.memref_slice %arg11[%dma_start3A_76, %dma_start3A_77] : memref<10112x128xf32, #tpu.memory_space<vmem_shared>> -> memref<10112x128xf32, #tpu.memory_space<vmem_shared>>
          tpu.enqueue_indirect_dma source(%arg9 : memref<128x128xf32, #tpu.memory_space<vmem>>) target(%dma_start3A_78 : memref<10112x128xf32, #tpu.memory_space<vmem_shared>>) offsets(%dma_start3A_75 : memref<128xi32, #tpu.memory_space<vmem>>) semaphore(%run_scoped3A : memref<!tpu.dma_semaphore, #tpu.memory_space<semaphore_mem>>) {add = true}
          %dma_wait3A_79 = arith.constant 0 : i32
          %dma_wait3A_80 = tpu.memref_slice %arg8[%mul3A_51, %dma_wait3A_79] : memref<32x128xi32, #tpu.memory_space<vmem>> -> memref<1x128xi32, #tpu.memory_space<vmem>>
          %dma_wait3A_81 = tpu.memref_squeeze %dma_wait3A_80 : memref<1x128xi32, #tpu.memory_space<vmem>> -> memref<128xi32, #tpu.memory_space<vmem>>
          %dma_wait3A_82 = arith.constant 0 : i32
          %dma_wait3A_83 = arith.constant 0 : i32
          %dma_wait3A_84 = tpu.memref_slice %arg11[%dma_wait3A_82, %dma_wait3A_83] : memref<10112x128xf32, #tpu.memory_space<vmem_shared>> -> memref<10112x128xf32, #tpu.memory_space<vmem_shared>>
          tpu.wait_indirect_dma semaphore(%run_scoped3A : memref<!tpu.dma_semaphore, #tpu.memory_space<semaphore_mem>>) src(%arg9 : memref<128x128xf32, #tpu.memory_space<vmem>>) dst(%dma_wait3A_84 : memref<10112x128xf32, #tpu.memory_space<vmem_shared>>)
          tpu.yield
        }) : () -> ()
        %lt3A = arith.constant 15 : i32
        %lt3A_52 = arith.cmpi slt, %scan3A_42, %lt3A : i32
        %convert_element_type3A = arith.extui %lt3A_52 : i1 to i32
        %cond3A = arith.constant 0 : i32
        %cond3A_53 = arith.cmpi ne, %convert_element_type3A, %cond3A : i32
        scf.if %cond3A_53 {
          %mul3A_73 = arith.constant 2 : i32
          %mul3A_74 = arith.muli %mul3A_73, %scan3A_42 : i32
          %add3A_75 = arith.constant 2 : i32
          %add3A_76 = arith.addi %mul3A_74, %add3A_75 : i32
          %dma_start3A_77 = arith.constant 0 : i32
          %dma_start3A_78 = tpu.memref_slice %arg7[%add3A_76, %dma_start3A_77] : memref<32x128xi32, #tpu.memory_space<vmem>> -> memref<1x128xi32, #tpu.memory_space<vmem>>
          %dma_start3A_79 = tpu.memref_squeeze %dma_start3A_78 : memref<1x128xi32, #tpu.memory_space<vmem>> -> memref<128xi32, #tpu.memory_space<vmem>>
          %dma_start3A_80 = arith.constant 0 : i32
          %dma_start3A_81 = arith.constant 0 : i32
          %dma_start3A_82 = tpu.memref_slice %arg2[%dma_start3A_80, %dma_start3A_81] : memref<10000x128xf32, #tpu.memory_space<hbm>> -> memref<10000x128xf32, #tpu.memory_space<hbm>>
          tpu.enqueue_indirect_dma source(%dma_start3A_82 : memref<10000x128xf32, #tpu.memory_space<hbm>>) target(%arg9 : memref<128x128xf32, #tpu.memory_space<vmem>>) offsets(%dma_start3A_79 : memref<128xi32, #tpu.memory_space<vmem>>) semaphore(%arg12 : memref<!tpu.dma_semaphore, #tpu.memory_space<semaphore_mem>>)
        } else {
        }
        %mul3A_54 = arith.constant 2 : i32
        %mul3A_55 = arith.muli %mul3A_54, %scan3A_42 : i32
        %add3A_56 = arith.constant 1 : i32
        %add3A_57 = arith.addi %mul3A_55, %add3A_56 : i32
        %dma_wait3A_58 = arith.constant 0 : i32
        %dma_wait3A_59 = tpu.memref_slice %arg7[%add3A_57, %dma_wait3A_58] : memref<32x128xi32, #tpu.memory_space<vmem>> -> memref<1x128xi32, #tpu.memory_space<vmem>>
        %dma_wait3A_60 = tpu.memref_squeeze %dma_wait3A_59 : memref<1x128xi32, #tpu.memory_space<vmem>> -> memref<128xi32, #tpu.memory_space<vmem>>
        %dma_wait3A_61 = arith.constant 0 : i32
        %dma_wait3A_62 = arith.constant 0 : i32
        %dma_wait3A_63 = tpu.memref_slice %arg2[%dma_wait3A_61, %dma_wait3A_62] : memref<10000x128xf32, #tpu.memory_space<hbm>> -> memref<10000x128xf32, #tpu.memory_space<hbm>>
        tpu.wait_indirect_dma semaphore(%arg13 : memref<!tpu.dma_semaphore, #tpu.memory_space<semaphore_mem>>) src(%dma_wait3A_63 : memref<10000x128xf32, #tpu.memory_space<hbm>>) dst(%arg10 : memref<128x128xf32, #tpu.memory_space<vmem>>)
        %mul3A_64 = arith.constant 2 : i32
        %mul3A_65 = arith.muli %mul3A_64, %scan3A_42 : i32
        %add3A_66 = arith.constant 1 : i32
        %add3A_67 = arith.addi %mul3A_65, %add3A_66 : i32
        "tpu.region"() ({
          %run_scoped3A = tpu.sem_alloc : memref<!tpu.dma_semaphore, #tpu.memory_space<semaphore_mem>>
          %dma_start3A_73 = arith.constant 0 : i32
          %dma_start3A_74 = tpu.memref_slice %arg8[%add3A_67, %dma_start3A_73] : memref<32x128xi32, #tpu.memory_space<vmem>> -> memref<1x128xi32, #tpu.memory_space<vmem>>
          %dma_start3A_75 = tpu.memref_squeeze %dma_start3A_74 : memref<1x128xi32, #tpu.memory_space<vmem>> -> memref<128xi32, #tpu.memory_space<vmem>>
          %dma_start3A_76 = arith.constant 0 : i32
          %dma_start3A_77 = arith.constant 0 : i32
          %dma_start3A_78 = tpu.memref_slice %arg11[%dma_start3A_76, %dma_start3A_77] : memref<10112x128xf32, #tpu.memory_space<vmem_shared>> -> memref<10112x128xf32, #tpu.memory_space<vmem_shared>>
          tpu.enqueue_indirect_dma source(%arg10 : memref<128x128xf32, #tpu.memory_space<vmem>>) target(%dma_start3A_78 : memref<10112x128xf32, #tpu.memory_space<vmem_shared>>) offsets(%dma_start3A_75 : memref<128xi32, #tpu.memory_space<vmem>>) semaphore(%run_scoped3A : memref<!tpu.dma_semaphore, #tpu.memory_space<semaphore_mem>>) {add = true}
          %dma_wait3A_79 = arith.constant 0 : i32
          %dma_wait3A_80 = tpu.memref_slice %arg8[%add3A_67, %dma_wait3A_79] : memref<32x128xi32, #tpu.memory_space<vmem>> -> memref<1x128xi32, #tpu.memory_space<vmem>>
          %dma_wait3A_81 = tpu.memref_squeeze %dma_wait3A_80 : memref<1x128xi32, #tpu.memory_space<vmem>> -> memref<128xi32, #tpu.memory_space<vmem>>
          %dma_wait3A_82 = arith.constant 0 : i32
          %dma_wait3A_83 = arith.constant 0 : i32
          %dma_wait3A_84 = tpu.memref_slice %arg11[%dma_wait3A_82, %dma_wait3A_83] : memref<10112x128xf32, #tpu.memory_space<vmem_shared>> -> memref<10112x128xf32, #tpu.memory_space<vmem_shared>>
          tpu.wait_indirect_dma semaphore(%run_scoped3A : memref<!tpu.dma_semaphore, #tpu.memory_space<semaphore_mem>>) src(%arg10 : memref<128x128xf32, #tpu.memory_space<vmem>>) dst(%dma_wait3A_84 : memref<10112x128xf32, #tpu.memory_space<vmem_shared>>)
          tpu.yield
        }) : () -> ()
        %lt3A_68 = arith.constant 15 : i32
        %lt3A_69 = arith.cmpi slt, %scan3A_42, %lt3A_68 : i32
        %convert_element_type3A_70 = arith.extui %lt3A_69 : i1 to i32
        %cond3A_71 = arith.constant 0 : i32
        %cond3A_72 = arith.cmpi ne, %convert_element_type3A_70, %cond3A_71 : i32
        scf.if %cond3A_72 {
          %mul3A_73 = arith.constant 2 : i32
          %mul3A_74 = arith.muli %mul3A_73, %scan3A_42 : i32
          %add3A_75 = arith.constant 3 : i32
          %add3A_76 = arith.addi %mul3A_74, %add3A_75 : i32
          %dma_start3A_77 = arith.constant 0 : i32
          %dma_start3A_78 = tpu.memref_slice %arg7[%add3A_76, %dma_start3A_77] : memref<32x128xi32, #tpu.memory_space<vmem>> -> memref<1x128xi32, #tpu.memory_space<vmem>>
          %dma_start3A_79 = tpu.memref_squeeze %dma_start3A_78 : memref<1x128xi32, #tpu.memory_space<vmem>> -> memref<128xi32, #tpu.memory_space<vmem>>
          %dma_start3A_80 = arith.constant 0 : i32
          %dma_start3A_81 = arith.constant 0 : i32
          %dma_start3A_82 = tpu.memref_slice %arg2[%dma_start3A_80, %dma_start3A_81] : memref<10000x128xf32, #tpu.memory_space<hbm>> -> memref<10000x128xf32, #tpu.memory_space<hbm>>
          tpu.enqueue_indirect_dma source(%dma_start3A_82 : memref<10000x128xf32, #tpu.memory_space<hbm>>) target(%arg10 : memref<128x128xf32, #tpu.memory_space<vmem>>) offsets(%dma_start3A_79 : memref<128xi32, #tpu.memory_space<vmem>>) semaphore(%arg13 : memref<!tpu.dma_semaphore, #tpu.memory_space<semaphore_mem>>)
        } else {
        }
      }
      %scan3A_41 = arith.constant 16 : i32
    }
    %scan3A_11 = arith.constant 5 : i32
    %barrier3A_12 = arith.constant 0 : index
    tpu.barrier barrier_id(%barrier3A_12)
    %mul3A_13 = arith.constant 632 : i32
    %mul3A_14 = arith.muli %arg1, %mul3A_13 : i32
    %mul3A_15 = arith.constant 632 : i32
    %mul3A_16 = arith.muli %arg1, %mul3A_15 : i32
    "tpu.region"() ({
      %run_scoped3A = tpu.sem_alloc : memref<!tpu.dma_semaphore, #tpu.memory_space<semaphore_mem>>
      %dma_start3A = arith.constant 0 : i32
      %dma_start3A_17 = tpu.memref_slice %arg6[%arg0, %mul3A_16, %dma_start3A] : memref<2x10112x128xf32, #tpu.memory_space<hbm>> -> memref<1x632x128xf32, #tpu.memory_space<hbm>>
      %dma_start3A_18 = tpu.memref_squeeze %dma_start3A_17 : memref<1x632x128xf32, #tpu.memory_space<hbm>> -> memref<632x128xf32, #tpu.memory_space<hbm>>
      %dma_start3A_19 = arith.constant 0 : i32
      %dma_start3A_20 = tpu.memref_slice %arg11[%mul3A_14, %dma_start3A_19] : memref<10112x128xf32, #tpu.memory_space<vmem_shared>> -> memref<632x128xf32, #tpu.memory_space<vmem_shared>>
      tpu.enqueue_dma source(%dma_start3A_20 : memref<632x128xf32, #tpu.memory_space<vmem_shared>>) target(%dma_start3A_18 : memref<632x128xf32, #tpu.memory_space<hbm>>) target_semaphore(%run_scoped3A : memref<!tpu.dma_semaphore, #tpu.memory_space<semaphore_mem>>)
      %dma_wait3A = arith.constant 0 : i32
      %dma_wait3A_21 = tpu.memref_slice %arg6[%arg0, %mul3A_16, %dma_wait3A] : memref<2x10112x128xf32, #tpu.memory_space<hbm>> -> memref<1x632x128xf32, #tpu.memory_space<hbm>>
      %dma_wait3A_22 = tpu.memref_squeeze %dma_wait3A_21 : memref<1x632x128xf32, #tpu.memory_space<hbm>> -> memref<632x128xf32, #tpu.memory_space<hbm>>
      %dma_wait3A_23 = arith.constant 0 : i32
      %dma_wait3A_24 = tpu.memref_slice %arg11[%mul3A_14, %dma_wait3A_23] : memref<10112x128xf32, #tpu.memory_space<vmem_shared>> -> memref<632x128xf32, #tpu.memory_space<vmem_shared>>
      tpu.wait_dma2 semaphore(%run_scoped3A : memref<!tpu.dma_semaphore, #tpu.memory_space<semaphore_mem>>) src(%dma_wait3A_24 : memref<632x128xf32, #tpu.memory_space<vmem_shared>>) dst(%dma_wait3A_22 : memref<632x128xf32, #tpu.memory_space<hbm>>)
      tpu.yield
    }) : () -> ()
    return
  }
}

#map = affine_map<(d0, d1) -> (0, 0)>
#map1 = affine_map<(d0, d1) -> (0, 0, 0)>
module attributes {stable_mosaic.version = 14 : i64} {
  func.func @_edge_scatter(%arg0: i32, %arg1: i32, %arg2: memref<10000x128xf32, #tpu.memory_space<hbm>>, %arg3: memref<5120x128xi32, #tpu.memory_space<hbm>>, %arg4: memref<5120x128xi32, #tpu.memory_space<hbm>>, %arg5: memref<10112x128xf32, #tpu.memory_space<hbm>>, %arg6: memref<2x10112x128xf32, #tpu.memory_space<hbm>>, %arg7: memref<32x128xi32, #tpu.memory_space<vmem>>, %arg8: memref<32x128xi32, #tpu.memory_space<vmem>>, %arg9: memref<128x128xf32, #tpu.memory_space<vmem>>, %arg10: memref<128x128xf32, #tpu.memory_space<vmem>>, %arg11: memref<10112x128xf32, #tpu.memory_space<vmem_shared>>, %arg12: memref<!tpu.dma_semaphore, #tpu.memory_space<semaphore_mem>>, %arg13: memref<!tpu.dma_semaphore, #tpu.memory_space<semaphore_mem>>) attributes {dimension_semantics = [#tpu.dimension_semantics<core_parallel>, #tpu.dimension_semantics<subcore_parallel>], iteration_bounds = array<i64: 2, 16>, scalar_prefetch = 0 : i64, scratch_operands = 7 : i64, tpu.core_type = #tpu.core_type<sc_vector_subcore>, window_params = [{transform_indices = #map}, {transform_indices = #map}, {transform_indices = #map}, {transform_indices = #map}, {transform_indices = #map1}]} {
    %mul3A = arith.constant 2 : i32
    %mul3A_0 = arith.muli %arg1, %mul3A : i32
    %add3A = arith.addi %mul3A_0, %arg0 : i32
    %mul3A_1 = arith.constant 632 : i32
    %mul3A_2 = arith.muli %arg1, %mul3A_1 : i32
    %mul3A_3 = arith.constant 632 : i32
    %mul3A_4 = arith.muli %arg1, %mul3A_3 : i32
    "tpu.region"() ({
      %run_scoped3A = tpu.sem_alloc : memref<!tpu.dma_semaphore, #tpu.memory_space<semaphore_mem>>
      %dma_start3A = arith.constant 0 : i32
      %dma_start3A_17 = tpu.memref_slice %arg11[%mul3A_4, %dma_start3A] : memref<10112x128xf32, #tpu.memory_space<vmem_shared>> -> memref<632x128xf32, #tpu.memory_space<vmem_shared>>
      %dma_start3A_18 = arith.constant 0 : i32
      %dma_start3A_19 = tpu.memref_slice %arg5[%mul3A_2, %dma_start3A_18] : memref<10112x128xf32, #tpu.memory_space<hbm>> -> memref<632x128xf32, #tpu.memory_space<hbm>>
      tpu.enqueue_dma source(%dma_start3A_19 : memref<632x128xf32, #tpu.memory_space<hbm>>) target(%dma_start3A_17 : memref<632x128xf32, #tpu.memory_space<vmem_shared>>) target_semaphore(%run_scoped3A : memref<!tpu.dma_semaphore, #tpu.memory_space<semaphore_mem>>)
      %dma_wait3A = arith.constant 0 : i32
      %dma_wait3A_20 = tpu.memref_slice %arg11[%mul3A_4, %dma_wait3A] : memref<10112x128xf32, #tpu.memory_space<vmem_shared>> -> memref<632x128xf32, #tpu.memory_space<vmem_shared>>
      %dma_wait3A_21 = arith.constant 0 : i32
      %dma_wait3A_22 = tpu.memref_slice %arg5[%mul3A_2, %dma_wait3A_21] : memref<10112x128xf32, #tpu.memory_space<hbm>> -> memref<632x128xf32, #tpu.memory_space<hbm>>
      tpu.wait_dma2 semaphore(%run_scoped3A : memref<!tpu.dma_semaphore, #tpu.memory_space<semaphore_mem>>) src(%dma_wait3A_22 : memref<632x128xf32, #tpu.memory_space<hbm>>) dst(%dma_wait3A_20 : memref<632x128xf32, #tpu.memory_space<vmem_shared>>)
      tpu.yield
    }) : () -> ()
    %barrier3A = arith.constant 0 : index
    tpu.barrier barrier_id(%barrier3A)
    %mul3A_5 = arith.constant 160 : i32
    %mul3A_6 = arith.muli %add3A, %mul3A_5 : i32
    %scan3A = arith.constant 0 : i32
    %scan3A_7 = arith.constant 0 : i32
    %scan3A_8 = arith.constant 5 : i32
    %scan3A_9 = arith.addi %scan3A_7, %scan3A_8 : i32
    %scan3A_10 = arith.constant 1 : i32
    scf.for %scan3A_17 = %scan3A_7 to %scan3A_9 step %scan3A_10  : i32 {
      %mul3A_18 = arith.constant 32 : i32
      %mul3A_19 = arith.muli %scan3A_17, %mul3A_18 : i32
      %add3A_20 = arith.addi %mul3A_6, %mul3A_19 : i32
      "tpu.region"() ({
        %run_scoped3A = tpu.sem_alloc : memref<!tpu.dma_semaphore, #tpu.memory_space<semaphore_mem>>
        %dma_start3A_42 = arith.constant 0 : i32
        %dma_start3A_43 = tpu.memref_slice %arg3[%add3A_20, %dma_start3A_42] : memref<5120x128xi32, #tpu.memory_space<hbm>> -> memref<32x128xi32, #tpu.memory_space<hbm>>
        %dma_start3A_44 = arith.constant 0 : i32
        %dma_start3A_45 = tpu.memref_slice %arg3[%add3A_20, %dma_start3A_44] : memref<5120x128xi32, #tpu.memory_space<hbm>> -> memref<32x128xi32, #tpu.memory_space<hbm>>
        tpu.enqueue_dma source(%dma_start3A_45 : memref<32x128xi32, #tpu.memory_space<hbm>>) target(%arg7 : memref<32x128xi32, #tpu.memory_space<vmem>>) target_semaphore(%run_scoped3A : memref<!tpu.dma_semaphore, #tpu.memory_space<semaphore_mem>>)
        %dma_wait3A = arith.constant 0 : i32
        %dma_wait3A_46 = tpu.memref_slice %arg3[%add3A_20, %dma_wait3A] : memref<5120x128xi32, #tpu.memory_space<hbm>> -> memref<32x128xi32, #tpu.memory_space<hbm>>
        %dma_wait3A_47 = arith.constant 0 : i32
        %dma_wait3A_48 = tpu.memref_slice %arg3[%add3A_20, %dma_wait3A_47] : memref<5120x128xi32, #tpu.memory_space<hbm>> -> memref<32x128xi32, #tpu.memory_space<hbm>>
        tpu.wait_dma2 semaphore(%run_scoped3A : memref<!tpu.dma_semaphore, #tpu.memory_space<semaphore_mem>>) src(%dma_wait3A_48 : memref<32x128xi32, #tpu.memory_space<hbm>>) dst(%arg7 : memref<32x128xi32, #tpu.memory_space<vmem>>)
        tpu.yield
      }) : () -> ()
      %mul3A_21 = arith.constant 32 : i32
      %mul3A_22 = arith.muli %scan3A_17, %mul3A_21 : i32
      %add3A_23 = arith.addi %mul3A_6, %mul3A_22 : i32
      "tpu.region"() ({
        %run_scoped3A = tpu.sem_alloc : memref<!tpu.dma_semaphore, #tpu.memory_space<semaphore_mem>>
        %dma_start3A_42 = arith.constant 0 : i32
        %dma_start3A_43 = tpu.memref_slice %arg4[%add3A_23, %dma_start3A_42] : memref<5120x128xi32, #tpu.memory_space<hbm>> -> memref<32x128xi32, #tpu.memory_space<hbm>>
        %dma_start3A_44 = arith.constant 0 : i32
        %dma_start3A_45 = tpu.memref_slice %arg4[%add3A_23, %dma_start3A_44] : memref<5120x128xi32, #tpu.memory_space<hbm>> -> memref<32x128xi32, #tpu.memory_space<hbm>>
        tpu.enqueue_dma source(%dma_start3A_45 : memref<32x128xi32, #tpu.memory_space<hbm>>) target(%arg8 : memref<32x128xi32, #tpu.memory_space<vmem>>) target_semaphore(%run_scoped3A : memref<!tpu.dma_semaphore, #tpu.memory_space<semaphore_mem>>)
        %dma_wait3A = arith.constant 0 : i32
        %dma_wait3A_46 = tpu.memref_slice %arg4[%add3A_23, %dma_wait3A] : memref<5120x128xi32, #tpu.memory_space<hbm>> -> memref<32x128xi32, #tpu.memory_space<hbm>>
        %dma_wait3A_47 = arith.constant 0 : i32
        %dma_wait3A_48 = tpu.memref_slice %arg4[%add3A_23, %dma_wait3A_47] : memref<5120x128xi32, #tpu.memory_space<hbm>> -> memref<32x128xi32, #tpu.memory_space<hbm>>
        tpu.wait_dma2 semaphore(%run_scoped3A : memref<!tpu.dma_semaphore, #tpu.memory_space<semaphore_mem>>) src(%dma_wait3A_48 : memref<32x128xi32, #tpu.memory_space<hbm>>) dst(%arg8 : memref<32x128xi32, #tpu.memory_space<vmem>>)
        tpu.yield
      }) : () -> ()
      %dma_start3A = arith.constant 0 : i32
      %dma_start3A_24 = arith.constant 0 : i32
      %dma_start3A_25 = tpu.memref_slice %arg7[%dma_start3A, %dma_start3A_24] : memref<32x128xi32, #tpu.memory_space<vmem>> -> memref<1x128xi32, #tpu.memory_space<vmem>>
      %dma_start3A_26 = tpu.memref_squeeze %dma_start3A_25 : memref<1x128xi32, #tpu.memory_space<vmem>> -> memref<128xi32, #tpu.memory_space<vmem>>
      %dma_start3A_27 = arith.constant 0 : i32
      %dma_start3A_28 = arith.constant 0 : i32
      %dma_start3A_29 = tpu.memref_slice %arg2[%dma_start3A_27, %dma_start3A_28] : memref<10000x128xf32, #tpu.memory_space<hbm>> -> memref<10000x128xf32, #tpu.memory_space<hbm>>
      tpu.enqueue_indirect_dma source(%dma_start3A_29 : memref<10000x128xf32, #tpu.memory_space<hbm>>) target(%arg9 : memref<128x128xf32, #tpu.memory_space<vmem>>) offsets(%dma_start3A_26 : memref<128xi32, #tpu.memory_space<vmem>>) semaphore(%arg12 : memref<!tpu.dma_semaphore, #tpu.memory_space<semaphore_mem>>)
      %dma_start3A_30 = arith.constant 1 : i32
      %dma_start3A_31 = arith.constant 0 : i32
      %dma_start3A_32 = tpu.memref_slice %arg7[%dma_start3A_30, %dma_start3A_31] : memref<32x128xi32, #tpu.memory_space<vmem>> -> memref<1x128xi32, #tpu.memory_space<vmem>>
      %dma_start3A_33 = tpu.memref_squeeze %dma_start3A_32 : memref<1x128xi32, #tpu.memory_space<vmem>> -> memref<128xi32, #tpu.memory_space<vmem>>
      %dma_start3A_34 = arith.constant 0 : i32
      %dma_start3A_35 = arith.constant 0 : i32
      %dma_start3A_36 = tpu.memref_slice %arg2[%dma_start3A_34, %dma_start3A_35] : memref<10000x128xf32, #tpu.memory_space<hbm>> -> memref<10000x128xf32, #tpu.memory_space<hbm>>
      tpu.enqueue_indirect_dma source(%dma_start3A_36 : memref<10000x128xf32, #tpu.memory_space<hbm>>) target(%arg10 : memref<128x128xf32, #tpu.memory_space<vmem>>) offsets(%dma_start3A_33 : memref<128xi32, #tpu.memory_space<vmem>>) semaphore(%arg13 : memref<!tpu.dma_semaphore, #tpu.memory_space<semaphore_mem>>)
      %scan3A_37 = arith.constant 0 : i32
      %scan3A_38 = arith.constant 16 : i32
      %scan3A_39 = arith.addi %scan3A_37, %scan3A_38 : i32
      %scan3A_40 = arith.constant 1 : i32
      scf.for %scan3A_42 = %scan3A_37 to %scan3A_39 step %scan3A_40  : i32 {
        %mul3A_43 = arith.constant 2 : i32
        %mul3A_44 = arith.muli %mul3A_43, %scan3A_42 : i32
        %dma_wait3A = arith.constant 0 : i32
        %dma_wait3A_45 = tpu.memref_slice %arg7[%mul3A_44, %dma_wait3A] : memref<32x128xi32, #tpu.memory_space<vmem>> -> memref<1x128xi32, #tpu.memory_space<vmem>>
        %dma_wait3A_46 = tpu.memref_squeeze %dma_wait3A_45 : memref<1x128xi32, #tpu.memory_space<vmem>> -> memref<128xi32, #tpu.memory_space<vmem>>
        %dma_wait3A_47 = arith.constant 0 : i32
        %dma_wait3A_48 = arith.constant 0 : i32
        %dma_wait3A_49 = tpu.memref_slice %arg2[%dma_wait3A_47, %dma_wait3A_48] : memref<10000x128xf32, #tpu.memory_space<hbm>> -> memref<10000x128xf32, #tpu.memory_space<hbm>>
        tpu.wait_indirect_dma semaphore(%arg12 : memref<!tpu.dma_semaphore, #tpu.memory_space<semaphore_mem>>) src(%dma_wait3A_49 : memref<10000x128xf32, #tpu.memory_space<hbm>>) dst(%arg9 : memref<128x128xf32, #tpu.memory_space<vmem>>)
        %mul3A_50 = arith.constant 2 : i32
        %mul3A_51 = arith.muli %mul3A_50, %scan3A_42 : i32
        "tpu.region"() ({
          %run_scoped3A = tpu.sem_alloc : memref<!tpu.dma_semaphore, #tpu.memory_space<semaphore_mem>>
          %dma_start3A_73 = arith.constant 0 : i32
          %dma_start3A_74 = tpu.memref_slice %arg8[%mul3A_51, %dma_start3A_73] : memref<32x128xi32, #tpu.memory_space<vmem>> -> memref<1x128xi32, #tpu.memory_space<vmem>>
          %dma_start3A_75 = tpu.memref_squeeze %dma_start3A_74 : memref<1x128xi32, #tpu.memory_space<vmem>> -> memref<128xi32, #tpu.memory_space<vmem>>
          %dma_start3A_76 = arith.constant 0 : i32
          %dma_start3A_77 = arith.constant 0 : i32
          %dma_start3A_78 = tpu.memref_slice %arg11[%dma_start3A_76, %dma_start3A_77] : memref<10112x128xf32, #tpu.memory_space<vmem_shared>> -> memref<10112x128xf32, #tpu.memory_space<vmem_shared>>
          tpu.enqueue_indirect_dma source(%arg9 : memref<128x128xf32, #tpu.memory_space<vmem>>) target(%dma_start3A_78 : memref<10112x128xf32, #tpu.memory_space<vmem_shared>>) offsets(%dma_start3A_75 : memref<128xi32, #tpu.memory_space<vmem>>) semaphore(%run_scoped3A : memref<!tpu.dma_semaphore, #tpu.memory_space<semaphore_mem>>) {add = true}
          %dma_wait3A_79 = arith.constant 0 : i32
          %dma_wait3A_80 = tpu.memref_slice %arg8[%mul3A_51, %dma_wait3A_79] : memref<32x128xi32, #tpu.memory_space<vmem>> -> memref<1x128xi32, #tpu.memory_space<vmem>>
          %dma_wait3A_81 = tpu.memref_squeeze %dma_wait3A_80 : memref<1x128xi32, #tpu.memory_space<vmem>> -> memref<128xi32, #tpu.memory_space<vmem>>
          %dma_wait3A_82 = arith.constant 0 : i32
          %dma_wait3A_83 = arith.constant 0 : i32
          %dma_wait3A_84 = tpu.memref_slice %arg11[%dma_wait3A_82, %dma_wait3A_83] : memref<10112x128xf32, #tpu.memory_space<vmem_shared>> -> memref<10112x128xf32, #tpu.memory_space<vmem_shared>>
          tpu.wait_indirect_dma semaphore(%run_scoped3A : memref<!tpu.dma_semaphore, #tpu.memory_space<semaphore_mem>>) src(%arg9 : memref<128x128xf32, #tpu.memory_space<vmem>>) dst(%dma_wait3A_84 : memref<10112x128xf32, #tpu.memory_space<vmem_shared>>)
          tpu.yield
        }) : () -> ()
        %lt3A = arith.constant 15 : i32
        %lt3A_52 = arith.cmpi slt, %scan3A_42, %lt3A : i32
        %convert_element_type3A = arith.extui %lt3A_52 : i1 to i32
        %cond3A = arith.constant 0 : i32
        %cond3A_53 = arith.cmpi ne, %convert_element_type3A, %cond3A : i32
        scf.if %cond3A_53 {
          %mul3A_73 = arith.constant 2 : i32
          %mul3A_74 = arith.muli %mul3A_73, %scan3A_42 : i32
          %add3A_75 = arith.constant 2 : i32
          %add3A_76 = arith.addi %mul3A_74, %add3A_75 : i32
          %dma_start3A_77 = arith.constant 0 : i32
          %dma_start3A_78 = tpu.memref_slice %arg7[%add3A_76, %dma_start3A_77] : memref<32x128xi32, #tpu.memory_space<vmem>> -> memref<1x128xi32, #tpu.memory_space<vmem>>
          %dma_start3A_79 = tpu.memref_squeeze %dma_start3A_78 : memref<1x128xi32, #tpu.memory_space<vmem>> -> memref<128xi32, #tpu.memory_space<vmem>>
          %dma_start3A_80 = arith.constant 0 : i32
          %dma_start3A_81 = arith.constant 0 : i32
          %dma_start3A_82 = tpu.memref_slice %arg2[%dma_start3A_80, %dma_start3A_81] : memref<10000x128xf32, #tpu.memory_space<hbm>> -> memref<10000x128xf32, #tpu.memory_space<hbm>>
          tpu.enqueue_indirect_dma source(%dma_start3A_82 : memref<10000x128xf32, #tpu.memory_space<hbm>>) target(%arg9 : memref<128x128xf32, #tpu.memory_space<vmem>>) offsets(%dma_start3A_79 : memref<128xi32, #tpu.memory_space<vmem>>) semaphore(%arg12 : memref<!tpu.dma_semaphore, #tpu.memory_space<semaphore_mem>>)
        } else {
        }
        %mul3A_54 = arith.constant 2 : i32
        %mul3A_55 = arith.muli %mul3A_54, %scan3A_42 : i32
        %add3A_56 = arith.constant 1 : i32
        %add3A_57 = arith.addi %mul3A_55, %add3A_56 : i32
        %dma_wait3A_58 = arith.constant 0 : i32
        %dma_wait3A_59 = tpu.memref_slice %arg7[%add3A_57, %dma_wait3A_58] : memref<32x128xi32, #tpu.memory_space<vmem>> -> memref<1x128xi32, #tpu.memory_space<vmem>>
        %dma_wait3A_60 = tpu.memref_squeeze %dma_wait3A_59 : memref<1x128xi32, #tpu.memory_space<vmem>> -> memref<128xi32, #tpu.memory_space<vmem>>
        %dma_wait3A_61 = arith.constant 0 : i32
        %dma_wait3A_62 = arith.constant 0 : i32
        %dma_wait3A_63 = tpu.memref_slice %arg2[%dma_wait3A_61, %dma_wait3A_62] : memref<10000x128xf32, #tpu.memory_space<hbm>> -> memref<10000x128xf32, #tpu.memory_space<hbm>>
        tpu.wait_indirect_dma semaphore(%arg13 : memref<!tpu.dma_semaphore, #tpu.memory_space<semaphore_mem>>) src(%dma_wait3A_63 : memref<10000x128xf32, #tpu.memory_space<hbm>>) dst(%arg10 : memref<128x128xf32, #tpu.memory_space<vmem>>)
        %mul3A_64 = arith.constant 2 : i32
        %mul3A_65 = arith.muli %mul3A_64, %scan3A_42 : i32
        %add3A_66 = arith.constant 1 : i32
        %add3A_67 = arith.addi %mul3A_65, %add3A_66 : i32
        "tpu.region"() ({
          %run_scoped3A = tpu.sem_alloc : memref<!tpu.dma_semaphore, #tpu.memory_space<semaphore_mem>>
          %dma_start3A_73 = arith.constant 0 : i32
          %dma_start3A_74 = tpu.memref_slice %arg8[%add3A_67, %dma_start3A_73] : memref<32x128xi32, #tpu.memory_space<vmem>> -> memref<1x128xi32, #tpu.memory_space<vmem>>
          %dma_start3A_75 = tpu.memref_squeeze %dma_start3A_74 : memref<1x128xi32, #tpu.memory_space<vmem>> -> memref<128xi32, #tpu.memory_space<vmem>>
          %dma_start3A_76 = arith.constant 0 : i32
          %dma_start3A_77 = arith.constant 0 : i32
          %dma_start3A_78 = tpu.memref_slice %arg11[%dma_start3A_76, %dma_start3A_77] : memref<10112x128xf32, #tpu.memory_space<vmem_shared>> -> memref<10112x128xf32, #tpu.memory_space<vmem_shared>>
          tpu.enqueue_indirect_dma source(%arg10 : memref<128x128xf32, #tpu.memory_space<vmem>>) target(%dma_start3A_78 : memref<10112x128xf32, #tpu.memory_space<vmem_shared>>) offsets(%dma_start3A_75 : memref<128xi32, #tpu.memory_space<vmem>>) semaphore(%run_scoped3A : memref<!tpu.dma_semaphore, #tpu.memory_space<semaphore_mem>>) {add = true}
          %dma_wait3A_79 = arith.constant 0 : i32
          %dma_wait3A_80 = tpu.memref_slice %arg8[%add3A_67, %dma_wait3A_79] : memref<32x128xi32, #tpu.memory_space<vmem>> -> memref<1x128xi32, #tpu.memory_space<vmem>>
          %dma_wait3A_81 = tpu.memref_squeeze %dma_wait3A_80 : memref<1x128xi32, #tpu.memory_space<vmem>> -> memref<128xi32, #tpu.memory_space<vmem>>
          %dma_wait3A_82 = arith.constant 0 : i32
          %dma_wait3A_83 = arith.constant 0 : i32
          %dma_wait3A_84 = tpu.memref_slice %arg11[%dma_wait3A_82, %dma_wait3A_83] : memref<10112x128xf32, #tpu.memory_space<vmem_shared>> -> memref<10112x128xf32, #tpu.memory_space<vmem_shared>>
          tpu.wait_indirect_dma semaphore(%run_scoped3A : memref<!tpu.dma_semaphore, #tpu.memory_space<semaphore_mem>>) src(%arg10 : memref<128x128xf32, #tpu.memory_space<vmem>>) dst(%dma_wait3A_84 : memref<10112x128xf32, #tpu.memory_space<vmem_shared>>)
          tpu.yield
        }) : () -> ()
        %lt3A_68 = arith.constant 15 : i32
        %lt3A_69 = arith.cmpi slt, %scan3A_42, %lt3A_68 : i32
        %convert_element_type3A_70 = arith.extui %lt3A_69 : i1 to i32
        %cond3A_71 = arith.constant 0 : i32
        %cond3A_72 = arith.cmpi ne, %convert_element_type3A_70, %cond3A_71 : i32
        scf.if %cond3A_72 {
          %mul3A_73 = arith.constant 2 : i32
          %mul3A_74 = arith.muli %mul3A_73, %scan3A_42 : i32
          %add3A_75 = arith.constant 3 : i32
          %add3A_76 = arith.addi %mul3A_74, %add3A_75 : i32
          %dma_start3A_77 = arith.constant 0 : i32
          %dma_start3A_78 = tpu.memref_slice %arg7[%add3A_76, %dma_start3A_77] : memref<32x128xi32, #tpu.memory_space<vmem>> -> memref<1x128xi32, #tpu.memory_space<vmem>>
          %dma_start3A_79 = tpu.memref_squeeze %dma_start3A_78 : memref<1x128xi32, #tpu.memory_space<vmem>> -> memref<128xi32, #tpu.memory_space<vmem>>
          %dma_start3A_80 = arith.constant 0 : i32
          %dma_start3A_81 = arith.constant 0 : i32
          %dma_start3A_82 = tpu.memref_slice %arg2[%dma_start3A_80, %dma_start3A_81] : memref<10000x128xf32, #tpu.memory_space<hbm>> -> memref<10000x128xf32, #tpu.memory_space<hbm>>
          tpu.enqueue_indirect_dma source(%dma_start3A_82 : memref<10000x128xf32, #tpu.memory_space<hbm>>) target(%arg10 : memref<128x128xf32, #tpu.memory_space<vmem>>) offsets(%dma_start3A_79 : memref<128xi32, #tpu.memory_space<vmem>>) semaphore(%arg13 : memref<!tpu.dma_semaphore, #tpu.memory_space<semaphore_mem>>)
        } else {
        }
      }
      %scan3A_41 = arith.constant 16 : i32
    }
    %scan3A_11 = arith.constant 5 : i32
    %barrier3A_12 = arith.constant 0 : index
    tpu.barrier barrier_id(%barrier3A_12)
    %mul3A_13 = arith.constant 632 : i32
    %mul3A_14 = arith.muli %arg1, %mul3A_13 : i32
    %mul3A_15 = arith.constant 632 : i32
    %mul3A_16 = arith.muli %arg1, %mul3A_15 : i32
    "tpu.region"() ({
      %run_scoped3A = tpu.sem_alloc : memref<!tpu.dma_semaphore, #tpu.memory_space<semaphore_mem>>
      %dma_start3A = arith.constant 0 : i32
      %dma_start3A_17 = tpu.memref_slice %arg6[%arg0, %mul3A_16, %dma_start3A] : memref<2x10112x128xf32, #tpu.memory_space<hbm>> -> memref<1x632x128xf32, #tpu.memory_space<hbm>>
      %dma_start3A_18 = tpu.memref_squeeze %dma_start3A_17 : memref<1x632x128xf32, #tpu.memory_space<hbm>> -> memref<632x128xf32, #tpu.memory_space<hbm>>
      %dma_start3A_19 = arith.constant 0 : i32
      %dma_start3A_20 = tpu.memref_slice %arg11[%mul3A_14, %dma_start3A_19] : memref<10112x128xf32, #tpu.memory_space<vmem_shared>> -> memref<632x128xf32, #tpu.memory_space<vmem_shared>>
      tpu.enqueue_dma source(%dma_start3A_20 : memref<632x128xf32, #tpu.memory_space<vmem_shared>>) target(%dma_start3A_18 : memref<632x128xf32, #tpu.memory_space<hbm>>) target_semaphore(%run_scoped3A : memref<!tpu.dma_semaphore, #tpu.memory_space<semaphore_mem>>)
      %dma_wait3A = arith.constant 0 : i32
      %dma_wait3A_21 = tpu.memref_slice %arg6[%arg0, %mul3A_16, %dma_wait3A] : memref<2x10112x128xf32, #tpu.memory_space<hbm>> -> memref<1x632x128xf32, #tpu.memory_space<hbm>>
      %dma_wait3A_22 = tpu.memref_squeeze %dma_wait3A_21 : memref<1x632x128xf32, #tpu.memory_space<hbm>> -> memref<632x128xf32, #tpu.memory_space<hbm>>
      %dma_wait3A_23 = arith.constant 0 : i32
      %dma_wait3A_24 = tpu.memref_slice %arg11[%mul3A_14, %dma_wait3A_23] : memref<10112x128xf32, #tpu.memory_space<vmem_shared>> -> memref<632x128xf32, #tpu.memory_space<vmem_shared>>
      tpu.wait_dma2 semaphore(%run_scoped3A : memref<!tpu.dma_semaphore, #tpu.memory_space<semaphore_mem>>) src(%dma_wait3A_24 : memref<632x128xf32, #tpu.memory_space<vmem_shared>>) dst(%dma_wait3A_22 : memref<632x128xf32, #tpu.memory_space<hbm>>)
      tpu.yield
    }) : () -> ()
    return
  }
}

module attributes {stable_mosaic.version = 14 : i64} {
  func.func @_preprep_body(%arg0: i32, %arg1: memref<2000x128xf32, #tpu.memory_space<vmem>>, %arg2: memref<128x128xf32, #tpu.memory_space<vmem>>, %arg3: memref<1x128xf32, #tpu.memory_space<vmem>>, %arg4: memref<128x128xf32, #tpu.memory_space<vmem>>, %arg5: memref<2000x1xf32, #tpu.memory_space<vmem>>, %arg6: memref<2000x1xf32, #tpu.memory_space<vmem>>, %arg7: memref<2000x128xf32, #tpu.memory_space<vmem>>, %arg8: memref<2000x128xf32, #tpu.memory_space<vmem>>) attributes {dimension_semantics = [#tpu.dimension_semantics<arbitrary>], iteration_bounds = array<i64: 5>, scalar_prefetch = 0 : i64, scratch_operands = 0 : i64, tpu.core_type = #tpu.core_type<tc>, window_params = [{transform_indices = @transform_0, window_bounds = array<i64: 2000, 128>}, {pipeline_mode = #tpu.pipeline_mode<synchronous>, transform_indices = @transform_1, window_bounds = array<i64: 128, 128>}, {pipeline_mode = #tpu.pipeline_mode<synchronous>, transform_indices = @transform_2, window_bounds = array<i64: 1, 128>}, {pipeline_mode = #tpu.pipeline_mode<synchronous>, transform_indices = @transform_3, window_bounds = array<i64: 128, 128>}, {transform_indices = @transform_4, window_bounds = array<i64: 2000, 1>}, {transform_indices = @transform_5, window_bounds = array<i64: 2000, 1>}, {transform_indices = @transform_6, window_bounds = array<i64: 2000, 128>}, {transform_indices = @transform_7, window_bounds = array<i64: 2000, 128>}]} {
    %get3A = arith.constant 0 : index
    %get3A_0 = arith.constant 0 : index
    %get3A_1 = vector.load %arg5[%get3A, %get3A_0] : memref<2000x1xf32, #tpu.memory_space<vmem>>, vector<2000x1xf32>
    %get3A_2 = arith.constant 0 : index
    %get3A_3 = arith.constant 0 : index
    %get3A_4 = vector.load %arg6[%get3A_2, %get3A_3] : memref<2000x1xf32, #tpu.memory_space<vmem>>, vector<2000x1xf32>
    %add3A = arith.addf %get3A_1, %get3A_4 : vector<2000x1xf32>
    %add3A_5 = arith.constant 1.000000e+00 : f32
    %add3A_6 = vector.broadcast %add3A_5 : f32 to vector<2000x1xf32>
    %add3A_7 = arith.addf %add3A, %add3A_6 : vector<2000x1xf32>
    %rsqrt3A = math.rsqrt %add3A_7 : vector<2000x1xf32>
    %get3A_8 = arith.constant 0 : index
    %get3A_9 = arith.constant 0 : index
    %get3A_10 = vector.load %arg1[%get3A_8, %get3A_9] : memref<2000x128xf32, #tpu.memory_space<vmem>>, vector<2000x128xf32>
    %get3A_11 = arith.constant 0 : index
    %get3A_12 = arith.constant 0 : index
    %get3A_13 = vector.load %arg2[%get3A_11, %get3A_12] : memref<128x128xf32, #tpu.memory_space<vmem>>, vector<128x128xf32>
    %dot_general3A = arith.constant dense<0.000000e+00> : vector<2000x128xf32>
    %dot_general3A_14 = tpu.matmul %get3A_10, %get3A_13, %dot_general3A {dimension_numbers = #tpu.dot_dimension_numbers<[1], [0], [0], [1], [0, 0, 1, 1], [], []>, transpose_lhs_hint = false} : vector<2000x128xf32>, vector<128x128xf32>, vector<2000x128xf32> -> vector<2000x128xf32>
    %get3A_15 = arith.constant 0 : index
    %get3A_16 = arith.constant 0 : index
    %get3A_17 = vector.load %arg3[%get3A_15, %get3A_16] : memref<1x128xf32, #tpu.memory_space<vmem>>, vector<1x128xf32>
    %add3A_18 = vector.broadcast %get3A_17 : vector<1x128xf32> to vector<2000x128xf32>
    %add3A_19 = arith.addf %dot_general3A_14, %add3A_18 : vector<2000x128xf32>
    %swap3A = arith.constant 0 : index
    %swap3A_20 = arith.constant 0 : index
    %swap3A_21 = vector.load %arg7[%swap3A, %swap3A_20] : memref<2000x128xf32, #tpu.memory_space<vmem>>, vector<2000x128xf32>
    tpu.vector_store %arg7[%swap3A, %swap3A_20], %add3A_19 {strides = array<i32>} : memref<2000x128xf32, #tpu.memory_space<vmem>>, vector<2000x128xf32>,
    %get3A_22 = arith.constant 0 : index
    %get3A_23 = arith.constant 0 : index
    %get3A_24 = vector.load %arg4[%get3A_22, %get3A_23] : memref<128x128xf32, #tpu.memory_space<vmem>>, vector<128x128xf32>
    %dot_general3A_25 = arith.constant dense<0.000000e+00> : vector<2000x128xf32>
    %dot_general3A_26 = tpu.matmul %add3A_19, %get3A_24, %dot_general3A_25 {dimension_numbers = #tpu.dot_dimension_numbers<[1], [0], [0], [1], [0, 0, 1, 1], [], []>, transpose_lhs_hint = false} : vector<2000x128xf32>, vector<128x128xf32>, vector<2000x128xf32> -> vector<2000x128xf32>
    %mul3A = vector.broadcast %rsqrt3A : vector<2000x1xf32> to vector<2000x128xf32>
    %mul3A_27 = arith.mulf %dot_general3A_26, %mul3A : vector<2000x128xf32>
    %swap3A_28 = arith.constant 0 : index
    %swap3A_29 = arith.constant 0 : index
    %swap3A_30 = vector.load %arg8[%swap3A_28, %swap3A_29] : memref<2000x128xf32, #tpu.memory_space<vmem>>, vector<2000x128xf32>
    tpu.vector_store %arg8[%swap3A_28, %swap3A_29], %mul3A_27 {strides = array<i32>} : memref<2000x128xf32, #tpu.memory_space<vmem>>, vector<2000x128xf32>,
    return
  }
  func.func @transform_0(%arg0: i32) -> (i32, i32) {
    %c0_i32 = arith.constant 0 : i32
    %c0_i32_0 = arith.constant 0 : i32
    return %arg0, %c0_i32 : i32, i32
  }
  func.func @transform_1(%arg0: i32) -> (i32, i32) {
    %c0_i32 = arith.constant 0 : i32
    %c0_i32_0 = arith.constant 0 : i32
    %c0_i32_1 = arith.constant 0 : i32
    return %c0_i32, %c0_i32_0 : i32, i32
  }
  func.func @transform_2(%arg0: i32) -> (i32, i32) {
    %c0_i32 = arith.constant 0 : i32
    %c0_i32_0 = arith.constant 0 : i32
    %c0_i32_1 = arith.constant 0 : i32
    return %c0_i32, %c0_i32_0 : i32, i32
  }
  func.func @transform_3(%arg0: i32) -> (i32, i32) {
    %c0_i32 = arith.constant 0 : i32
    %c0_i32_0 = arith.constant 0 : i32
    %c0_i32_1 = arith.constant 0 : i32
    return %c0_i32, %c0_i32_0 : i32, i32
  }
  func.func @transform_4(%arg0: i32) -> (i32, i32) {
    %c0_i32 = arith.constant 0 : i32
    %c0_i32_0 = arith.constant 0 : i32
    return %arg0, %c0_i32 : i32, i32
  }
  func.func @transform_5(%arg0: i32) -> (i32, i32) {
    %c0_i32 = arith.constant 0 : i32
    %c0_i32_0 = arith.constant 0 : i32
    return %arg0, %c0_i32 : i32, i32
  }
  func.func @transform_6(%arg0: i32) -> (i32, i32) {
    %c0_i32 = arith.constant 0 : i32
    %c0_i32_0 = arith.constant 0 : i32
    return %arg0, %c0_i32 : i32, i32
  }
  func.func @transform_7(%arg0: i32) -> (i32, i32) {
    %c0_i32 = arith.constant 0 : i32
    %c0_i32_0 = arith.constant 0 : i32
    return %arg0, %c0_i32 : i32, i32
  }
}

module attributes {stable_mosaic.version = 14 : i64} {
  func.func @_postprep_body(%arg0: i32, %arg1: memref<2000x128xf32, #tpu.memory_space<vmem>>, %arg2: memref<2000x128xf32, #tpu.memory_space<vmem>>, %arg3: memref<2000x128xf32, #tpu.memory_space<vmem>>, %arg4: memref<2000x1xf32, #tpu.memory_space<vmem>>, %arg5: memref<2000x1xf32, #tpu.memory_space<vmem>>, %arg6: memref<1x128xf32, #tpu.memory_space<vmem>>, %arg7: memref<1x128xf32, #tpu.memory_space<vmem>>, %arg8: memref<128x128xf32, #tpu.memory_space<vmem>>, %arg9: memref<2000x128xf32, #tpu.memory_space<vmem>>, %arg10: memref<2000x128xf32, #tpu.memory_space<vmem>>) attributes {dimension_semantics = [#tpu.dimension_semantics<arbitrary>], iteration_bounds = array<i64: 5>, scalar_prefetch = 0 : i64, scratch_operands = 0 : i64, tpu.core_type = #tpu.core_type<tc>, window_params = [{transform_indices = @transform_0, window_bounds = array<i64: 2000, 128>}, {transform_indices = @transform_1, window_bounds = array<i64: 2000, 128>}, {transform_indices = @transform_2, window_bounds = array<i64: 2000, 128>}, {transform_indices = @transform_3, window_bounds = array<i64: 2000, 1>}, {transform_indices = @transform_4, window_bounds = array<i64: 2000, 1>}, {pipeline_mode = #tpu.pipeline_mode<synchronous>, transform_indices = @transform_5, window_bounds = array<i64: 1, 128>}, {pipeline_mode = #tpu.pipeline_mode<synchronous>, transform_indices = @transform_6, window_bounds = array<i64: 1, 128>}, {pipeline_mode = #tpu.pipeline_mode<synchronous>, transform_indices = @transform_7, window_bounds = array<i64: 128, 128>}, {transform_indices = @transform_8, window_bounds = array<i64: 2000, 128>}, {transform_indices = @transform_9, window_bounds = array<i64: 2000, 128>}]} {
    %get3A = arith.constant 0 : index
    %get3A_0 = arith.constant 0 : index
    %get3A_1 = vector.load %arg4[%get3A, %get3A_0] : memref<2000x1xf32, #tpu.memory_space<vmem>>, vector<2000x1xf32>
    %get3A_2 = arith.constant 0 : index
    %get3A_3 = arith.constant 0 : index
    %get3A_4 = vector.load %arg5[%get3A_2, %get3A_3] : memref<2000x1xf32, #tpu.memory_space<vmem>>, vector<2000x1xf32>
    %add3A = arith.addf %get3A_1, %get3A_4 : vector<2000x1xf32>
    %add3A_5 = arith.constant 1.000000e+00 : f32
    %add3A_6 = vector.broadcast %add3A_5 : f32 to vector<2000x1xf32>
    %add3A_7 = arith.addf %add3A, %add3A_6 : vector<2000x1xf32>
    %rsqrt3A = math.rsqrt %add3A_7 : vector<2000x1xf32>
    %get3A_8 = arith.constant 0 : index
    %get3A_9 = arith.constant 0 : index
    %get3A_10 = vector.load %arg1[%get3A_8, %get3A_9] : memref<2000x128xf32, #tpu.memory_space<vmem>>, vector<2000x128xf32>
    %get3A_11 = arith.constant 0 : index
    %get3A_12 = arith.constant 0 : index
    %get3A_13 = vector.load %arg2[%get3A_11, %get3A_12] : memref<2000x128xf32, #tpu.memory_space<vmem>>, vector<2000x128xf32>
    %add3A_14 = arith.addf %get3A_10, %get3A_13 : vector<2000x128xf32>
    %get3A_15 = arith.constant 0 : index
    %get3A_16 = arith.constant 0 : index
    %get3A_17 = vector.load %arg3[%get3A_15, %get3A_16] : memref<2000x128xf32, #tpu.memory_space<vmem>>, vector<2000x128xf32>
    %add3A_18 = arith.addf %add3A_14, %get3A_17 : vector<2000x128xf32>
    %mul3A = vector.broadcast %rsqrt3A : vector<2000x1xf32> to vector<2000x128xf32>
    %mul3A_19 = arith.mulf %add3A_18, %mul3A : vector<2000x128xf32>
    %get3A_20 = arith.constant 0 : index
    %get3A_21 = arith.constant 0 : index
    %get3A_22 = vector.load %arg6[%get3A_20, %get3A_21] : memref<1x128xf32, #tpu.memory_space<vmem>>, vector<1x128xf32>
    %mul3A_23 = vector.broadcast %get3A_22 : vector<1x128xf32> to vector<2000x128xf32>
    %mul3A_24 = arith.mulf %mul3A_19, %mul3A_23 : vector<2000x128xf32>
    %get3A_25 = arith.constant 0 : index
    %get3A_26 = arith.constant 0 : index
    %get3A_27 = vector.load %arg7[%get3A_25, %get3A_26] : memref<1x128xf32, #tpu.memory_space<vmem>>, vector<1x128xf32>
    %add3A_28 = vector.broadcast %get3A_27 : vector<1x128xf32> to vector<2000x128xf32>
    %add3A_29 = arith.addf %mul3A_24, %add3A_28 : vector<2000x128xf32>
    %max3A = arith.constant 0.000000e+00 : f32
    %max3A_30 = vector.broadcast %max3A : f32 to vector<2000x128xf32>
    %max3A_31 = arith.maximumf %add3A_29, %max3A_30 : vector<2000x128xf32>
    %swap3A = arith.constant 0 : index
    %swap3A_32 = arith.constant 0 : index
    %swap3A_33 = vector.load %arg9[%swap3A, %swap3A_32] : memref<2000x128xf32, #tpu.memory_space<vmem>>, vector<2000x128xf32>
    tpu.vector_store %arg9[%swap3A, %swap3A_32], %max3A_31 {strides = array<i32>} : memref<2000x128xf32, #tpu.memory_space<vmem>>, vector<2000x128xf32>,
    %get3A_34 = arith.constant 0 : index
    %get3A_35 = arith.constant 0 : index
    %get3A_36 = vector.load %arg8[%get3A_34, %get3A_35] : memref<128x128xf32, #tpu.memory_space<vmem>>, vector<128x128xf32>
    %dot_general3A = arith.constant dense<0.000000e+00> : vector<2000x128xf32>
    %dot_general3A_37 = tpu.matmul %max3A_31, %get3A_36, %dot_general3A {dimension_numbers = #tpu.dot_dimension_numbers<[1], [0], [0], [1], [0, 0, 1, 1], [], []>, transpose_lhs_hint = false} : vector<2000x128xf32>, vector<128x128xf32>, vector<2000x128xf32> -> vector<2000x128xf32>
    %mul3A_38 = vector.broadcast %rsqrt3A : vector<2000x1xf32> to vector<2000x128xf32>
    %mul3A_39 = arith.mulf %dot_general3A_37, %mul3A_38 : vector<2000x128xf32>
    %swap3A_40 = arith.constant 0 : index
    %swap3A_41 = arith.constant 0 : index
    %swap3A_42 = vector.load %arg10[%swap3A_40, %swap3A_41] : memref<2000x128xf32, #tpu.memory_space<vmem>>, vector<2000x128xf32>
    tpu.vector_store %arg10[%swap3A_40, %swap3A_41], %mul3A_39 {strides = array<i32>} : memref<2000x128xf32, #tpu.memory_space<vmem>>, vector<2000x128xf32>,
    return
  }
  func.func @transform_0(%arg0: i32) -> (i32, i32) {
    %c0_i32 = arith.constant 0 : i32
    %c0_i32_0 = arith.constant 0 : i32
    return %arg0, %c0_i32 : i32, i32
  }
  func.func @transform_1(%arg0: i32) -> (i32, i32) {
    %c0_i32 = arith.constant 0 : i32
    %c0_i32_0 = arith.constant 0 : i32
    return %arg0, %c0_i32 : i32, i32
  }
  func.func @transform_2(%arg0: i32) -> (i32, i32) {
    %c0_i32 = arith.constant 0 : i32
    %c0_i32_0 = arith.constant 0 : i32
    return %arg0, %c0_i32 : i32, i32
  }
  func.func @transform_3(%arg0: i32) -> (i32, i32) {
    %c0_i32 = arith.constant 0 : i32
    %c0_i32_0 = arith.constant 0 : i32
    return %arg0, %c0_i32 : i32, i32
  }
  func.func @transform_4(%arg0: i32) -> (i32, i32) {
    %c0_i32 = arith.constant 0 : i32
    %c0_i32_0 = arith.constant 0 : i32
    return %arg0, %c0_i32 : i32, i32
  }
  func.func @transform_5(%arg0: i32) -> (i32, i32) {
    %c0_i32 = arith.constant 0 : i32
    %c0_i32_0 = arith.constant 0 : i32
    %c0_i32_1 = arith.constant 0 : i32
    return %c0_i32, %c0_i32_0 : i32, i32
  }
  func.func @transform_6(%arg0: i32) -> (i32, i32) {
    %c0_i32 = arith.constant 0 : i32
    %c0_i32_0 = arith.constant 0 : i32
    %c0_i32_1 = arith.constant 0 : i32
    return %c0_i32, %c0_i32_0 : i32, i32
  }
  func.func @transform_7(%arg0: i32) -> (i32, i32) {
    %c0_i32 = arith.constant 0 : i32
    %c0_i32_0 = arith.constant 0 : i32
    %c0_i32_1 = arith.constant 0 : i32
    return %c0_i32, %c0_i32_0 : i32, i32
  }
  func.func @transform_8(%arg0: i32) -> (i32, i32) {
    %c0_i32 = arith.constant 0 : i32
    %c0_i32_0 = arith.constant 0 : i32
    return %arg0, %c0_i32 : i32, i32
  }
  func.func @transform_9(%arg0: i32) -> (i32, i32) {
    %c0_i32 = arith.constant 0 : i32
    %c0_i32_0 = arith.constant 0 : i32
    return %arg0, %c0_i32 : i32, i32
  }
}

module attributes {stable_mosaic.version = 14 : i64} {
  func.func @_post_body(%arg0: i32, %arg1: memref<2000x128xf32, #tpu.memory_space<vmem>>, %arg2: memref<2000x128xf32, #tpu.memory_space<vmem>>, %arg3: memref<2000x128xf32, #tpu.memory_space<vmem>>, %arg4: memref<2000x1xf32, #tpu.memory_space<vmem>>, %arg5: memref<2000x1xf32, #tpu.memory_space<vmem>>, %arg6: memref<1x128xf32, #tpu.memory_space<vmem>>, %arg7: memref<1x128xf32, #tpu.memory_space<vmem>>, %arg8: memref<2000x128xf32, #tpu.memory_space<vmem>>) attributes {dimension_semantics = [#tpu.dimension_semantics<arbitrary>], iteration_bounds = array<i64: 5>, scalar_prefetch = 0 : i64, scratch_operands = 0 : i64, tpu.core_type = #tpu.core_type<tc>, window_params = [{transform_indices = @transform_0, window_bounds = array<i64: 2000, 128>}, {transform_indices = @transform_1, window_bounds = array<i64: 2000, 128>}, {transform_indices = @transform_2, window_bounds = array<i64: 2000, 128>}, {transform_indices = @transform_3, window_bounds = array<i64: 2000, 1>}, {transform_indices = @transform_4, window_bounds = array<i64: 2000, 1>}, {pipeline_mode = #tpu.pipeline_mode<synchronous>, transform_indices = @transform_5, window_bounds = array<i64: 1, 128>}, {pipeline_mode = #tpu.pipeline_mode<synchronous>, transform_indices = @transform_6, window_bounds = array<i64: 1, 128>}, {transform_indices = @transform_7, window_bounds = array<i64: 2000, 128>}]} {
    %get3A = arith.constant 0 : index
    %get3A_0 = arith.constant 0 : index
    %get3A_1 = vector.load %arg4[%get3A, %get3A_0] : memref<2000x1xf32, #tpu.memory_space<vmem>>, vector<2000x1xf32>
    %get3A_2 = arith.constant 0 : index
    %get3A_3 = arith.constant 0 : index
    %get3A_4 = vector.load %arg5[%get3A_2, %get3A_3] : memref<2000x1xf32, #tpu.memory_space<vmem>>, vector<2000x1xf32>
    %add3A = arith.addf %get3A_1, %get3A_4 : vector<2000x1xf32>
    %add3A_5 = arith.constant 1.000000e+00 : f32
    %add3A_6 = vector.broadcast %add3A_5 : f32 to vector<2000x1xf32>
    %add3A_7 = arith.addf %add3A, %add3A_6 : vector<2000x1xf32>
    %rsqrt3A = math.rsqrt %add3A_7 : vector<2000x1xf32>
    %get3A_8 = arith.constant 0 : index
    %get3A_9 = arith.constant 0 : index
    %get3A_10 = vector.load %arg1[%get3A_8, %get3A_9] : memref<2000x128xf32, #tpu.memory_space<vmem>>, vector<2000x128xf32>
    %get3A_11 = arith.constant 0 : index
    %get3A_12 = arith.constant 0 : index
    %get3A_13 = vector.load %arg2[%get3A_11, %get3A_12] : memref<2000x128xf32, #tpu.memory_space<vmem>>, vector<2000x128xf32>
    %add3A_14 = arith.addf %get3A_10, %get3A_13 : vector<2000x128xf32>
    %get3A_15 = arith.constant 0 : index
    %get3A_16 = arith.constant 0 : index
    %get3A_17 = vector.load %arg3[%get3A_15, %get3A_16] : memref<2000x128xf32, #tpu.memory_space<vmem>>, vector<2000x128xf32>
    %add3A_18 = arith.addf %add3A_14, %get3A_17 : vector<2000x128xf32>
    %mul3A = vector.broadcast %rsqrt3A : vector<2000x1xf32> to vector<2000x128xf32>
    %mul3A_19 = arith.mulf %add3A_18, %mul3A : vector<2000x128xf32>
    %get3A_20 = arith.constant 0 : index
    %get3A_21 = arith.constant 0 : index
    %get3A_22 = vector.load %arg6[%get3A_20, %get3A_21] : memref<1x128xf32, #tpu.memory_space<vmem>>, vector<1x128xf32>
    %mul3A_23 = vector.broadcast %get3A_22 : vector<1x128xf32> to vector<2000x128xf32>
    %mul3A_24 = arith.mulf %mul3A_19, %mul3A_23 : vector<2000x128xf32>
    %get3A_25 = arith.constant 0 : index
    %get3A_26 = arith.constant 0 : index
    %get3A_27 = vector.load %arg7[%get3A_25, %get3A_26] : memref<1x128xf32, #tpu.memory_space<vmem>>, vector<1x128xf32>
    %add3A_28 = vector.broadcast %get3A_27 : vector<1x128xf32> to vector<2000x128xf32>
    %add3A_29 = arith.addf %mul3A_24, %add3A_28 : vector<2000x128xf32>
    %max3A = arith.constant 0.000000e+00 : f32
    %max3A_30 = vector.broadcast %max3A : f32 to vector<2000x128xf32>
    %max3A_31 = arith.maximumf %add3A_29, %max3A_30 : vector<2000x128xf32>
    %swap3A = arith.constant 0 : index
    %swap3A_32 = arith.constant 0 : index
    %swap3A_33 = vector.load %arg8[%swap3A, %swap3A_32] : memref<2000x128xf32, #tpu.memory_space<vmem>>, vector<2000x128xf32>
    tpu.vector_store %arg8[%swap3A, %swap3A_32], %max3A_31 {strides = array<i32>} : memref<2000x128xf32, #tpu.memory_space<vmem>>, vector<2000x128xf32>,
    return
  }
  func.func @transform_0(%arg0: i32) -> (i32, i32) {
    %c0_i32 = arith.constant 0 : i32
    %c0_i32_0 = arith.constant 0 : i32
    return %arg0, %c0_i32 : i32, i32
  }
  func.func @transform_1(%arg0: i32) -> (i32, i32) {
    %c0_i32 = arith.constant 0 : i32
    %c0_i32_0 = arith.constant 0 : i32
    return %arg0, %c0_i32 : i32, i32
  }
  func.func @transform_2(%arg0: i32) -> (i32, i32) {
    %c0_i32 = arith.constant 0 : i32
    %c0_i32_0 = arith.constant 0 : i32
    return %arg0, %c0_i32 : i32, i32
  }
  func.func @transform_3(%arg0: i32) -> (i32, i32) {
    %c0_i32 = arith.constant 0 : i32
    %c0_i32_0 = arith.constant 0 : i32
    return %arg0, %c0_i32 : i32, i32
  }
  func.func @transform_4(%arg0: i32) -> (i32, i32) {
    %c0_i32 = arith.constant 0 : i32
    %c0_i32_0 = arith.constant 0 : i32
    return %arg0, %c0_i32 : i32, i32
  }
  func.func @transform_5(%arg0: i32) -> (i32, i32) {
    %c0_i32 = arith.constant 0 : i32
    %c0_i32_0 = arith.constant 0 : i32
    %c0_i32_1 = arith.constant 0 : i32
    return %c0_i32, %c0_i32_0 : i32, i32
  }
  func.func @transform_6(%arg0: i32) -> (i32, i32) {
    %c0_i32 = arith.constant 0 : i32
    %c0_i32_0 = arith.constant 0 : i32
    %c0_i32_1 = arith.constant 0 : i32
    return %c0_i32, %c0_i32_0 : i32, i32
  }
  func.func @transform_7(%arg0: i32) -> (i32, i32) {
    %c0_i32 = arith.constant 0 : i32
    %c0_i32_0 = arith.constant 0 : i32
    return %arg0, %c0_i32 : i32, i32
  }
}

module attributes {stable_mosaic.version = 14 : i64} {
  func.func @_pool_body(%arg0: i32, %arg1: memref<2000x128xf32, #tpu.memory_space<vmem>>, %arg2: memref<1x1x2000xi32, #tpu.memory_space<vmem>>, %arg3: memref<2000x1xi32, #tpu.memory_space<vmem>>, %arg4: memref<64x128xf32, #tpu.memory_space<vmem>>, %arg5: memref<64x128xf32, #tpu.memory_space<vmem>>, %arg6: memref<64x1xf32, #tpu.memory_space<vmem>>) attributes {dimension_semantics = [#tpu.dimension_semantics<arbitrary>], iteration_bounds = array<i64: 5>, scalar_prefetch = 0 : i64, scratch_operands = 0 : i64, tpu.core_type = #tpu.core_type<tc>, window_params = [{transform_indices = @transform_0, window_bounds = array<i64: 2000, 128>}, {transform_indices = @transform_1, window_bounds = array<i64: 1, 1, 2000>}, {transform_indices = @transform_2, window_bounds = array<i64: 2000, 1>}, {pipeline_mode = #tpu.pipeline_mode<synchronous>, transform_indices = @transform_3, window_bounds = array<i64: 64, 128>}, {pipeline_mode = #tpu.pipeline_mode<synchronous>, transform_indices = @transform_4, window_bounds = array<i64: 64, 128>}, {pipeline_mode = #tpu.pipeline_mode<synchronous>, transform_indices = @transform_5, window_bounds = array<i64: 64, 1>}]} {
    %eq3A = arith.constant 0 : i32
    %eq3A_0 = arith.cmpi eq, %arg0, %eq3A : i32
    %convert_element_type3A = arith.extui %eq3A_0 : i1 to i32
    %cond3A = arith.constant 0 : i32
    %cond3A_1 = arith.cmpi ne, %convert_element_type3A, %cond3A : i32
    scf.if %cond3A_1 {
      %broadcast_in_dim3A_1248 = arith.constant 0.000000e+00 : f32
      %broadcast_in_dim3A_1249 = vector.broadcast %broadcast_in_dim3A_1248 : f32 to vector<64x128xf32>
      %swap3A_1250 = arith.constant 0 : index
      %swap3A_1251 = arith.constant 0 : index
      %swap3A_1252 = vector.load %arg4[%swap3A_1250, %swap3A_1251] : memref<64x128xf32, #tpu.memory_space<vmem>>, vector<64x128xf32>
      tpu.vector_store %arg4[%swap3A_1250, %swap3A_1251], %broadcast_in_dim3A_1249 {strides = array<i32>} : memref<64x128xf32, #tpu.memory_space<vmem>>, vector<64x128xf32>,
      %broadcast_in_dim3A_1253 = arith.constant 0.000000e+00 : f32
      %broadcast_in_dim3A_1254 = vector.broadcast %broadcast_in_dim3A_1253 : f32 to vector<64x1xf32>
      %swap3A_1255 = arith.constant 0 : index
      %swap3A_1256 = arith.constant 0 : index
      %swap3A_1257 = vector.load %arg6[%swap3A_1255, %swap3A_1256] : memref<64x1xf32, #tpu.memory_space<vmem>>, vector<64x1xf32>
      tpu.vector_store %arg6[%swap3A_1255, %swap3A_1256], %broadcast_in_dim3A_1254 {strides = array<i32>} : memref<64x1xf32, #tpu.memory_space<vmem>>, vector<64x1xf32>,
      %broadcast_in_dim3A_1258 = arith.constant -1.000000e+30 : f32
      %broadcast_in_dim3A_1259 = vector.broadcast %broadcast_in_dim3A_1258 : f32 to vector<64x128xf32>
      %swap3A_1260 = arith.constant 0 : index
      %swap3A_1261 = arith.constant 0 : index
      %swap3A_1262 = vector.load %arg5[%swap3A_1260, %swap3A_1261] : memref<64x128xf32, #tpu.memory_space<vmem>>, vector<64x128xf32>
      tpu.vector_store %arg5[%swap3A_1260, %swap3A_1261], %broadcast_in_dim3A_1259 {strides = array<i32>} : memref<64x128xf32, #tpu.memory_space<vmem>>, vector<64x128xf32>,
    } else {
    }
    %get3A = arith.constant 0 : index
    %get3A_2 = arith.constant 0 : index
    %get3A_3 = vector.load %arg1[%get3A, %get3A_2] : memref<2000x128xf32, #tpu.memory_space<vmem>>, vector<2000x128xf32>
    %get3A_4 = arith.constant 0 : index
    %get3A_5 = arith.constant 0 : index
    %get3A_6 = arith.constant 0 : index
    %get3A_7 = vector.load %arg2[%get3A_4, %get3A_5, %get3A_6] : memref<1x1x2000xi32, #tpu.memory_space<vmem>>, vector<1x1x2000xi32>
    %reshape3A = vector.shape_cast %get3A_7 : vector<1x1x2000xi32> to vector<1x2000xi32>
    %iota3A = tpu.iota {dimensions = array<i32: 0>} : vector<64x2000xi32>
    %eq3A_8 = vector.broadcast %reshape3A : vector<1x2000xi32> to vector<64x2000xi32>
    %eq3A_9 = arith.cmpi eq, %iota3A, %eq3A_8 : vector<64x2000xi32>
    %convert_element_type3A_10 = arith.extui %eq3A_9 : vector<64x2000xi1> to vector<64x2000xi32>
    %convert_element_type3A_11 = arith.sitofp %convert_element_type3A_10 : vector<64x2000xi32> to vector<64x2000xf32>
    %get3A_12 = arith.constant 0 : index
    %get3A_13 = arith.constant 0 : index
    %get3A_14 = vector.load %arg4[%get3A_12, %get3A_13] : memref<64x128xf32, #tpu.memory_space<vmem>>, vector<64x128xf32>
    %dot_general3A = arith.constant dense<0.000000e+00> : vector<64x128xf32>
    %dot_general3A_15 = tpu.matmul %convert_element_type3A_11, %get3A_3, %dot_general3A {dimension_numbers = #tpu.dot_dimension_numbers<[1], [0], [0], [1], [0, 0, 1, 1], [], []>, transpose_lhs_hint = false} : vector<64x2000xf32>, vector<2000x128xf32>, vector<64x128xf32> -> vector<64x128xf32>
    %add3A = arith.addf %get3A_14, %dot_general3A_15 : vector<64x128xf32>
    %swap3A = arith.constant 0 : index
    %swap3A_16 = arith.constant 0 : index
    %swap3A_17 = vector.load %arg4[%swap3A, %swap3A_16] : memref<64x128xf32, #tpu.memory_space<vmem>>, vector<64x128xf32>
    tpu.vector_store %arg4[%swap3A, %swap3A_16], %add3A {strides = array<i32>} : memref<64x128xf32, #tpu.memory_space<vmem>>, vector<64x128xf32>,
    %get3A_18 = arith.constant 0 : index
    %get3A_19 = arith.constant 0 : index
    %get3A_20 = vector.load %arg6[%get3A_18, %get3A_19] : memref<64x1xf32, #tpu.memory_space<vmem>>, vector<64x1xf32>
    %reduce_sum3A = arith.constant dense<0.000000e+00> : vector<64xf32>
    %reduce_sum3A_21 = vector.multi_reduction <add>, %convert_element_type3A_11, %reduce_sum3A [1] : vector<64x2000xf32> to vector<64xf32>
    %broadcast_in_dim3A = vector.shape_cast %reduce_sum3A_21 : vector<64xf32> to vector<64x1xf32>
    %add3A_22 = arith.addf %get3A_20, %broadcast_in_dim3A : vector<64x1xf32>
    %swap3A_23 = arith.constant 0 : index
    %swap3A_24 = arith.constant 0 : index
    %swap3A_25 = vector.load %arg6[%swap3A_23, %swap3A_24] : memref<64x1xf32, #tpu.memory_space<vmem>>, vector<64x1xf32>
    tpu.vector_store %arg6[%swap3A_23, %swap3A_24], %add3A_22 {strides = array<i32>} : memref<64x1xf32, #tpu.memory_space<vmem>>, vector<64x1xf32>,
    %get3A_26 = arith.constant 0 : index
    %get3A_27 = arith.constant 0 : index
    %get3A_28 = vector.load %arg3[%get3A_26, %get3A_27] : memref<2000x1xi32, #tpu.memory_space<vmem>>, vector<2000x1xi32>
    %get3A_29 = arith.constant 0 : index
    %get3A_30 = arith.constant 0 : index
    %get3A_31 = vector.load %arg5[%get3A_29, %get3A_30] : memref<64x128xf32, #tpu.memory_space<vmem>>, vector<64x128xf32>
    %iota3A_32 = tpu.iota {dimensions = array<i32: 0>} : vector<64x1xi32>
    %eq3A_33 = arith.constant 0 : i32
    %eq3A_34 = vector.broadcast %eq3A_33 : i32 to vector<2000x1xi32>
    %eq3A_35 = arith.cmpi eq, %get3A_28, %eq3A_34 : vector<2000x1xi32>
    %jit3A = arith.constant -1.000000e+30 : f32
    %broadcast_in_dim3A_36 = vector.shape_cast %eq3A_35 : vector<2000x1xi1> to vector<2000x1xi1>
    %broadcast_in_dim3A_37 = vector.broadcast %broadcast_in_dim3A_36 : vector<2000x1xi1> to vector<2000x128xi1>
    %broadcast_in_dim3A_38 = vector.broadcast %jit3A : f32 to vector<2000x128xf32>
    %select_n3A = arith.select %broadcast_in_dim3A_37, %get3A_3, %broadcast_in_dim3A_38 : vector<2000x128xi1>, vector<2000x128xf32>
    %reduce_max3A = arith.constant dense<0xFF800000> : vector<128xf32>
    %reduce_max3A_39 = vector.multi_reduction <maximumf>, %select_n3A, %reduce_max3A [0] : vector<2000x128xf32> to vector<128xf32>
    %broadcast_in_dim3A_40 = vector.shape_cast %reduce_max3A_39 : vector<128xf32> to vector<1x128xf32>
    %eq3A_41 = arith.constant 0 : i32
    %eq3A_42 = vector.broadcast %eq3A_41 : i32 to vector<64x1xi32>
    %eq3A_43 = arith.cmpi eq, %iota3A_32, %eq3A_42 : vector<64x1xi32>
    %max3A = vector.broadcast %broadcast_in_dim3A_40 : vector<1x128xf32> to vector<64x128xf32>
    %max3A_44 = arith.maximumf %get3A_31, %max3A : vector<64x128xf32>
    %broadcast_in_dim3A_45 = vector.shape_cast %eq3A_43 : vector<64x1xi1> to vector<64x1xi1>
    %broadcast_in_dim3A_46 = vector.broadcast %broadcast_in_dim3A_45 : vector<64x1xi1> to vector<64x128xi1>
    %select_n3A_47 = arith.select %broadcast_in_dim3A_46, %max3A_44, %get3A_31 : vector<64x128xi1>, vector<64x128xf32>
    %eq3A_48 = arith.constant 1 : i32
    %eq3A_49 = vector.broadcast %eq3A_48 : i32 to vector<2000x1xi32>
    %eq3A_50 = arith.cmpi eq, %get3A_28, %eq3A_49 : vector<2000x1xi32>
    %jit3A_51 = arith.constant -1.000000e+30 : f32
    %broadcast_in_dim3A_52 = vector.shape_cast %eq3A_50 : vector<2000x1xi1> to vector<2000x1xi1>
    %broadcast_in_dim3A_53 = vector.broadcast %broadcast_in_dim3A_52 : vector<2000x1xi1> to vector<2000x128xi1>
    %broadcast_in_dim3A_54 = vector.broadcast %jit3A_51 : f32 to vector<2000x128xf32>
    %select_n3A_55 = arith.select %broadcast_in_dim3A_53, %get3A_3, %broadcast_in_dim3A_54 : vector<2000x128xi1>, vector<2000x128xf32>
    %reduce_max3A_56 = arith.constant dense<0xFF800000> : vector<128xf32>
    %reduce_max3A_57 = vector.multi_reduction <maximumf>, %select_n3A_55, %reduce_max3A_56 [0] : vector<2000x128xf32> to vector<128xf32>
    %broadcast_in_dim3A_58 = vector.shape_cast %reduce_max3A_57 : vector<128xf32> to vector<1x128xf32>
    %eq3A_59 = arith.constant 1 : i32
    %eq3A_60 = vector.broadcast %eq3A_59 : i32 to vector<64x1xi32>
    %eq3A_61 = arith.cmpi eq, %iota3A_32, %eq3A_60 : vector<64x1xi32>
    %max3A_62 = vector.broadcast %broadcast_in_dim3A_58 : vector<1x128xf32> to vector<64x128xf32>
    %max3A_63 = arith.maximumf %select_n3A_47, %max3A_62 : vector<64x128xf32>
    %broadcast_in_dim3A_64 = vector.shape_cast %eq3A_61 : vector<64x1xi1> to vector<64x1xi1>
    %broadcast_in_dim3A_65 = vector.broadcast %broadcast_in_dim3A_64 : vector<64x1xi1> to vector<64x128xi1>
    %select_n3A_66 = arith.select %broadcast_in_dim3A_65, %max3A_63, %select_n3A_47 : vector<64x128xi1>, vector<64x128xf32>
    %eq3A_67 = arith.constant 2 : i32
    %eq3A_68 = vector.broadcast %eq3A_67 : i32 to vector<2000x1xi32>
    %eq3A_69 = arith.cmpi eq, %get3A_28, %eq3A_68 : vector<2000x1xi32>
    %jit3A_70 = arith.constant -1.000000e+30 : f32
    %broadcast_in_dim3A_71 = vector.shape_cast %eq3A_69 : vector<2000x1xi1> to vector<2000x1xi1>
    %broadcast_in_dim3A_72 = vector.broadcast %broadcast_in_dim3A_71 : vector<2000x1xi1> to vector<2000x128xi1>
    %broadcast_in_dim3A_73 = vector.broadcast %jit3A_70 : f32 to vector<2000x128xf32>
    %select_n3A_74 = arith.select %broadcast_in_dim3A_72, %get3A_3, %broadcast_in_dim3A_73 : vector<2000x128xi1>, vector<2000x128xf32>
    %reduce_max3A_75 = arith.constant dense<0xFF800000> : vector<128xf32>
    %reduce_max3A_76 = vector.multi_reduction <maximumf>, %select_n3A_74, %reduce_max3A_75 [0] : vector<2000x128xf32> to vector<128xf32>
    %broadcast_in_dim3A_77 = vector.shape_cast %reduce_max3A_76 : vector<128xf32> to vector<1x128xf32>
    %eq3A_78 = arith.constant 2 : i32
    %eq3A_79 = vector.broadcast %eq3A_78 : i32 to vector<64x1xi32>
    %eq3A_80 = arith.cmpi eq, %iota3A_32, %eq3A_79 : vector<64x1xi32>
    %max3A_81 = vector.broadcast %broadcast_in_dim3A_77 : vector<1x128xf32> to vector<64x128xf32>
    %max3A_82 = arith.maximumf %select_n3A_66, %max3A_81 : vector<64x128xf32>
    %broadcast_in_dim3A_83 = vector.shape_cast %eq3A_80 : vector<64x1xi1> to vector<64x1xi1>
    %broadcast_in_dim3A_84 = vector.broadcast %broadcast_in_dim3A_83 : vector<64x1xi1> to vector<64x128xi1>
    %select_n3A_85 = arith.select %broadcast_in_dim3A_84, %max3A_82, %select_n3A_66 : vector<64x128xi1>, vector<64x128xf32>
    %eq3A_86 = arith.constant 3 : i32
    %eq3A_87 = vector.broadcast %eq3A_86 : i32 to vector<2000x1xi32>
    %eq3A_88 = arith.cmpi eq, %get3A_28, %eq3A_87 : vector<2000x1xi32>
    %jit3A_89 = arith.constant -1.000000e+30 : f32
    %broadcast_in_dim3A_90 = vector.shape_cast %eq3A_88 : vector<2000x1xi1> to vector<2000x1xi1>
    %broadcast_in_dim3A_91 = vector.broadcast %broadcast_in_dim3A_90 : vector<2000x1xi1> to vector<2000x128xi1>
    %broadcast_in_dim3A_92 = vector.broadcast %jit3A_89 : f32 to vector<2000x128xf32>
    %select_n3A_93 = arith.select %broadcast_in_dim3A_91, %get3A_3, %broadcast_in_dim3A_92 : vector<2000x128xi1>, vector<2000x128xf32>
    %reduce_max3A_94 = arith.constant dense<0xFF800000> : vector<128xf32>
    %reduce_max3A_95 = vector.multi_reduction <maximumf>, %select_n3A_93, %reduce_max3A_94 [0] : vector<2000x128xf32> to vector<128xf32>
    %broadcast_in_dim3A_96 = vector.shape_cast %reduce_max3A_95 : vector<128xf32> to vector<1x128xf32>
    %eq3A_97 = arith.constant 3 : i32
    %eq3A_98 = vector.broadcast %eq3A_97 : i32 to vector<64x1xi32>
    %eq3A_99 = arith.cmpi eq, %iota3A_32, %eq3A_98 : vector<64x1xi32>
    %max3A_100 = vector.broadcast %broadcast_in_dim3A_96 : vector<1x128xf32> to vector<64x128xf32>
    %max3A_101 = arith.maximumf %select_n3A_85, %max3A_100 : vector<64x128xf32>
    %broadcast_in_dim3A_102 = vector.shape_cast %eq3A_99 : vector<64x1xi1> to vector<64x1xi1>
    %broadcast_in_dim3A_103 = vector.broadcast %broadcast_in_dim3A_102 : vector<64x1xi1> to vector<64x128xi1>
    %select_n3A_104 = arith.select %broadcast_in_dim3A_103, %max3A_101, %select_n3A_85 : vector<64x128xi1>, vector<64x128xf32>
    %eq3A_105 = arith.constant 4 : i32
    %eq3A_106 = vector.broadcast %eq3A_105 : i32 to vector<2000x1xi32>
    %eq3A_107 = arith.cmpi eq, %get3A_28, %eq3A_106 : vector<2000x1xi32>
    %jit3A_108 = arith.constant -1.000000e+30 : f32
    %broadcast_in_dim3A_109 = vector.shape_cast %eq3A_107 : vector<2000x1xi1> to vector<2000x1xi1>
    %broadcast_in_dim3A_110 = vector.broadcast %broadcast_in_dim3A_109 : vector<2000x1xi1> to vector<2000x128xi1>
    %broadcast_in_dim3A_111 = vector.broadcast %jit3A_108 : f32 to vector<2000x128xf32>
    %select_n3A_112 = arith.select %broadcast_in_dim3A_110, %get3A_3, %broadcast_in_dim3A_111 : vector<2000x128xi1>, vector<2000x128xf32>
    %reduce_max3A_113 = arith.constant dense<0xFF800000> : vector<128xf32>
    %reduce_max3A_114 = vector.multi_reduction <maximumf>, %select_n3A_112, %reduce_max3A_113 [0] : vector<2000x128xf32> to vector<128xf32>
    %broadcast_in_dim3A_115 = vector.shape_cast %reduce_max3A_114 : vector<128xf32> to vector<1x128xf32>
    %eq3A_116 = arith.constant 4 : i32
    %eq3A_117 = vector.broadcast %eq3A_116 : i32 to vector<64x1xi32>
    %eq3A_118 = arith.cmpi eq, %iota3A_32, %eq3A_117 : vector<64x1xi32>
    %max3A_119 = vector.broadcast %broadcast_in_dim3A_115 : vector<1x128xf32> to vector<64x128xf32>
    %max3A_120 = arith.maximumf %select_n3A_104, %max3A_119 : vector<64x128xf32>
    %broadcast_in_dim3A_121 = vector.shape_cast %eq3A_118 : vector<64x1xi1> to vector<64x1xi1>
    %broadcast_in_dim3A_122 = vector.broadcast %broadcast_in_dim3A_121 : vector<64x1xi1> to vector<64x128xi1>
    %select_n3A_123 = arith.select %broadcast_in_dim3A_122, %max3A_120, %select_n3A_104 : vector<64x128xi1>, vector<64x128xf32>
    %eq3A_124 = arith.constant 5 : i32
    %eq3A_125 = vector.broadcast %eq3A_124 : i32 to vector<2000x1xi32>
    %eq3A_126 = arith.cmpi eq, %get3A_28, %eq3A_125 : vector<2000x1xi32>
    %jit3A_127 = arith.constant -1.000000e+30 : f32
    %broadcast_in_dim3A_128 = vector.shape_cast %eq3A_126 : vector<2000x1xi1> to vector<2000x1xi1>
    %broadcast_in_dim3A_129 = vector.broadcast %broadcast_in_dim3A_128 : vector<2000x1xi1> to vector<2000x128xi1>
    %broadcast_in_dim3A_130 = vector.broadcast %jit3A_127 : f32 to vector<2000x128xf32>
    %select_n3A_131 = arith.select %broadcast_in_dim3A_129, %get3A_3, %broadcast_in_dim3A_130 : vector<2000x128xi1>, vector<2000x128xf32>
    %reduce_max3A_132 = arith.constant dense<0xFF800000> : vector<128xf32>
    %reduce_max3A_133 = vector.multi_reduction <maximumf>, %select_n3A_131, %reduce_max3A_132 [0] : vector<2000x128xf32> to vector<128xf32>
    %broadcast_in_dim3A_134 = vector.shape_cast %reduce_max3A_133 : vector<128xf32> to vector<1x128xf32>
    %eq3A_135 = arith.constant 5 : i32
    %eq3A_136 = vector.broadcast %eq3A_135 : i32 to vector<64x1xi32>
    %eq3A_137 = arith.cmpi eq, %iota3A_32, %eq3A_136 : vector<64x1xi32>
    %max3A_138 = vector.broadcast %broadcast_in_dim3A_134 : vector<1x128xf32> to vector<64x128xf32>
    %max3A_139 = arith.maximumf %select_n3A_123, %max3A_138 : vector<64x128xf32>
    %broadcast_in_dim3A_140 = vector.shape_cast %eq3A_137 : vector<64x1xi1> to vector<64x1xi1>
    %broadcast_in_dim3A_141 = vector.broadcast %broadcast_in_dim3A_140 : vector<64x1xi1> to vector<64x128xi1>
    %select_n3A_142 = arith.select %broadcast_in_dim3A_141, %max3A_139, %select_n3A_123 : vector<64x128xi1>, vector<64x128xf32>
    %eq3A_143 = arith.constant 6 : i32
    %eq3A_144 = vector.broadcast %eq3A_143 : i32 to vector<2000x1xi32>
    %eq3A_145 = arith.cmpi eq, %get3A_28, %eq3A_144 : vector<2000x1xi32>
    %jit3A_146 = arith.constant -1.000000e+30 : f32
    %broadcast_in_dim3A_147 = vector.shape_cast %eq3A_145 : vector<2000x1xi1> to vector<2000x1xi1>
    %broadcast_in_dim3A_148 = vector.broadcast %broadcast_in_dim3A_147 : vector<2000x1xi1> to vector<2000x128xi1>
    %broadcast_in_dim3A_149 = vector.broadcast %jit3A_146 : f32 to vector<2000x128xf32>
    %select_n3A_150 = arith.select %broadcast_in_dim3A_148, %get3A_3, %broadcast_in_dim3A_149 : vector<2000x128xi1>, vector<2000x128xf32>
    %reduce_max3A_151 = arith.constant dense<0xFF800000> : vector<128xf32>
    %reduce_max3A_152 = vector.multi_reduction <maximumf>, %select_n3A_150, %reduce_max3A_151 [0] : vector<2000x128xf32> to vector<128xf32>
    %broadcast_in_dim3A_153 = vector.shape_cast %reduce_max3A_152 : vector<128xf32> to vector<1x128xf32>
    %eq3A_154 = arith.constant 6 : i32
    %eq3A_155 = vector.broadcast %eq3A_154 : i32 to vector<64x1xi32>
    %eq3A_156 = arith.cmpi eq, %iota3A_32, %eq3A_155 : vector<64x1xi32>
    %max3A_157 = vector.broadcast %broadcast_in_dim3A_153 : vector<1x128xf32> to vector<64x128xf32>
    %max3A_158 = arith.maximumf %select_n3A_142, %max3A_157 : vector<64x128xf32>
    %broadcast_in_dim3A_159 = vector.shape_cast %eq3A_156 : vector<64x1xi1> to vector<64x1xi1>
    %broadcast_in_dim3A_160 = vector.broadcast %broadcast_in_dim3A_159 : vector<64x1xi1> to vector<64x128xi1>
    %select_n3A_161 = arith.select %broadcast_in_dim3A_160, %max3A_158, %select_n3A_142 : vector<64x128xi1>, vector<64x128xf32>
    %eq3A_162 = arith.constant 7 : i32
    %eq3A_163 = vector.broadcast %eq3A_162 : i32 to vector<2000x1xi32>
    %eq3A_164 = arith.cmpi eq, %get3A_28, %eq3A_163 : vector<2000x1xi32>
    %jit3A_165 = arith.constant -1.000000e+30 : f32
    %broadcast_in_dim3A_166 = vector.shape_cast %eq3A_164 : vector<2000x1xi1> to vector<2000x1xi1>
    %broadcast_in_dim3A_167 = vector.broadcast %broadcast_in_dim3A_166 : vector<2000x1xi1> to vector<2000x128xi1>
    %broadcast_in_dim3A_168 = vector.broadcast %jit3A_165 : f32 to vector<2000x128xf32>
    %select_n3A_169 = arith.select %broadcast_in_dim3A_167, %get3A_3, %broadcast_in_dim3A_168 : vector<2000x128xi1>, vector<2000x128xf32>
    %reduce_max3A_170 = arith.constant dense<0xFF800000> : vector<128xf32>
    %reduce_max3A_171 = vector.multi_reduction <maximumf>, %select_n3A_169, %reduce_max3A_170 [0] : vector<2000x128xf32> to vector<128xf32>
    %broadcast_in_dim3A_172 = vector.shape_cast %reduce_max3A_171 : vector<128xf32> to vector<1x128xf32>
    %eq3A_173 = arith.constant 7 : i32
    %eq3A_174 = vector.broadcast %eq3A_173 : i32 to vector<64x1xi32>
    %eq3A_175 = arith.cmpi eq, %iota3A_32, %eq3A_174 : vector<64x1xi32>
    %max3A_176 = vector.broadcast %broadcast_in_dim3A_172 : vector<1x128xf32> to vector<64x128xf32>
    %max3A_177 = arith.maximumf %select_n3A_161, %max3A_176 : vector<64x128xf32>
    %broadcast_in_dim3A_178 = vector.shape_cast %eq3A_175 : vector<64x1xi1> to vector<64x1xi1>
    %broadcast_in_dim3A_179 = vector.broadcast %broadcast_in_dim3A_178 : vector<64x1xi1> to vector<64x128xi1>
    %select_n3A_180 = arith.select %broadcast_in_dim3A_179, %max3A_177, %select_n3A_161 : vector<64x128xi1>, vector<64x128xf32>
    %eq3A_181 = arith.constant 8 : i32
    %eq3A_182 = vector.broadcast %eq3A_181 : i32 to vector<2000x1xi32>
    %eq3A_183 = arith.cmpi eq, %get3A_28, %eq3A_182 : vector<2000x1xi32>
    %jit3A_184 = arith.constant -1.000000e+30 : f32
    %broadcast_in_dim3A_185 = vector.shape_cast %eq3A_183 : vector<2000x1xi1> to vector<2000x1xi1>
    %broadcast_in_dim3A_186 = vector.broadcast %broadcast_in_dim3A_185 : vector<2000x1xi1> to vector<2000x128xi1>
    %broadcast_in_dim3A_187 = vector.broadcast %jit3A_184 : f32 to vector<2000x128xf32>
    %select_n3A_188 = arith.select %broadcast_in_dim3A_186, %get3A_3, %broadcast_in_dim3A_187 : vector<2000x128xi1>, vector<2000x128xf32>
    %reduce_max3A_189 = arith.constant dense<0xFF800000> : vector<128xf32>
    %reduce_max3A_190 = vector.multi_reduction <maximumf>, %select_n3A_188, %reduce_max3A_189 [0] : vector<2000x128xf32> to vector<128xf32>
    %broadcast_in_dim3A_191 = vector.shape_cast %reduce_max3A_190 : vector<128xf32> to vector<1x128xf32>
    %eq3A_192 = arith.constant 8 : i32
    %eq3A_193 = vector.broadcast %eq3A_192 : i32 to vector<64x1xi32>
    %eq3A_194 = arith.cmpi eq, %iota3A_32, %eq3A_193 : vector<64x1xi32>
    %max3A_195 = vector.broadcast %broadcast_in_dim3A_191 : vector<1x128xf32> to vector<64x128xf32>
    %max3A_196 = arith.maximumf %select_n3A_180, %max3A_195 : vector<64x128xf32>
    %broadcast_in_dim3A_197 = vector.shape_cast %eq3A_194 : vector<64x1xi1> to vector<64x1xi1>
    %broadcast_in_dim3A_198 = vector.broadcast %broadcast_in_dim3A_197 : vector<64x1xi1> to vector<64x128xi1>
    %select_n3A_199 = arith.select %broadcast_in_dim3A_198, %max3A_196, %select_n3A_180 : vector<64x128xi1>, vector<64x128xf32>
    %eq3A_200 = arith.constant 9 : i32
    %eq3A_201 = vector.broadcast %eq3A_200 : i32 to vector<2000x1xi32>
    %eq3A_202 = arith.cmpi eq, %get3A_28, %eq3A_201 : vector<2000x1xi32>
    %jit3A_203 = arith.constant -1.000000e+30 : f32
    %broadcast_in_dim3A_204 = vector.shape_cast %eq3A_202 : vector<2000x1xi1> to vector<2000x1xi1>
    %broadcast_in_dim3A_205 = vector.broadcast %broadcast_in_dim3A_204 : vector<2000x1xi1> to vector<2000x128xi1>
    %broadcast_in_dim3A_206 = vector.broadcast %jit3A_203 : f32 to vector<2000x128xf32>
    %select_n3A_207 = arith.select %broadcast_in_dim3A_205, %get3A_3, %broadcast_in_dim3A_206 : vector<2000x128xi1>, vector<2000x128xf32>
    %reduce_max3A_208 = arith.constant dense<0xFF800000> : vector<128xf32>
    %reduce_max3A_209 = vector.multi_reduction <maximumf>, %select_n3A_207, %reduce_max3A_208 [0] : vector<2000x128xf32> to vector<128xf32>
    %broadcast_in_dim3A_210 = vector.shape_cast %reduce_max3A_209 : vector<128xf32> to vector<1x128xf32>
    %eq3A_211 = arith.constant 9 : i32
    %eq3A_212 = vector.broadcast %eq3A_211 : i32 to vector<64x1xi32>
    %eq3A_213 = arith.cmpi eq, %iota3A_32, %eq3A_212 : vector<64x1xi32>
    %max3A_214 = vector.broadcast %broadcast_in_dim3A_210 : vector<1x128xf32> to vector<64x128xf32>
    %max3A_215 = arith.maximumf %select_n3A_199, %max3A_214 : vector<64x128xf32>
    %broadcast_in_dim3A_216 = vector.shape_cast %eq3A_213 : vector<64x1xi1> to vector<64x1xi1>
    %broadcast_in_dim3A_217 = vector.broadcast %broadcast_in_dim3A_216 : vector<64x1xi1> to vector<64x128xi1>
    %select_n3A_218 = arith.select %broadcast_in_dim3A_217, %max3A_215, %select_n3A_199 : vector<64x128xi1>, vector<64x128xf32>
    %eq3A_219 = arith.constant 10 : i32
    %eq3A_220 = vector.broadcast %eq3A_219 : i32 to vector<2000x1xi32>
    %eq3A_221 = arith.cmpi eq, %get3A_28, %eq3A_220 : vector<2000x1xi32>
    %jit3A_222 = arith.constant -1.000000e+30 : f32
    %broadcast_in_dim3A_223 = vector.shape_cast %eq3A_221 : vector<2000x1xi1> to vector<2000x1xi1>
    %broadcast_in_dim3A_224 = vector.broadcast %broadcast_in_dim3A_223 : vector<2000x1xi1> to vector<2000x128xi1>
    %broadcast_in_dim3A_225 = vector.broadcast %jit3A_222 : f32 to vector<2000x128xf32>
    %select_n3A_226 = arith.select %broadcast_in_dim3A_224, %get3A_3, %broadcast_in_dim3A_225 : vector<2000x128xi1>, vector<2000x128xf32>
    %reduce_max3A_227 = arith.constant dense<0xFF800000> : vector<128xf32>
    %reduce_max3A_228 = vector.multi_reduction <maximumf>, %select_n3A_226, %reduce_max3A_227 [0] : vector<2000x128xf32> to vector<128xf32>
    %broadcast_in_dim3A_229 = vector.shape_cast %reduce_max3A_228 : vector<128xf32> to vector<1x128xf32>
    %eq3A_230 = arith.constant 10 : i32
    %eq3A_231 = vector.broadcast %eq3A_230 : i32 to vector<64x1xi32>
    %eq3A_232 = arith.cmpi eq, %iota3A_32, %eq3A_231 : vector<64x1xi32>
    %max3A_233 = vector.broadcast %broadcast_in_dim3A_229 : vector<1x128xf32> to vector<64x128xf32>
    %max3A_234 = arith.maximumf %select_n3A_218, %max3A_233 : vector<64x128xf32>
    %broadcast_in_dim3A_235 = vector.shape_cast %eq3A_232 : vector<64x1xi1> to vector<64x1xi1>
    %broadcast_in_dim3A_236 = vector.broadcast %broadcast_in_dim3A_235 : vector<64x1xi1> to vector<64x128xi1>
    %select_n3A_237 = arith.select %broadcast_in_dim3A_236, %max3A_234, %select_n3A_218 : vector<64x128xi1>, vector<64x128xf32>
    %eq3A_238 = arith.constant 11 : i32
    %eq3A_239 = vector.broadcast %eq3A_238 : i32 to vector<2000x1xi32>
    %eq3A_240 = arith.cmpi eq, %get3A_28, %eq3A_239 : vector<2000x1xi32>
    %jit3A_241 = arith.constant -1.000000e+30 : f32
    %broadcast_in_dim3A_242 = vector.shape_cast %eq3A_240 : vector<2000x1xi1> to vector<2000x1xi1>
    %broadcast_in_dim3A_243 = vector.broadcast %broadcast_in_dim3A_242 : vector<2000x1xi1> to vector<2000x128xi1>
    %broadcast_in_dim3A_244 = vector.broadcast %jit3A_241 : f32 to vector<2000x128xf32>
    %select_n3A_245 = arith.select %broadcast_in_dim3A_243, %get3A_3, %broadcast_in_dim3A_244 : vector<2000x128xi1>, vector<2000x128xf32>
    %reduce_max3A_246 = arith.constant dense<0xFF800000> : vector<128xf32>
    %reduce_max3A_247 = vector.multi_reduction <maximumf>, %select_n3A_245, %reduce_max3A_246 [0] : vector<2000x128xf32> to vector<128xf32>
    %broadcast_in_dim3A_248 = vector.shape_cast %reduce_max3A_247 : vector<128xf32> to vector<1x128xf32>
    %eq3A_249 = arith.constant 11 : i32
    %eq3A_250 = vector.broadcast %eq3A_249 : i32 to vector<64x1xi32>
    %eq3A_251 = arith.cmpi eq, %iota3A_32, %eq3A_250 : vector<64x1xi32>
    %max3A_252 = vector.broadcast %broadcast_in_dim3A_248 : vector<1x128xf32> to vector<64x128xf32>
    %max3A_253 = arith.maximumf %select_n3A_237, %max3A_252 : vector<64x128xf32>
    %broadcast_in_dim3A_254 = vector.shape_cast %eq3A_251 : vector<64x1xi1> to vector<64x1xi1>
    %broadcast_in_dim3A_255 = vector.broadcast %broadcast_in_dim3A_254 : vector<64x1xi1> to vector<64x128xi1>
    %select_n3A_256 = arith.select %broadcast_in_dim3A_255, %max3A_253, %select_n3A_237 : vector<64x128xi1>, vector<64x128xf32>
    %eq3A_257 = arith.constant 12 : i32
    %eq3A_258 = vector.broadcast %eq3A_257 : i32 to vector<2000x1xi32>
    %eq3A_259 = arith.cmpi eq, %get3A_28, %eq3A_258 : vector<2000x1xi32>
    %jit3A_260 = arith.constant -1.000000e+30 : f32
    %broadcast_in_dim3A_261 = vector.shape_cast %eq3A_259 : vector<2000x1xi1> to vector<2000x1xi1>
    %broadcast_in_dim3A_262 = vector.broadcast %broadcast_in_dim3A_261 : vector<2000x1xi1> to vector<2000x128xi1>
    %broadcast_in_dim3A_263 = vector.broadcast %jit3A_260 : f32 to vector<2000x128xf32>
    %select_n3A_264 = arith.select %broadcast_in_dim3A_262, %get3A_3, %broadcast_in_dim3A_263 : vector<2000x128xi1>, vector<2000x128xf32>
    %reduce_max3A_265 = arith.constant dense<0xFF800000> : vector<128xf32>
    %reduce_max3A_266 = vector.multi_reduction <maximumf>, %select_n3A_264, %reduce_max3A_265 [0] : vector<2000x128xf32> to vector<128xf32>
    %broadcast_in_dim3A_267 = vector.shape_cast %reduce_max3A_266 : vector<128xf32> to vector<1x128xf32>
    %eq3A_268 = arith.constant 12 : i32
    %eq3A_269 = vector.broadcast %eq3A_268 : i32 to vector<64x1xi32>
    %eq3A_270 = arith.cmpi eq, %iota3A_32, %eq3A_269 : vector<64x1xi32>
    %max3A_271 = vector.broadcast %broadcast_in_dim3A_267 : vector<1x128xf32> to vector<64x128xf32>
    %max3A_272 = arith.maximumf %select_n3A_256, %max3A_271 : vector<64x128xf32>
    %broadcast_in_dim3A_273 = vector.shape_cast %eq3A_270 : vector<64x1xi1> to vector<64x1xi1>
    %broadcast_in_dim3A_274 = vector.broadcast %broadcast_in_dim3A_273 : vector<64x1xi1> to vector<64x128xi1>
    %select_n3A_275 = arith.select %broadcast_in_dim3A_274, %max3A_272, %select_n3A_256 : vector<64x128xi1>, vector<64x128xf32>
    %eq3A_276 = arith.constant 13 : i32
    %eq3A_277 = vector.broadcast %eq3A_276 : i32 to vector<2000x1xi32>
    %eq3A_278 = arith.cmpi eq, %get3A_28, %eq3A_277 : vector<2000x1xi32>
    %jit3A_279 = arith.constant -1.000000e+30 : f32
    %broadcast_in_dim3A_280 = vector.shape_cast %eq3A_278 : vector<2000x1xi1> to vector<2000x1xi1>
    %broadcast_in_dim3A_281 = vector.broadcast %broadcast_in_dim3A_280 : vector<2000x1xi1> to vector<2000x128xi1>
    %broadcast_in_dim3A_282 = vector.broadcast %jit3A_279 : f32 to vector<2000x128xf32>
    %select_n3A_283 = arith.select %broadcast_in_dim3A_281, %get3A_3, %broadcast_in_dim3A_282 : vector<2000x128xi1>, vector<2000x128xf32>
    %reduce_max3A_284 = arith.constant dense<0xFF800000> : vector<128xf32>
    %reduce_max3A_285 = vector.multi_reduction <maximumf>, %select_n3A_283, %reduce_max3A_284 [0] : vector<2000x128xf32> to vector<128xf32>
    %broadcast_in_dim3A_286 = vector.shape_cast %reduce_max3A_285 : vector<128xf32> to vector<1x128xf32>
    %eq3A_287 = arith.constant 13 : i32
    %eq3A_288 = vector.broadcast %eq3A_287 : i32 to vector<64x1xi32>
    %eq3A_289 = arith.cmpi eq, %iota3A_32, %eq3A_288 : vector<64x1xi32>
    %max3A_290 = vector.broadcast %broadcast_in_dim3A_286 : vector<1x128xf32> to vector<64x128xf32>
    %max3A_291 = arith.maximumf %select_n3A_275, %max3A_290 : vector<64x128xf32>
    %broadcast_in_dim3A_292 = vector.shape_cast %eq3A_289 : vector<64x1xi1> to vector<64x1xi1>
    %broadcast_in_dim3A_293 = vector.broadcast %broadcast_in_dim3A_292 : vector<64x1xi1> to vector<64x128xi1>
    %select_n3A_294 = arith.select %broadcast_in_dim3A_293, %max3A_291, %select_n3A_275 : vector<64x128xi1>, vector<64x128xf32>
    %eq3A_295 = arith.constant 14 : i32
    %eq3A_296 = vector.broadcast %eq3A_295 : i32 to vector<2000x1xi32>
    %eq3A_297 = arith.cmpi eq, %get3A_28, %eq3A_296 : vector<2000x1xi32>
    %jit3A_298 = arith.constant -1.000000e+30 : f32
    %broadcast_in_dim3A_299 = vector.shape_cast %eq3A_297 : vector<2000x1xi1> to vector<2000x1xi1>
    %broadcast_in_dim3A_300 = vector.broadcast %broadcast_in_dim3A_299 : vector<2000x1xi1> to vector<2000x128xi1>
    %broadcast_in_dim3A_301 = vector.broadcast %jit3A_298 : f32 to vector<2000x128xf32>
    %select_n3A_302 = arith.select %broadcast_in_dim3A_300, %get3A_3, %broadcast_in_dim3A_301 : vector<2000x128xi1>, vector<2000x128xf32>
    %reduce_max3A_303 = arith.constant dense<0xFF800000> : vector<128xf32>
    %reduce_max3A_304 = vector.multi_reduction <maximumf>, %select_n3A_302, %reduce_max3A_303 [0] : vector<2000x128xf32> to vector<128xf32>
    %broadcast_in_dim3A_305 = vector.shape_cast %reduce_max3A_304 : vector<128xf32> to vector<1x128xf32>
    %eq3A_306 = arith.constant 14 : i32
    %eq3A_307 = vector.broadcast %eq3A_306 : i32 to vector<64x1xi32>
    %eq3A_308 = arith.cmpi eq, %iota3A_32, %eq3A_307 : vector<64x1xi32>
    %max3A_309 = vector.broadcast %broadcast_in_dim3A_305 : vector<1x128xf32> to vector<64x128xf32>
    %max3A_310 = arith.maximumf %select_n3A_294, %max3A_309 : vector<64x128xf32>
    %broadcast_in_dim3A_311 = vector.shape_cast %eq3A_308 : vector<64x1xi1> to vector<64x1xi1>
    %broadcast_in_dim3A_312 = vector.broadcast %broadcast_in_dim3A_311 : vector<64x1xi1> to vector<64x128xi1>
    %select_n3A_313 = arith.select %broadcast_in_dim3A_312, %max3A_310, %select_n3A_294 : vector<64x128xi1>, vector<64x128xf32>
    %eq3A_314 = arith.constant 15 : i32
    %eq3A_315 = vector.broadcast %eq3A_314 : i32 to vector<2000x1xi32>
    %eq3A_316 = arith.cmpi eq, %get3A_28, %eq3A_315 : vector<2000x1xi32>
    %jit3A_317 = arith.constant -1.000000e+30 : f32
    %broadcast_in_dim3A_318 = vector.shape_cast %eq3A_316 : vector<2000x1xi1> to vector<2000x1xi1>
    %broadcast_in_dim3A_319 = vector.broadcast %broadcast_in_dim3A_318 : vector<2000x1xi1> to vector<2000x128xi1>
    %broadcast_in_dim3A_320 = vector.broadcast %jit3A_317 : f32 to vector<2000x128xf32>
    %select_n3A_321 = arith.select %broadcast_in_dim3A_319, %get3A_3, %broadcast_in_dim3A_320 : vector<2000x128xi1>, vector<2000x128xf32>
    %reduce_max3A_322 = arith.constant dense<0xFF800000> : vector<128xf32>
    %reduce_max3A_323 = vector.multi_reduction <maximumf>, %select_n3A_321, %reduce_max3A_322 [0] : vector<2000x128xf32> to vector<128xf32>
    %broadcast_in_dim3A_324 = vector.shape_cast %reduce_max3A_323 : vector<128xf32> to vector<1x128xf32>
    %eq3A_325 = arith.constant 15 : i32
    %eq3A_326 = vector.broadcast %eq3A_325 : i32 to vector<64x1xi32>
    %eq3A_327 = arith.cmpi eq, %iota3A_32, %eq3A_326 : vector<64x1xi32>
    %max3A_328 = vector.broadcast %broadcast_in_dim3A_324 : vector<1x128xf32> to vector<64x128xf32>
    %max3A_329 = arith.maximumf %select_n3A_313, %max3A_328 : vector<64x128xf32>
    %broadcast_in_dim3A_330 = vector.shape_cast %eq3A_327 : vector<64x1xi1> to vector<64x1xi1>
    %broadcast_in_dim3A_331 = vector.broadcast %broadcast_in_dim3A_330 : vector<64x1xi1> to vector<64x128xi1>
    %select_n3A_332 = arith.select %broadcast_in_dim3A_331, %max3A_329, %select_n3A_313 : vector<64x128xi1>, vector<64x128xf32>
    %eq3A_333 = arith.constant 16 : i32
    %eq3A_334 = vector.broadcast %eq3A_333 : i32 to vector<2000x1xi32>
    %eq3A_335 = arith.cmpi eq, %get3A_28, %eq3A_334 : vector<2000x1xi32>
    %jit3A_336 = arith.constant -1.000000e+30 : f32
    %broadcast_in_dim3A_337 = vector.shape_cast %eq3A_335 : vector<2000x1xi1> to vector<2000x1xi1>
    %broadcast_in_dim3A_338 = vector.broadcast %broadcast_in_dim3A_337 : vector<2000x1xi1> to vector<2000x128xi1>
    %broadcast_in_dim3A_339 = vector.broadcast %jit3A_336 : f32 to vector<2000x128xf32>
    %select_n3A_340 = arith.select %broadcast_in_dim3A_338, %get3A_3, %broadcast_in_dim3A_339 : vector<2000x128xi1>, vector<2000x128xf32>
    %reduce_max3A_341 = arith.constant dense<0xFF800000> : vector<128xf32>
    %reduce_max3A_342 = vector.multi_reduction <maximumf>, %select_n3A_340, %reduce_max3A_341 [0] : vector<2000x128xf32> to vector<128xf32>
    %broadcast_in_dim3A_343 = vector.shape_cast %reduce_max3A_342 : vector<128xf32> to vector<1x128xf32>
    %eq3A_344 = arith.constant 16 : i32
    %eq3A_345 = vector.broadcast %eq3A_344 : i32 to vector<64x1xi32>
    %eq3A_346 = arith.cmpi eq, %iota3A_32, %eq3A_345 : vector<64x1xi32>
    %max3A_347 = vector.broadcast %broadcast_in_dim3A_343 : vector<1x128xf32> to vector<64x128xf32>
    %max3A_348 = arith.maximumf %select_n3A_332, %max3A_347 : vector<64x128xf32>
    %broadcast_in_dim3A_349 = vector.shape_cast %eq3A_346 : vector<64x1xi1> to vector<64x1xi1>
    %broadcast_in_dim3A_350 = vector.broadcast %broadcast_in_dim3A_349 : vector<64x1xi1> to vector<64x128xi1>
    %select_n3A_351 = arith.select %broadcast_in_dim3A_350, %max3A_348, %select_n3A_332 : vector<64x128xi1>, vector<64x128xf32>
    %eq3A_352 = arith.constant 17 : i32
    %eq3A_353 = vector.broadcast %eq3A_352 : i32 to vector<2000x1xi32>
    %eq3A_354 = arith.cmpi eq, %get3A_28, %eq3A_353 : vector<2000x1xi32>
    %jit3A_355 = arith.constant -1.000000e+30 : f32
    %broadcast_in_dim3A_356 = vector.shape_cast %eq3A_354 : vector<2000x1xi1> to vector<2000x1xi1>
    %broadcast_in_dim3A_357 = vector.broadcast %broadcast_in_dim3A_356 : vector<2000x1xi1> to vector<2000x128xi1>
    %broadcast_in_dim3A_358 = vector.broadcast %jit3A_355 : f32 to vector<2000x128xf32>
    %select_n3A_359 = arith.select %broadcast_in_dim3A_357, %get3A_3, %broadcast_in_dim3A_358 : vector<2000x128xi1>, vector<2000x128xf32>
    %reduce_max3A_360 = arith.constant dense<0xFF800000> : vector<128xf32>
    %reduce_max3A_361 = vector.multi_reduction <maximumf>, %select_n3A_359, %reduce_max3A_360 [0] : vector<2000x128xf32> to vector<128xf32>
    %broadcast_in_dim3A_362 = vector.shape_cast %reduce_max3A_361 : vector<128xf32> to vector<1x128xf32>
    %eq3A_363 = arith.constant 17 : i32
    %eq3A_364 = vector.broadcast %eq3A_363 : i32 to vector<64x1xi32>
    %eq3A_365 = arith.cmpi eq, %iota3A_32, %eq3A_364 : vector<64x1xi32>
    %max3A_366 = vector.broadcast %broadcast_in_dim3A_362 : vector<1x128xf32> to vector<64x128xf32>
    %max3A_367 = arith.maximumf %select_n3A_351, %max3A_366 : vector<64x128xf32>
    %broadcast_in_dim3A_368 = vector.shape_cast %eq3A_365 : vector<64x1xi1> to vector<64x1xi1>
    %broadcast_in_dim3A_369 = vector.broadcast %broadcast_in_dim3A_368 : vector<64x1xi1> to vector<64x128xi1>
    %select_n3A_370 = arith.select %broadcast_in_dim3A_369, %max3A_367, %select_n3A_351 : vector<64x128xi1>, vector<64x128xf32>
    %eq3A_371 = arith.constant 18 : i32
    %eq3A_372 = vector.broadcast %eq3A_371 : i32 to vector<2000x1xi32>
    %eq3A_373 = arith.cmpi eq, %get3A_28, %eq3A_372 : vector<2000x1xi32>
    %jit3A_374 = arith.constant -1.000000e+30 : f32
    %broadcast_in_dim3A_375 = vector.shape_cast %eq3A_373 : vector<2000x1xi1> to vector<2000x1xi1>
    %broadcast_in_dim3A_376 = vector.broadcast %broadcast_in_dim3A_375 : vector<2000x1xi1> to vector<2000x128xi1>
    %broadcast_in_dim3A_377 = vector.broadcast %jit3A_374 : f32 to vector<2000x128xf32>
    %select_n3A_378 = arith.select %broadcast_in_dim3A_376, %get3A_3, %broadcast_in_dim3A_377 : vector<2000x128xi1>, vector<2000x128xf32>
    %reduce_max3A_379 = arith.constant dense<0xFF800000> : vector<128xf32>
    %reduce_max3A_380 = vector.multi_reduction <maximumf>, %select_n3A_378, %reduce_max3A_379 [0] : vector<2000x128xf32> to vector<128xf32>
    %broadcast_in_dim3A_381 = vector.shape_cast %reduce_max3A_380 : vector<128xf32> to vector<1x128xf32>
    %eq3A_382 = arith.constant 18 : i32
    %eq3A_383 = vector.broadcast %eq3A_382 : i32 to vector<64x1xi32>
    %eq3A_384 = arith.cmpi eq, %iota3A_32, %eq3A_383 : vector<64x1xi32>
    %max3A_385 = vector.broadcast %broadcast_in_dim3A_381 : vector<1x128xf32> to vector<64x128xf32>
    %max3A_386 = arith.maximumf %select_n3A_370, %max3A_385 : vector<64x128xf32>
    %broadcast_in_dim3A_387 = vector.shape_cast %eq3A_384 : vector<64x1xi1> to vector<64x1xi1>
    %broadcast_in_dim3A_388 = vector.broadcast %broadcast_in_dim3A_387 : vector<64x1xi1> to vector<64x128xi1>
    %select_n3A_389 = arith.select %broadcast_in_dim3A_388, %max3A_386, %select_n3A_370 : vector<64x128xi1>, vector<64x128xf32>
    %eq3A_390 = arith.constant 19 : i32
    %eq3A_391 = vector.broadcast %eq3A_390 : i32 to vector<2000x1xi32>
    %eq3A_392 = arith.cmpi eq, %get3A_28, %eq3A_391 : vector<2000x1xi32>
    %jit3A_393 = arith.constant -1.000000e+30 : f32
    %broadcast_in_dim3A_394 = vector.shape_cast %eq3A_392 : vector<2000x1xi1> to vector<2000x1xi1>
    %broadcast_in_dim3A_395 = vector.broadcast %broadcast_in_dim3A_394 : vector<2000x1xi1> to vector<2000x128xi1>
    %broadcast_in_dim3A_396 = vector.broadcast %jit3A_393 : f32 to vector<2000x128xf32>
    %select_n3A_397 = arith.select %broadcast_in_dim3A_395, %get3A_3, %broadcast_in_dim3A_396 : vector<2000x128xi1>, vector<2000x128xf32>
    %reduce_max3A_398 = arith.constant dense<0xFF800000> : vector<128xf32>
    %reduce_max3A_399 = vector.multi_reduction <maximumf>, %select_n3A_397, %reduce_max3A_398 [0] : vector<2000x128xf32> to vector<128xf32>
    %broadcast_in_dim3A_400 = vector.shape_cast %reduce_max3A_399 : vector<128xf32> to vector<1x128xf32>
    %eq3A_401 = arith.constant 19 : i32
    %eq3A_402 = vector.broadcast %eq3A_401 : i32 to vector<64x1xi32>
    %eq3A_403 = arith.cmpi eq, %iota3A_32, %eq3A_402 : vector<64x1xi32>
    %max3A_404 = vector.broadcast %broadcast_in_dim3A_400 : vector<1x128xf32> to vector<64x128xf32>
    %max3A_405 = arith.maximumf %select_n3A_389, %max3A_404 : vector<64x128xf32>
    %broadcast_in_dim3A_406 = vector.shape_cast %eq3A_403 : vector<64x1xi1> to vector<64x1xi1>
    %broadcast_in_dim3A_407 = vector.broadcast %broadcast_in_dim3A_406 : vector<64x1xi1> to vector<64x128xi1>
    %select_n3A_408 = arith.select %broadcast_in_dim3A_407, %max3A_405, %select_n3A_389 : vector<64x128xi1>, vector<64x128xf32>
    %eq3A_409 = arith.constant 20 : i32
    %eq3A_410 = vector.broadcast %eq3A_409 : i32 to vector<2000x1xi32>
    %eq3A_411 = arith.cmpi eq, %get3A_28, %eq3A_410 : vector<2000x1xi32>
    %jit3A_412 = arith.constant -1.000000e+30 : f32
    %broadcast_in_dim3A_413 = vector.shape_cast %eq3A_411 : vector<2000x1xi1> to vector<2000x1xi1>
    %broadcast_in_dim3A_414 = vector.broadcast %broadcast_in_dim3A_413 : vector<2000x1xi1> to vector<2000x128xi1>
    %broadcast_in_dim3A_415 = vector.broadcast %jit3A_412 : f32 to vector<2000x128xf32>
    %select_n3A_416 = arith.select %broadcast_in_dim3A_414, %get3A_3, %broadcast_in_dim3A_415 : vector<2000x128xi1>, vector<2000x128xf32>
    %reduce_max3A_417 = arith.constant dense<0xFF800000> : vector<128xf32>
    %reduce_max3A_418 = vector.multi_reduction <maximumf>, %select_n3A_416, %reduce_max3A_417 [0] : vector<2000x128xf32> to vector<128xf32>
    %broadcast_in_dim3A_419 = vector.shape_cast %reduce_max3A_418 : vector<128xf32> to vector<1x128xf32>
    %eq3A_420 = arith.constant 20 : i32
    %eq3A_421 = vector.broadcast %eq3A_420 : i32 to vector<64x1xi32>
    %eq3A_422 = arith.cmpi eq, %iota3A_32, %eq3A_421 : vector<64x1xi32>
    %max3A_423 = vector.broadcast %broadcast_in_dim3A_419 : vector<1x128xf32> to vector<64x128xf32>
    %max3A_424 = arith.maximumf %select_n3A_408, %max3A_423 : vector<64x128xf32>
    %broadcast_in_dim3A_425 = vector.shape_cast %eq3A_422 : vector<64x1xi1> to vector<64x1xi1>
    %broadcast_in_dim3A_426 = vector.broadcast %broadcast_in_dim3A_425 : vector<64x1xi1> to vector<64x128xi1>
    %select_n3A_427 = arith.select %broadcast_in_dim3A_426, %max3A_424, %select_n3A_408 : vector<64x128xi1>, vector<64x128xf32>
    %eq3A_428 = arith.constant 21 : i32
    %eq3A_429 = vector.broadcast %eq3A_428 : i32 to vector<2000x1xi32>
    %eq3A_430 = arith.cmpi eq, %get3A_28, %eq3A_429 : vector<2000x1xi32>
    %jit3A_431 = arith.constant -1.000000e+30 : f32
    %broadcast_in_dim3A_432 = vector.shape_cast %eq3A_430 : vector<2000x1xi1> to vector<2000x1xi1>
    %broadcast_in_dim3A_433 = vector.broadcast %broadcast_in_dim3A_432 : vector<2000x1xi1> to vector<2000x128xi1>
    %broadcast_in_dim3A_434 = vector.broadcast %jit3A_431 : f32 to vector<2000x128xf32>
    %select_n3A_435 = arith.select %broadcast_in_dim3A_433, %get3A_3, %broadcast_in_dim3A_434 : vector<2000x128xi1>, vector<2000x128xf32>
    %reduce_max3A_436 = arith.constant dense<0xFF800000> : vector<128xf32>
    %reduce_max3A_437 = vector.multi_reduction <maximumf>, %select_n3A_435, %reduce_max3A_436 [0] : vector<2000x128xf32> to vector<128xf32>
    %broadcast_in_dim3A_438 = vector.shape_cast %reduce_max3A_437 : vector<128xf32> to vector<1x128xf32>
    %eq3A_439 = arith.constant 21 : i32
    %eq3A_440 = vector.broadcast %eq3A_439 : i32 to vector<64x1xi32>
    %eq3A_441 = arith.cmpi eq, %iota3A_32, %eq3A_440 : vector<64x1xi32>
    %max3A_442 = vector.broadcast %broadcast_in_dim3A_438 : vector<1x128xf32> to vector<64x128xf32>
    %max3A_443 = arith.maximumf %select_n3A_427, %max3A_442 : vector<64x128xf32>
    %broadcast_in_dim3A_444 = vector.shape_cast %eq3A_441 : vector<64x1xi1> to vector<64x1xi1>
    %broadcast_in_dim3A_445 = vector.broadcast %broadcast_in_dim3A_444 : vector<64x1xi1> to vector<64x128xi1>
    %select_n3A_446 = arith.select %broadcast_in_dim3A_445, %max3A_443, %select_n3A_427 : vector<64x128xi1>, vector<64x128xf32>
    %eq3A_447 = arith.constant 22 : i32
    %eq3A_448 = vector.broadcast %eq3A_447 : i32 to vector<2000x1xi32>
    %eq3A_449 = arith.cmpi eq, %get3A_28, %eq3A_448 : vector<2000x1xi32>
    %jit3A_450 = arith.constant -1.000000e+30 : f32
    %broadcast_in_dim3A_451 = vector.shape_cast %eq3A_449 : vector<2000x1xi1> to vector<2000x1xi1>
    %broadcast_in_dim3A_452 = vector.broadcast %broadcast_in_dim3A_451 : vector<2000x1xi1> to vector<2000x128xi1>
    %broadcast_in_dim3A_453 = vector.broadcast %jit3A_450 : f32 to vector<2000x128xf32>
    %select_n3A_454 = arith.select %broadcast_in_dim3A_452, %get3A_3, %broadcast_in_dim3A_453 : vector<2000x128xi1>, vector<2000x128xf32>
    %reduce_max3A_455 = arith.constant dense<0xFF800000> : vector<128xf32>
    %reduce_max3A_456 = vector.multi_reduction <maximumf>, %select_n3A_454, %reduce_max3A_455 [0] : vector<2000x128xf32> to vector<128xf32>
    %broadcast_in_dim3A_457 = vector.shape_cast %reduce_max3A_456 : vector<128xf32> to vector<1x128xf32>
    %eq3A_458 = arith.constant 22 : i32
    %eq3A_459 = vector.broadcast %eq3A_458 : i32 to vector<64x1xi32>
    %eq3A_460 = arith.cmpi eq, %iota3A_32, %eq3A_459 : vector<64x1xi32>
    %max3A_461 = vector.broadcast %broadcast_in_dim3A_457 : vector<1x128xf32> to vector<64x128xf32>
    %max3A_462 = arith.maximumf %select_n3A_446, %max3A_461 : vector<64x128xf32>
    %broadcast_in_dim3A_463 = vector.shape_cast %eq3A_460 : vector<64x1xi1> to vector<64x1xi1>
    %broadcast_in_dim3A_464 = vector.broadcast %broadcast_in_dim3A_463 : vector<64x1xi1> to vector<64x128xi1>
    %select_n3A_465 = arith.select %broadcast_in_dim3A_464, %max3A_462, %select_n3A_446 : vector<64x128xi1>, vector<64x128xf32>
    %eq3A_466 = arith.constant 23 : i32
    %eq3A_467 = vector.broadcast %eq3A_466 : i32 to vector<2000x1xi32>
    %eq3A_468 = arith.cmpi eq, %get3A_28, %eq3A_467 : vector<2000x1xi32>
    %jit3A_469 = arith.constant -1.000000e+30 : f32
    %broadcast_in_dim3A_470 = vector.shape_cast %eq3A_468 : vector<2000x1xi1> to vector<2000x1xi1>
    %broadcast_in_dim3A_471 = vector.broadcast %broadcast_in_dim3A_470 : vector<2000x1xi1> to vector<2000x128xi1>
    %broadcast_in_dim3A_472 = vector.broadcast %jit3A_469 : f32 to vector<2000x128xf32>
    %select_n3A_473 = arith.select %broadcast_in_dim3A_471, %get3A_3, %broadcast_in_dim3A_472 : vector<2000x128xi1>, vector<2000x128xf32>
    %reduce_max3A_474 = arith.constant dense<0xFF800000> : vector<128xf32>
    %reduce_max3A_475 = vector.multi_reduction <maximumf>, %select_n3A_473, %reduce_max3A_474 [0] : vector<2000x128xf32> to vector<128xf32>
    %broadcast_in_dim3A_476 = vector.shape_cast %reduce_max3A_475 : vector<128xf32> to vector<1x128xf32>
    %eq3A_477 = arith.constant 23 : i32
    %eq3A_478 = vector.broadcast %eq3A_477 : i32 to vector<64x1xi32>
    %eq3A_479 = arith.cmpi eq, %iota3A_32, %eq3A_478 : vector<64x1xi32>
    %max3A_480 = vector.broadcast %broadcast_in_dim3A_476 : vector<1x128xf32> to vector<64x128xf32>
    %max3A_481 = arith.maximumf %select_n3A_465, %max3A_480 : vector<64x128xf32>
    %broadcast_in_dim3A_482 = vector.shape_cast %eq3A_479 : vector<64x1xi1> to vector<64x1xi1>
    %broadcast_in_dim3A_483 = vector.broadcast %broadcast_in_dim3A_482 : vector<64x1xi1> to vector<64x128xi1>
    %select_n3A_484 = arith.select %broadcast_in_dim3A_483, %max3A_481, %select_n3A_465 : vector<64x128xi1>, vector<64x128xf32>
    %eq3A_485 = arith.constant 24 : i32
    %eq3A_486 = vector.broadcast %eq3A_485 : i32 to vector<2000x1xi32>
    %eq3A_487 = arith.cmpi eq, %get3A_28, %eq3A_486 : vector<2000x1xi32>
    %jit3A_488 = arith.constant -1.000000e+30 : f32
    %broadcast_in_dim3A_489 = vector.shape_cast %eq3A_487 : vector<2000x1xi1> to vector<2000x1xi1>
    %broadcast_in_dim3A_490 = vector.broadcast %broadcast_in_dim3A_489 : vector<2000x1xi1> to vector<2000x128xi1>
    %broadcast_in_dim3A_491 = vector.broadcast %jit3A_488 : f32 to vector<2000x128xf32>
    %select_n3A_492 = arith.select %broadcast_in_dim3A_490, %get3A_3, %broadcast_in_dim3A_491 : vector<2000x128xi1>, vector<2000x128xf32>
    %reduce_max3A_493 = arith.constant dense<0xFF800000> : vector<128xf32>
    %reduce_max3A_494 = vector.multi_reduction <maximumf>, %select_n3A_492, %reduce_max3A_493 [0] : vector<2000x128xf32> to vector<128xf32>
    %broadcast_in_dim3A_495 = vector.shape_cast %reduce_max3A_494 : vector<128xf32> to vector<1x128xf32>
    %eq3A_496 = arith.constant 24 : i32
    %eq3A_497 = vector.broadcast %eq3A_496 : i32 to vector<64x1xi32>
    %eq3A_498 = arith.cmpi eq, %iota3A_32, %eq3A_497 : vector<64x1xi32>
    %max3A_499 = vector.broadcast %broadcast_in_dim3A_495 : vector<1x128xf32> to vector<64x128xf32>
    %max3A_500 = arith.maximumf %select_n3A_484, %max3A_499 : vector<64x128xf32>
    %broadcast_in_dim3A_501 = vector.shape_cast %eq3A_498 : vector<64x1xi1> to vector<64x1xi1>
    %broadcast_in_dim3A_502 = vector.broadcast %broadcast_in_dim3A_501 : vector<64x1xi1> to vector<64x128xi1>
    %select_n3A_503 = arith.select %broadcast_in_dim3A_502, %max3A_500, %select_n3A_484 : vector<64x128xi1>, vector<64x128xf32>
    %eq3A_504 = arith.constant 25 : i32
    %eq3A_505 = vector.broadcast %eq3A_504 : i32 to vector<2000x1xi32>
    %eq3A_506 = arith.cmpi eq, %get3A_28, %eq3A_505 : vector<2000x1xi32>
    %jit3A_507 = arith.constant -1.000000e+30 : f32
    %broadcast_in_dim3A_508 = vector.shape_cast %eq3A_506 : vector<2000x1xi1> to vector<2000x1xi1>
    %broadcast_in_dim3A_509 = vector.broadcast %broadcast_in_dim3A_508 : vector<2000x1xi1> to vector<2000x128xi1>
    %broadcast_in_dim3A_510 = vector.broadcast %jit3A_507 : f32 to vector<2000x128xf32>
    %select_n3A_511 = arith.select %broadcast_in_dim3A_509, %get3A_3, %broadcast_in_dim3A_510 : vector<2000x128xi1>, vector<2000x128xf32>
    %reduce_max3A_512 = arith.constant dense<0xFF800000> : vector<128xf32>
    %reduce_max3A_513 = vector.multi_reduction <maximumf>, %select_n3A_511, %reduce_max3A_512 [0] : vector<2000x128xf32> to vector<128xf32>
    %broadcast_in_dim3A_514 = vector.shape_cast %reduce_max3A_513 : vector<128xf32> to vector<1x128xf32>
    %eq3A_515 = arith.constant 25 : i32
    %eq3A_516 = vector.broadcast %eq3A_515 : i32 to vector<64x1xi32>
    %eq3A_517 = arith.cmpi eq, %iota3A_32, %eq3A_516 : vector<64x1xi32>
    %max3A_518 = vector.broadcast %broadcast_in_dim3A_514 : vector<1x128xf32> to vector<64x128xf32>
    %max3A_519 = arith.maximumf %select_n3A_503, %max3A_518 : vector<64x128xf32>
    %broadcast_in_dim3A_520 = vector.shape_cast %eq3A_517 : vector<64x1xi1> to vector<64x1xi1>
    %broadcast_in_dim3A_521 = vector.broadcast %broadcast_in_dim3A_520 : vector<64x1xi1> to vector<64x128xi1>
    %select_n3A_522 = arith.select %broadcast_in_dim3A_521, %max3A_519, %select_n3A_503 : vector<64x128xi1>, vector<64x128xf32>
    %eq3A_523 = arith.constant 26 : i32
    %eq3A_524 = vector.broadcast %eq3A_523 : i32 to vector<2000x1xi32>
    %eq3A_525 = arith.cmpi eq, %get3A_28, %eq3A_524 : vector<2000x1xi32>
    %jit3A_526 = arith.constant -1.000000e+30 : f32
    %broadcast_in_dim3A_527 = vector.shape_cast %eq3A_525 : vector<2000x1xi1> to vector<2000x1xi1>
    %broadcast_in_dim3A_528 = vector.broadcast %broadcast_in_dim3A_527 : vector<2000x1xi1> to vector<2000x128xi1>
    %broadcast_in_dim3A_529 = vector.broadcast %jit3A_526 : f32 to vector<2000x128xf32>
    %select_n3A_530 = arith.select %broadcast_in_dim3A_528, %get3A_3, %broadcast_in_dim3A_529 : vector<2000x128xi1>, vector<2000x128xf32>
    %reduce_max3A_531 = arith.constant dense<0xFF800000> : vector<128xf32>
    %reduce_max3A_532 = vector.multi_reduction <maximumf>, %select_n3A_530, %reduce_max3A_531 [0] : vector<2000x128xf32> to vector<128xf32>
    %broadcast_in_dim3A_533 = vector.shape_cast %reduce_max3A_532 : vector<128xf32> to vector<1x128xf32>
    %eq3A_534 = arith.constant 26 : i32
    %eq3A_535 = vector.broadcast %eq3A_534 : i32 to vector<64x1xi32>
    %eq3A_536 = arith.cmpi eq, %iota3A_32, %eq3A_535 : vector<64x1xi32>
    %max3A_537 = vector.broadcast %broadcast_in_dim3A_533 : vector<1x128xf32> to vector<64x128xf32>
    %max3A_538 = arith.maximumf %select_n3A_522, %max3A_537 : vector<64x128xf32>
    %broadcast_in_dim3A_539 = vector.shape_cast %eq3A_536 : vector<64x1xi1> to vector<64x1xi1>
    %broadcast_in_dim3A_540 = vector.broadcast %broadcast_in_dim3A_539 : vector<64x1xi1> to vector<64x128xi1>
    %select_n3A_541 = arith.select %broadcast_in_dim3A_540, %max3A_538, %select_n3A_522 : vector<64x128xi1>, vector<64x128xf32>
    %eq3A_542 = arith.constant 27 : i32
    %eq3A_543 = vector.broadcast %eq3A_542 : i32 to vector<2000x1xi32>
    %eq3A_544 = arith.cmpi eq, %get3A_28, %eq3A_543 : vector<2000x1xi32>
    %jit3A_545 = arith.constant -1.000000e+30 : f32
    %broadcast_in_dim3A_546 = vector.shape_cast %eq3A_544 : vector<2000x1xi1> to vector<2000x1xi1>
    %broadcast_in_dim3A_547 = vector.broadcast %broadcast_in_dim3A_546 : vector<2000x1xi1> to vector<2000x128xi1>
    %broadcast_in_dim3A_548 = vector.broadcast %jit3A_545 : f32 to vector<2000x128xf32>
    %select_n3A_549 = arith.select %broadcast_in_dim3A_547, %get3A_3, %broadcast_in_dim3A_548 : vector<2000x128xi1>, vector<2000x128xf32>
    %reduce_max3A_550 = arith.constant dense<0xFF800000> : vector<128xf32>
    %reduce_max3A_551 = vector.multi_reduction <maximumf>, %select_n3A_549, %reduce_max3A_550 [0] : vector<2000x128xf32> to vector<128xf32>
    %broadcast_in_dim3A_552 = vector.shape_cast %reduce_max3A_551 : vector<128xf32> to vector<1x128xf32>
    %eq3A_553 = arith.constant 27 : i32
    %eq3A_554 = vector.broadcast %eq3A_553 : i32 to vector<64x1xi32>
    %eq3A_555 = arith.cmpi eq, %iota3A_32, %eq3A_554 : vector<64x1xi32>
    %max3A_556 = vector.broadcast %broadcast_in_dim3A_552 : vector<1x128xf32> to vector<64x128xf32>
    %max3A_557 = arith.maximumf %select_n3A_541, %max3A_556 : vector<64x128xf32>
    %broadcast_in_dim3A_558 = vector.shape_cast %eq3A_555 : vector<64x1xi1> to vector<64x1xi1>
    %broadcast_in_dim3A_559 = vector.broadcast %broadcast_in_dim3A_558 : vector<64x1xi1> to vector<64x128xi1>
    %select_n3A_560 = arith.select %broadcast_in_dim3A_559, %max3A_557, %select_n3A_541 : vector<64x128xi1>, vector<64x128xf32>
    %eq3A_561 = arith.constant 28 : i32
    %eq3A_562 = vector.broadcast %eq3A_561 : i32 to vector<2000x1xi32>
    %eq3A_563 = arith.cmpi eq, %get3A_28, %eq3A_562 : vector<2000x1xi32>
    %jit3A_564 = arith.constant -1.000000e+30 : f32
    %broadcast_in_dim3A_565 = vector.shape_cast %eq3A_563 : vector<2000x1xi1> to vector<2000x1xi1>
    %broadcast_in_dim3A_566 = vector.broadcast %broadcast_in_dim3A_565 : vector<2000x1xi1> to vector<2000x128xi1>
    %broadcast_in_dim3A_567 = vector.broadcast %jit3A_564 : f32 to vector<2000x128xf32>
    %select_n3A_568 = arith.select %broadcast_in_dim3A_566, %get3A_3, %broadcast_in_dim3A_567 : vector<2000x128xi1>, vector<2000x128xf32>
    %reduce_max3A_569 = arith.constant dense<0xFF800000> : vector<128xf32>
    %reduce_max3A_570 = vector.multi_reduction <maximumf>, %select_n3A_568, %reduce_max3A_569 [0] : vector<2000x128xf32> to vector<128xf32>
    %broadcast_in_dim3A_571 = vector.shape_cast %reduce_max3A_570 : vector<128xf32> to vector<1x128xf32>
    %eq3A_572 = arith.constant 28 : i32
    %eq3A_573 = vector.broadcast %eq3A_572 : i32 to vector<64x1xi32>
    %eq3A_574 = arith.cmpi eq, %iota3A_32, %eq3A_573 : vector<64x1xi32>
    %max3A_575 = vector.broadcast %broadcast_in_dim3A_571 : vector<1x128xf32> to vector<64x128xf32>
    %max3A_576 = arith.maximumf %select_n3A_560, %max3A_575 : vector<64x128xf32>
    %broadcast_in_dim3A_577 = vector.shape_cast %eq3A_574 : vector<64x1xi1> to vector<64x1xi1>
    %broadcast_in_dim3A_578 = vector.broadcast %broadcast_in_dim3A_577 : vector<64x1xi1> to vector<64x128xi1>
    %select_n3A_579 = arith.select %broadcast_in_dim3A_578, %max3A_576, %select_n3A_560 : vector<64x128xi1>, vector<64x128xf32>
    %eq3A_580 = arith.constant 29 : i32
    %eq3A_581 = vector.broadcast %eq3A_580 : i32 to vector<2000x1xi32>
    %eq3A_582 = arith.cmpi eq, %get3A_28, %eq3A_581 : vector<2000x1xi32>
    %jit3A_583 = arith.constant -1.000000e+30 : f32
    %broadcast_in_dim3A_584 = vector.shape_cast %eq3A_582 : vector<2000x1xi1> to vector<2000x1xi1>
    %broadcast_in_dim3A_585 = vector.broadcast %broadcast_in_dim3A_584 : vector<2000x1xi1> to vector<2000x128xi1>
    %broadcast_in_dim3A_586 = vector.broadcast %jit3A_583 : f32 to vector<2000x128xf32>
    %select_n3A_587 = arith.select %broadcast_in_dim3A_585, %get3A_3, %broadcast_in_dim3A_586 : vector<2000x128xi1>, vector<2000x128xf32>
    %reduce_max3A_588 = arith.constant dense<0xFF800000> : vector<128xf32>
    %reduce_max3A_589 = vector.multi_reduction <maximumf>, %select_n3A_587, %reduce_max3A_588 [0] : vector<2000x128xf32> to vector<128xf32>
    %broadcast_in_dim3A_590 = vector.shape_cast %reduce_max3A_589 : vector<128xf32> to vector<1x128xf32>
    %eq3A_591 = arith.constant 29 : i32
    %eq3A_592 = vector.broadcast %eq3A_591 : i32 to vector<64x1xi32>
    %eq3A_593 = arith.cmpi eq, %iota3A_32, %eq3A_592 : vector<64x1xi32>
    %max3A_594 = vector.broadcast %broadcast_in_dim3A_590 : vector<1x128xf32> to vector<64x128xf32>
    %max3A_595 = arith.maximumf %select_n3A_579, %max3A_594 : vector<64x128xf32>
    %broadcast_in_dim3A_596 = vector.shape_cast %eq3A_593 : vector<64x1xi1> to vector<64x1xi1>
    %broadcast_in_dim3A_597 = vector.broadcast %broadcast_in_dim3A_596 : vector<64x1xi1> to vector<64x128xi1>
    %select_n3A_598 = arith.select %broadcast_in_dim3A_597, %max3A_595, %select_n3A_579 : vector<64x128xi1>, vector<64x128xf32>
    %eq3A_599 = arith.constant 30 : i32
    %eq3A_600 = vector.broadcast %eq3A_599 : i32 to vector<2000x1xi32>
    %eq3A_601 = arith.cmpi eq, %get3A_28, %eq3A_600 : vector<2000x1xi32>
    %jit3A_602 = arith.constant -1.000000e+30 : f32
    %broadcast_in_dim3A_603 = vector.shape_cast %eq3A_601 : vector<2000x1xi1> to vector<2000x1xi1>
    %broadcast_in_dim3A_604 = vector.broadcast %broadcast_in_dim3A_603 : vector<2000x1xi1> to vector<2000x128xi1>
    %broadcast_in_dim3A_605 = vector.broadcast %jit3A_602 : f32 to vector<2000x128xf32>
    %select_n3A_606 = arith.select %broadcast_in_dim3A_604, %get3A_3, %broadcast_in_dim3A_605 : vector<2000x128xi1>, vector<2000x128xf32>
    %reduce_max3A_607 = arith.constant dense<0xFF800000> : vector<128xf32>
    %reduce_max3A_608 = vector.multi_reduction <maximumf>, %select_n3A_606, %reduce_max3A_607 [0] : vector<2000x128xf32> to vector<128xf32>
    %broadcast_in_dim3A_609 = vector.shape_cast %reduce_max3A_608 : vector<128xf32> to vector<1x128xf32>
    %eq3A_610 = arith.constant 30 : i32
    %eq3A_611 = vector.broadcast %eq3A_610 : i32 to vector<64x1xi32>
    %eq3A_612 = arith.cmpi eq, %iota3A_32, %eq3A_611 : vector<64x1xi32>
    %max3A_613 = vector.broadcast %broadcast_in_dim3A_609 : vector<1x128xf32> to vector<64x128xf32>
    %max3A_614 = arith.maximumf %select_n3A_598, %max3A_613 : vector<64x128xf32>
    %broadcast_in_dim3A_615 = vector.shape_cast %eq3A_612 : vector<64x1xi1> to vector<64x1xi1>
    %broadcast_in_dim3A_616 = vector.broadcast %broadcast_in_dim3A_615 : vector<64x1xi1> to vector<64x128xi1>
    %select_n3A_617 = arith.select %broadcast_in_dim3A_616, %max3A_614, %select_n3A_598 : vector<64x128xi1>, vector<64x128xf32>
    %eq3A_618 = arith.constant 31 : i32
    %eq3A_619 = vector.broadcast %eq3A_618 : i32 to vector<2000x1xi32>
    %eq3A_620 = arith.cmpi eq, %get3A_28, %eq3A_619 : vector<2000x1xi32>
    %jit3A_621 = arith.constant -1.000000e+30 : f32
    %broadcast_in_dim3A_622 = vector.shape_cast %eq3A_620 : vector<2000x1xi1> to vector<2000x1xi1>
    %broadcast_in_dim3A_623 = vector.broadcast %broadcast_in_dim3A_622 : vector<2000x1xi1> to vector<2000x128xi1>
    %broadcast_in_dim3A_624 = vector.broadcast %jit3A_621 : f32 to vector<2000x128xf32>
    %select_n3A_625 = arith.select %broadcast_in_dim3A_623, %get3A_3, %broadcast_in_dim3A_624 : vector<2000x128xi1>, vector<2000x128xf32>
    %reduce_max3A_626 = arith.constant dense<0xFF800000> : vector<128xf32>
    %reduce_max3A_627 = vector.multi_reduction <maximumf>, %select_n3A_625, %reduce_max3A_626 [0] : vector<2000x128xf32> to vector<128xf32>
    %broadcast_in_dim3A_628 = vector.shape_cast %reduce_max3A_627 : vector<128xf32> to vector<1x128xf32>
    %eq3A_629 = arith.constant 31 : i32
    %eq3A_630 = vector.broadcast %eq3A_629 : i32 to vector<64x1xi32>
    %eq3A_631 = arith.cmpi eq, %iota3A_32, %eq3A_630 : vector<64x1xi32>
    %max3A_632 = vector.broadcast %broadcast_in_dim3A_628 : vector<1x128xf32> to vector<64x128xf32>
    %max3A_633 = arith.maximumf %select_n3A_617, %max3A_632 : vector<64x128xf32>
    %broadcast_in_dim3A_634 = vector.shape_cast %eq3A_631 : vector<64x1xi1> to vector<64x1xi1>
    %broadcast_in_dim3A_635 = vector.broadcast %broadcast_in_dim3A_634 : vector<64x1xi1> to vector<64x128xi1>
    %select_n3A_636 = arith.select %broadcast_in_dim3A_635, %max3A_633, %select_n3A_617 : vector<64x128xi1>, vector<64x128xf32>
    %eq3A_637 = arith.constant 32 : i32
    %eq3A_638 = vector.broadcast %eq3A_637 : i32 to vector<2000x1xi32>
    %eq3A_639 = arith.cmpi eq, %get3A_28, %eq3A_638 : vector<2000x1xi32>
    %jit3A_640 = arith.constant -1.000000e+30 : f32
    %broadcast_in_dim3A_641 = vector.shape_cast %eq3A_639 : vector<2000x1xi1> to vector<2000x1xi1>
    %broadcast_in_dim3A_642 = vector.broadcast %broadcast_in_dim3A_641 : vector<2000x1xi1> to vector<2000x128xi1>
    %broadcast_in_dim3A_643 = vector.broadcast %jit3A_640 : f32 to vector<2000x128xf32>
    %select_n3A_644 = arith.select %broadcast_in_dim3A_642, %get3A_3, %broadcast_in_dim3A_643 : vector<2000x128xi1>, vector<2000x128xf32>
    %reduce_max3A_645 = arith.constant dense<0xFF800000> : vector<128xf32>
    %reduce_max3A_646 = vector.multi_reduction <maximumf>, %select_n3A_644, %reduce_max3A_645 [0] : vector<2000x128xf32> to vector<128xf32>
    %broadcast_in_dim3A_647 = vector.shape_cast %reduce_max3A_646 : vector<128xf32> to vector<1x128xf32>
    %eq3A_648 = arith.constant 32 : i32
    %eq3A_649 = vector.broadcast %eq3A_648 : i32 to vector<64x1xi32>
    %eq3A_650 = arith.cmpi eq, %iota3A_32, %eq3A_649 : vector<64x1xi32>
    %max3A_651 = vector.broadcast %broadcast_in_dim3A_647 : vector<1x128xf32> to vector<64x128xf32>
    %max3A_652 = arith.maximumf %select_n3A_636, %max3A_651 : vector<64x128xf32>
    %broadcast_in_dim3A_653 = vector.shape_cast %eq3A_650 : vector<64x1xi1> to vector<64x1xi1>
    %broadcast_in_dim3A_654 = vector.broadcast %broadcast_in_dim3A_653 : vector<64x1xi1> to vector<64x128xi1>
    %select_n3A_655 = arith.select %broadcast_in_dim3A_654, %max3A_652, %select_n3A_636 : vector<64x128xi1>, vector<64x128xf32>
    %eq3A_656 = arith.constant 33 : i32
    %eq3A_657 = vector.broadcast %eq3A_656 : i32 to vector<2000x1xi32>
    %eq3A_658 = arith.cmpi eq, %get3A_28, %eq3A_657 : vector<2000x1xi32>
    %jit3A_659 = arith.constant -1.000000e+30 : f32
    %broadcast_in_dim3A_660 = vector.shape_cast %eq3A_658 : vector<2000x1xi1> to vector<2000x1xi1>
    %broadcast_in_dim3A_661 = vector.broadcast %broadcast_in_dim3A_660 : vector<2000x1xi1> to vector<2000x128xi1>
    %broadcast_in_dim3A_662 = vector.broadcast %jit3A_659 : f32 to vector<2000x128xf32>
    %select_n3A_663 = arith.select %broadcast_in_dim3A_661, %get3A_3, %broadcast_in_dim3A_662 : vector<2000x128xi1>, vector<2000x128xf32>
    %reduce_max3A_664 = arith.constant dense<0xFF800000> : vector<128xf32>
    %reduce_max3A_665 = vector.multi_reduction <maximumf>, %select_n3A_663, %reduce_max3A_664 [0] : vector<2000x128xf32> to vector<128xf32>
    %broadcast_in_dim3A_666 = vector.shape_cast %reduce_max3A_665 : vector<128xf32> to vector<1x128xf32>
    %eq3A_667 = arith.constant 33 : i32
    %eq3A_668 = vector.broadcast %eq3A_667 : i32 to vector<64x1xi32>
    %eq3A_669 = arith.cmpi eq, %iota3A_32, %eq3A_668 : vector<64x1xi32>
    %max3A_670 = vector.broadcast %broadcast_in_dim3A_666 : vector<1x128xf32> to vector<64x128xf32>
    %max3A_671 = arith.maximumf %select_n3A_655, %max3A_670 : vector<64x128xf32>
    %broadcast_in_dim3A_672 = vector.shape_cast %eq3A_669 : vector<64x1xi1> to vector<64x1xi1>
    %broadcast_in_dim3A_673 = vector.broadcast %broadcast_in_dim3A_672 : vector<64x1xi1> to vector<64x128xi1>
    %select_n3A_674 = arith.select %broadcast_in_dim3A_673, %max3A_671, %select_n3A_655 : vector<64x128xi1>, vector<64x128xf32>
    %eq3A_675 = arith.constant 34 : i32
    %eq3A_676 = vector.broadcast %eq3A_675 : i32 to vector<2000x1xi32>
    %eq3A_677 = arith.cmpi eq, %get3A_28, %eq3A_676 : vector<2000x1xi32>
    %jit3A_678 = arith.constant -1.000000e+30 : f32
    %broadcast_in_dim3A_679 = vector.shape_cast %eq3A_677 : vector<2000x1xi1> to vector<2000x1xi1>
    %broadcast_in_dim3A_680 = vector.broadcast %broadcast_in_dim3A_679 : vector<2000x1xi1> to vector<2000x128xi1>
    %broadcast_in_dim3A_681 = vector.broadcast %jit3A_678 : f32 to vector<2000x128xf32>
    %select_n3A_682 = arith.select %broadcast_in_dim3A_680, %get3A_3, %broadcast_in_dim3A_681 : vector<2000x128xi1>, vector<2000x128xf32>
    %reduce_max3A_683 = arith.constant dense<0xFF800000> : vector<128xf32>
    %reduce_max3A_684 = vector.multi_reduction <maximumf>, %select_n3A_682, %reduce_max3A_683 [0] : vector<2000x128xf32> to vector<128xf32>
    %broadcast_in_dim3A_685 = vector.shape_cast %reduce_max3A_684 : vector<128xf32> to vector<1x128xf32>
    %eq3A_686 = arith.constant 34 : i32
    %eq3A_687 = vector.broadcast %eq3A_686 : i32 to vector<64x1xi32>
    %eq3A_688 = arith.cmpi eq, %iota3A_32, %eq3A_687 : vector<64x1xi32>
    %max3A_689 = vector.broadcast %broadcast_in_dim3A_685 : vector<1x128xf32> to vector<64x128xf32>
    %max3A_690 = arith.maximumf %select_n3A_674, %max3A_689 : vector<64x128xf32>
    %broadcast_in_dim3A_691 = vector.shape_cast %eq3A_688 : vector<64x1xi1> to vector<64x1xi1>
    %broadcast_in_dim3A_692 = vector.broadcast %broadcast_in_dim3A_691 : vector<64x1xi1> to vector<64x128xi1>
    %select_n3A_693 = arith.select %broadcast_in_dim3A_692, %max3A_690, %select_n3A_674 : vector<64x128xi1>, vector<64x128xf32>
    %eq3A_694 = arith.constant 35 : i32
    %eq3A_695 = vector.broadcast %eq3A_694 : i32 to vector<2000x1xi32>
    %eq3A_696 = arith.cmpi eq, %get3A_28, %eq3A_695 : vector<2000x1xi32>
    %jit3A_697 = arith.constant -1.000000e+30 : f32
    %broadcast_in_dim3A_698 = vector.shape_cast %eq3A_696 : vector<2000x1xi1> to vector<2000x1xi1>
    %broadcast_in_dim3A_699 = vector.broadcast %broadcast_in_dim3A_698 : vector<2000x1xi1> to vector<2000x128xi1>
    %broadcast_in_dim3A_700 = vector.broadcast %jit3A_697 : f32 to vector<2000x128xf32>
    %select_n3A_701 = arith.select %broadcast_in_dim3A_699, %get3A_3, %broadcast_in_dim3A_700 : vector<2000x128xi1>, vector<2000x128xf32>
    %reduce_max3A_702 = arith.constant dense<0xFF800000> : vector<128xf32>
    %reduce_max3A_703 = vector.multi_reduction <maximumf>, %select_n3A_701, %reduce_max3A_702 [0] : vector<2000x128xf32> to vector<128xf32>
    %broadcast_in_dim3A_704 = vector.shape_cast %reduce_max3A_703 : vector<128xf32> to vector<1x128xf32>
    %eq3A_705 = arith.constant 35 : i32
    %eq3A_706 = vector.broadcast %eq3A_705 : i32 to vector<64x1xi32>
    %eq3A_707 = arith.cmpi eq, %iota3A_32, %eq3A_706 : vector<64x1xi32>
    %max3A_708 = vector.broadcast %broadcast_in_dim3A_704 : vector<1x128xf32> to vector<64x128xf32>
    %max3A_709 = arith.maximumf %select_n3A_693, %max3A_708 : vector<64x128xf32>
    %broadcast_in_dim3A_710 = vector.shape_cast %eq3A_707 : vector<64x1xi1> to vector<64x1xi1>
    %broadcast_in_dim3A_711 = vector.broadcast %broadcast_in_dim3A_710 : vector<64x1xi1> to vector<64x128xi1>
    %select_n3A_712 = arith.select %broadcast_in_dim3A_711, %max3A_709, %select_n3A_693 : vector<64x128xi1>, vector<64x128xf32>
    %eq3A_713 = arith.constant 36 : i32
    %eq3A_714 = vector.broadcast %eq3A_713 : i32 to vector<2000x1xi32>
    %eq3A_715 = arith.cmpi eq, %get3A_28, %eq3A_714 : vector<2000x1xi32>
    %jit3A_716 = arith.constant -1.000000e+30 : f32
    %broadcast_in_dim3A_717 = vector.shape_cast %eq3A_715 : vector<2000x1xi1> to vector<2000x1xi1>
    %broadcast_in_dim3A_718 = vector.broadcast %broadcast_in_dim3A_717 : vector<2000x1xi1> to vector<2000x128xi1>
    %broadcast_in_dim3A_719 = vector.broadcast %jit3A_716 : f32 to vector<2000x128xf32>
    %select_n3A_720 = arith.select %broadcast_in_dim3A_718, %get3A_3, %broadcast_in_dim3A_719 : vector<2000x128xi1>, vector<2000x128xf32>
    %reduce_max3A_721 = arith.constant dense<0xFF800000> : vector<128xf32>
    %reduce_max3A_722 = vector.multi_reduction <maximumf>, %select_n3A_720, %reduce_max3A_721 [0] : vector<2000x128xf32> to vector<128xf32>
    %broadcast_in_dim3A_723 = vector.shape_cast %reduce_max3A_722 : vector<128xf32> to vector<1x128xf32>
    %eq3A_724 = arith.constant 36 : i32
    %eq3A_725 = vector.broadcast %eq3A_724 : i32 to vector<64x1xi32>
    %eq3A_726 = arith.cmpi eq, %iota3A_32, %eq3A_725 : vector<64x1xi32>
    %max3A_727 = vector.broadcast %broadcast_in_dim3A_723 : vector<1x128xf32> to vector<64x128xf32>
    %max3A_728 = arith.maximumf %select_n3A_712, %max3A_727 : vector<64x128xf32>
    %broadcast_in_dim3A_729 = vector.shape_cast %eq3A_726 : vector<64x1xi1> to vector<64x1xi1>
    %broadcast_in_dim3A_730 = vector.broadcast %broadcast_in_dim3A_729 : vector<64x1xi1> to vector<64x128xi1>
    %select_n3A_731 = arith.select %broadcast_in_dim3A_730, %max3A_728, %select_n3A_712 : vector<64x128xi1>, vector<64x128xf32>
    %eq3A_732 = arith.constant 37 : i32
    %eq3A_733 = vector.broadcast %eq3A_732 : i32 to vector<2000x1xi32>
    %eq3A_734 = arith.cmpi eq, %get3A_28, %eq3A_733 : vector<2000x1xi32>
    %jit3A_735 = arith.constant -1.000000e+30 : f32
    %broadcast_in_dim3A_736 = vector.shape_cast %eq3A_734 : vector<2000x1xi1> to vector<2000x1xi1>
    %broadcast_in_dim3A_737 = vector.broadcast %broadcast_in_dim3A_736 : vector<2000x1xi1> to vector<2000x128xi1>
    %broadcast_in_dim3A_738 = vector.broadcast %jit3A_735 : f32 to vector<2000x128xf32>
    %select_n3A_739 = arith.select %broadcast_in_dim3A_737, %get3A_3, %broadcast_in_dim3A_738 : vector<2000x128xi1>, vector<2000x128xf32>
    %reduce_max3A_740 = arith.constant dense<0xFF800000> : vector<128xf32>
    %reduce_max3A_741 = vector.multi_reduction <maximumf>, %select_n3A_739, %reduce_max3A_740 [0] : vector<2000x128xf32> to vector<128xf32>
    %broadcast_in_dim3A_742 = vector.shape_cast %reduce_max3A_741 : vector<128xf32> to vector<1x128xf32>
    %eq3A_743 = arith.constant 37 : i32
    %eq3A_744 = vector.broadcast %eq3A_743 : i32 to vector<64x1xi32>
    %eq3A_745 = arith.cmpi eq, %iota3A_32, %eq3A_744 : vector<64x1xi32>
    %max3A_746 = vector.broadcast %broadcast_in_dim3A_742 : vector<1x128xf32> to vector<64x128xf32>
    %max3A_747 = arith.maximumf %select_n3A_731, %max3A_746 : vector<64x128xf32>
    %broadcast_in_dim3A_748 = vector.shape_cast %eq3A_745 : vector<64x1xi1> to vector<64x1xi1>
    %broadcast_in_dim3A_749 = vector.broadcast %broadcast_in_dim3A_748 : vector<64x1xi1> to vector<64x128xi1>
    %select_n3A_750 = arith.select %broadcast_in_dim3A_749, %max3A_747, %select_n3A_731 : vector<64x128xi1>, vector<64x128xf32>
    %eq3A_751 = arith.constant 38 : i32
    %eq3A_752 = vector.broadcast %eq3A_751 : i32 to vector<2000x1xi32>
    %eq3A_753 = arith.cmpi eq, %get3A_28, %eq3A_752 : vector<2000x1xi32>
    %jit3A_754 = arith.constant -1.000000e+30 : f32
    %broadcast_in_dim3A_755 = vector.shape_cast %eq3A_753 : vector<2000x1xi1> to vector<2000x1xi1>
    %broadcast_in_dim3A_756 = vector.broadcast %broadcast_in_dim3A_755 : vector<2000x1xi1> to vector<2000x128xi1>
    %broadcast_in_dim3A_757 = vector.broadcast %jit3A_754 : f32 to vector<2000x128xf32>
    %select_n3A_758 = arith.select %broadcast_in_dim3A_756, %get3A_3, %broadcast_in_dim3A_757 : vector<2000x128xi1>, vector<2000x128xf32>
    %reduce_max3A_759 = arith.constant dense<0xFF800000> : vector<128xf32>
    %reduce_max3A_760 = vector.multi_reduction <maximumf>, %select_n3A_758, %reduce_max3A_759 [0] : vector<2000x128xf32> to vector<128xf32>
    %broadcast_in_dim3A_761 = vector.shape_cast %reduce_max3A_760 : vector<128xf32> to vector<1x128xf32>
    %eq3A_762 = arith.constant 38 : i32
    %eq3A_763 = vector.broadcast %eq3A_762 : i32 to vector<64x1xi32>
    %eq3A_764 = arith.cmpi eq, %iota3A_32, %eq3A_763 : vector<64x1xi32>
    %max3A_765 = vector.broadcast %broadcast_in_dim3A_761 : vector<1x128xf32> to vector<64x128xf32>
    %max3A_766 = arith.maximumf %select_n3A_750, %max3A_765 : vector<64x128xf32>
    %broadcast_in_dim3A_767 = vector.shape_cast %eq3A_764 : vector<64x1xi1> to vector<64x1xi1>
    %broadcast_in_dim3A_768 = vector.broadcast %broadcast_in_dim3A_767 : vector<64x1xi1> to vector<64x128xi1>
    %select_n3A_769 = arith.select %broadcast_in_dim3A_768, %max3A_766, %select_n3A_750 : vector<64x128xi1>, vector<64x128xf32>
    %eq3A_770 = arith.constant 39 : i32
    %eq3A_771 = vector.broadcast %eq3A_770 : i32 to vector<2000x1xi32>
    %eq3A_772 = arith.cmpi eq, %get3A_28, %eq3A_771 : vector<2000x1xi32>
    %jit3A_773 = arith.constant -1.000000e+30 : f32
    %broadcast_in_dim3A_774 = vector.shape_cast %eq3A_772 : vector<2000x1xi1> to vector<2000x1xi1>
    %broadcast_in_dim3A_775 = vector.broadcast %broadcast_in_dim3A_774 : vector<2000x1xi1> to vector<2000x128xi1>
    %broadcast_in_dim3A_776 = vector.broadcast %jit3A_773 : f32 to vector<2000x128xf32>
    %select_n3A_777 = arith.select %broadcast_in_dim3A_775, %get3A_3, %broadcast_in_dim3A_776 : vector<2000x128xi1>, vector<2000x128xf32>
    %reduce_max3A_778 = arith.constant dense<0xFF800000> : vector<128xf32>
    %reduce_max3A_779 = vector.multi_reduction <maximumf>, %select_n3A_777, %reduce_max3A_778 [0] : vector<2000x128xf32> to vector<128xf32>
    %broadcast_in_dim3A_780 = vector.shape_cast %reduce_max3A_779 : vector<128xf32> to vector<1x128xf32>
    %eq3A_781 = arith.constant 39 : i32
    %eq3A_782 = vector.broadcast %eq3A_781 : i32 to vector<64x1xi32>
    %eq3A_783 = arith.cmpi eq, %iota3A_32, %eq3A_782 : vector<64x1xi32>
    %max3A_784 = vector.broadcast %broadcast_in_dim3A_780 : vector<1x128xf32> to vector<64x128xf32>
    %max3A_785 = arith.maximumf %select_n3A_769, %max3A_784 : vector<64x128xf32>
    %broadcast_in_dim3A_786 = vector.shape_cast %eq3A_783 : vector<64x1xi1> to vector<64x1xi1>
    %broadcast_in_dim3A_787 = vector.broadcast %broadcast_in_dim3A_786 : vector<64x1xi1> to vector<64x128xi1>
    %select_n3A_788 = arith.select %broadcast_in_dim3A_787, %max3A_785, %select_n3A_769 : vector<64x128xi1>, vector<64x128xf32>
    %eq3A_789 = arith.constant 40 : i32
    %eq3A_790 = vector.broadcast %eq3A_789 : i32 to vector<2000x1xi32>
    %eq3A_791 = arith.cmpi eq, %get3A_28, %eq3A_790 : vector<2000x1xi32>
    %jit3A_792 = arith.constant -1.000000e+30 : f32
    %broadcast_in_dim3A_793 = vector.shape_cast %eq3A_791 : vector<2000x1xi1> to vector<2000x1xi1>
    %broadcast_in_dim3A_794 = vector.broadcast %broadcast_in_dim3A_793 : vector<2000x1xi1> to vector<2000x128xi1>
    %broadcast_in_dim3A_795 = vector.broadcast %jit3A_792 : f32 to vector<2000x128xf32>
    %select_n3A_796 = arith.select %broadcast_in_dim3A_794, %get3A_3, %broadcast_in_dim3A_795 : vector<2000x128xi1>, vector<2000x128xf32>
    %reduce_max3A_797 = arith.constant dense<0xFF800000> : vector<128xf32>
    %reduce_max3A_798 = vector.multi_reduction <maximumf>, %select_n3A_796, %reduce_max3A_797 [0] : vector<2000x128xf32> to vector<128xf32>
    %broadcast_in_dim3A_799 = vector.shape_cast %reduce_max3A_798 : vector<128xf32> to vector<1x128xf32>
    %eq3A_800 = arith.constant 40 : i32
    %eq3A_801 = vector.broadcast %eq3A_800 : i32 to vector<64x1xi32>
    %eq3A_802 = arith.cmpi eq, %iota3A_32, %eq3A_801 : vector<64x1xi32>
    %max3A_803 = vector.broadcast %broadcast_in_dim3A_799 : vector<1x128xf32> to vector<64x128xf32>
    %max3A_804 = arith.maximumf %select_n3A_788, %max3A_803 : vector<64x128xf32>
    %broadcast_in_dim3A_805 = vector.shape_cast %eq3A_802 : vector<64x1xi1> to vector<64x1xi1>
    %broadcast_in_dim3A_806 = vector.broadcast %broadcast_in_dim3A_805 : vector<64x1xi1> to vector<64x128xi1>
    %select_n3A_807 = arith.select %broadcast_in_dim3A_806, %max3A_804, %select_n3A_788 : vector<64x128xi1>, vector<64x128xf32>
    %eq3A_808 = arith.constant 41 : i32
    %eq3A_809 = vector.broadcast %eq3A_808 : i32 to vector<2000x1xi32>
    %eq3A_810 = arith.cmpi eq, %get3A_28, %eq3A_809 : vector<2000x1xi32>
    %jit3A_811 = arith.constant -1.000000e+30 : f32
    %broadcast_in_dim3A_812 = vector.shape_cast %eq3A_810 : vector<2000x1xi1> to vector<2000x1xi1>
    %broadcast_in_dim3A_813 = vector.broadcast %broadcast_in_dim3A_812 : vector<2000x1xi1> to vector<2000x128xi1>
    %broadcast_in_dim3A_814 = vector.broadcast %jit3A_811 : f32 to vector<2000x128xf32>
    %select_n3A_815 = arith.select %broadcast_in_dim3A_813, %get3A_3, %broadcast_in_dim3A_814 : vector<2000x128xi1>, vector<2000x128xf32>
    %reduce_max3A_816 = arith.constant dense<0xFF800000> : vector<128xf32>
    %reduce_max3A_817 = vector.multi_reduction <maximumf>, %select_n3A_815, %reduce_max3A_816 [0] : vector<2000x128xf32> to vector<128xf32>
    %broadcast_in_dim3A_818 = vector.shape_cast %reduce_max3A_817 : vector<128xf32> to vector<1x128xf32>
    %eq3A_819 = arith.constant 41 : i32
    %eq3A_820 = vector.broadcast %eq3A_819 : i32 to vector<64x1xi32>
    %eq3A_821 = arith.cmpi eq, %iota3A_32, %eq3A_820 : vector<64x1xi32>
    %max3A_822 = vector.broadcast %broadcast_in_dim3A_818 : vector<1x128xf32> to vector<64x128xf32>
    %max3A_823 = arith.maximumf %select_n3A_807, %max3A_822 : vector<64x128xf32>
    %broadcast_in_dim3A_824 = vector.shape_cast %eq3A_821 : vector<64x1xi1> to vector<64x1xi1>
    %broadcast_in_dim3A_825 = vector.broadcast %broadcast_in_dim3A_824 : vector<64x1xi1> to vector<64x128xi1>
    %select_n3A_826 = arith.select %broadcast_in_dim3A_825, %max3A_823, %select_n3A_807 : vector<64x128xi1>, vector<64x128xf32>
    %eq3A_827 = arith.constant 42 : i32
    %eq3A_828 = vector.broadcast %eq3A_827 : i32 to vector<2000x1xi32>
    %eq3A_829 = arith.cmpi eq, %get3A_28, %eq3A_828 : vector<2000x1xi32>
    %jit3A_830 = arith.constant -1.000000e+30 : f32
    %broadcast_in_dim3A_831 = vector.shape_cast %eq3A_829 : vector<2000x1xi1> to vector<2000x1xi1>
    %broadcast_in_dim3A_832 = vector.broadcast %broadcast_in_dim3A_831 : vector<2000x1xi1> to vector<2000x128xi1>
    %broadcast_in_dim3A_833 = vector.broadcast %jit3A_830 : f32 to vector<2000x128xf32>
    %select_n3A_834 = arith.select %broadcast_in_dim3A_832, %get3A_3, %broadcast_in_dim3A_833 : vector<2000x128xi1>, vector<2000x128xf32>
    %reduce_max3A_835 = arith.constant dense<0xFF800000> : vector<128xf32>
    %reduce_max3A_836 = vector.multi_reduction <maximumf>, %select_n3A_834, %reduce_max3A_835 [0] : vector<2000x128xf32> to vector<128xf32>
    %broadcast_in_dim3A_837 = vector.shape_cast %reduce_max3A_836 : vector<128xf32> to vector<1x128xf32>
    %eq3A_838 = arith.constant 42 : i32
    %eq3A_839 = vector.broadcast %eq3A_838 : i32 to vector<64x1xi32>
    %eq3A_840 = arith.cmpi eq, %iota3A_32, %eq3A_839 : vector<64x1xi32>
    %max3A_841 = vector.broadcast %broadcast_in_dim3A_837 : vector<1x128xf32> to vector<64x128xf32>
    %max3A_842 = arith.maximumf %select_n3A_826, %max3A_841 : vector<64x128xf32>
    %broadcast_in_dim3A_843 = vector.shape_cast %eq3A_840 : vector<64x1xi1> to vector<64x1xi1>
    %broadcast_in_dim3A_844 = vector.broadcast %broadcast_in_dim3A_843 : vector<64x1xi1> to vector<64x128xi1>
    %select_n3A_845 = arith.select %broadcast_in_dim3A_844, %max3A_842, %select_n3A_826 : vector<64x128xi1>, vector<64x128xf32>
    %eq3A_846 = arith.constant 43 : i32
    %eq3A_847 = vector.broadcast %eq3A_846 : i32 to vector<2000x1xi32>
    %eq3A_848 = arith.cmpi eq, %get3A_28, %eq3A_847 : vector<2000x1xi32>
    %jit3A_849 = arith.constant -1.000000e+30 : f32
    %broadcast_in_dim3A_850 = vector.shape_cast %eq3A_848 : vector<2000x1xi1> to vector<2000x1xi1>
    %broadcast_in_dim3A_851 = vector.broadcast %broadcast_in_dim3A_850 : vector<2000x1xi1> to vector<2000x128xi1>
    %broadcast_in_dim3A_852 = vector.broadcast %jit3A_849 : f32 to vector<2000x128xf32>
    %select_n3A_853 = arith.select %broadcast_in_dim3A_851, %get3A_3, %broadcast_in_dim3A_852 : vector<2000x128xi1>, vector<2000x128xf32>
    %reduce_max3A_854 = arith.constant dense<0xFF800000> : vector<128xf32>
    %reduce_max3A_855 = vector.multi_reduction <maximumf>, %select_n3A_853, %reduce_max3A_854 [0] : vector<2000x128xf32> to vector<128xf32>
    %broadcast_in_dim3A_856 = vector.shape_cast %reduce_max3A_855 : vector<128xf32> to vector<1x128xf32>
    %eq3A_857 = arith.constant 43 : i32
    %eq3A_858 = vector.broadcast %eq3A_857 : i32 to vector<64x1xi32>
    %eq3A_859 = arith.cmpi eq, %iota3A_32, %eq3A_858 : vector<64x1xi32>
    %max3A_860 = vector.broadcast %broadcast_in_dim3A_856 : vector<1x128xf32> to vector<64x128xf32>
    %max3A_861 = arith.maximumf %select_n3A_845, %max3A_860 : vector<64x128xf32>
    %broadcast_in_dim3A_862 = vector.shape_cast %eq3A_859 : vector<64x1xi1> to vector<64x1xi1>
    %broadcast_in_dim3A_863 = vector.broadcast %broadcast_in_dim3A_862 : vector<64x1xi1> to vector<64x128xi1>
    %select_n3A_864 = arith.select %broadcast_in_dim3A_863, %max3A_861, %select_n3A_845 : vector<64x128xi1>, vector<64x128xf32>
    %eq3A_865 = arith.constant 44 : i32
    %eq3A_866 = vector.broadcast %eq3A_865 : i32 to vector<2000x1xi32>
    %eq3A_867 = arith.cmpi eq, %get3A_28, %eq3A_866 : vector<2000x1xi32>
    %jit3A_868 = arith.constant -1.000000e+30 : f32
    %broadcast_in_dim3A_869 = vector.shape_cast %eq3A_867 : vector<2000x1xi1> to vector<2000x1xi1>
    %broadcast_in_dim3A_870 = vector.broadcast %broadcast_in_dim3A_869 : vector<2000x1xi1> to vector<2000x128xi1>
    %broadcast_in_dim3A_871 = vector.broadcast %jit3A_868 : f32 to vector<2000x128xf32>
    %select_n3A_872 = arith.select %broadcast_in_dim3A_870, %get3A_3, %broadcast_in_dim3A_871 : vector<2000x128xi1>, vector<2000x128xf32>
    %reduce_max3A_873 = arith.constant dense<0xFF800000> : vector<128xf32>
    %reduce_max3A_874 = vector.multi_reduction <maximumf>, %select_n3A_872, %reduce_max3A_873 [0] : vector<2000x128xf32> to vector<128xf32>
    %broadcast_in_dim3A_875 = vector.shape_cast %reduce_max3A_874 : vector<128xf32> to vector<1x128xf32>
    %eq3A_876 = arith.constant 44 : i32
    %eq3A_877 = vector.broadcast %eq3A_876 : i32 to vector<64x1xi32>
    %eq3A_878 = arith.cmpi eq, %iota3A_32, %eq3A_877 : vector<64x1xi32>
    %max3A_879 = vector.broadcast %broadcast_in_dim3A_875 : vector<1x128xf32> to vector<64x128xf32>
    %max3A_880 = arith.maximumf %select_n3A_864, %max3A_879 : vector<64x128xf32>
    %broadcast_in_dim3A_881 = vector.shape_cast %eq3A_878 : vector<64x1xi1> to vector<64x1xi1>
    %broadcast_in_dim3A_882 = vector.broadcast %broadcast_in_dim3A_881 : vector<64x1xi1> to vector<64x128xi1>
    %select_n3A_883 = arith.select %broadcast_in_dim3A_882, %max3A_880, %select_n3A_864 : vector<64x128xi1>, vector<64x128xf32>
    %eq3A_884 = arith.constant 45 : i32
    %eq3A_885 = vector.broadcast %eq3A_884 : i32 to vector<2000x1xi32>
    %eq3A_886 = arith.cmpi eq, %get3A_28, %eq3A_885 : vector<2000x1xi32>
    %jit3A_887 = arith.constant -1.000000e+30 : f32
    %broadcast_in_dim3A_888 = vector.shape_cast %eq3A_886 : vector<2000x1xi1> to vector<2000x1xi1>
    %broadcast_in_dim3A_889 = vector.broadcast %broadcast_in_dim3A_888 : vector<2000x1xi1> to vector<2000x128xi1>
    %broadcast_in_dim3A_890 = vector.broadcast %jit3A_887 : f32 to vector<2000x128xf32>
    %select_n3A_891 = arith.select %broadcast_in_dim3A_889, %get3A_3, %broadcast_in_dim3A_890 : vector<2000x128xi1>, vector<2000x128xf32>
    %reduce_max3A_892 = arith.constant dense<0xFF800000> : vector<128xf32>
    %reduce_max3A_893 = vector.multi_reduction <maximumf>, %select_n3A_891, %reduce_max3A_892 [0] : vector<2000x128xf32> to vector<128xf32>
    %broadcast_in_dim3A_894 = vector.shape_cast %reduce_max3A_893 : vector<128xf32> to vector<1x128xf32>
    %eq3A_895 = arith.constant 45 : i32
    %eq3A_896 = vector.broadcast %eq3A_895 : i32 to vector<64x1xi32>
    %eq3A_897 = arith.cmpi eq, %iota3A_32, %eq3A_896 : vector<64x1xi32>
    %max3A_898 = vector.broadcast %broadcast_in_dim3A_894 : vector<1x128xf32> to vector<64x128xf32>
    %max3A_899 = arith.maximumf %select_n3A_883, %max3A_898 : vector<64x128xf32>
    %broadcast_in_dim3A_900 = vector.shape_cast %eq3A_897 : vector<64x1xi1> to vector<64x1xi1>
    %broadcast_in_dim3A_901 = vector.broadcast %broadcast_in_dim3A_900 : vector<64x1xi1> to vector<64x128xi1>
    %select_n3A_902 = arith.select %broadcast_in_dim3A_901, %max3A_899, %select_n3A_883 : vector<64x128xi1>, vector<64x128xf32>
    %eq3A_903 = arith.constant 46 : i32
    %eq3A_904 = vector.broadcast %eq3A_903 : i32 to vector<2000x1xi32>
    %eq3A_905 = arith.cmpi eq, %get3A_28, %eq3A_904 : vector<2000x1xi32>
    %jit3A_906 = arith.constant -1.000000e+30 : f32
    %broadcast_in_dim3A_907 = vector.shape_cast %eq3A_905 : vector<2000x1xi1> to vector<2000x1xi1>
    %broadcast_in_dim3A_908 = vector.broadcast %broadcast_in_dim3A_907 : vector<2000x1xi1> to vector<2000x128xi1>
    %broadcast_in_dim3A_909 = vector.broadcast %jit3A_906 : f32 to vector<2000x128xf32>
    %select_n3A_910 = arith.select %broadcast_in_dim3A_908, %get3A_3, %broadcast_in_dim3A_909 : vector<2000x128xi1>, vector<2000x128xf32>
    %reduce_max3A_911 = arith.constant dense<0xFF800000> : vector<128xf32>
    %reduce_max3A_912 = vector.multi_reduction <maximumf>, %select_n3A_910, %reduce_max3A_911 [0] : vector<2000x128xf32> to vector<128xf32>
    %broadcast_in_dim3A_913 = vector.shape_cast %reduce_max3A_912 : vector<128xf32> to vector<1x128xf32>
    %eq3A_914 = arith.constant 46 : i32
    %eq3A_915 = vector.broadcast %eq3A_914 : i32 to vector<64x1xi32>
    %eq3A_916 = arith.cmpi eq, %iota3A_32, %eq3A_915 : vector<64x1xi32>
    %max3A_917 = vector.broadcast %broadcast_in_dim3A_913 : vector<1x128xf32> to vector<64x128xf32>
    %max3A_918 = arith.maximumf %select_n3A_902, %max3A_917 : vector<64x128xf32>
    %broadcast_in_dim3A_919 = vector.shape_cast %eq3A_916 : vector<64x1xi1> to vector<64x1xi1>
    %broadcast_in_dim3A_920 = vector.broadcast %broadcast_in_dim3A_919 : vector<64x1xi1> to vector<64x128xi1>
    %select_n3A_921 = arith.select %broadcast_in_dim3A_920, %max3A_918, %select_n3A_902 : vector<64x128xi1>, vector<64x128xf32>
    %eq3A_922 = arith.constant 47 : i32
    %eq3A_923 = vector.broadcast %eq3A_922 : i32 to vector<2000x1xi32>
    %eq3A_924 = arith.cmpi eq, %get3A_28, %eq3A_923 : vector<2000x1xi32>
    %jit3A_925 = arith.constant -1.000000e+30 : f32
    %broadcast_in_dim3A_926 = vector.shape_cast %eq3A_924 : vector<2000x1xi1> to vector<2000x1xi1>
    %broadcast_in_dim3A_927 = vector.broadcast %broadcast_in_dim3A_926 : vector<2000x1xi1> to vector<2000x128xi1>
    %broadcast_in_dim3A_928 = vector.broadcast %jit3A_925 : f32 to vector<2000x128xf32>
    %select_n3A_929 = arith.select %broadcast_in_dim3A_927, %get3A_3, %broadcast_in_dim3A_928 : vector<2000x128xi1>, vector<2000x128xf32>
    %reduce_max3A_930 = arith.constant dense<0xFF800000> : vector<128xf32>
    %reduce_max3A_931 = vector.multi_reduction <maximumf>, %select_n3A_929, %reduce_max3A_930 [0] : vector<2000x128xf32> to vector<128xf32>
    %broadcast_in_dim3A_932 = vector.shape_cast %reduce_max3A_931 : vector<128xf32> to vector<1x128xf32>
    %eq3A_933 = arith.constant 47 : i32
    %eq3A_934 = vector.broadcast %eq3A_933 : i32 to vector<64x1xi32>
    %eq3A_935 = arith.cmpi eq, %iota3A_32, %eq3A_934 : vector<64x1xi32>
    %max3A_936 = vector.broadcast %broadcast_in_dim3A_932 : vector<1x128xf32> to vector<64x128xf32>
    %max3A_937 = arith.maximumf %select_n3A_921, %max3A_936 : vector<64x128xf32>
    %broadcast_in_dim3A_938 = vector.shape_cast %eq3A_935 : vector<64x1xi1> to vector<64x1xi1>
    %broadcast_in_dim3A_939 = vector.broadcast %broadcast_in_dim3A_938 : vector<64x1xi1> to vector<64x128xi1>
    %select_n3A_940 = arith.select %broadcast_in_dim3A_939, %max3A_937, %select_n3A_921 : vector<64x128xi1>, vector<64x128xf32>
    %eq3A_941 = arith.constant 48 : i32
    %eq3A_942 = vector.broadcast %eq3A_941 : i32 to vector<2000x1xi32>
    %eq3A_943 = arith.cmpi eq, %get3A_28, %eq3A_942 : vector<2000x1xi32>
    %jit3A_944 = arith.constant -1.000000e+30 : f32
    %broadcast_in_dim3A_945 = vector.shape_cast %eq3A_943 : vector<2000x1xi1> to vector<2000x1xi1>
    %broadcast_in_dim3A_946 = vector.broadcast %broadcast_in_dim3A_945 : vector<2000x1xi1> to vector<2000x128xi1>
    %broadcast_in_dim3A_947 = vector.broadcast %jit3A_944 : f32 to vector<2000x128xf32>
    %select_n3A_948 = arith.select %broadcast_in_dim3A_946, %get3A_3, %broadcast_in_dim3A_947 : vector<2000x128xi1>, vector<2000x128xf32>
    %reduce_max3A_949 = arith.constant dense<0xFF800000> : vector<128xf32>
    %reduce_max3A_950 = vector.multi_reduction <maximumf>, %select_n3A_948, %reduce_max3A_949 [0] : vector<2000x128xf32> to vector<128xf32>
    %broadcast_in_dim3A_951 = vector.shape_cast %reduce_max3A_950 : vector<128xf32> to vector<1x128xf32>
    %eq3A_952 = arith.constant 48 : i32
    %eq3A_953 = vector.broadcast %eq3A_952 : i32 to vector<64x1xi32>
    %eq3A_954 = arith.cmpi eq, %iota3A_32, %eq3A_953 : vector<64x1xi32>
    %max3A_955 = vector.broadcast %broadcast_in_dim3A_951 : vector<1x128xf32> to vector<64x128xf32>
    %max3A_956 = arith.maximumf %select_n3A_940, %max3A_955 : vector<64x128xf32>
    %broadcast_in_dim3A_957 = vector.shape_cast %eq3A_954 : vector<64x1xi1> to vector<64x1xi1>
    %broadcast_in_dim3A_958 = vector.broadcast %broadcast_in_dim3A_957 : vector<64x1xi1> to vector<64x128xi1>
    %select_n3A_959 = arith.select %broadcast_in_dim3A_958, %max3A_956, %select_n3A_940 : vector<64x128xi1>, vector<64x128xf32>
    %eq3A_960 = arith.constant 49 : i32
    %eq3A_961 = vector.broadcast %eq3A_960 : i32 to vector<2000x1xi32>
    %eq3A_962 = arith.cmpi eq, %get3A_28, %eq3A_961 : vector<2000x1xi32>
    %jit3A_963 = arith.constant -1.000000e+30 : f32
    %broadcast_in_dim3A_964 = vector.shape_cast %eq3A_962 : vector<2000x1xi1> to vector<2000x1xi1>
    %broadcast_in_dim3A_965 = vector.broadcast %broadcast_in_dim3A_964 : vector<2000x1xi1> to vector<2000x128xi1>
    %broadcast_in_dim3A_966 = vector.broadcast %jit3A_963 : f32 to vector<2000x128xf32>
    %select_n3A_967 = arith.select %broadcast_in_dim3A_965, %get3A_3, %broadcast_in_dim3A_966 : vector<2000x128xi1>, vector<2000x128xf32>
    %reduce_max3A_968 = arith.constant dense<0xFF800000> : vector<128xf32>
    %reduce_max3A_969 = vector.multi_reduction <maximumf>, %select_n3A_967, %reduce_max3A_968 [0] : vector<2000x128xf32> to vector<128xf32>
    %broadcast_in_dim3A_970 = vector.shape_cast %reduce_max3A_969 : vector<128xf32> to vector<1x128xf32>
    %eq3A_971 = arith.constant 49 : i32
    %eq3A_972 = vector.broadcast %eq3A_971 : i32 to vector<64x1xi32>
    %eq3A_973 = arith.cmpi eq, %iota3A_32, %eq3A_972 : vector<64x1xi32>
    %max3A_974 = vector.broadcast %broadcast_in_dim3A_970 : vector<1x128xf32> to vector<64x128xf32>
    %max3A_975 = arith.maximumf %select_n3A_959, %max3A_974 : vector<64x128xf32>
    %broadcast_in_dim3A_976 = vector.shape_cast %eq3A_973 : vector<64x1xi1> to vector<64x1xi1>
    %broadcast_in_dim3A_977 = vector.broadcast %broadcast_in_dim3A_976 : vector<64x1xi1> to vector<64x128xi1>
    %select_n3A_978 = arith.select %broadcast_in_dim3A_977, %max3A_975, %select_n3A_959 : vector<64x128xi1>, vector<64x128xf32>
    %eq3A_979 = arith.constant 50 : i32
    %eq3A_980 = vector.broadcast %eq3A_979 : i32 to vector<2000x1xi32>
    %eq3A_981 = arith.cmpi eq, %get3A_28, %eq3A_980 : vector<2000x1xi32>
    %jit3A_982 = arith.constant -1.000000e+30 : f32
    %broadcast_in_dim3A_983 = vector.shape_cast %eq3A_981 : vector<2000x1xi1> to vector<2000x1xi1>
    %broadcast_in_dim3A_984 = vector.broadcast %broadcast_in_dim3A_983 : vector<2000x1xi1> to vector<2000x128xi1>
    %broadcast_in_dim3A_985 = vector.broadcast %jit3A_982 : f32 to vector<2000x128xf32>
    %select_n3A_986 = arith.select %broadcast_in_dim3A_984, %get3A_3, %broadcast_in_dim3A_985 : vector<2000x128xi1>, vector<2000x128xf32>
    %reduce_max3A_987 = arith.constant dense<0xFF800000> : vector<128xf32>
    %reduce_max3A_988 = vector.multi_reduction <maximumf>, %select_n3A_986, %reduce_max3A_987 [0] : vector<2000x128xf32> to vector<128xf32>
    %broadcast_in_dim3A_989 = vector.shape_cast %reduce_max3A_988 : vector<128xf32> to vector<1x128xf32>
    %eq3A_990 = arith.constant 50 : i32
    %eq3A_991 = vector.broadcast %eq3A_990 : i32 to vector<64x1xi32>
    %eq3A_992 = arith.cmpi eq, %iota3A_32, %eq3A_991 : vector<64x1xi32>
    %max3A_993 = vector.broadcast %broadcast_in_dim3A_989 : vector<1x128xf32> to vector<64x128xf32>
    %max3A_994 = arith.maximumf %select_n3A_978, %max3A_993 : vector<64x128xf32>
    %broadcast_in_dim3A_995 = vector.shape_cast %eq3A_992 : vector<64x1xi1> to vector<64x1xi1>
    %broadcast_in_dim3A_996 = vector.broadcast %broadcast_in_dim3A_995 : vector<64x1xi1> to vector<64x128xi1>
    %select_n3A_997 = arith.select %broadcast_in_dim3A_996, %max3A_994, %select_n3A_978 : vector<64x128xi1>, vector<64x128xf32>
    %eq3A_998 = arith.constant 51 : i32
    %eq3A_999 = vector.broadcast %eq3A_998 : i32 to vector<2000x1xi32>
    %eq3A_1000 = arith.cmpi eq, %get3A_28, %eq3A_999 : vector<2000x1xi32>
    %jit3A_1001 = arith.constant -1.000000e+30 : f32
    %broadcast_in_dim3A_1002 = vector.shape_cast %eq3A_1000 : vector<2000x1xi1> to vector<2000x1xi1>
    %broadcast_in_dim3A_1003 = vector.broadcast %broadcast_in_dim3A_1002 : vector<2000x1xi1> to vector<2000x128xi1>
    %broadcast_in_dim3A_1004 = vector.broadcast %jit3A_1001 : f32 to vector<2000x128xf32>
    %select_n3A_1005 = arith.select %broadcast_in_dim3A_1003, %get3A_3, %broadcast_in_dim3A_1004 : vector<2000x128xi1>, vector<2000x128xf32>
    %reduce_max3A_1006 = arith.constant dense<0xFF800000> : vector<128xf32>
    %reduce_max3A_1007 = vector.multi_reduction <maximumf>, %select_n3A_1005, %reduce_max3A_1006 [0] : vector<2000x128xf32> to vector<128xf32>
    %broadcast_in_dim3A_1008 = vector.shape_cast %reduce_max3A_1007 : vector<128xf32> to vector<1x128xf32>
    %eq3A_1009 = arith.constant 51 : i32
    %eq3A_1010 = vector.broadcast %eq3A_1009 : i32 to vector<64x1xi32>
    %eq3A_1011 = arith.cmpi eq, %iota3A_32, %eq3A_1010 : vector<64x1xi32>
    %max3A_1012 = vector.broadcast %broadcast_in_dim3A_1008 : vector<1x128xf32> to vector<64x128xf32>
    %max3A_1013 = arith.maximumf %select_n3A_997, %max3A_1012 : vector<64x128xf32>
    %broadcast_in_dim3A_1014 = vector.shape_cast %eq3A_1011 : vector<64x1xi1> to vector<64x1xi1>
    %broadcast_in_dim3A_1015 = vector.broadcast %broadcast_in_dim3A_1014 : vector<64x1xi1> to vector<64x128xi1>
    %select_n3A_1016 = arith.select %broadcast_in_dim3A_1015, %max3A_1013, %select_n3A_997 : vector<64x128xi1>, vector<64x128xf32>
    %eq3A_1017 = arith.constant 52 : i32
    %eq3A_1018 = vector.broadcast %eq3A_1017 : i32 to vector<2000x1xi32>
    %eq3A_1019 = arith.cmpi eq, %get3A_28, %eq3A_1018 : vector<2000x1xi32>
    %jit3A_1020 = arith.constant -1.000000e+30 : f32
    %broadcast_in_dim3A_1021 = vector.shape_cast %eq3A_1019 : vector<2000x1xi1> to vector<2000x1xi1>
    %broadcast_in_dim3A_1022 = vector.broadcast %broadcast_in_dim3A_1021 : vector<2000x1xi1> to vector<2000x128xi1>
    %broadcast_in_dim3A_1023 = vector.broadcast %jit3A_1020 : f32 to vector<2000x128xf32>
    %select_n3A_1024 = arith.select %broadcast_in_dim3A_1022, %get3A_3, %broadcast_in_dim3A_1023 : vector<2000x128xi1>, vector<2000x128xf32>
    %reduce_max3A_1025 = arith.constant dense<0xFF800000> : vector<128xf32>
    %reduce_max3A_1026 = vector.multi_reduction <maximumf>, %select_n3A_1024, %reduce_max3A_1025 [0] : vector<2000x128xf32> to vector<128xf32>
    %broadcast_in_dim3A_1027 = vector.shape_cast %reduce_max3A_1026 : vector<128xf32> to vector<1x128xf32>
    %eq3A_1028 = arith.constant 52 : i32
    %eq3A_1029 = vector.broadcast %eq3A_1028 : i32 to vector<64x1xi32>
    %eq3A_1030 = arith.cmpi eq, %iota3A_32, %eq3A_1029 : vector<64x1xi32>
    %max3A_1031 = vector.broadcast %broadcast_in_dim3A_1027 : vector<1x128xf32> to vector<64x128xf32>
    %max3A_1032 = arith.maximumf %select_n3A_1016, %max3A_1031 : vector<64x128xf32>
    %broadcast_in_dim3A_1033 = vector.shape_cast %eq3A_1030 : vector<64x1xi1> to vector<64x1xi1>
    %broadcast_in_dim3A_1034 = vector.broadcast %broadcast_in_dim3A_1033 : vector<64x1xi1> to vector<64x128xi1>
    %select_n3A_1035 = arith.select %broadcast_in_dim3A_1034, %max3A_1032, %select_n3A_1016 : vector<64x128xi1>, vector<64x128xf32>
    %eq3A_1036 = arith.constant 53 : i32
    %eq3A_1037 = vector.broadcast %eq3A_1036 : i32 to vector<2000x1xi32>
    %eq3A_1038 = arith.cmpi eq, %get3A_28, %eq3A_1037 : vector<2000x1xi32>
    %jit3A_1039 = arith.constant -1.000000e+30 : f32
    %broadcast_in_dim3A_1040 = vector.shape_cast %eq3A_1038 : vector<2000x1xi1> to vector<2000x1xi1>
    %broadcast_in_dim3A_1041 = vector.broadcast %broadcast_in_dim3A_1040 : vector<2000x1xi1> to vector<2000x128xi1>
    %broadcast_in_dim3A_1042 = vector.broadcast %jit3A_1039 : f32 to vector<2000x128xf32>
    %select_n3A_1043 = arith.select %broadcast_in_dim3A_1041, %get3A_3, %broadcast_in_dim3A_1042 : vector<2000x128xi1>, vector<2000x128xf32>
    %reduce_max3A_1044 = arith.constant dense<0xFF800000> : vector<128xf32>
    %reduce_max3A_1045 = vector.multi_reduction <maximumf>, %select_n3A_1043, %reduce_max3A_1044 [0] : vector<2000x128xf32> to vector<128xf32>
    %broadcast_in_dim3A_1046 = vector.shape_cast %reduce_max3A_1045 : vector<128xf32> to vector<1x128xf32>
    %eq3A_1047 = arith.constant 53 : i32
    %eq3A_1048 = vector.broadcast %eq3A_1047 : i32 to vector<64x1xi32>
    %eq3A_1049 = arith.cmpi eq, %iota3A_32, %eq3A_1048 : vector<64x1xi32>
    %max3A_1050 = vector.broadcast %broadcast_in_dim3A_1046 : vector<1x128xf32> to vector<64x128xf32>
    %max3A_1051 = arith.maximumf %select_n3A_1035, %max3A_1050 : vector<64x128xf32>
    %broadcast_in_dim3A_1052 = vector.shape_cast %eq3A_1049 : vector<64x1xi1> to vector<64x1xi1>
    %broadcast_in_dim3A_1053 = vector.broadcast %broadcast_in_dim3A_1052 : vector<64x1xi1> to vector<64x128xi1>
    %select_n3A_1054 = arith.select %broadcast_in_dim3A_1053, %max3A_1051, %select_n3A_1035 : vector<64x128xi1>, vector<64x128xf32>
    %eq3A_1055 = arith.constant 54 : i32
    %eq3A_1056 = vector.broadcast %eq3A_1055 : i32 to vector<2000x1xi32>
    %eq3A_1057 = arith.cmpi eq, %get3A_28, %eq3A_1056 : vector<2000x1xi32>
    %jit3A_1058 = arith.constant -1.000000e+30 : f32
    %broadcast_in_dim3A_1059 = vector.shape_cast %eq3A_1057 : vector<2000x1xi1> to vector<2000x1xi1>
    %broadcast_in_dim3A_1060 = vector.broadcast %broadcast_in_dim3A_1059 : vector<2000x1xi1> to vector<2000x128xi1>
    %broadcast_in_dim3A_1061 = vector.broadcast %jit3A_1058 : f32 to vector<2000x128xf32>
    %select_n3A_1062 = arith.select %broadcast_in_dim3A_1060, %get3A_3, %broadcast_in_dim3A_1061 : vector<2000x128xi1>, vector<2000x128xf32>
    %reduce_max3A_1063 = arith.constant dense<0xFF800000> : vector<128xf32>
    %reduce_max3A_1064 = vector.multi_reduction <maximumf>, %select_n3A_1062, %reduce_max3A_1063 [0] : vector<2000x128xf32> to vector<128xf32>
    %broadcast_in_dim3A_1065 = vector.shape_cast %reduce_max3A_1064 : vector<128xf32> to vector<1x128xf32>
    %eq3A_1066 = arith.constant 54 : i32
    %eq3A_1067 = vector.broadcast %eq3A_1066 : i32 to vector<64x1xi32>
    %eq3A_1068 = arith.cmpi eq, %iota3A_32, %eq3A_1067 : vector<64x1xi32>
    %max3A_1069 = vector.broadcast %broadcast_in_dim3A_1065 : vector<1x128xf32> to vector<64x128xf32>
    %max3A_1070 = arith.maximumf %select_n3A_1054, %max3A_1069 : vector<64x128xf32>
    %broadcast_in_dim3A_1071 = vector.shape_cast %eq3A_1068 : vector<64x1xi1> to vector<64x1xi1>
    %broadcast_in_dim3A_1072 = vector.broadcast %broadcast_in_dim3A_1071 : vector<64x1xi1> to vector<64x128xi1>
    %select_n3A_1073 = arith.select %broadcast_in_dim3A_1072, %max3A_1070, %select_n3A_1054 : vector<64x128xi1>, vector<64x128xf32>
    %eq3A_1074 = arith.constant 55 : i32
    %eq3A_1075 = vector.broadcast %eq3A_1074 : i32 to vector<2000x1xi32>
    %eq3A_1076 = arith.cmpi eq, %get3A_28, %eq3A_1075 : vector<2000x1xi32>
    %jit3A_1077 = arith.constant -1.000000e+30 : f32
    %broadcast_in_dim3A_1078 = vector.shape_cast %eq3A_1076 : vector<2000x1xi1> to vector<2000x1xi1>
    %broadcast_in_dim3A_1079 = vector.broadcast %broadcast_in_dim3A_1078 : vector<2000x1xi1> to vector<2000x128xi1>
    %broadcast_in_dim3A_1080 = vector.broadcast %jit3A_1077 : f32 to vector<2000x128xf32>
    %select_n3A_1081 = arith.select %broadcast_in_dim3A_1079, %get3A_3, %broadcast_in_dim3A_1080 : vector<2000x128xi1>, vector<2000x128xf32>
    %reduce_max3A_1082 = arith.constant dense<0xFF800000> : vector<128xf32>
    %reduce_max3A_1083 = vector.multi_reduction <maximumf>, %select_n3A_1081, %reduce_max3A_1082 [0] : vector<2000x128xf32> to vector<128xf32>
    %broadcast_in_dim3A_1084 = vector.shape_cast %reduce_max3A_1083 : vector<128xf32> to vector<1x128xf32>
    %eq3A_1085 = arith.constant 55 : i32
    %eq3A_1086 = vector.broadcast %eq3A_1085 : i32 to vector<64x1xi32>
    %eq3A_1087 = arith.cmpi eq, %iota3A_32, %eq3A_1086 : vector<64x1xi32>
    %max3A_1088 = vector.broadcast %broadcast_in_dim3A_1084 : vector<1x128xf32> to vector<64x128xf32>
    %max3A_1089 = arith.maximumf %select_n3A_1073, %max3A_1088 : vector<64x128xf32>
    %broadcast_in_dim3A_1090 = vector.shape_cast %eq3A_1087 : vector<64x1xi1> to vector<64x1xi1>
    %broadcast_in_dim3A_1091 = vector.broadcast %broadcast_in_dim3A_1090 : vector<64x1xi1> to vector<64x128xi1>
    %select_n3A_1092 = arith.select %broadcast_in_dim3A_1091, %max3A_1089, %select_n3A_1073 : vector<64x128xi1>, vector<64x128xf32>
    %eq3A_1093 = arith.constant 56 : i32
    %eq3A_1094 = vector.broadcast %eq3A_1093 : i32 to vector<2000x1xi32>
    %eq3A_1095 = arith.cmpi eq, %get3A_28, %eq3A_1094 : vector<2000x1xi32>
    %jit3A_1096 = arith.constant -1.000000e+30 : f32
    %broadcast_in_dim3A_1097 = vector.shape_cast %eq3A_1095 : vector<2000x1xi1> to vector<2000x1xi1>
    %broadcast_in_dim3A_1098 = vector.broadcast %broadcast_in_dim3A_1097 : vector<2000x1xi1> to vector<2000x128xi1>
    %broadcast_in_dim3A_1099 = vector.broadcast %jit3A_1096 : f32 to vector<2000x128xf32>
    %select_n3A_1100 = arith.select %broadcast_in_dim3A_1098, %get3A_3, %broadcast_in_dim3A_1099 : vector<2000x128xi1>, vector<2000x128xf32>
    %reduce_max3A_1101 = arith.constant dense<0xFF800000> : vector<128xf32>
    %reduce_max3A_1102 = vector.multi_reduction <maximumf>, %select_n3A_1100, %reduce_max3A_1101 [0] : vector<2000x128xf32> to vector<128xf32>
    %broadcast_in_dim3A_1103 = vector.shape_cast %reduce_max3A_1102 : vector<128xf32> to vector<1x128xf32>
    %eq3A_1104 = arith.constant 56 : i32
    %eq3A_1105 = vector.broadcast %eq3A_1104 : i32 to vector<64x1xi32>
    %eq3A_1106 = arith.cmpi eq, %iota3A_32, %eq3A_1105 : vector<64x1xi32>
    %max3A_1107 = vector.broadcast %broadcast_in_dim3A_1103 : vector<1x128xf32> to vector<64x128xf32>
    %max3A_1108 = arith.maximumf %select_n3A_1092, %max3A_1107 : vector<64x128xf32>
    %broadcast_in_dim3A_1109 = vector.shape_cast %eq3A_1106 : vector<64x1xi1> to vector<64x1xi1>
    %broadcast_in_dim3A_1110 = vector.broadcast %broadcast_in_dim3A_1109 : vector<64x1xi1> to vector<64x128xi1>
    %select_n3A_1111 = arith.select %broadcast_in_dim3A_1110, %max3A_1108, %select_n3A_1092 : vector<64x128xi1>, vector<64x128xf32>
    %eq3A_1112 = arith.constant 57 : i32
    %eq3A_1113 = vector.broadcast %eq3A_1112 : i32 to vector<2000x1xi32>
    %eq3A_1114 = arith.cmpi eq, %get3A_28, %eq3A_1113 : vector<2000x1xi32>
    %jit3A_1115 = arith.constant -1.000000e+30 : f32
    %broadcast_in_dim3A_1116 = vector.shape_cast %eq3A_1114 : vector<2000x1xi1> to vector<2000x1xi1>
    %broadcast_in_dim3A_1117 = vector.broadcast %broadcast_in_dim3A_1116 : vector<2000x1xi1> to vector<2000x128xi1>
    %broadcast_in_dim3A_1118 = vector.broadcast %jit3A_1115 : f32 to vector<2000x128xf32>
    %select_n3A_1119 = arith.select %broadcast_in_dim3A_1117, %get3A_3, %broadcast_in_dim3A_1118 : vector<2000x128xi1>, vector<2000x128xf32>
    %reduce_max3A_1120 = arith.constant dense<0xFF800000> : vector<128xf32>
    %reduce_max3A_1121 = vector.multi_reduction <maximumf>, %select_n3A_1119, %reduce_max3A_1120 [0] : vector<2000x128xf32> to vector<128xf32>
    %broadcast_in_dim3A_1122 = vector.shape_cast %reduce_max3A_1121 : vector<128xf32> to vector<1x128xf32>
    %eq3A_1123 = arith.constant 57 : i32
    %eq3A_1124 = vector.broadcast %eq3A_1123 : i32 to vector<64x1xi32>
    %eq3A_1125 = arith.cmpi eq, %iota3A_32, %eq3A_1124 : vector<64x1xi32>
    %max3A_1126 = vector.broadcast %broadcast_in_dim3A_1122 : vector<1x128xf32> to vector<64x128xf32>
    %max3A_1127 = arith.maximumf %select_n3A_1111, %max3A_1126 : vector<64x128xf32>
    %broadcast_in_dim3A_1128 = vector.shape_cast %eq3A_1125 : vector<64x1xi1> to vector<64x1xi1>
    %broadcast_in_dim3A_1129 = vector.broadcast %broadcast_in_dim3A_1128 : vector<64x1xi1> to vector<64x128xi1>
    %select_n3A_1130 = arith.select %broadcast_in_dim3A_1129, %max3A_1127, %select_n3A_1111 : vector<64x128xi1>, vector<64x128xf32>
    %eq3A_1131 = arith.constant 58 : i32
    %eq3A_1132 = vector.broadcast %eq3A_1131 : i32 to vector<2000x1xi32>
    %eq3A_1133 = arith.cmpi eq, %get3A_28, %eq3A_1132 : vector<2000x1xi32>
    %jit3A_1134 = arith.constant -1.000000e+30 : f32
    %broadcast_in_dim3A_1135 = vector.shape_cast %eq3A_1133 : vector<2000x1xi1> to vector<2000x1xi1>
    %broadcast_in_dim3A_1136 = vector.broadcast %broadcast_in_dim3A_1135 : vector<2000x1xi1> to vector<2000x128xi1>
    %broadcast_in_dim3A_1137 = vector.broadcast %jit3A_1134 : f32 to vector<2000x128xf32>
    %select_n3A_1138 = arith.select %broadcast_in_dim3A_1136, %get3A_3, %broadcast_in_dim3A_1137 : vector<2000x128xi1>, vector<2000x128xf32>
    %reduce_max3A_1139 = arith.constant dense<0xFF800000> : vector<128xf32>
    %reduce_max3A_1140 = vector.multi_reduction <maximumf>, %select_n3A_1138, %reduce_max3A_1139 [0] : vector<2000x128xf32> to vector<128xf32>
    %broadcast_in_dim3A_1141 = vector.shape_cast %reduce_max3A_1140 : vector<128xf32> to vector<1x128xf32>
    %eq3A_1142 = arith.constant 58 : i32
    %eq3A_1143 = vector.broadcast %eq3A_1142 : i32 to vector<64x1xi32>
    %eq3A_1144 = arith.cmpi eq, %iota3A_32, %eq3A_1143 : vector<64x1xi32>
    %max3A_1145 = vector.broadcast %broadcast_in_dim3A_1141 : vector<1x128xf32> to vector<64x128xf32>
    %max3A_1146 = arith.maximumf %select_n3A_1130, %max3A_1145 : vector<64x128xf32>
    %broadcast_in_dim3A_1147 = vector.shape_cast %eq3A_1144 : vector<64x1xi1> to vector<64x1xi1>
    %broadcast_in_dim3A_1148 = vector.broadcast %broadcast_in_dim3A_1147 : vector<64x1xi1> to vector<64x128xi1>
    %select_n3A_1149 = arith.select %broadcast_in_dim3A_1148, %max3A_1146, %select_n3A_1130 : vector<64x128xi1>, vector<64x128xf32>
    %eq3A_1150 = arith.constant 59 : i32
    %eq3A_1151 = vector.broadcast %eq3A_1150 : i32 to vector<2000x1xi32>
    %eq3A_1152 = arith.cmpi eq, %get3A_28, %eq3A_1151 : vector<2000x1xi32>
    %jit3A_1153 = arith.constant -1.000000e+30 : f32
    %broadcast_in_dim3A_1154 = vector.shape_cast %eq3A_1152 : vector<2000x1xi1> to vector<2000x1xi1>
    %broadcast_in_dim3A_1155 = vector.broadcast %broadcast_in_dim3A_1154 : vector<2000x1xi1> to vector<2000x128xi1>
    %broadcast_in_dim3A_1156 = vector.broadcast %jit3A_1153 : f32 to vector<2000x128xf32>
    %select_n3A_1157 = arith.select %broadcast_in_dim3A_1155, %get3A_3, %broadcast_in_dim3A_1156 : vector<2000x128xi1>, vector<2000x128xf32>
    %reduce_max3A_1158 = arith.constant dense<0xFF800000> : vector<128xf32>
    %reduce_max3A_1159 = vector.multi_reduction <maximumf>, %select_n3A_1157, %reduce_max3A_1158 [0] : vector<2000x128xf32> to vector<128xf32>
    %broadcast_in_dim3A_1160 = vector.shape_cast %reduce_max3A_1159 : vector<128xf32> to vector<1x128xf32>
    %eq3A_1161 = arith.constant 59 : i32
    %eq3A_1162 = vector.broadcast %eq3A_1161 : i32 to vector<64x1xi32>
    %eq3A_1163 = arith.cmpi eq, %iota3A_32, %eq3A_1162 : vector<64x1xi32>
    %max3A_1164 = vector.broadcast %broadcast_in_dim3A_1160 : vector<1x128xf32> to vector<64x128xf32>
    %max3A_1165 = arith.maximumf %select_n3A_1149, %max3A_1164 : vector<64x128xf32>
    %broadcast_in_dim3A_1166 = vector.shape_cast %eq3A_1163 : vector<64x1xi1> to vector<64x1xi1>
    %broadcast_in_dim3A_1167 = vector.broadcast %broadcast_in_dim3A_1166 : vector<64x1xi1> to vector<64x128xi1>
    %select_n3A_1168 = arith.select %broadcast_in_dim3A_1167, %max3A_1165, %select_n3A_1149 : vector<64x128xi1>, vector<64x128xf32>
    %eq3A_1169 = arith.constant 60 : i32
    %eq3A_1170 = vector.broadcast %eq3A_1169 : i32 to vector<2000x1xi32>
    %eq3A_1171 = arith.cmpi eq, %get3A_28, %eq3A_1170 : vector<2000x1xi32>
    %jit3A_1172 = arith.constant -1.000000e+30 : f32
    %broadcast_in_dim3A_1173 = vector.shape_cast %eq3A_1171 : vector<2000x1xi1> to vector<2000x1xi1>
    %broadcast_in_dim3A_1174 = vector.broadcast %broadcast_in_dim3A_1173 : vector<2000x1xi1> to vector<2000x128xi1>
    %broadcast_in_dim3A_1175 = vector.broadcast %jit3A_1172 : f32 to vector<2000x128xf32>
    %select_n3A_1176 = arith.select %broadcast_in_dim3A_1174, %get3A_3, %broadcast_in_dim3A_1175 : vector<2000x128xi1>, vector<2000x128xf32>
    %reduce_max3A_1177 = arith.constant dense<0xFF800000> : vector<128xf32>
    %reduce_max3A_1178 = vector.multi_reduction <maximumf>, %select_n3A_1176, %reduce_max3A_1177 [0] : vector<2000x128xf32> to vector<128xf32>
    %broadcast_in_dim3A_1179 = vector.shape_cast %reduce_max3A_1178 : vector<128xf32> to vector<1x128xf32>
    %eq3A_1180 = arith.constant 60 : i32
    %eq3A_1181 = vector.broadcast %eq3A_1180 : i32 to vector<64x1xi32>
    %eq3A_1182 = arith.cmpi eq, %iota3A_32, %eq3A_1181 : vector<64x1xi32>
    %max3A_1183 = vector.broadcast %broadcast_in_dim3A_1179 : vector<1x128xf32> to vector<64x128xf32>
    %max3A_1184 = arith.maximumf %select_n3A_1168, %max3A_1183 : vector<64x128xf32>
    %broadcast_in_dim3A_1185 = vector.shape_cast %eq3A_1182 : vector<64x1xi1> to vector<64x1xi1>
    %broadcast_in_dim3A_1186 = vector.broadcast %broadcast_in_dim3A_1185 : vector<64x1xi1> to vector<64x128xi1>
    %select_n3A_1187 = arith.select %broadcast_in_dim3A_1186, %max3A_1184, %select_n3A_1168 : vector<64x128xi1>, vector<64x128xf32>
    %eq3A_1188 = arith.constant 61 : i32
    %eq3A_1189 = vector.broadcast %eq3A_1188 : i32 to vector<2000x1xi32>
    %eq3A_1190 = arith.cmpi eq, %get3A_28, %eq3A_1189 : vector<2000x1xi32>
    %jit3A_1191 = arith.constant -1.000000e+30 : f32
    %broadcast_in_dim3A_1192 = vector.shape_cast %eq3A_1190 : vector<2000x1xi1> to vector<2000x1xi1>
    %broadcast_in_dim3A_1193 = vector.broadcast %broadcast_in_dim3A_1192 : vector<2000x1xi1> to vector<2000x128xi1>
    %broadcast_in_dim3A_1194 = vector.broadcast %jit3A_1191 : f32 to vector<2000x128xf32>
    %select_n3A_1195 = arith.select %broadcast_in_dim3A_1193, %get3A_3, %broadcast_in_dim3A_1194 : vector<2000x128xi1>, vector<2000x128xf32>
    %reduce_max3A_1196 = arith.constant dense<0xFF800000> : vector<128xf32>
    %reduce_max3A_1197 = vector.multi_reduction <maximumf>, %select_n3A_1195, %reduce_max3A_1196 [0] : vector<2000x128xf32> to vector<128xf32>
    %broadcast_in_dim3A_1198 = vector.shape_cast %reduce_max3A_1197 : vector<128xf32> to vector<1x128xf32>
    %eq3A_1199 = arith.constant 61 : i32
    %eq3A_1200 = vector.broadcast %eq3A_1199 : i32 to vector<64x1xi32>
    %eq3A_1201 = arith.cmpi eq, %iota3A_32, %eq3A_1200 : vector<64x1xi32>
    %max3A_1202 = vector.broadcast %broadcast_in_dim3A_1198 : vector<1x128xf32> to vector<64x128xf32>
    %max3A_1203 = arith.maximumf %select_n3A_1187, %max3A_1202 : vector<64x128xf32>
    %broadcast_in_dim3A_1204 = vector.shape_cast %eq3A_1201 : vector<64x1xi1> to vector<64x1xi1>
    %broadcast_in_dim3A_1205 = vector.broadcast %broadcast_in_dim3A_1204 : vector<64x1xi1> to vector<64x128xi1>
    %select_n3A_1206 = arith.select %broadcast_in_dim3A_1205, %max3A_1203, %select_n3A_1187 : vector<64x128xi1>, vector<64x128xf32>
    %eq3A_1207 = arith.constant 62 : i32
    %eq3A_1208 = vector.broadcast %eq3A_1207 : i32 to vector<2000x1xi32>
    %eq3A_1209 = arith.cmpi eq, %get3A_28, %eq3A_1208 : vector<2000x1xi32>
    %jit3A_1210 = arith.constant -1.000000e+30 : f32
    %broadcast_in_dim3A_1211 = vector.shape_cast %eq3A_1209 : vector<2000x1xi1> to vector<2000x1xi1>
    %broadcast_in_dim3A_1212 = vector.broadcast %broadcast_in_dim3A_1211 : vector<2000x1xi1> to vector<2000x128xi1>
    %broadcast_in_dim3A_1213 = vector.broadcast %jit3A_1210 : f32 to vector<2000x128xf32>
    %select_n3A_1214 = arith.select %broadcast_in_dim3A_1212, %get3A_3, %broadcast_in_dim3A_1213 : vector<2000x128xi1>, vector<2000x128xf32>
    %reduce_max3A_1215 = arith.constant dense<0xFF800000> : vector<128xf32>
    %reduce_max3A_1216 = vector.multi_reduction <maximumf>, %select_n3A_1214, %reduce_max3A_1215 [0] : vector<2000x128xf32> to vector<128xf32>
    %broadcast_in_dim3A_1217 = vector.shape_cast %reduce_max3A_1216 : vector<128xf32> to vector<1x128xf32>
    %eq3A_1218 = arith.constant 62 : i32
    %eq3A_1219 = vector.broadcast %eq3A_1218 : i32 to vector<64x1xi32>
    %eq3A_1220 = arith.cmpi eq, %iota3A_32, %eq3A_1219 : vector<64x1xi32>
    %max3A_1221 = vector.broadcast %broadcast_in_dim3A_1217 : vector<1x128xf32> to vector<64x128xf32>
    %max3A_1222 = arith.maximumf %select_n3A_1206, %max3A_1221 : vector<64x128xf32>
    %broadcast_in_dim3A_1223 = vector.shape_cast %eq3A_1220 : vector<64x1xi1> to vector<64x1xi1>
    %broadcast_in_dim3A_1224 = vector.broadcast %broadcast_in_dim3A_1223 : vector<64x1xi1> to vector<64x128xi1>
    %select_n3A_1225 = arith.select %broadcast_in_dim3A_1224, %max3A_1222, %select_n3A_1206 : vector<64x128xi1>, vector<64x128xf32>
    %eq3A_1226 = arith.constant 63 : i32
    %eq3A_1227 = vector.broadcast %eq3A_1226 : i32 to vector<2000x1xi32>
    %eq3A_1228 = arith.cmpi eq, %get3A_28, %eq3A_1227 : vector<2000x1xi32>
    %jit3A_1229 = arith.constant -1.000000e+30 : f32
    %broadcast_in_dim3A_1230 = vector.shape_cast %eq3A_1228 : vector<2000x1xi1> to vector<2000x1xi1>
    %broadcast_in_dim3A_1231 = vector.broadcast %broadcast_in_dim3A_1230 : vector<2000x1xi1> to vector<2000x128xi1>
    %broadcast_in_dim3A_1232 = vector.broadcast %jit3A_1229 : f32 to vector<2000x128xf32>
    %select_n3A_1233 = arith.select %broadcast_in_dim3A_1231, %get3A_3, %broadcast_in_dim3A_1232 : vector<2000x128xi1>, vector<2000x128xf32>
    %reduce_max3A_1234 = arith.constant dense<0xFF800000> : vector<128xf32>
    %reduce_max3A_1235 = vector.multi_reduction <maximumf>, %select_n3A_1233, %reduce_max3A_1234 [0] : vector<2000x128xf32> to vector<128xf32>
    %broadcast_in_dim3A_1236 = vector.shape_cast %reduce_max3A_1235 : vector<128xf32> to vector<1x128xf32>
    %eq3A_1237 = arith.constant 63 : i32
    %eq3A_1238 = vector.broadcast %eq3A_1237 : i32 to vector<64x1xi32>
    %eq3A_1239 = arith.cmpi eq, %iota3A_32, %eq3A_1238 : vector<64x1xi32>
    %max3A_1240 = vector.broadcast %broadcast_in_dim3A_1236 : vector<1x128xf32> to vector<64x128xf32>
    %max3A_1241 = arith.maximumf %select_n3A_1225, %max3A_1240 : vector<64x128xf32>
    %broadcast_in_dim3A_1242 = vector.shape_cast %eq3A_1239 : vector<64x1xi1> to vector<64x1xi1>
    %broadcast_in_dim3A_1243 = vector.broadcast %broadcast_in_dim3A_1242 : vector<64x1xi1> to vector<64x128xi1>
    %select_n3A_1244 = arith.select %broadcast_in_dim3A_1243, %max3A_1241, %select_n3A_1225 : vector<64x128xi1>, vector<64x128xf32>
    %swap3A_1245 = arith.constant 0 : index
    %swap3A_1246 = arith.constant 0 : index
    %swap3A_1247 = vector.load %arg5[%swap3A_1245, %swap3A_1246] : memref<64x128xf32, #tpu.memory_space<vmem>>, vector<64x128xf32>
    tpu.vector_store %arg5[%swap3A_1245, %swap3A_1246], %select_n3A_1244 {strides = array<i32>} : memref<64x128xf32, #tpu.memory_space<vmem>>, vector<64x128xf32>,
    return
  }
  func.func @transform_0(%arg0: i32) -> (i32, i32) {
    %c0_i32 = arith.constant 0 : i32
    %c0_i32_0 = arith.constant 0 : i32
    return %arg0, %c0_i32 : i32, i32
  }
  func.func @transform_1(%arg0: i32) -> (i32, i32, i32) {
    %c0_i32 = arith.constant 0 : i32
    %c0_i32_0 = arith.constant 0 : i32
    %c0_i32_1 = arith.constant 0 : i32
    return %arg0, %c0_i32, %c0_i32_0 : i32, i32, i32
  }
  func.func @transform_2(%arg0: i32) -> (i32, i32) {
    %c0_i32 = arith.constant 0 : i32
    %c0_i32_0 = arith.constant 0 : i32
    return %arg0, %c0_i32 : i32, i32
  }
  func.func @transform_3(%arg0: i32) -> (i32, i32) {
    %c0_i32 = arith.constant 0 : i32
    %c0_i32_0 = arith.constant 0 : i32
    %c0_i32_1 = arith.constant 0 : i32
    return %c0_i32, %c0_i32_0 : i32, i32
  }
  func.func @transform_4(%arg0: i32) -> (i32, i32) {
    %c0_i32 = arith.constant 0 : i32
    %c0_i32_0 = arith.constant 0 : i32
    %c0_i32_1 = arith.constant 0 : i32
    return %c0_i32, %c0_i32_0 : i32, i32
  }
  func.func @transform_5(%arg0: i32) -> (i32, i32) {
    %c0_i32 = arith.constant 0 : i32
    %c0_i32_0 = arith.constant 0 : i32
    %c0_i32_1 = arith.constant 0 : i32
    return %c0_i32, %c0_i32_0 : i32, i32
  }
}

module attributes {stable_mosaic.version = 14 : i64} {
  func.func @_mlp_body(%arg0: memref<64x128xf32, #tpu.memory_space<vmem>>, %arg1: memref<64x128xf32, #tpu.memory_space<vmem>>, %arg2: memref<64x1xf32, #tpu.memory_space<vmem>>, %arg3: memref<128x128xf32, #tpu.memory_space<vmem>>, %arg4: memref<128x128xf32, #tpu.memory_space<vmem>>, %arg5: memref<1x128xf32, #tpu.memory_space<vmem>>, %arg6: memref<128x256xf32, #tpu.memory_space<vmem>>, %arg7: memref<1x256xf32, #tpu.memory_space<vmem>>, %arg8: memref<64x256xf32, #tpu.memory_space<vmem>>) attributes {dimension_semantics = [], scalar_prefetch = 0 : i64, scratch_operands = 0 : i64, tpu.core_type = #tpu.core_type<tc>} {
    %get3A = arith.constant 0 : index
    %get3A_0 = arith.constant 0 : index
    %get3A_1 = vector.load %arg0[%get3A, %get3A_0] : memref<64x128xf32, #tpu.memory_space<vmem>>, vector<64x128xf32>
    %get3A_2 = arith.constant 0 : index
    %get3A_3 = arith.constant 0 : index
    %get3A_4 = vector.load %arg2[%get3A_2, %get3A_3] : memref<64x1xf32, #tpu.memory_space<vmem>>, vector<64x1xf32>
    %max3A = arith.constant 1.000000e+00 : f32
    %max3A_5 = vector.broadcast %max3A : f32 to vector<64x1xf32>
    %max3A_6 = arith.maximumf %get3A_4, %max3A_5 : vector<64x1xf32>
    %div3A = vector.broadcast %max3A_6 : vector<64x1xf32> to vector<64x128xf32>
    %div3A_7 = arith.divf %get3A_1, %div3A : vector<64x128xf32>
    %get3A_8 = arith.constant 0 : index
    %get3A_9 = arith.constant 0 : index
    %get3A_10 = vector.load %arg3[%get3A_8, %get3A_9] : memref<128x128xf32, #tpu.memory_space<vmem>>, vector<128x128xf32>
    %dot_general3A = arith.constant dense<0.000000e+00> : vector<64x128xf32>
    %dot_general3A_11 = tpu.matmul %div3A_7, %get3A_10, %dot_general3A {dimension_numbers = #tpu.dot_dimension_numbers<[1], [0], [0], [1], [0, 0, 1, 1], [], []>, transpose_lhs_hint = false} : vector<64x128xf32>, vector<128x128xf32>, vector<64x128xf32> -> vector<64x128xf32>
    %get3A_12 = arith.constant 0 : index
    %get3A_13 = arith.constant 0 : index
    %get3A_14 = vector.load %arg1[%get3A_12, %get3A_13] : memref<64x128xf32, #tpu.memory_space<vmem>>, vector<64x128xf32>
    %get3A_15 = arith.constant 0 : index
    %get3A_16 = arith.constant 0 : index
    %get3A_17 = vector.load %arg4[%get3A_15, %get3A_16] : memref<128x128xf32, #tpu.memory_space<vmem>>, vector<128x128xf32>
    %dot_general3A_18 = arith.constant dense<0.000000e+00> : vector<64x128xf32>
    %dot_general3A_19 = tpu.matmul %get3A_14, %get3A_17, %dot_general3A_18 {dimension_numbers = #tpu.dot_dimension_numbers<[1], [0], [0], [1], [0, 0, 1, 1], [], []>, transpose_lhs_hint = false} : vector<64x128xf32>, vector<128x128xf32>, vector<64x128xf32> -> vector<64x128xf32>
    %add3A = arith.addf %dot_general3A_11, %dot_general3A_19 : vector<64x128xf32>
    %get3A_20 = arith.constant 0 : index
    %get3A_21 = arith.constant 0 : index
    %get3A_22 = vector.load %arg5[%get3A_20, %get3A_21] : memref<1x128xf32, #tpu.memory_space<vmem>>, vector<1x128xf32>
    %add3A_23 = vector.broadcast %get3A_22 : vector<1x128xf32> to vector<64x128xf32>
    %add3A_24 = arith.addf %add3A, %add3A_23 : vector<64x128xf32>
    %max3A_25 = arith.constant 0.000000e+00 : f32
    %max3A_26 = vector.broadcast %max3A_25 : f32 to vector<64x128xf32>
    %max3A_27 = arith.maximumf %add3A_24, %max3A_26 : vector<64x128xf32>
    %get3A_28 = arith.constant 0 : index
    %get3A_29 = arith.constant 0 : index
    %get3A_30 = vector.load %arg6[%get3A_28, %get3A_29] : memref<128x256xf32, #tpu.memory_space<vmem>>, vector<128x256xf32>
    %dot_general3A_31 = arith.constant dense<0.000000e+00> : vector<64x256xf32>
    %dot_general3A_32 = tpu.matmul %max3A_27, %get3A_30, %dot_general3A_31 {dimension_numbers = #tpu.dot_dimension_numbers<[1], [0], [0], [1], [0, 0, 1, 1], [], []>, transpose_lhs_hint = false} : vector<64x128xf32>, vector<128x256xf32>, vector<64x256xf32> -> vector<64x256xf32>
    %get3A_33 = arith.constant 0 : index
    %get3A_34 = arith.constant 0 : index
    %get3A_35 = vector.load %arg7[%get3A_33, %get3A_34] : memref<1x256xf32, #tpu.memory_space<vmem>>, vector<1x256xf32>
    %add3A_36 = vector.broadcast %get3A_35 : vector<1x256xf32> to vector<64x256xf32>
    %add3A_37 = arith.addf %dot_general3A_32, %add3A_36 : vector<64x256xf32>
    %swap3A = arith.constant 0 : index
    %swap3A_38 = arith.constant 0 : index
    %swap3A_39 = vector.load %arg8[%swap3A, %swap3A_38] : memref<64x256xf32, #tpu.memory_space<vmem>>, vector<64x256xf32>
    tpu.vector_store %arg8[%swap3A, %swap3A_38], %add3A_37 {strides = array<i32>} : memref<64x256xf32, #tpu.memory_space<vmem>>, vector<64x256xf32>,
    return
  }
}

</mosaic_0001>

<sc_bundles>
// kernel: kernel.14.cloned.1.call-start
scs
__scs_entry_jumppad:
0x0: {  	(pc) =	sbr.rel $0x88, $3  }
0x1: {  	(tag) =	ssettag $0x0;
	lr =	simm.s32 $0x1  }
0x2: {  	[smem:$0x3F92] =	sst lr;
	_ =	strace $0xD0000000  }
0x3: {  	_ = 	snop  }
0x4: {  	_ = 	snop  }
0x5: {  	_ = 	snop  }
0x6: {  	_ = 	snop  }
0x7: {  	_ = 	snop  }
__scs_overlays_trampoline_lowered:
0x8: {  	[smem:$0x3FA1] =	sst s0  }
0x9: {  	[smem:$0x3FA2] =	sst s1  }
0xa: {  	[smem:$0x3FA3] =	sst s2  }
0xb: {  	[smem:$0x3FA4] =	sst s3  }
0xc: {  	[smem:$0x3FA5] =	sst s4  }
0xd: {  	[smem:$0x3FA6] =	sst s5  }
0xe: {  	[smem:$0x3FA7] =	sst s6  }
0xf: {  	[smem:$0x3FA8] =	sst s7  }
0x10: {  	[smem:$0x3FA9] =	sst s8  }
0x11: {  	[smem:$0x3FAA] =	sst s9;
	s0 =	simm.s32 @!p0 $0x0  }
0x12: {  	s1 =	sld [smem:$0x3F90];
	s0 =	simm.s32 @p0 $0x1  }
0x13: {  	[smem:$0x3FAB] =	sst s0;
	s0 =	simm.s32 @!p1 $0x0  }
0x14: {  	s2 =	sld [smem:$0x3F8F];
	s0 =	simm.s32 @p1 $0x1  }
0x15: {  	[smem:$0x3FAC] =	sst s0;
	s0 =	simm.s32 @!p2 $0x0  }
0x16: {  	s3 =	sld [smem:$0x3FDB];
	s0 =	simm.s32 @p2 $0x1  }
0x17: {  	s4 =	simm.s32 $0x1BF5;
	[smem:$0x3FAE] =	sst s0  }
0x18: {  	s0 =	sld [smem:$0x3F91];
	_ =	swait.ge [sflag:s4], $0x0  }
0x19: {  	s7 =	sld [smem:$0x3F92]  }
0x1a: {  	s8 =	sadd.s32 $0xFFFFE003, lr  }
0x1b: {  	s9 =	sadd.s32 $0xFFFFFEF7, lr;
	s5 =	simm.s32 $0xFFFFFFFF;
	p2 =	slt.u32 s8, $0xFFFFF086  }
0x1c: {  	p1 =	slt.u32 s9, $0xF7A;
	s5 =	simm.s32 @!p2 $0x0  }
0x1d: {  	s5 =	simm.s32 @p1 $0x1;
	p0 =	seq.s32 s7, s2  }
0x1e: {  	s7 =	smul.u32 @!p0 $0xF7A, s2;
	p2 =	seq.s32 @!p0 s5, $0x0  }
0x1f: {  	s9 =	smul.u32 $0xF7A, s1;
	s8 =	simm.s32 @!p0 $0x1BF5;
	p2 =	por !p2, p0  }
0x20: {  	[sflag:s8] =	ssyncset.s32 @!p0 $0xFFFFF086;
	s6 =	sadd.s32 @!p0 s3, s7;
	s7 =	simm.s32 @!p0 $0x108  }
0x21: {  	s3 =	sadd.s32 s3, s9;
	s6 =	sadd.s32 @!p0 $0x88, s6;
	s7 =	simm.s32 @p2 $0x1082  }
0x22: {  	[simem:s7], [sflag:s8] =	dma.local @!p0 [hbm:s6], $0xF7A  }
0x23: {  	s9 =	sor.u32 $0xD0000000, s2;
	s6 =	simm.s32 $0x108;
	_ =	swait.ge @!p0 [sflag:s8], $0x0  }
0x24: {  	s3 =	sadd.s32 $0x88, s3;
	s6 =	simm.s32 @!p1 $0x1082;
	[sflag:s4] =	ssyncset.s32 $0xFFFFF086  }
0x25: {  	[simem:s6], [sflag:s4] =	dma.local [hbm:s3], $0xF7A  }
0x26: {  	[smem:$0x3F92] =	sst s1;
	(tag) =	ssettag s2;
	_ =	strace s9  }
0x27: {  	s1 =	sld [smem:$0x3FA2]  }
0x28: {  	s2 =	sld [smem:$0x3FA3]  }
0x29: {  	s4 =	sld [smem:$0x3FA5]  }
0x2a: {  	p0 =	seq.s32 s5, $0x0;
	s5 =	sld [smem:$0x3FA6]  }
0x2b: {  	s6 =	sld [smem:$0x3FA7]  }
0x2c: {  	s7 =	sld [smem:$0x3FA8]  }
0x2d: {  	s3 =	simm.s32 $0x108;
	s8 =	sld [smem:$0x3FA9]  }
0x2e: {  	s3 =	simm.s32 @!p0 $0x1082;
	s9 =	sld [smem:$0x3FAA]  }
0x2f: {  	lr =	sadd.s32 s0, s3;
	s0 =	sld [smem:$0x3FA1]  }
0x30: {  	s3 =	sld [smem:$0x3FA4]  }
0x31: {  	[smem:$0x3FAD] =	sst s10  }
0x32: {  	s10 =	sld [smem:$0x3FAB];
	_ =	sdelay $0x3  }
0x33: {  	p0 =	seq.s32 s10, $0x1;
	s10 =	sld [smem:$0x3FAD];
	_ =	sdelay $0x3  }
0x34: {  	[smem:$0x3FAD] =	sst s10  }
0x35: {  	s10 =	sld [smem:$0x3FAC];
	_ =	sdelay $0x3  }
0x36: {  	p1 =	seq.s32 s10, $0x1;
	s10 =	sld [smem:$0x3FAD];
	_ =	sdelay $0x3  }
0x37: {  	[smem:$0x3FAD] =	sst s10  }
0x38: {  	s10 =	sld [smem:$0x3FAE]  }
0x39: {  	_ = 	snop;
	(pc) =	sbr.ind lr, $3  }
0x3a: {  	_ = 	snop  }
0x3b: {  	_ = 	snop  }
0x3c: {  	p2 =	seq.s32 s10, $0x1;
	s10 =	sld [smem:$0x3FAD]  }
0x3d: {  	_ =	shalt  }
0x3e: {  	_ =	shalt  }
0x3f: {  	_ =	shalt  }
0x40: {  	_ =	shalt  }
0x41: {  	_ =	shalt  }
0x42: {  	_ =	shalt  }
0x43: {  	_ =	shalt  }
0x44: {  	_ =	shalt  }
0x45: {  	_ =	shalt  }
0x46: {  	_ =	shalt  }
0x47: {  	_ =	shalt  }
0x48: {  	_ =	shalt  }
0x49: {  	_ =	shalt  }
0x4a: {  	_ =	shalt  }
0x4b: {  	_ =	shalt  }
0x4c: {  	_ =	shalt  }
0x4d: {  	_ =	shalt  }
0x4e: {  	_ =	shalt  }
0x4f: {  	_ =	shalt  }
0x50: {  	_ =	shalt  }
0x51: {  	_ =	shalt  }
0x52: {  	_ =	shalt  }
0x53: {  	_ =	shalt  }
0x54: {  	_ =	shalt  }
0x55: {  	_ =	shalt  }
0x56: {  	_ =	shalt  }
0x57: {  	_ =	shalt  }
0x58: {  	_ =	shalt  }
0x59: {  	_ =	shalt  }
0x5a: {  	_ =	shalt  }
0x5b: {  	_ =	shalt  }
0x5c: {  	_ =	shalt  }
0x5d: {  	_ =	shalt  }
0x5e: {  	_ =	shalt  }
0x5f: {  	_ =	shalt  }
0x60: {  	_ =	shalt  }
0x61: {  	_ =	shalt  }
0x62: {  	_ =	shalt  }
0x63: {  	_ =	shalt  }
0x64: {  	_ =	shalt  }
0x65: {  	_ =	shalt  }
0x66: {  	_ =	shalt  }
0x67: {  	_ =	shalt  }
0x68: {  	_ =	shalt  }
0x69: {  	_ =	shalt  }
0x6a: {  	_ =	shalt  }
0x6b: {  	_ =	shalt  }
0x6c: {  	_ =	shalt  }
0x6d: {  	_ =	shalt  }
0x6e: {  	_ =	shalt  }
0x6f: {  	_ =	shalt  }
0x70: {  	_ =	shalt  }
0x71: {  	_ =	shalt  }
0x72: {  	_ =	shalt  }
0x73: {  	_ =	shalt  }
0x74: {  	_ =	shalt  }
0x75: {  	_ =	shalt  }
0x76: {  	_ =	shalt  }
0x77: {  	_ =	shalt  }
0x78: {  	_ =	shalt  }
0x79: {  	_ =	shalt  }
0x7a: {  	_ =	shalt  }
0x7b: {  	_ =	shalt  }
0x7c: {  	_ =	shalt  }
0x7d: {  	_ =	shalt  }
0x7e: {  	_ =	shalt  }
0x7f: {  	_ =	shalt  }
0x80: {  	_ =	shalt  }
0x81: {  	_ =	shalt  }
0x82: {  	_ =	shalt  }
0x83: {  	_ =	shalt  }
0x84: {  	_ =	shalt  }
0x85: {  	_ =	shalt  }
0x86: {  	_ =	shalt  }
0x87: {  	_ =	shalt  }
.Lfunc_end0:
.L_simem_size_0:
called_computation_lowered:
.L_overlay_start_0:
0x88: {  	s2 =	sld [smem:$0x3FD9]  }
0x89: {  	s3 =	sld [smem:$0x3FFE];
	_ =	sdelay $0x1  }
0x8a: {  	s1 =	srdreg.scid  }
0x8b: {  	s0 =	sand.u32 $0x1, s1  }
0x8c: {  	s14 =	sshll.u32 s0, $0xA;
	s2 =	sadd.s32 s3, s2  }
0x8d: {  	s2 =	sadd.s32 s2, s14  }
0x8e: {  	[smem:$0x3FB9] =	sst s2  }
0x8f: {  	_ = 	snop  }
0x90: {  	s2 =	sld [smem:$0x3FD0];
	_ =	sdelay $0x2  }
0x91: {  	s15 =	simm.s32 $0xA;
	s4 =	simm.s32 $0x10  }
0x92: {  	[smem:s4], [sflag:s15] =	dma.local [hbm:s2], $0x1  }
0x93: {  	_ =	swait.eq [sflag:s15], $0x1  }
0x94: {  	[sflag:s15] =	ssyncset.done $0x0  }
0x95: {  	[sflag:s15] =	ssyncadd.s32 $0xFFFFFFFF  }
0x96: {  	s16 =	sld [smem:$0x10];
	(tm) =	ssettm $0x1  }
0x97: {  	s17 =	sld [smem:$0x3FFB];
	_ =	sdelay $0x3  }
0x98: {  	_ =	strace s17  }
0x99: {  	s3 =	sld [smem:$0x3FFC];
	_ =	sdelay $0x3  }
0x9a: {  	_ =	strace s3  }
0x9b: {  	s3 =	sld [smem:$0x3FFD];
	_ =	sdelay $0x3  }
0x9c: {  	_ =	strace s3  }
0x9d: {  	_ =	strace $0x8FFFFFFF  }
0x9e: {  	s18 =	sld [smem:$0x3FDB];
	_ =	sdelay $0x1  }
0x9f: {  	s19 =	simm.s32 $_scs_section_size  }
0xa0: {  	s5 =	simm.s32 $_size__tile_overlayer_lowered;
	s6 =	simm.s32 $_tile_overlayer_lowered  }
0xa1: {  	s22 =	simm.s32 $0x1BFF;
	s21 =	sshll.u32 s6, $0x1;
	s3 =	sadd.s32 s19, s18  }
0xa2: {  	s7 =	simm.s32 $0x0;
	s20 =	sshll.u32 s5, $0x1;
	s5 =	sadd.s32 s21, s3  }
0xa3: {  	[timem:s7], [sflag:s22] =	dma.local [hbm:s5], s20  }
0xa4: {  	_ =	swait.ge [sflag:s22], s20  }
0xa5: {  	s4 =	ssub.s32 $0x0, s20;
	[sflag:s22] =	ssyncset.done $0x0  }
0xa6: {  	[sflag:s22] =	ssyncadd.s32 s4;
	_ =	sdelay $0x1  }
0xa7: {  	s23 =	simm.s32 $0x1B8B  }
0xa8: {  	_ =	swait.ge [sflag:s23], $0x1  }
0xa9: {  	[sflag:s23] =	ssyncset.done $0x0  }
0xaa: {  	s25 =	simm.s32 $0x1B8E;
	s24 =	sld [smem:$0x3FFE];
	[sflag:s23] =	ssyncadd.s32 $0xFFFFFFFF  }
0xab: {  	s26 =	simm.s32 $execute0_lowered;
	[smem:$0x3FD2] =	sst s25  }
0xac: {  	s5 =	sshll.u32 s26, $0x1;
	_ =	strace $0x80000046;
	[dreg:$0x1] =	wrdreg $0xFFFFFFFF  }
0xad: {  	s28 =	simm.s32 $_size_execute0_lowered;
	s3 =	sadd.s32 s3, s5;
	[dreg:$0x0] =	wrdreg $0x0  }
0xae: {  	s5 =	sshll.u32 s28, $0x1;
	[dreg:$0x2] =	wrdreg s3  }
0xaf: {  	[dreg:$0x3] =	wrdreg s5  }
0xb0: {  	[dreg:$0x4] =	wrdreg $0xC0  }
0xb1: {  	_ =	task [dreg:s7], $0x5FFFF  }
0xb2: {  	[dreg:$0x1] =	wrdreg $0xFFFFFFFF  }
0xb3: {  	[dreg:$0x0] =	wrdreg $0x60  }
0xb4: {  	[dreg:$0x2] =	wrdreg s24  }
0xb5: {  	[dreg:$0x3] =	wrdreg s16  }
0xb6: {  	[dreg:$0x4] =	wrdreg $0x90000  }
0xb7: {  	[dreg:$0x5] =	wrdreg $0x9  }
0xb8: {  	_ =	task.clear_ibuf [dreg:s7], $0x6FFFF;
	_ =	strace $0x90000046  }
0xb9: {  	s29 =	simm.s32 $0x9;
	_ =	strace $0x80000048  }
0xba: {  	_ =	swait.ge [sflag:s29], $0x1  }
0xbb: {  	[sflag:s29] =	ssyncadd.s32 $0xFFFFFFFF  }
0xbc: {  	_ =	strace $0x90000048  }
0xbd: {  	_ =	sfence  }
0xbe: {  	s30 =	sld [smem:$0x0];
	_ =	sdelay $0x2  }
0xbf: {  	s31 =	sshll.u32 s1, $0xD;
	s1 =	sshrl.u32 s1, $0x2  }
0xc0: {  	s3 =	sand.u32 $0x4000, s31;
	s1 =	sadd.s32 s1, s30  }
0xc1: {  	s0 =	sor.u32 s3, s0;
	s1 =	sshll.u32 s1, $0x11  }
0xc2: {  	s0 =	sor.u32 s1, s0  }
0xc3: {  	s0 =	sadd.s32 $0x8F2B, s0  }
0xc4: {  	[sflag:s0] =	ssyncadd.remote.s32 $0x1  }
0xc5: {  	_ =	sfence.sel $0xFFFF  }
0xc6: {  	[dreg:$0x0] =	wrdreg $0xFFFFFFFF;
	(pc) =	sbr.abs _section_cstart, $3  }
0xc7: {  	[dreg:$0x1] =	wrdreg $0xFFFFFFFF  }
0xc8: {  	_ =	task.clear_ibuf [dreg:s7], $0x2FFFF;
	_ =	strace $0x9FFFFFFF  }
0xc9: {  	(tm) =	ssettm $0x7FFFFFFF  }
tec
execute0_lowered:
.L_overlay_start_1:
0x0: {  	(tag) =	ssettag $0x1  }
0x1: {  	s5 =	rddreg [dreg:$0x0]  }
0x2: {  	s1 =	srdreg.scid;
	s2 =	rddreg [dreg:$0x1]  }
0x3: {  	s0 =	stileid.u32;
	s3 =	rddreg [dreg:$0x2]  }
0x4: {  	s4 =	simm.s32 $0x0;
	s13 =	simm.s32 $0x80;
	s14 =	simm.s32 $0x0  }
0x5: {  	s6 =	sand.u32 $0x1, s1;
	s28 =	sshll.u32 s0, $0x1;
	s8 =	smul.u32 $0x13C00, s0  }
0x6: {  	[smem:$0x7FF] =	sst s4;
	s29 =	smul.u32 $0x4F000, s0;
	s31 =	sshll.u32 s0, $0x6  }
0x7: {  	s1 =	sor.u32 s6, s28;
	s9 =	smul.u32 $0x13C000, s6;
	s6 =	ssub.s32 $0x2, s6  }
0x8: {  	s7 =	smul.u32 $0xA00, s1;
	s1 =	rddreg [dreg:$0x3];
	_ =	strace $0x80000047  }
0x9: {  	s10 =	sshrl.u32 s8, $0x3;
	s11 =	sshrl.u32 s6, $0x1;
	s30 =	sshrl.u32 s29, $0x2  }
0xa: {  	s8 =	sadd.s32 s8, s9;
	s10 =	sadd.s32 s10, s5;
	s11 =	ssub.s32 s6, s11  }
0xb: {  	s12 =	sadd.s32 s30, s3;
	s6 =	sor.u32 $0x1C01, s31;
	s7 =	sadd.s32 s7, s5  }
0xc: {  	s8 =	sshrl.u32 s8, $0x3;
	s9 =	smax.u32 s11, $0x1;
	s11 =	simm.s32 $0x1  }
0xd: {  	s8 =	sadd.s32 s8, s5;
	s5 =	sadd.s32 $0x2EC00, s10;
	s7 =	sadd.s32 $0x1AC00, s7  }
0xe: {  	s10 =	sshrl.u32 s12, $0x3;
	s12 =	simm.s32 $0x5000;
	s8 =	sadd.s32 $0x56400, s8  }
.LBB2_1:
0xf: {  	[spmem:s10], [sflag:s6] =	dma.local [hbm:s5], $0x2780  }
0x10: {  	_ =	swait.ge [sflag:s11], $0x2780  }
0x11: {  	[sflag:s11] =	ssyncset.done $0x0  }
0x12: {  	[sflag:s11] =	ssyncadd.s32 $0xFFFFD880  }
0x13: {  	[tilespmem:s4], [sflag:$0x1] =	stream.linear.gather [hbm4b:s7+s4], $0x5000, $0x38;
	[tilespmem:$0x1CC00] =	vst v63  }
0x14: {  	_ =	swait.ge [sflag:s11], $0x5000  }
0x15: {  	[sflag:s11] =	ssyncset.done $0x0  }
0x16: {  	[sflag:s11] =	ssyncadd.s32 $0xFFFFB000  }
0x17: {  	[tilespmem:s12], [sflag:$0x1] =	stream.linear.gather [hbm4b:s2+s4], $0x4000, $0x38;
	[tilespmem:$0x1CC00] =	vst v63  }
0x18: {  	_ =	swait.ge [sflag:s11], $0x4000  }
0x19: {  	[sflag:s11] =	ssyncset.done $0x0  }
0x1a: {  	[sflag:s11] =	ssyncadd.s32 $0xFFFFC000  }
0x1b: {  	s15 =	simm.s32 $0x0;
	[bflag:$0x0] =	sbarrier.arrive $0xFFFF  }
0x1c: {  	[spmem:s3] =	stream.indirect.scatter.add.f32 [tilespmem:s12], [sflag:$0x1], $0x80, s15, s13, $0xb8;
	[tilespmem:$0x1CC00] =	vst v63  }
0x1d: {  	_ =	swait.ge [sflag:s11], $0x4000  }
0x1e: {  	s15 =	simm.s32 $0x200;
	[sflag:s11] =	ssyncset.done $0x0  }
.LBB2_2:
0x1f: {  	s16 =	sshra.s32 s15, $0x2;
	[sflag:s11] =	ssyncadd.s32 $0xFFFFC000;
	p0 =	sne.s32 s15, $0x13E00  }
0x20: {  	[spmem:s3] =	stream.indirect.scatter.add.f32 [tilespmem:s12], [sflag:$0x1], $0x80, s16, s13, $0xb8;
	[tilespmem:$0x1CC00] =	vst v63  }
.Ltmp0:
0x21: {  	_ = 	snop;
	(pc) =	sbr.rel @p0 .LBB2_2-.Ltmp0, $4  }
0x22: {  	_ = 	snop  }
0x23: {  	s15 =	sadd.s32 $0x200, s15  }
0x24: {  	_ =	swait.ge [sflag:s11], $0x4000  }
0x25: {  	[sflag:s11] =	ssyncset.done $0x0  }
0x26: {  	s14 =	sadd.s32 $0x1, s14  }
0x27: {  	[sflag:s11] =	ssyncadd.s32 $0xFFFFC000;
	p0 =	sne.s32 s14, s9  }
.Ltmp1:
0x28: {  	[bflag:$0x0] =	sbarrier.arrive $0xFFFF;
	(pc) =	sbr.rel @p0 .LBB2_1-.Ltmp1, $4  }
0x29: {  	[hbm:s8], [sflag:s6] =	dma.local [spmem:s10], $0x2780  }
0x2a: {  	_ =	swait.ge [sflag:s11], $0x2780  }
0x2b: {  	[sflag:s11] =	ssyncset.done $0x0  }
0x2c: {  	[sflag:s11] =	ssyncadd.s32 $0xFFFFD880  }
0x2d: {  	_ =	sfence.sel $0x180000  }
0x2e: {  	[bflag:$0x0] =	sbarrier.arrive $0xFFFF  }
0x2f: {  	p0 =	sne.s32 s0, $0x0;
	_ =	strace $0x90000047  }
0x30: {  	s0 =	sadd.s32 @!p0 $0x100000, s1;
	[bflag:$0x2] =	sbarrier.arrive $0xFFFF  }
0x31: {  	[sflag:s0] =	ssyncadd.tile.s32 @!p0 $0x1;
	_ =	shalt  }
.Lfunc_end2:
_tile_overlayer_lowered:
.L_overlay_start_2:
0x32: {  	(tag) =	ssettag $0x2  }
0x33: {  	s0 =	rddreg [dreg:$0x0];
	s2 =	stileid.u32  }
0x34: {  	s1 =	rddreg [dreg:$0x1];
	p0 =	sne.s32 s2, $0x0  }
0x35: {  	s3 =	rddreg [dreg:$0x2];
	[bflag:$0x3] =	sbarrier.arrive $0xFFFF;
	s2 =	simm.s32 @!p0 $0x1C01  }
0x36: {  	[timem:s3], [sflag:s2] =	dma.local @!p0 [hbm:s0], s1  }
0x37: {  	s0 =	simm.s32 @!p0 $0x1  }
0x38: {  	_ =	swait.ge @!p0 [sflag:s0], s1  }
0x39: {  	s1 =	ssub.s32 @!p0 $0x0, s1;
	[sflag:s0] =	ssyncset.done @!p0 $0x0  }
0x3a: {  	[sflag:s0] =	ssyncadd.s32 @!p0 s1  }
0x3b: {  	[bflag:$0x3] =	sbarrier.arrive $0xFFFF  }
0x3c: {  	_ =	shalt  }

// kernel: kernel.17.cloned.1.call-start
scs
__scs_entry_jumppad:
0x0: {  	(pc) =	sbr.rel $0x88, $3  }
0x1: {  	(tag) =	ssettag $0x0;
	lr =	simm.s32 $0x1  }
0x2: {  	[smem:$0x3F92] =	sst lr;
	_ =	strace $0xD0000000  }
0x3: {  	_ = 	snop  }
0x4: {  	_ = 	snop  }
0x5: {  	_ = 	snop  }
0x6: {  	_ = 	snop  }
0x7: {  	_ = 	snop  }
__scs_overlays_trampoline_lowered:
0x8: {  	[smem:$0x3FA1] =	sst s0  }
0x9: {  	[smem:$0x3FA2] =	sst s1  }
0xa: {  	[smem:$0x3FA3] =	sst s2  }
0xb: {  	[smem:$0x3FA4] =	sst s3  }
0xc: {  	[smem:$0x3FA5] =	sst s4  }
0xd: {  	[smem:$0x3FA6] =	sst s5  }
0xe: {  	[smem:$0x3FA7] =	sst s6  }
0xf: {  	[smem:$0x3FA8] =	sst s7  }
0x10: {  	[smem:$0x3FA9] =	sst s8  }
0x11: {  	[smem:$0x3FAA] =	sst s9;
	s0 =	simm.s32 @!p0 $0x0  }
0x12: {  	s1 =	sld [smem:$0x3F90];
	s0 =	simm.s32 @p0 $0x1  }
0x13: {  	[smem:$0x3FAB] =	sst s0;
	s0 =	simm.s32 @!p1 $0x0  }
0x14: {  	s2 =	sld [smem:$0x3F8F];
	s0 =	simm.s32 @p1 $0x1  }
0x15: {  	[smem:$0x3FAC] =	sst s0;
	s0 =	simm.s32 @!p2 $0x0  }
0x16: {  	s3 =	sld [smem:$0x3FDB];
	s0 =	simm.s32 @p2 $0x1  }
0x17: {  	s4 =	simm.s32 $0x1BF5;
	[smem:$0x3FAE] =	sst s0  }
0x18: {  	s0 =	sld [smem:$0x3F91];
	_ =	swait.ge [sflag:s4], $0x0  }
0x19: {  	s7 =	sld [smem:$0x3F92]  }
0x1a: {  	s8 =	sadd.s32 $0xFFFFE003, lr  }
0x1b: {  	s9 =	sadd.s32 $0xFFFFFEF7, lr;
	s5 =	simm.s32 $0xFFFFFFFF;
	p2 =	slt.u32 s8, $0xFFFFF086  }
0x1c: {  	p1 =	slt.u32 s9, $0xF7A;
	s5 =	simm.s32 @!p2 $0x0  }
0x1d: {  	s5 =	simm.s32 @p1 $0x1;
	p0 =	seq.s32 s7, s2  }
0x1e: {  	s7 =	smul.u32 @!p0 $0xF7A, s2;
	p2 =	seq.s32 @!p0 s5, $0x0  }
0x1f: {  	s9 =	smul.u32 $0xF7A, s1;
	s8 =	simm.s32 @!p0 $0x1BF5;
	p2 =	por !p2, p0  }
0x20: {  	[sflag:s8] =	ssyncset.s32 @!p0 $0xFFFFF086;
	s6 =	sadd.s32 @!p0 s3, s7;
	s7 =	simm.s32 @!p0 $0x108  }
0x21: {  	s3 =	sadd.s32 s3, s9;
	s6 =	sadd.s32 @!p0 $0x88, s6;
	s7 =	simm.s32 @p2 $0x1082  }
0x22: {  	[simem:s7], [sflag:s8] =	dma.local @!p0 [hbm:s6], $0xF7A  }
0x23: {  	s9 =	sor.u32 $0xD0000000, s2;
	s6 =	simm.s32 $0x108;
	_ =	swait.ge @!p0 [sflag:s8], $0x0  }
0x24: {  	s3 =	sadd.s32 $0x88, s3;
	s6 =	simm.s32 @!p1 $0x1082;
	[sflag:s4] =	ssyncset.s32 $0xFFFFF086  }
0x25: {  	[simem:s6], [sflag:s4] =	dma.local [hbm:s3], $0xF7A  }
0x26: {  	[smem:$0x3F92] =	sst s1;
	(tag) =	ssettag s2;
	_ =	strace s9  }
0x27: {  	s1 =	sld [smem:$0x3FA2]  }
0x28: {  	s2 =	sld [smem:$0x3FA3]  }
0x29: {  	s4 =	sld [smem:$0x3FA5]  }
0x2a: {  	p0 =	seq.s32 s5, $0x0;
	s5 =	sld [smem:$0x3FA6]  }
0x2b: {  	s6 =	sld [smem:$0x3FA7]  }
0x2c: {  	s7 =	sld [smem:$0x3FA8]  }
0x2d: {  	s3 =	simm.s32 $0x108;
	s8 =	sld [smem:$0x3FA9]  }
0x2e: {  	s3 =	simm.s32 @!p0 $0x1082;
	s9 =	sld [smem:$0x3FAA]  }
0x2f: {  	lr =	sadd.s32 s0, s3;
	s0 =	sld [smem:$0x3FA1]  }
0x30: {  	s3 =	sld [smem:$0x3FA4]  }
0x31: {  	[smem:$0x3FAD] =	sst s10  }
0x32: {  	s10 =	sld [smem:$0x3FAB];
	_ =	sdelay $0x3  }
0x33: {  	p0 =	seq.s32 s10, $0x1;
	s10 =	sld [smem:$0x3FAD];
	_ =	sdelay $0x3  }
0x34: {  	[smem:$0x3FAD] =	sst s10  }
0x35: {  	s10 =	sld [smem:$0x3FAC];
	_ =	sdelay $0x3  }
0x36: {  	p1 =	seq.s32 s10, $0x1;
	s10 =	sld [smem:$0x3FAD];
	_ =	sdelay $0x3  }
0x37: {  	[smem:$0x3FAD] =	sst s10  }
0x38: {  	s10 =	sld [smem:$0x3FAE]  }
0x39: {  	_ = 	snop;
	(pc) =	sbr.ind lr, $3  }
0x3a: {  	_ = 	snop  }
0x3b: {  	_ = 	snop  }
0x3c: {  	p2 =	seq.s32 s10, $0x1;
	s10 =	sld [smem:$0x3FAD]  }
0x3d: {  	_ =	shalt  }
0x3e: {  	_ =	shalt  }
0x3f: {  	_ =	shalt  }
0x40: {  	_ =	shalt  }
0x41: {  	_ =	shalt  }
0x42: {  	_ =	shalt  }
0x43: {  	_ =	shalt  }
0x44: {  	_ =	shalt  }
0x45: {  	_ =	shalt  }
0x46: {  	_ =	shalt  }
0x47: {  	_ =	shalt  }
0x48: {  	_ =	shalt  }
0x49: {  	_ =	shalt  }
0x4a: {  	_ =	shalt  }
0x4b: {  	_ =	shalt  }
0x4c: {  	_ =	shalt  }
0x4d: {  	_ =	shalt  }
0x4e: {  	_ =	shalt  }
0x4f: {  	_ =	shalt  }
0x50: {  	_ =	shalt  }
0x51: {  	_ =	shalt  }
0x52: {  	_ =	shalt  }
0x53: {  	_ =	shalt  }
0x54: {  	_ =	shalt  }
0x55: {  	_ =	shalt  }
0x56: {  	_ =	shalt  }
0x57: {  	_ =	shalt  }
0x58: {  	_ =	shalt  }
0x59: {  	_ =	shalt  }
0x5a: {  	_ =	shalt  }
0x5b: {  	_ =	shalt  }
0x5c: {  	_ =	shalt  }
0x5d: {  	_ =	shalt  }
0x5e: {  	_ =	shalt  }
0x5f: {  	_ =	shalt  }
0x60: {  	_ =	shalt  }
0x61: {  	_ =	shalt  }
0x62: {  	_ =	shalt  }
0x63: {  	_ =	shalt  }
0x64: {  	_ =	shalt  }
0x65: {  	_ =	shalt  }
0x66: {  	_ =	shalt  }
0x67: {  	_ =	shalt  }
0x68: {  	_ =	shalt  }
0x69: {  	_ =	shalt  }
0x6a: {  	_ =	shalt  }
0x6b: {  	_ =	shalt  }
0x6c: {  	_ =	shalt  }
0x6d: {  	_ =	shalt  }
0x6e: {  	_ =	shalt  }
0x6f: {  	_ =	shalt  }
0x70: {  	_ =	shalt  }
0x71: {  	_ =	shalt  }
0x72: {  	_ =	shalt  }
0x73: {  	_ =	shalt  }
0x74: {  	_ =	shalt  }
0x75: {  	_ =	shalt  }
0x76: {  	_ =	shalt  }
0x77: {  	_ =	shalt  }
0x78: {  	_ =	shalt  }
0x79: {  	_ =	shalt  }
0x7a: {  	_ =	shalt  }
0x7b: {  	_ =	shalt  }
0x7c: {  	_ =	shalt  }
0x7d: {  	_ =	shalt  }
0x7e: {  	_ =	shalt  }
0x7f: {  	_ =	shalt  }
0x80: {  	_ =	shalt  }
0x81: {  	_ =	shalt  }
0x82: {  	_ =	shalt  }
0x83: {  	_ =	shalt  }
0x84: {  	_ =	shalt  }
0x85: {  	_ =	shalt  }
0x86: {  	_ =	shalt  }
0x87: {  	_ =	shalt  }
.Lfunc_end0:
.L_simem_size_0:
called_computation.1_lowered:
.L_overlay_start_0:
0x88: {  	s2 =	sld [smem:$0x3FD9]  }
0x89: {  	s3 =	sld [smem:$0x3FFE];
	_ =	sdelay $0x1  }
0x8a: {  	s1 =	srdreg.scid  }
0x8b: {  	s0 =	sand.u32 $0x1, s1  }
0x8c: {  	s14 =	sshll.u32 s0, $0xA;
	s2 =	sadd.s32 s3, s2  }
0x8d: {  	s2 =	sadd.s32 s2, s14  }
0x8e: {  	[smem:$0x3FB9] =	sst s2  }
0x8f: {  	_ = 	snop  }
0x90: {  	s2 =	sld [smem:$0x3FD0];
	_ =	sdelay $0x2  }
0x91: {  	s15 =	simm.s32 $0xA;
	s4 =	simm.s32 $0x10  }
0x92: {  	[smem:s4], [sflag:s15] =	dma.local [hbm:s2], $0x1  }
0x93: {  	_ =	swait.eq [sflag:s15], $0x1  }
0x94: {  	[sflag:s15] =	ssyncset.done $0x0  }
0x95: {  	[sflag:s15] =	ssyncadd.s32 $0xFFFFFFFF  }
0x96: {  	s16 =	sld [smem:$0x11];
	(tm) =	ssettm $0x1  }
0x97: {  	s17 =	sld [smem:$0x3FFB];
	_ =	sdelay $0x3  }
0x98: {  	_ =	strace s17  }
0x99: {  	s3 =	sld [smem:$0x3FFC];
	_ =	sdelay $0x3  }
0x9a: {  	_ =	strace s3  }
0x9b: {  	s3 =	sld [smem:$0x3FFD];
	_ =	sdelay $0x3  }
0x9c: {  	_ =	strace s3  }
0x9d: {  	_ =	strace $0x8FFFFFFF  }
0x9e: {  	s18 =	sld [smem:$0x3FDB];
	_ =	sdelay $0x1  }
0x9f: {  	s19 =	simm.s32 $_scs_section_size  }
0xa0: {  	s5 =	simm.s32 $_size__tile_overlayer_lowered;
	s6 =	simm.s32 $_tile_overlayer_lowered  }
0xa1: {  	s22 =	simm.s32 $0x1BFF;
	s21 =	sshll.u32 s6, $0x1;
	s3 =	sadd.s32 s19, s18  }
0xa2: {  	s7 =	simm.s32 $0x0;
	s20 =	sshll.u32 s5, $0x1;
	s5 =	sadd.s32 s21, s3  }
0xa3: {  	[timem:s7], [sflag:s22] =	dma.local [hbm:s5], s20  }
0xa4: {  	_ =	swait.ge [sflag:s22], s20  }
0xa5: {  	s4 =	ssub.s32 $0x0, s20;
	[sflag:s22] =	ssyncset.done $0x0  }
0xa6: {  	[sflag:s22] =	ssyncadd.s32 s4;
	_ =	sdelay $0x1  }
0xa7: {  	s23 =	simm.s32 $0x1B8B  }
0xa8: {  	_ =	swait.ge [sflag:s23], $0x1  }
0xa9: {  	[sflag:s23] =	ssyncset.done $0x0  }
0xaa: {  	s25 =	simm.s32 $0x1B8E;
	s24 =	sld [smem:$0x3FFE];
	[sflag:s23] =	ssyncadd.s32 $0xFFFFFFFF  }
0xab: {  	s26 =	simm.s32 $execute0_lowered;
	[smem:$0x3FD2] =	sst s25  }
0xac: {  	s5 =	sshll.u32 s26, $0x1;
	_ =	strace $0x80000049;
	[dreg:$0x1] =	wrdreg $0xFFFFFFFF  }
0xad: {  	s28 =	simm.s32 $_size_execute0_lowered;
	s3 =	sadd.s32 s3, s5;
	[dreg:$0x0] =	wrdreg $0x0  }
0xae: {  	s5 =	sshll.u32 s28, $0x1;
	[dreg:$0x2] =	wrdreg s3  }
0xaf: {  	[dreg:$0x3] =	wrdreg s5  }
0xb0: {  	[dreg:$0x4] =	wrdreg $0xC0  }
0xb1: {  	_ =	task [dreg:s7], $0x5FFFF  }
0xb2: {  	[dreg:$0x1] =	wrdreg $0xFFFFFFFF  }
0xb3: {  	[dreg:$0x0] =	wrdreg $0x60  }
0xb4: {  	[dreg:$0x2] =	wrdreg s16  }
0xb5: {  	[dreg:$0x3] =	wrdreg s24  }
0xb6: {  	[dreg:$0x4] =	wrdreg $0xA0000  }
0xb7: {  	[dreg:$0x5] =	wrdreg $0x9  }
0xb8: {  	_ =	task.clear_ibuf [dreg:s7], $0x6FFFF;
	_ =	strace $0x90000049  }
0xb9: {  	s29 =	simm.s32 $0x9;
	_ =	strace $0x8000004B  }
0xba: {  	_ =	swait.ge [sflag:s29], $0x1  }
0xbb: {  	[sflag:s29] =	ssyncadd.s32 $0xFFFFFFFF  }
0xbc: {  	_ =	strace $0x9000004B  }
0xbd: {  	_ =	sfence  }
0xbe: {  	s30 =	sld [smem:$0x0];
	_ =	sdelay $0x2  }
0xbf: {  	s31 =	sshll.u32 s1, $0xD;
	s1 =	sshrl.u32 s1, $0x2  }
0xc0: {  	s3 =	sand.u32 $0x4000, s31;
	s1 =	sadd.s32 s1, s30  }
0xc1: {  	s0 =	sor.u32 s3, s0;
	s1 =	sshll.u32 s1, $0x11  }
0xc2: {  	s0 =	sor.u32 s1, s0  }
0xc3: {  	s0 =	sadd.s32 $0x8F2B, s0  }
0xc4: {  	[sflag:s0] =	ssyncadd.remote.s32 $0x1  }
0xc5: {  	_ =	sfence.sel $0xFFFF  }
0xc6: {  	[dreg:$0x0] =	wrdreg $0xFFFFFFFF;
	(pc) =	sbr.abs _section_cstart, $3  }
0xc7: {  	[dreg:$0x1] =	wrdreg $0xFFFFFFFF  }
0xc8: {  	_ =	task.clear_ibuf [dreg:s7], $0x2FFFF;
	_ =	strace $0x9FFFFFFF  }
0xc9: {  	(tm) =	ssettm $0x7FFFFFFF  }
tec
execute0_lowered:
.L_overlay_start_1:
0x0: {  	(tag) =	ssettag $0x1  }
0x1: {  	s2 =	rddreg [dreg:$0x0]  }
0x2: {  	s7 =	rddreg [dreg:$0x1]  }
0x3: {  	s3 =	rddreg [dreg:$0x2]  }
0x4: {  	s0 =	rddreg [dreg:$0x3]  }
0x5: {  	s1 =	stileid.u32;
	s5 =	srdreg.scid;
	s4 =	simm.s32 $0x0  }
0x6: {  	s15 =	simm.s32 $0x80;
	s16 =	simm.s32 $0x2000;
	s17 =	simm.s32 $0x6000  }
0x7: {  	s18 =	simm.s32 $0x1;
	s19 =	simm.s32 $0x2;
	s20 =	simm.s32 $0x1F00  }
0x8: {  	s21 =	simm.s32 $0x1F80;
	s8 =	smul.u32 $0x13C00, s1;
	s9 =	sand.u32 $0x1, s5  }
0x9: {  	[smem:$0x7FF] =	sst s4;
	s5 =	sadd.s32 $0x6C00, s7;
	s6 =	sadd.s32 $0x1AC00, s7  }
0xa: {  	s12 =	smul.u32 $0x4F000, s1;
	s29 =	sshll.u32 s1, $0x1;
	s31 =	sshll.u32 s1, $0x6  }
0xb: {  	s10 =	smul.u32 $0x13C000, s9;
	_ =	strace $0x8000004A;
	s26 =	ssub.s32 $0x2, s9  }
0xc: {  	s9 =	sor.u32 s9, s29;
	s11 =	sshrl.u32 s8, $0x3;
	s28 =	sshrl.u32 s26, $0x1  }
0xd: {  	s30 =	sshrl.u32 s12, $0x2;
	s9 =	smul.u32 $0x5000, s9;
	s8 =	sadd.s32 s8, s10  }
0xe: {  	s11 =	sadd.s32 s11, s7;
	s12 =	sadd.s32 s30, s3;
	s8 =	sshrl.u32 s8, $0x3  }
0xf: {  	s14 =	ssub.s32 s26, s28;
	s12 =	sshrl.u32 s12, $0x3;
	s13 =	sadd.s32 s8, s7  }
0x10: {  	s7 =	sadd.s32 $0x2EC00, s11;
	s8 =	sor.u32 $0x1C03, s31;
	s11 =	smax.u32 s14, $0x1  }
0x11: {  	s14 =	simm.s32 $0x1000;
	s10 =	sadd.s32 $0xCC600, s13;
	s13 =	simm.s32 $0x3  }
.LBB2_1:
0x12: {  	[spmem:s12], [sflag:s8] =	dma.local [hbm:s7], $0x2780  }
0x13: {  	_ =	swait.ge [sflag:s13], $0x2780  }
0x14: {  	[sflag:s13] =	ssyncset.done $0x0  }
0x15: {  	[sflag:s13] =	ssyncadd.s32 $0xFFFFD880  }
0x16: {  	s22 =	simm.s32 $0x0;
	[bflag:$0x0] =	sbarrier.arrive $0xFFFF  }
.LBB2_2:
0x17: {  	s23 =	sshll.u32 s22, $0xC  }
0x18: {  	s23 =	sadd.s32 s9, s23  }
0x19: {  	s23 =	sshrl.u32 s23, $0x3  }
0x1a: {  	s25 =	simm.s32 $0x0;
	s24 =	sadd.s32 s5, s23  }
0x1b: {  	[tilespmem:s25], [sflag:$0x3] =	stream.linear.gather [hbm4b:s24+s25], $0x1000, $0x38;
	[tilespmem:$0x1DC00] =	vst v63  }
0x1c: {  	_ =	swait.ge [sflag:s13], $0x1000  }
0x1d: {  	[sflag:s13] =	ssyncset.done $0x0  }
0x1e: {  	s23 =	sadd.s32 s6, s23;
	[sflag:s13] =	ssyncadd.s32 $0xFFFFF000  }
0x1f: {  	[tilespmem:s14], [sflag:$0x3] =	stream.linear.gather [hbm4b:s23+s25], $0x1000, $0x38;
	[tilespmem:$0x1DC00] =	vst v63  }
0x20: {  	_ =	swait.ge [sflag:s13], $0x1000  }
0x21: {  	[sflag:s13] =	ssyncset.done $0x0  }
0x22: {  	[sflag:s13] =	ssyncadd.s32 $0xFFFFF000  }
0x23: {  	[tilespmem:s16], [sflag:$0x1] =	stream.indirect.gather [hbm4b:s2+s15], $0x80, s25, s15, $0xb8;
	[tilespmem:$0x1DC00] =	vst v63  }
0x24: {  	_ = 	snop  }
0x25: {  	[tilespmem:s17], [sflag:$0x2] =	stream.indirect.gather [hbm4b:s2+s15], $0x80, s15, s15, $0xb8;
	[tilespmem:$0x1DC00] =	vst v63  }
0x26: {  	_ =	swait.ge [sflag:s18], $0x4000  }
0x27: {  	[sflag:s18] =	ssyncset.done $0x0  }
0x28: {  	s29 =	simm.s32 $0x1000;
	[sflag:s18] =	ssyncadd.s32 $0xFFFFC000  }
0x29: {  	[spmem:s3] =	stream.indirect.scatter.add.f32 [tilespmem:s16], [sflag:$0x3], $0x80, s29, s15, $0xb8;
	[tilespmem:$0x1DC00] =	vst v63  }
0x2a: {  	_ =	swait.ge [sflag:s13], $0x4000  }
0x2b: {  	[sflag:s13] =	ssyncset.done $0x0  }
0x2c: {  	s30 =	simm.s32 $0x100;
	[sflag:s13] =	ssyncadd.s32 $0xFFFFC000  }
0x2d: {  	[tilespmem:s16], [sflag:$0x1] =	stream.indirect.gather [hbm4b:s2+s15], $0x80, s30, s15, $0xb8;
	[tilespmem:$0x1DC00] =	vst v63  }
0x2e: {  	_ =	swait.ge [sflag:s19], $0x4000  }
0x2f: {  	[sflag:s19] =	ssyncset.done $0x0  }
0x30: {  	s31 =	simm.s32 $0x1080;
	[sflag:s19] =	ssyncadd.s32 $0xFFFFC000  }
0x31: {  	[spmem:s3] =	stream.indirect.scatter.add.f32 [tilespmem:s17], [sflag:$0x3], $0x80, s31, s15, $0xb8;
	[tilespmem:$0x1DC00] =	vst v63  }
0x32: {  	_ =	swait.ge [sflag:s13], $0x4000  }
0x33: {  	[sflag:s13] =	ssyncset.done $0x0  }
0x34: {  	s24 =	simm.s32 $0x180;
	s23 =	simm.s32 $0x400;
	[sflag:s13] =	ssyncadd.s32 $0xFFFFC000  }
.LBB2_3:
0x35: {  	[tilespmem:s17], [sflag:$0x2] =	stream.indirect.gather [hbm4b:s2+s15], $0x80, s24, s15, $0xb8;
	[tilespmem:$0x1DC00] =	vst v63  }
0x36: {  	s24 =	smov.u32 s23  }
0x37: {  	p0 =	sne.s32 s23, $0x3800;
	s23 =	sadd.s32 $0x400, s23;
	_ =	swait.ge [sflag:s18], $0x4000  }
0x38: {  	s24 =	sshra.s32 s24, $0x2;
	[sflag:s18] =	ssyncset.done $0x0  }
0x39: {  	s25 =	sadd.s32 $0x1000, s24;
	[sflag:s18] =	ssyncadd.s32 $0xFFFFC000  }
0x3a: {  	[spmem:s3] =	stream.indirect.scatter.add.f32 [tilespmem:s16], [sflag:$0x3], $0x80, s25, s15, $0xb8;
	[tilespmem:$0x1DC00] =	vst v63  }
0x3b: {  	_ =	swait.ge [sflag:s13], $0x4000  }
0x3c: {  	[sflag:s13] =	ssyncset.done $0x0  }
0x3d: {  	s25 =	sadd.s32 $0x100, s24;
	[sflag:s13] =	ssyncadd.s32 $0xFFFFC000  }
0x3e: {  	[tilespmem:s16], [sflag:$0x1] =	stream.indirect.gather [hbm4b:s2+s15], $0x80, s25, s15, $0xb8;
	[tilespmem:$0x1DC00] =	vst v63  }
0x3f: {  	_ =	swait.ge [sflag:s19], $0x4000  }
0x40: {  	[sflag:s19] =	ssyncset.done $0x0  }
.Ltmp0:
0x41: {  	s25 =	sadd.s32 $0x1080, s24;
	[sflag:s19] =	ssyncadd.s32 $0xFFFFC000;
	(pc) =	sbr.rel @p0 .LBB2_3-.Ltmp0, $4  }
0x42: {  	[spmem:s3] =	stream.indirect.scatter.add.f32 [tilespmem:s17], [sflag:$0x3], $0x80, s25, s15, $0xb8;
	[tilespmem:$0x1DC00] =	vst v63  }
0x43: {  	_ =	swait.ge [sflag:s13], $0x4000  }
0x44: {  	[sflag:s13] =	ssyncset.done $0x0  }
0x45: {  	s24 =	sadd.s32 $0x180, s24;
	[sflag:s13] =	ssyncadd.s32 $0xFFFFC000  }
0x46: {  	[tilespmem:s17], [sflag:$0x2] =	stream.indirect.gather [hbm4b:s2+s15], $0x80, s24, s15, $0xb8;
	[tilespmem:$0x1DC00] =	vst v63  }
0x47: {  	_ =	swait.ge [sflag:s18], $0x4000  }
0x48: {  	[sflag:s18] =	ssyncset.done $0x0  }
0x49: {  	[sflag:s18] =	ssyncadd.s32 $0xFFFFC000  }
0x4a: {  	[spmem:s3] =	stream.indirect.scatter.add.f32 [tilespmem:s16], [sflag:$0x3], $0x80, s20, s15, $0xb8;
	[tilespmem:$0x1DC00] =	vst v63  }
0x4b: {  	_ =	swait.ge [sflag:s13], $0x4000  }
0x4c: {  	[sflag:s13] =	ssyncset.done $0x0  }
0x4d: {  	[sflag:s13] =	ssyncadd.s32 $0xFFFFC000  }
0x4e: {  	s22 =	sadd.s32 $0x1, s22;
	_ =	swait.ge [sflag:s19], $0x4000  }
0x4f: {  	p0 =	sne.s32 s22, $0x5;
	[sflag:s19] =	ssyncset.done $0x0  }
.Ltmp1:
0x50: {  	[sflag:s19] =	ssyncadd.s32 $0xFFFFC000;
	(pc) =	sbr.rel @p0 .LBB2_2-.Ltmp1, $4  }
0x51: {  	[spmem:s3] =	stream.indirect.scatter.add.f32 [tilespmem:s17], [sflag:$0x3], $0x80, s21, s15, $0xb8;
	[tilespmem:$0x1DC00] =	vst v63  }
0x52: {  	_ =	swait.ge [sflag:s13], $0x4000  }
0x53: {  	[sflag:s13] =	ssyncset.done $0x0  }
0x54: {  	[sflag:s13] =	ssyncadd.s32 $0xFFFFC000  }
0x55: {  	s4 =	sadd.s32 $0x1, s4  }
0x56: {  	p0 =	sne.s32 s4, s11  }
.Ltmp2:
0x57: {  	[bflag:$0x0] =	sbarrier.arrive $0xFFFF;
	(pc) =	sbr.rel @p0 .LBB2_1-.Ltmp2, $4  }
0x58: {  	[hbm:s10], [sflag:s8] =	dma.local [spmem:s12], $0x2780  }
0x59: {  	_ =	swait.ge [sflag:s13], $0x2780  }
0x5a: {  	[sflag:s13] =	ssyncset.done $0x0  }
0x5b: {  	[sflag:s13] =	ssyncadd.s32 $0xFFFFD880  }
0x5c: {  	_ =	sfence.sel $0x180000  }
0x5d: {  	[bflag:$0x0] =	sbarrier.arrive $0xFFFF  }
0x5e: {  	p0 =	sne.s32 s1, $0x0;
	_ =	strace $0x9000004A  }
0x5f: {  	s0 =	sadd.s32 @!p0 $0x100000, s0;
	[bflag:$0x2] =	sbarrier.arrive $0xFFFF  }
0x60: {  	[sflag:s0] =	ssyncadd.tile.s32 @!p0 $0x1;
	_ =	shalt  }
.Lfunc_end2:
_tile_overlayer_lowered:
.L_overlay_start_2:
0x61: {  	(tag) =	ssettag $0x2  }
0x62: {  	s0 =	rddreg [dreg:$0x0];
	s2 =	stileid.u32  }
0x63: {  	s1 =	rddreg [dreg:$0x1];
	p0 =	sne.s32 s2, $0x0  }
0x64: {  	s3 =	rddreg [dreg:$0x2];
	[bflag:$0x3] =	sbarrier.arrive $0xFFFF;
	s2 =	simm.s32 @!p0 $0x1C03  }
0x65: {  	[timem:s3], [sflag:s2] =	dma.local @!p0 [hbm:s0], s1  }
0x66: {  	s0 =	simm.s32 @!p0 $0x3  }
0x67: {  	_ =	swait.ge @!p0 [sflag:s0], s1  }
0x68: {  	s1 =	ssub.s32 @!p0 $0x0, s1;
	[sflag:s0] =	ssyncset.done @!p0 $0x0  }
0x69: {  	[sflag:s0] =	ssyncadd.s32 @!p0 s1  }
0x6a: {  	[bflag:$0x3] =	sbarrier.arrive $0xFFFF  }
0x6b: {  	_ =	shalt  }

// kernel: kernel.20.cloned.1.call-start
scs
__scs_entry_jumppad:
0x0: {  	(pc) =	sbr.rel $0x88, $3  }
0x1: {  	(tag) =	ssettag $0x0;
	lr =	simm.s32 $0x1  }
0x2: {  	[smem:$0x3F92] =	sst lr;
	_ =	strace $0xD0000000  }
0x3: {  	_ = 	snop  }
0x4: {  	_ = 	snop  }
0x5: {  	_ = 	snop  }
0x6: {  	_ = 	snop  }
0x7: {  	_ = 	snop  }
__scs_overlays_trampoline_lowered:
0x8: {  	[smem:$0x3FA1] =	sst s0  }
0x9: {  	[smem:$0x3FA2] =	sst s1  }
0xa: {  	[smem:$0x3FA3] =	sst s2  }
0xb: {  	[smem:$0x3FA4] =	sst s3  }
0xc: {  	[smem:$0x3FA5] =	sst s4  }
0xd: {  	[smem:$0x3FA6] =	sst s5  }
0xe: {  	[smem:$0x3FA7] =	sst s6  }
0xf: {  	[smem:$0x3FA8] =	sst s7  }
0x10: {  	[smem:$0x3FA9] =	sst s8  }
0x11: {  	[smem:$0x3FAA] =	sst s9;
	s0 =	simm.s32 @!p0 $0x0  }
0x12: {  	s1 =	sld [smem:$0x3F90];
	s0 =	simm.s32 @p0 $0x1  }
0x13: {  	[smem:$0x3FAB] =	sst s0;
	s0 =	simm.s32 @!p1 $0x0  }
0x14: {  	s2 =	sld [smem:$0x3F8F];
	s0 =	simm.s32 @p1 $0x1  }
0x15: {  	[smem:$0x3FAC] =	sst s0;
	s0 =	simm.s32 @!p2 $0x0  }
0x16: {  	s3 =	sld [smem:$0x3FDB];
	s0 =	simm.s32 @p2 $0x1  }
0x17: {  	s4 =	simm.s32 $0x1BF5;
	[smem:$0x3FAE] =	sst s0  }
0x18: {  	s0 =	sld [smem:$0x3F91];
	_ =	swait.ge [sflag:s4], $0x0  }
0x19: {  	s7 =	sld [smem:$0x3F92]  }
0x1a: {  	s8 =	sadd.s32 $0xFFFFE003, lr  }
0x1b: {  	s9 =	sadd.s32 $0xFFFFFEF7, lr;
	s5 =	simm.s32 $0xFFFFFFFF;
	p2 =	slt.u32 s8, $0xFFFFF086  }
0x1c: {  	p1 =	slt.u32 s9, $0xF7A;
	s5 =	simm.s32 @!p2 $0x0  }
0x1d: {  	s5 =	simm.s32 @p1 $0x1;
	p0 =	seq.s32 s7, s2  }
0x1e: {  	s7 =	smul.u32 @!p0 $0xF7A, s2;
	p2 =	seq.s32 @!p0 s5, $0x0  }
0x1f: {  	s9 =	smul.u32 $0xF7A, s1;
	s8 =	simm.s32 @!p0 $0x1BF5;
	p2 =	por !p2, p0  }
0x20: {  	[sflag:s8] =	ssyncset.s32 @!p0 $0xFFFFF086;
	s6 =	sadd.s32 @!p0 s3, s7;
	s7 =	simm.s32 @!p0 $0x108  }
0x21: {  	s3 =	sadd.s32 s3, s9;
	s6 =	sadd.s32 @!p0 $0x88, s6;
	s7 =	simm.s32 @p2 $0x1082  }
0x22: {  	[simem:s7], [sflag:s8] =	dma.local @!p0 [hbm:s6], $0xF7A  }
0x23: {  	s9 =	sor.u32 $0xD0000000, s2;
	s6 =	simm.s32 $0x108;
	_ =	swait.ge @!p0 [sflag:s8], $0x0  }
0x24: {  	s3 =	sadd.s32 $0x88, s3;
	s6 =	simm.s32 @!p1 $0x1082;
	[sflag:s4] =	ssyncset.s32 $0xFFFFF086  }
0x25: {  	[simem:s6], [sflag:s4] =	dma.local [hbm:s3], $0xF7A  }
0x26: {  	[smem:$0x3F92] =	sst s1;
	(tag) =	ssettag s2;
	_ =	strace s9  }
0x27: {  	s1 =	sld [smem:$0x3FA2]  }
0x28: {  	s2 =	sld [smem:$0x3FA3]  }
0x29: {  	s4 =	sld [smem:$0x3FA5]  }
0x2a: {  	p0 =	seq.s32 s5, $0x0;
	s5 =	sld [smem:$0x3FA6]  }
0x2b: {  	s6 =	sld [smem:$0x3FA7]  }
0x2c: {  	s7 =	sld [smem:$0x3FA8]  }
0x2d: {  	s3 =	simm.s32 $0x108;
	s8 =	sld [smem:$0x3FA9]  }
0x2e: {  	s3 =	simm.s32 @!p0 $0x1082;
	s9 =	sld [smem:$0x3FAA]  }
0x2f: {  	lr =	sadd.s32 s0, s3;
	s0 =	sld [smem:$0x3FA1]  }
0x30: {  	s3 =	sld [smem:$0x3FA4]  }
0x31: {  	[smem:$0x3FAD] =	sst s10  }
0x32: {  	s10 =	sld [smem:$0x3FAB];
	_ =	sdelay $0x3  }
0x33: {  	p0 =	seq.s32 s10, $0x1;
	s10 =	sld [smem:$0x3FAD];
	_ =	sdelay $0x3  }
0x34: {  	[smem:$0x3FAD] =	sst s10  }
0x35: {  	s10 =	sld [smem:$0x3FAC];
	_ =	sdelay $0x3  }
0x36: {  	p1 =	seq.s32 s10, $0x1;
	s10 =	sld [smem:$0x3FAD];
	_ =	sdelay $0x3  }
0x37: {  	[smem:$0x3FAD] =	sst s10  }
0x38: {  	s10 =	sld [smem:$0x3FAE]  }
0x39: {  	_ = 	snop;
	(pc) =	sbr.ind lr, $3  }
0x3a: {  	_ = 	snop  }
0x3b: {  	_ = 	snop  }
0x3c: {  	p2 =	seq.s32 s10, $0x1;
	s10 =	sld [smem:$0x3FAD]  }
0x3d: {  	_ =	shalt  }
0x3e: {  	_ =	shalt  }
0x3f: {  	_ =	shalt  }
0x40: {  	_ =	shalt  }
0x41: {  	_ =	shalt  }
0x42: {  	_ =	shalt  }
0x43: {  	_ =	shalt  }
0x44: {  	_ =	shalt  }
0x45: {  	_ =	shalt  }
0x46: {  	_ =	shalt  }
0x47: {  	_ =	shalt  }
0x48: {  	_ =	shalt  }
0x49: {  	_ =	shalt  }
0x4a: {  	_ =	shalt  }
0x4b: {  	_ =	shalt  }
0x4c: {  	_ =	shalt  }
0x4d: {  	_ =	shalt  }
0x4e: {  	_ =	shalt  }
0x4f: {  	_ =	shalt  }
0x50: {  	_ =	shalt  }
0x51: {  	_ =	shalt  }
0x52: {  	_ =	shalt  }
0x53: {  	_ =	shalt  }
0x54: {  	_ =	shalt  }
0x55: {  	_ =	shalt  }
0x56: {  	_ =	shalt  }
0x57: {  	_ =	shalt  }
0x58: {  	_ =	shalt  }
0x59: {  	_ =	shalt  }
0x5a: {  	_ =	shalt  }
0x5b: {  	_ =	shalt  }
0x5c: {  	_ =	shalt  }
0x5d: {  	_ =	shalt  }
0x5e: {  	_ =	shalt  }
0x5f: {  	_ =	shalt  }
0x60: {  	_ =	shalt  }
0x61: {  	_ =	shalt  }
0x62: {  	_ =	shalt  }
0x63: {  	_ =	shalt  }
0x64: {  	_ =	shalt  }
0x65: {  	_ =	shalt  }
0x66: {  	_ =	shalt  }
0x67: {  	_ =	shalt  }
0x68: {  	_ =	shalt  }
0x69: {  	_ =	shalt  }
0x6a: {  	_ =	shalt  }
0x6b: {  	_ =	shalt  }
0x6c: {  	_ =	shalt  }
0x6d: {  	_ =	shalt  }
0x6e: {  	_ =	shalt  }
0x6f: {  	_ =	shalt  }
0x70: {  	_ =	shalt  }
0x71: {  	_ =	shalt  }
0x72: {  	_ =	shalt  }
0x73: {  	_ =	shalt  }
0x74: {  	_ =	shalt  }
0x75: {  	_ =	shalt  }
0x76: {  	_ =	shalt  }
0x77: {  	_ =	shalt  }
0x78: {  	_ =	shalt  }
0x79: {  	_ =	shalt  }
0x7a: {  	_ =	shalt  }
0x7b: {  	_ =	shalt  }
0x7c: {  	_ =	shalt  }
0x7d: {  	_ =	shalt  }
0x7e: {  	_ =	shalt  }
0x7f: {  	_ =	shalt  }
0x80: {  	_ =	shalt  }
0x81: {  	_ =	shalt  }
0x82: {  	_ =	shalt  }
0x83: {  	_ =	shalt  }
0x84: {  	_ =	shalt  }
0x85: {  	_ =	shalt  }
0x86: {  	_ =	shalt  }
0x87: {  	_ =	shalt  }
.Lfunc_end0:
.L_simem_size_0:
called_computation.2_lowered:
.L_overlay_start_0:
0x88: {  	s2 =	sld [smem:$0x3FD9]  }
0x89: {  	s3 =	sld [smem:$0x3FFE];
	_ =	sdelay $0x1  }
0x8a: {  	s1 =	srdreg.scid  }
0x8b: {  	s0 =	sand.u32 $0x1, s1  }
0x8c: {  	s14 =	sshll.u32 s0, $0xA;
	s2 =	sadd.s32 s3, s2  }
0x8d: {  	s2 =	sadd.s32 s2, s14  }
0x8e: {  	[smem:$0x3FB9] =	sst s2  }
0x8f: {  	_ = 	snop  }
0x90: {  	s2 =	sld [smem:$0x3FD0];
	_ =	sdelay $0x2  }
0x91: {  	s15 =	simm.s32 $0xA;
	s4 =	simm.s32 $0x10  }
0x92: {  	[smem:s4], [sflag:s15] =	dma.local [hbm:s2], $0x1  }
0x93: {  	_ =	swait.eq [sflag:s15], $0x1  }
0x94: {  	[sflag:s15] =	ssyncset.done $0x0  }
0x95: {  	[sflag:s15] =	ssyncadd.s32 $0xFFFFFFFF  }
0x96: {  	s16 =	sld [smem:$0x11];
	(tm) =	ssettm $0x1  }
0x97: {  	s17 =	sld [smem:$0x3FFB];
	_ =	sdelay $0x3  }
0x98: {  	_ =	strace s17  }
0x99: {  	s3 =	sld [smem:$0x3FFC];
	_ =	sdelay $0x3  }
0x9a: {  	_ =	strace s3  }
0x9b: {  	s3 =	sld [smem:$0x3FFD];
	_ =	sdelay $0x3  }
0x9c: {  	_ =	strace s3  }
0x9d: {  	_ =	strace $0x8FFFFFFF  }
0x9e: {  	s18 =	sld [smem:$0x3FDB];
	_ =	sdelay $0x1  }
0x9f: {  	s19 =	simm.s32 $_scs_section_size  }
0xa0: {  	s5 =	simm.s32 $_size__tile_overlayer_lowered;
	s6 =	simm.s32 $_tile_overlayer_lowered  }
0xa1: {  	s22 =	simm.s32 $0x1BFF;
	s21 =	sshll.u32 s6, $0x1;
	s3 =	sadd.s32 s19, s18  }
0xa2: {  	s7 =	simm.s32 $0x0;
	s20 =	sshll.u32 s5, $0x1;
	s5 =	sadd.s32 s21, s3  }
0xa3: {  	[timem:s7], [sflag:s22] =	dma.local [hbm:s5], s20  }
0xa4: {  	_ =	swait.ge [sflag:s22], s20  }
0xa5: {  	s4 =	ssub.s32 $0x0, s20;
	[sflag:s22] =	ssyncset.done $0x0  }
0xa6: {  	[sflag:s22] =	ssyncadd.s32 s4;
	_ =	sdelay $0x1  }
0xa7: {  	s23 =	simm.s32 $0x1B8B  }
0xa8: {  	_ =	swait.ge [sflag:s23], $0x1  }
0xa9: {  	[sflag:s23] =	ssyncset.done $0x0  }
0xaa: {  	s25 =	simm.s32 $0x1B8E;
	s24 =	sld [smem:$0x3FFE];
	[sflag:s23] =	ssyncadd.s32 $0xFFFFFFFF  }
0xab: {  	s26 =	simm.s32 $execute0_lowered;
	[smem:$0x3FD2] =	sst s25  }
0xac: {  	s5 =	sshll.u32 s26, $0x1;
	_ =	strace $0x8000004C;
	[dreg:$0x1] =	wrdreg $0xFFFFFFFF  }
0xad: {  	s28 =	simm.s32 $_size_execute0_lowered;
	s3 =	sadd.s32 s3, s5;
	[dreg:$0x0] =	wrdreg $0x0  }
0xae: {  	s5 =	sshll.u32 s28, $0x1;
	[dreg:$0x2] =	wrdreg s3  }
0xaf: {  	[dreg:$0x3] =	wrdreg s5  }
0xb0: {  	[dreg:$0x4] =	wrdreg $0xC0  }
0xb1: {  	_ =	task [dreg:s7], $0x5FFFF  }
0xb2: {  	[dreg:$0x1] =	wrdreg $0xFFFFFFFF  }
0xb3: {  	[dreg:$0x0] =	wrdreg $0x60  }
0xb4: {  	[dreg:$0x2] =	wrdreg s16  }
0xb5: {  	[dreg:$0x3] =	wrdreg s24  }
0xb6: {  	[dreg:$0x4] =	wrdreg $0xA0000  }
0xb7: {  	[dreg:$0x5] =	wrdreg $0x9  }
0xb8: {  	_ =	task.clear_ibuf [dreg:s7], $0x6FFFF;
	_ =	strace $0x9000004C  }
0xb9: {  	s29 =	simm.s32 $0x9;
	_ =	strace $0x8000004E  }
0xba: {  	_ =	swait.ge [sflag:s29], $0x1  }
0xbb: {  	[sflag:s29] =	ssyncadd.s32 $0xFFFFFFFF  }
0xbc: {  	_ =	strace $0x9000004E  }
0xbd: {  	_ =	sfence  }
0xbe: {  	s30 =	sld [smem:$0x0];
	_ =	sdelay $0x2  }
0xbf: {  	s31 =	sshll.u32 s1, $0xD;
	s1 =	sshrl.u32 s1, $0x2  }
0xc0: {  	s3 =	sand.u32 $0x4000, s31;
	s1 =	sadd.s32 s1, s30  }
0xc1: {  	s0 =	sor.u32 s3, s0;
	s1 =	sshll.u32 s1, $0x11  }
0xc2: {  	s0 =	sor.u32 s1, s0  }
0xc3: {  	s0 =	sadd.s32 $0x8F2B, s0  }
0xc4: {  	[sflag:s0] =	ssyncadd.remote.s32 $0x1  }
0xc5: {  	_ =	sfence.sel $0xFFFF  }
0xc6: {  	[dreg:$0x0] =	wrdreg $0xFFFFFFFF;
	(pc) =	sbr.abs _section_cstart, $3  }
0xc7: {  	[dreg:$0x1] =	wrdreg $0xFFFFFFFF  }
0xc8: {  	_ =	task.clear_ibuf [dreg:s7], $0x2FFFF;
	_ =	strace $0x9FFFFFFF  }
0xc9: {  	(tm) =	ssettm $0x7FFFFFFF  }
tec
execute0_lowered:
.L_overlay_start_1:
0x0: {  	(tag) =	ssettag $0x1  }
0x1: {  	s2 =	rddreg [dreg:$0x0]  }
0x2: {  	s7 =	rddreg [dreg:$0x1]  }
0x3: {  	s3 =	rddreg [dreg:$0x2]  }
0x4: {  	s0 =	rddreg [dreg:$0x3]  }
0x5: {  	s1 =	stileid.u32;
	s5 =	srdreg.scid;
	s4 =	simm.s32 $0x0  }
0x6: {  	s15 =	simm.s32 $0x80;
	s16 =	simm.s32 $0x2000;
	s17 =	simm.s32 $0x6000  }
0x7: {  	s18 =	simm.s32 $0x1;
	s19 =	simm.s32 $0x2;
	s20 =	simm.s32 $0x1F00  }
0x8: {  	s21 =	simm.s32 $0x1F80;
	s8 =	smul.u32 $0x13C00, s1;
	s9 =	sand.u32 $0x1, s5  }
0x9: {  	[smem:$0x7FF] =	sst s4;
	s5 =	sadd.s32 $0x6C00, s7;
	s6 =	sadd.s32 $0x1AC00, s7  }
0xa: {  	s12 =	smul.u32 $0x4F000, s1;
	s29 =	sshll.u32 s1, $0x1;
	s31 =	sshll.u32 s1, $0x6  }
0xb: {  	s10 =	smul.u32 $0x13C000, s9;
	_ =	strace $0x8000004D;
	s26 =	ssub.s32 $0x2, s9  }
0xc: {  	s9 =	sor.u32 s9, s29;
	s11 =	sshrl.u32 s8, $0x3;
	s28 =	sshrl.u32 s26, $0x1  }
0xd: {  	s30 =	sshrl.u32 s12, $0x2;
	s9 =	smul.u32 $0x5000, s9;
	s8 =	sadd.s32 s8, s10  }
0xe: {  	s11 =	sadd.s32 s11, s7;
	s12 =	sadd.s32 s30, s3;
	s8 =	sshrl.u32 s8, $0x3  }
0xf: {  	s14 =	ssub.s32 s26, s28;
	s12 =	sshrl.u32 s12, $0x3;
	s13 =	sadd.s32 s8, s7  }
0x10: {  	s7 =	sadd.s32 $0x2EC00, s11;
	s8 =	sor.u32 $0x1C03, s31;
	s11 =	smax.u32 s14, $0x1  }
0x11: {  	s14 =	simm.s32 $0x1000;
	s10 =	sadd.s32 $0xCC600, s13;
	s13 =	simm.s32 $0x3  }
.LBB2_1:
0x12: {  	[spmem:s12], [sflag:s8] =	dma.local [hbm:s7], $0x2780  }
0x13: {  	_ =	swait.ge [sflag:s13], $0x2780  }
0x14: {  	[sflag:s13] =	ssyncset.done $0x0  }
0x15: {  	[sflag:s13] =	ssyncadd.s32 $0xFFFFD880  }
0x16: {  	s22 =	simm.s32 $0x0;
	[bflag:$0x0] =	sbarrier.arrive $0xFFFF  }
.LBB2_2:
0x17: {  	s23 =	sshll.u32 s22, $0xC  }
0x18: {  	s23 =	sadd.s32 s9, s23  }
0x19: {  	s23 =	sshrl.u32 s23, $0x3  }
0x1a: {  	s25 =	simm.s32 $0x0;
	s24 =	sadd.s32 s5, s23  }
0x1b: {  	[tilespmem:s25], [sflag:$0x3] =	stream.linear.gather [hbm4b:s24+s25], $0x1000, $0x38;
	[tilespmem:$0x1DC00] =	vst v63  }
0x1c: {  	_ =	swait.ge [sflag:s13], $0x1000  }
0x1d: {  	[sflag:s13] =	ssyncset.done $0x0  }
0x1e: {  	s23 =	sadd.s32 s6, s23;
	[sflag:s13] =	ssyncadd.s32 $0xFFFFF000  }
0x1f: {  	[tilespmem:s14], [sflag:$0x3] =	stream.linear.gather [hbm4b:s23+s25], $0x1000, $0x38;
	[tilespmem:$0x1DC00] =	vst v63  }
0x20: {  	_ =	swait.ge [sflag:s13], $0x1000  }
0x21: {  	[sflag:s13] =	ssyncset.done $0x0  }
0x22: {  	[sflag:s13] =	ssyncadd.s32 $0xFFFFF000  }
0x23: {  	[tilespmem:s16], [sflag:$0x1] =	stream.indirect.gather [hbm4b:s2+s15], $0x80, s25, s15, $0xb8;
	[tilespmem:$0x1DC00] =	vst v63  }
0x24: {  	_ = 	snop  }
0x25: {  	[tilespmem:s17], [sflag:$0x2] =	stream.indirect.gather [hbm4b:s2+s15], $0x80, s15, s15, $0xb8;
	[tilespmem:$0x1DC00] =	vst v63  }
0x26: {  	_ =	swait.ge [sflag:s18], $0x4000  }
0x27: {  	[sflag:s18] =	ssyncset.done $0x0  }
0x28: {  	s29 =	simm.s32 $0x1000;
	[sflag:s18] =	ssyncadd.s32 $0xFFFFC000  }
0x29: {  	[spmem:s3] =	stream.indirect.scatter.add.f32 [tilespmem:s16], [sflag:$0x3], $0x80, s29, s15, $0xb8;
	[tilespmem:$0x1DC00] =	vst v63  }
0x2a: {  	_ =	swait.ge [sflag:s13], $0x4000  }
0x2b: {  	[sflag:s13] =	ssyncset.done $0x0  }
0x2c: {  	s30 =	simm.s32 $0x100;
	[sflag:s13] =	ssyncadd.s32 $0xFFFFC000  }
0x2d: {  	[tilespmem:s16], [sflag:$0x1] =	stream.indirect.gather [hbm4b:s2+s15], $0x80, s30, s15, $0xb8;
	[tilespmem:$0x1DC00] =	vst v63  }
0x2e: {  	_ =	swait.ge [sflag:s19], $0x4000  }
0x2f: {  	[sflag:s19] =	ssyncset.done $0x0  }
0x30: {  	s31 =	simm.s32 $0x1080;
	[sflag:s19] =	ssyncadd.s32 $0xFFFFC000  }
0x31: {  	[spmem:s3] =	stream.indirect.scatter.add.f32 [tilespmem:s17], [sflag:$0x3], $0x80, s31, s15, $0xb8;
	[tilespmem:$0x1DC00] =	vst v63  }
0x32: {  	_ =	swait.ge [sflag:s13], $0x4000  }
0x33: {  	[sflag:s13] =	ssyncset.done $0x0  }
0x34: {  	s24 =	simm.s32 $0x180;
	s23 =	simm.s32 $0x400;
	[sflag:s13] =	ssyncadd.s32 $0xFFFFC000  }
.LBB2_3:
0x35: {  	[tilespmem:s17], [sflag:$0x2] =	stream.indirect.gather [hbm4b:s2+s15], $0x80, s24, s15, $0xb8;
	[tilespmem:$0x1DC00] =	vst v63  }
0x36: {  	s24 =	smov.u32 s23  }
0x37: {  	p0 =	sne.s32 s23, $0x3800;
	s23 =	sadd.s32 $0x400, s23;
	_ =	swait.ge [sflag:s18], $0x4000  }
0x38: {  	s24 =	sshra.s32 s24, $0x2;
	[sflag:s18] =	ssyncset.done $0x0  }
0x39: {  	s25 =	sadd.s32 $0x1000, s24;
	[sflag:s18] =	ssyncadd.s32 $0xFFFFC000  }
0x3a: {  	[spmem:s3] =	stream.indirect.scatter.add.f32 [tilespmem:s16], [sflag:$0x3], $0x80, s25, s15, $0xb8;
	[tilespmem:$0x1DC00] =	vst v63  }
0x3b: {  	_ =	swait.ge [sflag:s13], $0x4000  }
0x3c: {  	[sflag:s13] =	ssyncset.done $0x0  }
0x3d: {  	s25 =	sadd.s32 $0x100, s24;
	[sflag:s13] =	ssyncadd.s32 $0xFFFFC000  }
0x3e: {  	[tilespmem:s16], [sflag:$0x1] =	stream.indirect.gather [hbm4b:s2+s15], $0x80, s25, s15, $0xb8;
	[tilespmem:$0x1DC00] =	vst v63  }
0x3f: {  	_ =	swait.ge [sflag:s19], $0x4000  }
0x40: {  	[sflag:s19] =	ssyncset.done $0x0  }
.Ltmp0:
0x41: {  	s25 =	sadd.s32 $0x1080, s24;
	[sflag:s19] =	ssyncadd.s32 $0xFFFFC000;
	(pc) =	sbr.rel @p0 .LBB2_3-.Ltmp0, $4  }
0x42: {  	[spmem:s3] =	stream.indirect.scatter.add.f32 [tilespmem:s17], [sflag:$0x3], $0x80, s25, s15, $0xb8;
	[tilespmem:$0x1DC00] =	vst v63  }
0x43: {  	_ =	swait.ge [sflag:s13], $0x4000  }
0x44: {  	[sflag:s13] =	ssyncset.done $0x0  }
0x45: {  	s24 =	sadd.s32 $0x180, s24;
	[sflag:s13] =	ssyncadd.s32 $0xFFFFC000  }
0x46: {  	[tilespmem:s17], [sflag:$0x2] =	stream.indirect.gather [hbm4b:s2+s15], $0x80, s24, s15, $0xb8;
	[tilespmem:$0x1DC00] =	vst v63  }
0x47: {  	_ =	swait.ge [sflag:s18], $0x4000  }
0x48: {  	[sflag:s18] =	ssyncset.done $0x0  }
0x49: {  	[sflag:s18] =	ssyncadd.s32 $0xFFFFC000  }
0x4a: {  	[spmem:s3] =	stream.indirect.scatter.add.f32 [tilespmem:s16], [sflag:$0x3], $0x80, s20, s15, $0xb8;
	[tilespmem:$0x1DC00] =	vst v63  }
0x4b: {  	_ =	swait.ge [sflag:s13], $0x4000  }
0x4c: {  	[sflag:s13] =	ssyncset.done $0x0  }
0x4d: {  	[sflag:s13] =	ssyncadd.s32 $0xFFFFC000  }
0x4e: {  	s22 =	sadd.s32 $0x1, s22;
	_ =	swait.ge [sflag:s19], $0x4000  }
0x4f: {  	p0 =	sne.s32 s22, $0x5;
	[sflag:s19] =	ssyncset.done $0x0  }
.Ltmp1:
0x50: {  	[sflag:s19] =	ssyncadd.s32 $0xFFFFC000;
	(pc) =	sbr.rel @p0 .LBB2_2-.Ltmp1, $4  }
0x51: {  	[spmem:s3] =	stream.indirect.scatter.add.f32 [tilespmem:s17], [sflag:$0x3], $0x80, s21, s15, $0xb8;
	[tilespmem:$0x1DC00] =	vst v63  }
0x52: {  	_ =	swait.ge [sflag:s13], $0x4000  }
0x53: {  	[sflag:s13] =	ssyncset.done $0x0  }
0x54: {  	[sflag:s13] =	ssyncadd.s32 $0xFFFFC000  }
0x55: {  	s4 =	sadd.s32 $0x1, s4  }
0x56: {  	p0 =	sne.s32 s4, s11  }
.Ltmp2:
0x57: {  	[bflag:$0x0] =	sbarrier.arrive $0xFFFF;
	(pc) =	sbr.rel @p0 .LBB2_1-.Ltmp2, $4  }
0x58: {  	[hbm:s10], [sflag:s8] =	dma.local [spmem:s12], $0x2780  }
0x59: {  	_ =	swait.ge [sflag:s13], $0x2780  }
0x5a: {  	[sflag:s13] =	ssyncset.done $0x0  }
0x5b: {  	[sflag:s13] =	ssyncadd.s32 $0xFFFFD880  }
0x5c: {  	_ =	sfence.sel $0x180000  }
0x5d: {  	[bflag:$0x0] =	sbarrier.arrive $0xFFFF  }
0x5e: {  	p0 =	sne.s32 s1, $0x0;
	_ =	strace $0x9000004D  }
0x5f: {  	s0 =	sadd.s32 @!p0 $0x100000, s0;
	[bflag:$0x2] =	sbarrier.arrive $0xFFFF  }
0x60: {  	[sflag:s0] =	ssyncadd.tile.s32 @!p0 $0x1;
	_ =	shalt  }
.Lfunc_end2:
_tile_overlayer_lowered:
.L_overlay_start_2:
0x61: {  	(tag) =	ssettag $0x2  }
0x62: {  	s0 =	rddreg [dreg:$0x0];
	s2 =	stileid.u32  }
0x63: {  	s1 =	rddreg [dreg:$0x1];
	p0 =	sne.s32 s2, $0x0  }
0x64: {  	s3 =	rddreg [dreg:$0x2];
	[bflag:$0x3] =	sbarrier.arrive $0xFFFF;
	s2 =	simm.s32 @!p0 $0x1C03  }
0x65: {  	[timem:s3], [sflag:s2] =	dma.local @!p0 [hbm:s0], s1  }
0x66: {  	s0 =	simm.s32 @!p0 $0x3  }
0x67: {  	_ =	swait.ge @!p0 [sflag:s0], s1  }
0x68: {  	s1 =	ssub.s32 @!p0 $0x0, s1;
	[sflag:s0] =	ssyncset.done @!p0 $0x0  }
0x69: {  	[sflag:s0] =	ssyncadd.s32 @!p0 s1  }
0x6a: {  	[bflag:$0x3] =	sbarrier.arrive $0xFFFF  }
0x6b: {  	_ =	shalt  }

// kernel: kernel.23.cloned.1.call-start
scs
__scs_entry_jumppad:
0x0: {  	(pc) =	sbr.rel $0x88, $3  }
0x1: {  	(tag) =	ssettag $0x0;
	lr =	simm.s32 $0x1  }
0x2: {  	[smem:$0x3F92] =	sst lr;
	_ =	strace $0xD0000000  }
0x3: {  	_ = 	snop  }
0x4: {  	_ = 	snop  }
0x5: {  	_ = 	snop  }
0x6: {  	_ = 	snop  }
0x7: {  	_ = 	snop  }
__scs_overlays_trampoline_lowered:
0x8: {  	[smem:$0x3FA1] =	sst s0  }
0x9: {  	[smem:$0x3FA2] =	sst s1  }
0xa: {  	[smem:$0x3FA3] =	sst s2  }
0xb: {  	[smem:$0x3FA4] =	sst s3  }
0xc: {  	[smem:$0x3FA5] =	sst s4  }
0xd: {  	[smem:$0x3FA6] =	sst s5  }
0xe: {  	[smem:$0x3FA7] =	sst s6  }
0xf: {  	[smem:$0x3FA8] =	sst s7  }
0x10: {  	[smem:$0x3FA9] =	sst s8  }
0x11: {  	[smem:$0x3FAA] =	sst s9;
	s0 =	simm.s32 @!p0 $0x0  }
0x12: {  	s1 =	sld [smem:$0x3F90];
	s0 =	simm.s32 @p0 $0x1  }
0x13: {  	[smem:$0x3FAB] =	sst s0;
	s0 =	simm.s32 @!p1 $0x0  }
0x14: {  	s2 =	sld [smem:$0x3F8F];
	s0 =	simm.s32 @p1 $0x1  }
0x15: {  	[smem:$0x3FAC] =	sst s0;
	s0 =	simm.s32 @!p2 $0x0  }
0x16: {  	s3 =	sld [smem:$0x3FDB];
	s0 =	simm.s32 @p2 $0x1  }
0x17: {  	s4 =	simm.s32 $0x1BF5;
	[smem:$0x3FAE] =	sst s0  }
0x18: {  	s0 =	sld [smem:$0x3F91];
	_ =	swait.ge [sflag:s4], $0x0  }
0x19: {  	s7 =	sld [smem:$0x3F92]  }
0x1a: {  	s8 =	sadd.s32 $0xFFFFE003, lr  }
0x1b: {  	s9 =	sadd.s32 $0xFFFFFEF7, lr;
	s5 =	simm.s32 $0xFFFFFFFF;
	p2 =	slt.u32 s8, $0xFFFFF086  }
0x1c: {  	p1 =	slt.u32 s9, $0xF7A;
	s5 =	simm.s32 @!p2 $0x0  }
0x1d: {  	s5 =	simm.s32 @p1 $0x1;
	p0 =	seq.s32 s7, s2  }
0x1e: {  	s7 =	smul.u32 @!p0 $0xF7A, s2;
	p2 =	seq.s32 @!p0 s5, $0x0  }
0x1f: {  	s9 =	smul.u32 $0xF7A, s1;
	s8 =	simm.s32 @!p0 $0x1BF5;
	p2 =	por !p2, p0  }
0x20: {  	[sflag:s8] =	ssyncset.s32 @!p0 $0xFFFFF086;
	s6 =	sadd.s32 @!p0 s3, s7;
	s7 =	simm.s32 @!p0 $0x108  }
0x21: {  	s3 =	sadd.s32 s3, s9;
	s6 =	sadd.s32 @!p0 $0x88, s6;
	s7 =	simm.s32 @p2 $0x1082  }
0x22: {  	[simem:s7], [sflag:s8] =	dma.local @!p0 [hbm:s6], $0xF7A  }
0x23: {  	s9 =	sor.u32 $0xD0000000, s2;
	s6 =	simm.s32 $0x108;
	_ =	swait.ge @!p0 [sflag:s8], $0x0  }
0x24: {  	s3 =	sadd.s32 $0x88, s3;
	s6 =	simm.s32 @!p1 $0x1082;
	[sflag:s4] =	ssyncset.s32 $0xFFFFF086  }
0x25: {  	[simem:s6], [sflag:s4] =	dma.local [hbm:s3], $0xF7A  }
0x26: {  	[smem:$0x3F92] =	sst s1;
	(tag) =	ssettag s2;
	_ =	strace s9  }
0x27: {  	s1 =	sld [smem:$0x3FA2]  }
0x28: {  	s2 =	sld [smem:$0x3FA3]  }
0x29: {  	s4 =	sld [smem:$0x3FA5]  }
0x2a: {  	p0 =	seq.s32 s5, $0x0;
	s5 =	sld [smem:$0x3FA6]  }
0x2b: {  	s6 =	sld [smem:$0x3FA7]  }
0x2c: {  	s7 =	sld [smem:$0x3FA8]  }
0x2d: {  	s3 =	simm.s32 $0x108;
	s8 =	sld [smem:$0x3FA9]  }
0x2e: {  	s3 =	simm.s32 @!p0 $0x1082;
	s9 =	sld [smem:$0x3FAA]  }
0x2f: {  	lr =	sadd.s32 s0, s3;
	s0 =	sld [smem:$0x3FA1]  }
0x30: {  	s3 =	sld [smem:$0x3FA4]  }
0x31: {  	[smem:$0x3FAD] =	sst s10  }
0x32: {  	s10 =	sld [smem:$0x3FAB];
	_ =	sdelay $0x3  }
0x33: {  	p0 =	seq.s32 s10, $0x1;
	s10 =	sld [smem:$0x3FAD];
	_ =	sdelay $0x3  }
0x34: {  	[smem:$0x3FAD] =	sst s10  }
0x35: {  	s10 =	sld [smem:$0x3FAC];
	_ =	sdelay $0x3  }
0x36: {  	p1 =	seq.s32 s10, $0x1;
	s10 =	sld [smem:$0x3FAD];
	_ =	sdelay $0x3  }
0x37: {  	[smem:$0x3FAD] =	sst s10  }
0x38: {  	s10 =	sld [smem:$0x3FAE]  }
0x39: {  	_ = 	snop;
	(pc) =	sbr.ind lr, $3  }
0x3a: {  	_ = 	snop  }
0x3b: {  	_ = 	snop  }
0x3c: {  	p2 =	seq.s32 s10, $0x1;
	s10 =	sld [smem:$0x3FAD]  }
0x3d: {  	_ =	shalt  }
0x3e: {  	_ =	shalt  }
0x3f: {  	_ =	shalt  }
0x40: {  	_ =	shalt  }
0x41: {  	_ =	shalt  }
0x42: {  	_ =	shalt  }
0x43: {  	_ =	shalt  }
0x44: {  	_ =	shalt  }
0x45: {  	_ =	shalt  }
0x46: {  	_ =	shalt  }
0x47: {  	_ =	shalt  }
0x48: {  	_ =	shalt  }
0x49: {  	_ =	shalt  }
0x4a: {  	_ =	shalt  }
0x4b: {  	_ =	shalt  }
0x4c: {  	_ =	shalt  }
0x4d: {  	_ =	shalt  }
0x4e: {  	_ =	shalt  }
0x4f: {  	_ =	shalt  }
0x50: {  	_ =	shalt  }
0x51: {  	_ =	shalt  }
0x52: {  	_ =	shalt  }
0x53: {  	_ =	shalt  }
0x54: {  	_ =	shalt  }
0x55: {  	_ =	shalt  }
0x56: {  	_ =	shalt  }
0x57: {  	_ =	shalt  }
0x58: {  	_ =	shalt  }
0x59: {  	_ =	shalt  }
0x5a: {  	_ =	shalt  }
0x5b: {  	_ =	shalt  }
0x5c: {  	_ =	shalt  }
0x5d: {  	_ =	shalt  }
0x5e: {  	_ =	shalt  }
0x5f: {  	_ =	shalt  }
0x60: {  	_ =	shalt  }
0x61: {  	_ =	shalt  }
0x62: {  	_ =	shalt  }
0x63: {  	_ =	shalt  }
0x64: {  	_ =	shalt  }
0x65: {  	_ =	shalt  }
0x66: {  	_ =	shalt  }
0x67: {  	_ =	shalt  }
0x68: {  	_ =	shalt  }
0x69: {  	_ =	shalt  }
0x6a: {  	_ =	shalt  }
0x6b: {  	_ =	shalt  }
0x6c: {  	_ =	shalt  }
0x6d: {  	_ =	shalt  }
0x6e: {  	_ =	shalt  }
0x6f: {  	_ =	shalt  }
0x70: {  	_ =	shalt  }
0x71: {  	_ =	shalt  }
0x72: {  	_ =	shalt  }
0x73: {  	_ =	shalt  }
0x74: {  	_ =	shalt  }
0x75: {  	_ =	shalt  }
0x76: {  	_ =	shalt  }
0x77: {  	_ =	shalt  }
0x78: {  	_ =	shalt  }
0x79: {  	_ =	shalt  }
0x7a: {  	_ =	shalt  }
0x7b: {  	_ =	shalt  }
0x7c: {  	_ =	shalt  }
0x7d: {  	_ =	shalt  }
0x7e: {  	_ =	shalt  }
0x7f: {  	_ =	shalt  }
0x80: {  	_ =	shalt  }
0x81: {  	_ =	shalt  }
0x82: {  	_ =	shalt  }
0x83: {  	_ =	shalt  }
0x84: {  	_ =	shalt  }
0x85: {  	_ =	shalt  }
0x86: {  	_ =	shalt  }
0x87: {  	_ =	shalt  }
.Lfunc_end0:
.L_simem_size_0:
called_computation.3_lowered:
.L_overlay_start_0:
0x88: {  	s2 =	sld [smem:$0x3FD9]  }
0x89: {  	s3 =	sld [smem:$0x3FFE];
	_ =	sdelay $0x1  }
0x8a: {  	s1 =	srdreg.scid  }
0x8b: {  	s0 =	sand.u32 $0x1, s1  }
0x8c: {  	s14 =	sshll.u32 s0, $0xA;
	s2 =	sadd.s32 s3, s2  }
0x8d: {  	s2 =	sadd.s32 s2, s14  }
0x8e: {  	[smem:$0x3FB9] =	sst s2  }
0x8f: {  	_ = 	snop  }
0x90: {  	s2 =	sld [smem:$0x3FD0];
	_ =	sdelay $0x2  }
0x91: {  	s15 =	simm.s32 $0xA;
	s4 =	simm.s32 $0x10  }
0x92: {  	[smem:s4], [sflag:s15] =	dma.local [hbm:s2], $0x1  }
0x93: {  	_ =	swait.eq [sflag:s15], $0x1  }
0x94: {  	[sflag:s15] =	ssyncset.done $0x0  }
0x95: {  	[sflag:s15] =	ssyncadd.s32 $0xFFFFFFFF  }
0x96: {  	s16 =	sld [smem:$0x11];
	(tm) =	ssettm $0x1  }
0x97: {  	s17 =	sld [smem:$0x3FFB];
	_ =	sdelay $0x3  }
0x98: {  	_ =	strace s17  }
0x99: {  	s3 =	sld [smem:$0x3FFC];
	_ =	sdelay $0x3  }
0x9a: {  	_ =	strace s3  }
0x9b: {  	s3 =	sld [smem:$0x3FFD];
	_ =	sdelay $0x3  }
0x9c: {  	_ =	strace s3  }
0x9d: {  	_ =	strace $0x8FFFFFFF  }
0x9e: {  	s18 =	sld [smem:$0x3FDB];
	_ =	sdelay $0x1  }
0x9f: {  	s19 =	simm.s32 $_scs_section_size  }
0xa0: {  	s5 =	simm.s32 $_size__tile_overlayer_lowered;
	s6 =	simm.s32 $_tile_overlayer_lowered  }
0xa1: {  	s22 =	simm.s32 $0x1BFF;
	s21 =	sshll.u32 s6, $0x1;
	s3 =	sadd.s32 s19, s18  }
0xa2: {  	s7 =	simm.s32 $0x0;
	s20 =	sshll.u32 s5, $0x1;
	s5 =	sadd.s32 s21, s3  }
0xa3: {  	[timem:s7], [sflag:s22] =	dma.local [hbm:s5], s20  }
0xa4: {  	_ =	swait.ge [sflag:s22], s20  }
0xa5: {  	s4 =	ssub.s32 $0x0, s20;
	[sflag:s22] =	ssyncset.done $0x0  }
0xa6: {  	[sflag:s22] =	ssyncadd.s32 s4;
	_ =	sdelay $0x1  }
0xa7: {  	s23 =	simm.s32 $0x1B8B  }
0xa8: {  	_ =	swait.ge [sflag:s23], $0x1  }
0xa9: {  	[sflag:s23] =	ssyncset.done $0x0  }
0xaa: {  	s25 =	simm.s32 $0x1B8E;
	s24 =	sld [smem:$0x3FFE];
	[sflag:s23] =	ssyncadd.s32 $0xFFFFFFFF  }
0xab: {  	s26 =	simm.s32 $execute0_lowered;
	[smem:$0x3FD2] =	sst s25  }
0xac: {  	s5 =	sshll.u32 s26, $0x1;
	_ =	strace $0x8000004F;
	[dreg:$0x1] =	wrdreg $0xFFFFFFFF  }
0xad: {  	s28 =	simm.s32 $_size_execute0_lowered;
	s3 =	sadd.s32 s3, s5;
	[dreg:$0x0] =	wrdreg $0x0  }
0xae: {  	s5 =	sshll.u32 s28, $0x1;
	[dreg:$0x2] =	wrdreg s3  }
0xaf: {  	[dreg:$0x3] =	wrdreg s5  }
0xb0: {  	[dreg:$0x4] =	wrdreg $0xC0  }
0xb1: {  	_ =	task [dreg:s7], $0x5FFFF  }
0xb2: {  	[dreg:$0x1] =	wrdreg $0xFFFFFFFF  }
0xb3: {  	[dreg:$0x0] =	wrdreg $0x60  }
0xb4: {  	[dreg:$0x2] =	wrdreg s16  }
0xb5: {  	[dreg:$0x3] =	wrdreg s24  }
0xb6: {  	[dreg:$0x4] =	wrdreg $0xA0000  }
0xb7: {  	[dreg:$0x5] =	wrdreg $0x9  }
0xb8: {  	_ =	task.clear_ibuf [dreg:s7], $0x6FFFF;
	_ =	strace $0x9000004F  }
0xb9: {  	s29 =	simm.s32 $0x9;
	_ =	strace $0x80000051  }
0xba: {  	_ =	swait.ge [sflag:s29], $0x1  }
0xbb: {  	[sflag:s29] =	ssyncadd.s32 $0xFFFFFFFF  }
0xbc: {  	_ =	strace $0x90000051  }
0xbd: {  	_ =	sfence  }
0xbe: {  	s30 =	sld [smem:$0x0];
	_ =	sdelay $0x2  }
0xbf: {  	s31 =	sshll.u32 s1, $0xD;
	s1 =	sshrl.u32 s1, $0x2  }
0xc0: {  	s3 =	sand.u32 $0x4000, s31;
	s1 =	sadd.s32 s1, s30  }
0xc1: {  	s0 =	sor.u32 s3, s0;
	s1 =	sshll.u32 s1, $0x11  }
0xc2: {  	s0 =	sor.u32 s1, s0  }
0xc3: {  	s0 =	sadd.s32 $0x8F2B, s0  }
0xc4: {  	[sflag:s0] =	ssyncadd.remote.s32 $0x1  }
0xc5: {  	_ =	sfence.sel $0xFFFF  }
0xc6: {  	[dreg:$0x0] =	wrdreg $0xFFFFFFFF;
	(pc) =	sbr.abs _section_cstart, $3  }
0xc7: {  	[dreg:$0x1] =	wrdreg $0xFFFFFFFF  }
0xc8: {  	_ =	task.clear_ibuf [dreg:s7], $0x2FFFF;
	_ =	strace $0x9FFFFFFF  }
0xc9: {  	(tm) =	ssettm $0x7FFFFFFF  }
tec
execute0_lowered:
.L_overlay_start_1:
0x0: {  	(tag) =	ssettag $0x1  }
0x1: {  	s2 =	rddreg [dreg:$0x0]  }
0x2: {  	s7 =	rddreg [dreg:$0x1]  }
0x3: {  	s3 =	rddreg [dreg:$0x2]  }
0x4: {  	s0 =	rddreg [dreg:$0x3]  }
0x5: {  	s1 =	stileid.u32;
	s5 =	srdreg.scid;
	s4 =	simm.s32 $0x0  }
0x6: {  	s15 =	simm.s32 $0x80;
	s16 =	simm.s32 $0x2000;
	s17 =	simm.s32 $0x6000  }
0x7: {  	s18 =	simm.s32 $0x1;
	s19 =	simm.s32 $0x2;
	s20 =	simm.s32 $0x1F00  }
0x8: {  	s21 =	simm.s32 $0x1F80;
	s8 =	smul.u32 $0x13C00, s1;
	s9 =	sand.u32 $0x1, s5  }
0x9: {  	[smem:$0x7FF] =	sst s4;
	s5 =	sadd.s32 $0x6C00, s7;
	s6 =	sadd.s32 $0x1AC00, s7  }
0xa: {  	s12 =	smul.u32 $0x4F000, s1;
	s29 =	sshll.u32 s1, $0x1;
	s31 =	sshll.u32 s1, $0x6  }
0xb: {  	s10 =	smul.u32 $0x13C000, s9;
	_ =	strace $0x80000050;
	s26 =	ssub.s32 $0x2, s9  }
0xc: {  	s9 =	sor.u32 s9, s29;
	s11 =	sshrl.u32 s8, $0x3;
	s28 =	sshrl.u32 s26, $0x1  }
0xd: {  	s30 =	sshrl.u32 s12, $0x2;
	s9 =	smul.u32 $0x5000, s9;
	s8 =	sadd.s32 s8, s10  }
0xe: {  	s11 =	sadd.s32 s11, s7;
	s12 =	sadd.s32 s30, s3;
	s8 =	sshrl.u32 s8, $0x3  }
0xf: {  	s14 =	ssub.s32 s26, s28;
	s12 =	sshrl.u32 s12, $0x3;
	s13 =	sadd.s32 s8, s7  }
0x10: {  	s7 =	sadd.s32 $0x2EC00, s11;
	s8 =	sor.u32 $0x1C03, s31;
	s11 =	smax.u32 s14, $0x1  }
0x11: {  	s14 =	simm.s32 $0x1000;
	s10 =	sadd.s32 $0xCC600, s13;
	s13 =	simm.s32 $0x3  }
.LBB2_1:
0x12: {  	[spmem:s12], [sflag:s8] =	dma.local [hbm:s7], $0x2780  }
0x13: {  	_ =	swait.ge [sflag:s13], $0x2780  }
0x14: {  	[sflag:s13] =	ssyncset.done $0x0  }
0x15: {  	[sflag:s13] =	ssyncadd.s32 $0xFFFFD880  }
0x16: {  	s22 =	simm.s32 $0x0;
	[bflag:$0x0] =	sbarrier.arrive $0xFFFF  }
.LBB2_2:
0x17: {  	s23 =	sshll.u32 s22, $0xC  }
0x18: {  	s23 =	sadd.s32 s9, s23  }
0x19: {  	s23 =	sshrl.u32 s23, $0x3  }
0x1a: {  	s25 =	simm.s32 $0x0;
	s24 =	sadd.s32 s5, s23  }
0x1b: {  	[tilespmem:s25], [sflag:$0x3] =	stream.linear.gather [hbm4b:s24+s25], $0x1000, $0x38;
	[tilespmem:$0x1DC00] =	vst v63  }
0x1c: {  	_ =	swait.ge [sflag:s13], $0x1000  }
0x1d: {  	[sflag:s13] =	ssyncset.done $0x0  }
0x1e: {  	s23 =	sadd.s32 s6, s23;
	[sflag:s13] =	ssyncadd.s32 $0xFFFFF000  }
0x1f: {  	[tilespmem:s14], [sflag:$0x3] =	stream.linear.gather [hbm4b:s23+s25], $0x1000, $0x38;
	[tilespmem:$0x1DC00] =	vst v63  }
0x20: {  	_ =	swait.ge [sflag:s13], $0x1000  }
0x21: {  	[sflag:s13] =	ssyncset.done $0x0  }
0x22: {  	[sflag:s13] =	ssyncadd.s32 $0xFFFFF000  }
0x23: {  	[tilespmem:s16], [sflag:$0x1] =	stream.indirect.gather [hbm4b:s2+s15], $0x80, s25, s15, $0xb8;
	[tilespmem:$0x1DC00] =	vst v63  }
0x24: {  	_ = 	snop  }
0x25: {  	[tilespmem:s17], [sflag:$0x2] =	stream.indirect.gather [hbm4b:s2+s15], $0x80, s15, s15, $0xb8;
	[tilespmem:$0x1DC00] =	vst v63  }
0x26: {  	_ =	swait.ge [sflag:s18], $0x4000  }
0x27: {  	[sflag:s18] =	ssyncset.done $0x0  }
0x28: {  	s29 =	simm.s32 $0x1000;
	[sflag:s18] =	ssyncadd.s32 $0xFFFFC000  }
0x29: {  	[spmem:s3] =	stream.indirect.scatter.add.f32 [tilespmem:s16], [sflag:$0x3], $0x80, s29, s15, $0xb8;
	[tilespmem:$0x1DC00] =	vst v63  }
0x2a: {  	_ =	swait.ge [sflag:s13], $0x4000  }
0x2b: {  	[sflag:s13] =	ssyncset.done $0x0  }
0x2c: {  	s30 =	simm.s32 $0x100;
	[sflag:s13] =	ssyncadd.s32 $0xFFFFC000  }
0x2d: {  	[tilespmem:s16], [sflag:$0x1] =	stream.indirect.gather [hbm4b:s2+s15], $0x80, s30, s15, $0xb8;
	[tilespmem:$0x1DC00] =	vst v63  }
0x2e: {  	_ =	swait.ge [sflag:s19], $0x4000  }
0x2f: {  	[sflag:s19] =	ssyncset.done $0x0  }
0x30: {  	s31 =	simm.s32 $0x1080;
	[sflag:s19] =	ssyncadd.s32 $0xFFFFC000  }
0x31: {  	[spmem:s3] =	stream.indirect.scatter.add.f32 [tilespmem:s17], [sflag:$0x3], $0x80, s31, s15, $0xb8;
	[tilespmem:$0x1DC00] =	vst v63  }
0x32: {  	_ =	swait.ge [sflag:s13], $0x4000  }
0x33: {  	[sflag:s13] =	ssyncset.done $0x0  }
0x34: {  	s24 =	simm.s32 $0x180;
	s23 =	simm.s32 $0x400;
	[sflag:s13] =	ssyncadd.s32 $0xFFFFC000  }
.LBB2_3:
0x35: {  	[tilespmem:s17], [sflag:$0x2] =	stream.indirect.gather [hbm4b:s2+s15], $0x80, s24, s15, $0xb8;
	[tilespmem:$0x1DC00] =	vst v63  }
0x36: {  	s24 =	smov.u32 s23  }
0x37: {  	p0 =	sne.s32 s23, $0x3800;
	s23 =	sadd.s32 $0x400, s23;
	_ =	swait.ge [sflag:s18], $0x4000  }
0x38: {  	s24 =	sshra.s32 s24, $0x2;
	[sflag:s18] =	ssyncset.done $0x0  }
0x39: {  	s25 =	sadd.s32 $0x1000, s24;
	[sflag:s18] =	ssyncadd.s32 $0xFFFFC000  }
0x3a: {  	[spmem:s3] =	stream.indirect.scatter.add.f32 [tilespmem:s16], [sflag:$0x3], $0x80, s25, s15, $0xb8;
	[tilespmem:$0x1DC00] =	vst v63  }
0x3b: {  	_ =	swait.ge [sflag:s13], $0x4000  }
0x3c: {  	[sflag:s13] =	ssyncset.done $0x0  }
0x3d: {  	s25 =	sadd.s32 $0x100, s24;
	[sflag:s13] =	ssyncadd.s32 $0xFFFFC000  }
0x3e: {  	[tilespmem:s16], [sflag:$0x1] =	stream.indirect.gather [hbm4b:s2+s15], $0x80, s25, s15, $0xb8;
	[tilespmem:$0x1DC00] =	vst v63  }
0x3f: {  	_ =	swait.ge [sflag:s19], $0x4000  }
0x40: {  	[sflag:s19] =	ssyncset.done $0x0  }
.Ltmp0:
0x41: {  	s25 =	sadd.s32 $0x1080, s24;
	[sflag:s19] =	ssyncadd.s32 $0xFFFFC000;
	(pc) =	sbr.rel @p0 .LBB2_3-.Ltmp0, $4  }
0x42: {  	[spmem:s3] =	stream.indirect.scatter.add.f32 [tilespmem:s17], [sflag:$0x3], $0x80, s25, s15, $0xb8;
	[tilespmem:$0x1DC00] =	vst v63  }
0x43: {  	_ =	swait.ge [sflag:s13], $0x4000  }
0x44: {  	[sflag:s13] =	ssyncset.done $0x0  }
0x45: {  	s24 =	sadd.s32 $0x180, s24;
	[sflag:s13] =	ssyncadd.s32 $0xFFFFC000  }
0x46: {  	[tilespmem:s17], [sflag:$0x2] =	stream.indirect.gather [hbm4b:s2+s15], $0x80, s24, s15, $0xb8;
	[tilespmem:$0x1DC00] =	vst v63  }
0x47: {  	_ =	swait.ge [sflag:s18], $0x4000  }
0x48: {  	[sflag:s18] =	ssyncset.done $0x0  }
0x49: {  	[sflag:s18] =	ssyncadd.s32 $0xFFFFC000  }
0x4a: {  	[spmem:s3] =	stream.indirect.scatter.add.f32 [tilespmem:s16], [sflag:$0x3], $0x80, s20, s15, $0xb8;
	[tilespmem:$0x1DC00] =	vst v63  }
0x4b: {  	_ =	swait.ge [sflag:s13], $0x4000  }
0x4c: {  	[sflag:s13] =	ssyncset.done $0x0  }
0x4d: {  	[sflag:s13] =	ssyncadd.s32 $0xFFFFC000  }
0x4e: {  	s22 =	sadd.s32 $0x1, s22;
	_ =	swait.ge [sflag:s19], $0x4000  }
0x4f: {  	p0 =	sne.s32 s22, $0x5;
	[sflag:s19] =	ssyncset.done $0x0  }
.Ltmp1:
0x50: {  	[sflag:s19] =	ssyncadd.s32 $0xFFFFC000;
	(pc) =	sbr.rel @p0 .LBB2_2-.Ltmp1, $4  }
0x51: {  	[spmem:s3] =	stream.indirect.scatter.add.f32 [tilespmem:s17], [sflag:$0x3], $0x80, s21, s15, $0xb8;
	[tilespmem:$0x1DC00] =	vst v63  }
0x52: {  	_ =	swait.ge [sflag:s13], $0x4000  }
0x53: {  	[sflag:s13] =	ssyncset.done $0x0  }
0x54: {  	[sflag:s13] =	ssyncadd.s32 $0xFFFFC000  }
0x55: {  	s4 =	sadd.s32 $0x1, s4  }
0x56: {  	p0 =	sne.s32 s4, s11  }
.Ltmp2:
0x57: {  	[bflag:$0x0] =	sbarrier.arrive $0xFFFF;
	(pc) =	sbr.rel @p0 .LBB2_1-.Ltmp2, $4  }
0x58: {  	[hbm:s10], [sflag:s8] =	dma.local [spmem:s12], $0x2780  }
0x59: {  	_ =	swait.ge [sflag:s13], $0x2780  }
0x5a: {  	[sflag:s13] =	ssyncset.done $0x0  }
0x5b: {  	[sflag:s13] =	ssyncadd.s32 $0xFFFFD880  }
0x5c: {  	_ =	sfence.sel $0x180000  }
0x5d: {  	[bflag:$0x0] =	sbarrier.arrive $0xFFFF  }
0x5e: {  	p0 =	sne.s32 s1, $0x0;
	_ =	strace $0x90000050  }
0x5f: {  	s0 =	sadd.s32 @!p0 $0x100000, s0;
	[bflag:$0x2] =	sbarrier.arrive $0xFFFF  }
0x60: {  	[sflag:s0] =	ssyncadd.tile.s32 @!p0 $0x1;
	_ =	shalt  }
.Lfunc_end2:
_tile_overlayer_lowered:
.L_overlay_start_2:
0x61: {  	(tag) =	ssettag $0x2  }
0x62: {  	s0 =	rddreg [dreg:$0x0];
	s2 =	stileid.u32  }
0x63: {  	s1 =	rddreg [dreg:$0x1];
	p0 =	sne.s32 s2, $0x0  }
0x64: {  	s3 =	rddreg [dreg:$0x2];
	[bflag:$0x3] =	sbarrier.arrive $0xFFFF;
	s2 =	simm.s32 @!p0 $0x1C03  }
0x65: {  	[timem:s3], [sflag:s2] =	dma.local @!p0 [hbm:s0], s1  }
0x66: {  	s0 =	simm.s32 @!p0 $0x3  }
0x67: {  	_ =	swait.ge @!p0 [sflag:s0], s1  }
0x68: {  	s1 =	ssub.s32 @!p0 $0x0, s1;
	[sflag:s0] =	ssyncset.done @!p0 $0x0  }
0x69: {  	[sflag:s0] =	ssyncadd.s32 @!p0 s1  }
0x6a: {  	[bflag:$0x3] =	sbarrier.arrive $0xFFFF  }
0x6b: {  	_ =	shalt  }

// kernel: kernel.26.cloned.1.call-start
scs
__scs_entry_jumppad:
0x0: {  	(pc) =	sbr.rel $0x88, $3  }
0x1: {  	(tag) =	ssettag $0x0;
	lr =	simm.s32 $0x1  }
0x2: {  	[smem:$0x3F92] =	sst lr;
	_ =	strace $0xD0000000  }
0x3: {  	_ = 	snop  }
0x4: {  	_ = 	snop  }
0x5: {  	_ = 	snop  }
0x6: {  	_ = 	snop  }
0x7: {  	_ = 	snop  }
__scs_overlays_trampoline_lowered:
0x8: {  	[smem:$0x3FA1] =	sst s0  }
0x9: {  	[smem:$0x3FA2] =	sst s1  }
0xa: {  	[smem:$0x3FA3] =	sst s2  }
0xb: {  	[smem:$0x3FA4] =	sst s3  }
0xc: {  	[smem:$0x3FA5] =	sst s4  }
0xd: {  	[smem:$0x3FA6] =	sst s5  }
0xe: {  	[smem:$0x3FA7] =	sst s6  }
0xf: {  	[smem:$0x3FA8] =	sst s7  }
0x10: {  	[smem:$0x3FA9] =	sst s8  }
0x11: {  	[smem:$0x3FAA] =	sst s9;
	s0 =	simm.s32 @!p0 $0x0  }
0x12: {  	s1 =	sld [smem:$0x3F90];
	s0 =	simm.s32 @p0 $0x1  }
0x13: {  	[smem:$0x3FAB] =	sst s0;
	s0 =	simm.s32 @!p1 $0x0  }
0x14: {  	s2 =	sld [smem:$0x3F8F];
	s0 =	simm.s32 @p1 $0x1  }
0x15: {  	[smem:$0x3FAC] =	sst s0;
	s0 =	simm.s32 @!p2 $0x0  }
0x16: {  	s3 =	sld [smem:$0x3FDB];
	s0 =	simm.s32 @p2 $0x1  }
0x17: {  	s4 =	simm.s32 $0x1BF5;
	[smem:$0x3FAE] =	sst s0  }
0x18: {  	s0 =	sld [smem:$0x3F91];
	_ =	swait.ge [sflag:s4], $0x0  }
0x19: {  	s7 =	sld [smem:$0x3F92]  }
0x1a: {  	s8 =	sadd.s32 $0xFFFFE003, lr  }
0x1b: {  	s9 =	sadd.s32 $0xFFFFFEF7, lr;
	s5 =	simm.s32 $0xFFFFFFFF;
	p2 =	slt.u32 s8, $0xFFFFF086  }
0x1c: {  	p1 =	slt.u32 s9, $0xF7A;
	s5 =	simm.s32 @!p2 $0x0  }
0x1d: {  	s5 =	simm.s32 @p1 $0x1;
	p0 =	seq.s32 s7, s2  }
0x1e: {  	s7 =	smul.u32 @!p0 $0xF7A, s2;
	p2 =	seq.s32 @!p0 s5, $0x0  }
0x1f: {  	s9 =	smul.u32 $0xF7A, s1;
	s8 =	simm.s32 @!p0 $0x1BF5;
	p2 =	por !p2, p0  }
0x20: {  	[sflag:s8] =	ssyncset.s32 @!p0 $0xFFFFF086;
	s6 =	sadd.s32 @!p0 s3, s7;
	s7 =	simm.s32 @!p0 $0x108  }
0x21: {  	s3 =	sadd.s32 s3, s9;
	s6 =	sadd.s32 @!p0 $0x88, s6;
	s7 =	simm.s32 @p2 $0x1082  }
0x22: {  	[simem:s7], [sflag:s8] =	dma.local @!p0 [hbm:s6], $0xF7A  }
0x23: {  	s9 =	sor.u32 $0xD0000000, s2;
	s6 =	simm.s32 $0x108;
	_ =	swait.ge @!p0 [sflag:s8], $0x0  }
0x24: {  	s3 =	sadd.s32 $0x88, s3;
	s6 =	simm.s32 @!p1 $0x1082;
	[sflag:s4] =	ssyncset.s32 $0xFFFFF086  }
0x25: {  	[simem:s6], [sflag:s4] =	dma.local [hbm:s3], $0xF7A  }
0x26: {  	[smem:$0x3F92] =	sst s1;
	(tag) =	ssettag s2;
	_ =	strace s9  }
0x27: {  	s1 =	sld [smem:$0x3FA2]  }
0x28: {  	s2 =	sld [smem:$0x3FA3]  }
0x29: {  	s4 =	sld [smem:$0x3FA5]  }
0x2a: {  	p0 =	seq.s32 s5, $0x0;
	s5 =	sld [smem:$0x3FA6]  }
0x2b: {  	s6 =	sld [smem:$0x3FA7]  }
0x2c: {  	s7 =	sld [smem:$0x3FA8]  }
0x2d: {  	s3 =	simm.s32 $0x108;
	s8 =	sld [smem:$0x3FA9]  }
0x2e: {  	s3 =	simm.s32 @!p0 $0x1082;
	s9 =	sld [smem:$0x3FAA]  }
0x2f: {  	lr =	sadd.s32 s0, s3;
	s0 =	sld [smem:$0x3FA1]  }
0x30: {  	s3 =	sld [smem:$0x3FA4]  }
0x31: {  	[smem:$0x3FAD] =	sst s10  }
0x32: {  	s10 =	sld [smem:$0x3FAB];
	_ =	sdelay $0x3  }
0x33: {  	p0 =	seq.s32 s10, $0x1;
	s10 =	sld [smem:$0x3FAD];
	_ =	sdelay $0x3  }
0x34: {  	[smem:$0x3FAD] =	sst s10  }
0x35: {  	s10 =	sld [smem:$0x3FAC];
	_ =	sdelay $0x3  }
0x36: {  	p1 =	seq.s32 s10, $0x1;
	s10 =	sld [smem:$0x3FAD];
	_ =	sdelay $0x3  }
0x37: {  	[smem:$0x3FAD] =	sst s10  }
0x38: {  	s10 =	sld [smem:$0x3FAE]  }
0x39: {  	_ = 	snop;
	(pc) =	sbr.ind lr, $3  }
0x3a: {  	_ = 	snop  }
0x3b: {  	_ = 	snop  }
0x3c: {  	p2 =	seq.s32 s10, $0x1;
	s10 =	sld [smem:$0x3FAD]  }
0x3d: {  	_ =	shalt  }
0x3e: {  	_ =	shalt  }
0x3f: {  	_ =	shalt  }
0x40: {  	_ =	shalt  }
0x41: {  	_ =	shalt  }
0x42: {  	_ =	shalt  }
0x43: {  	_ =	shalt  }
0x44: {  	_ =	shalt  }
0x45: {  	_ =	shalt  }
0x46: {  	_ =	shalt  }
0x47: {  	_ =	shalt  }
0x48: {  	_ =	shalt  }
0x49: {  	_ =	shalt  }
0x4a: {  	_ =	shalt  }
0x4b: {  	_ =	shalt  }
0x4c: {  	_ =	shalt  }
0x4d: {  	_ =	shalt  }
0x4e: {  	_ =	shalt  }
0x4f: {  	_ =	shalt  }
0x50: {  	_ =	shalt  }
0x51: {  	_ =	shalt  }
0x52: {  	_ =	shalt  }
0x53: {  	_ =	shalt  }
0x54: {  	_ =	shalt  }
0x55: {  	_ =	shalt  }
0x56: {  	_ =	shalt  }
0x57: {  	_ =	shalt  }
0x58: {  	_ =	shalt  }
0x59: {  	_ =	shalt  }
0x5a: {  	_ =	shalt  }
0x5b: {  	_ =	shalt  }
0x5c: {  	_ =	shalt  }
0x5d: {  	_ =	shalt  }
0x5e: {  	_ =	shalt  }
0x5f: {  	_ =	shalt  }
0x60: {  	_ =	shalt  }
0x61: {  	_ =	shalt  }
0x62: {  	_ =	shalt  }
0x63: {  	_ =	shalt  }
0x64: {  	_ =	shalt  }
0x65: {  	_ =	shalt  }
0x66: {  	_ =	shalt  }
0x67: {  	_ =	shalt  }
0x68: {  	_ =	shalt  }
0x69: {  	_ =	shalt  }
0x6a: {  	_ =	shalt  }
0x6b: {  	_ =	shalt  }
0x6c: {  	_ =	shalt  }
0x6d: {  	_ =	shalt  }
0x6e: {  	_ =	shalt  }
0x6f: {  	_ =	shalt  }
0x70: {  	_ =	shalt  }
0x71: {  	_ =	shalt  }
0x72: {  	_ =	shalt  }
0x73: {  	_ =	shalt  }
0x74: {  	_ =	shalt  }
0x75: {  	_ =	shalt  }
0x76: {  	_ =	shalt  }
0x77: {  	_ =	shalt  }
0x78: {  	_ =	shalt  }
0x79: {  	_ =	shalt  }
0x7a: {  	_ =	shalt  }
0x7b: {  	_ =	shalt  }
0x7c: {  	_ =	shalt  }
0x7d: {  	_ =	shalt  }
0x7e: {  	_ =	shalt  }
0x7f: {  	_ =	shalt  }
0x80: {  	_ =	shalt  }
0x81: {  	_ =	shalt  }
0x82: {  	_ =	shalt  }
0x83: {  	_ =	shalt  }
0x84: {  	_ =	shalt  }
0x85: {  	_ =	shalt  }
0x86: {  	_ =	shalt  }
0x87: {  	_ =	shalt  }
.Lfunc_end0:
.L_simem_size_0:
called_computation.4_lowered:
.L_overlay_start_0:
0x88: {  	s2 =	sld [smem:$0x3FD9]  }
0x89: {  	s3 =	sld [smem:$0x3FFE];
	_ =	sdelay $0x1  }
0x8a: {  	s1 =	srdreg.scid  }
0x8b: {  	s0 =	sand.u32 $0x1, s1  }
0x8c: {  	s14 =	sshll.u32 s0, $0xA;
	s2 =	sadd.s32 s3, s2  }
0x8d: {  	s2 =	sadd.s32 s2, s14  }
0x8e: {  	[smem:$0x3FB9] =	sst s2  }
0x8f: {  	_ = 	snop  }
0x90: {  	s2 =	sld [smem:$0x3FD0];
	_ =	sdelay $0x2  }
0x91: {  	s15 =	simm.s32 $0xA;
	s4 =	simm.s32 $0x10  }
0x92: {  	[smem:s4], [sflag:s15] =	dma.local [hbm:s2], $0x1  }
0x93: {  	_ =	swait.eq [sflag:s15], $0x1  }
0x94: {  	[sflag:s15] =	ssyncset.done $0x0  }
0x95: {  	[sflag:s15] =	ssyncadd.s32 $0xFFFFFFFF  }
0x96: {  	s16 =	sld [smem:$0x11];
	(tm) =	ssettm $0x1  }
0x97: {  	s17 =	sld [smem:$0x3FFB];
	_ =	sdelay $0x3  }
0x98: {  	_ =	strace s17  }
0x99: {  	s3 =	sld [smem:$0x3FFC];
	_ =	sdelay $0x3  }
0x9a: {  	_ =	strace s3  }
0x9b: {  	s3 =	sld [smem:$0x3FFD];
	_ =	sdelay $0x3  }
0x9c: {  	_ =	strace s3  }
0x9d: {  	_ =	strace $0x8FFFFFFF  }
0x9e: {  	s18 =	sld [smem:$0x3FDB];
	_ =	sdelay $0x1  }
0x9f: {  	s19 =	simm.s32 $_scs_section_size  }
0xa0: {  	s5 =	simm.s32 $_size__tile_overlayer_lowered;
	s6 =	simm.s32 $_tile_overlayer_lowered  }
0xa1: {  	s22 =	simm.s32 $0x1BFF;
	s21 =	sshll.u32 s6, $0x1;
	s3 =	sadd.s32 s19, s18  }
0xa2: {  	s7 =	simm.s32 $0x0;
	s20 =	sshll.u32 s5, $0x1;
	s5 =	sadd.s32 s21, s3  }
0xa3: {  	[timem:s7], [sflag:s22] =	dma.local [hbm:s5], s20  }
0xa4: {  	_ =	swait.ge [sflag:s22], s20  }
0xa5: {  	s4 =	ssub.s32 $0x0, s20;
	[sflag:s22] =	ssyncset.done $0x0  }
0xa6: {  	[sflag:s22] =	ssyncadd.s32 s4;
	_ =	sdelay $0x1  }
0xa7: {  	s23 =	simm.s32 $0x1B8B  }
0xa8: {  	_ =	swait.ge [sflag:s23], $0x1  }
0xa9: {  	[sflag:s23] =	ssyncset.done $0x0  }
0xaa: {  	s25 =	simm.s32 $0x1B8E;
	s24 =	sld [smem:$0x3FFE];
	[sflag:s23] =	ssyncadd.s32 $0xFFFFFFFF  }
0xab: {  	s26 =	simm.s32 $execute0_lowered;
	[smem:$0x3FD2] =	sst s25  }
0xac: {  	s5 =	sshll.u32 s26, $0x1;
	_ =	strace $0x80000052;
	[dreg:$0x1] =	wrdreg $0xFFFFFFFF  }
0xad: {  	s28 =	simm.s32 $_size_execute0_lowered;
	s3 =	sadd.s32 s3, s5;
	[dreg:$0x0] =	wrdreg $0x0  }
0xae: {  	s5 =	sshll.u32 s28, $0x1;
	[dreg:$0x2] =	wrdreg s3  }
0xaf: {  	[dreg:$0x3] =	wrdreg s5  }
0xb0: {  	[dreg:$0x4] =	wrdreg $0xC0  }
0xb1: {  	_ =	task [dreg:s7], $0x5FFFF  }
0xb2: {  	[dreg:$0x1] =	wrdreg $0xFFFFFFFF  }
0xb3: {  	[dreg:$0x0] =	wrdreg $0x60  }
0xb4: {  	[dreg:$0x2] =	wrdreg s16  }
0xb5: {  	[dreg:$0x3] =	wrdreg s24  }
0xb6: {  	[dreg:$0x4] =	wrdreg $0xA0000  }
0xb7: {  	[dreg:$0x5] =	wrdreg $0x9  }
0xb8: {  	_ =	task.clear_ibuf [dreg:s7], $0x6FFFF;
	_ =	strace $0x90000052  }
0xb9: {  	s29 =	simm.s32 $0x9;
	_ =	strace $0x80000054  }
0xba: {  	_ =	swait.ge [sflag:s29], $0x1  }
0xbb: {  	[sflag:s29] =	ssyncadd.s32 $0xFFFFFFFF  }
0xbc: {  	_ =	strace $0x90000054  }
0xbd: {  	_ =	sfence  }
0xbe: {  	s30 =	sld [smem:$0x0];
	_ =	sdelay $0x2  }
0xbf: {  	s31 =	sshll.u32 s1, $0xD;
	s1 =	sshrl.u32 s1, $0x2  }
0xc0: {  	s3 =	sand.u32 $0x4000, s31;
	s1 =	sadd.s32 s1, s30  }
0xc1: {  	s0 =	sor.u32 s3, s0;
	s1 =	sshll.u32 s1, $0x11  }
0xc2: {  	s0 =	sor.u32 s1, s0  }
0xc3: {  	s0 =	sadd.s32 $0x8F2B, s0  }
0xc4: {  	[sflag:s0] =	ssyncadd.remote.s32 $0x1  }
0xc5: {  	_ =	sfence.sel $0xFFFF  }
0xc6: {  	[dreg:$0x0] =	wrdreg $0xFFFFFFFF;
	(pc) =	sbr.abs _section_cstart, $3  }
0xc7: {  	[dreg:$0x1] =	wrdreg $0xFFFFFFFF  }
0xc8: {  	_ =	task.clear_ibuf [dreg:s7], $0x2FFFF;
	_ =	strace $0x9FFFFFFF  }
0xc9: {  	(tm) =	ssettm $0x7FFFFFFF  }
tec
execute0_lowered:
.L_overlay_start_1:
0x0: {  	(tag) =	ssettag $0x1  }
0x1: {  	s2 =	rddreg [dreg:$0x0]  }
0x2: {  	s7 =	rddreg [dreg:$0x1]  }
0x3: {  	s3 =	rddreg [dreg:$0x2]  }
0x4: {  	s0 =	rddreg [dreg:$0x3]  }
0x5: {  	s1 =	stileid.u32;
	s5 =	srdreg.scid;
	s4 =	simm.s32 $0x0  }
0x6: {  	s15 =	simm.s32 $0x80;
	s16 =	simm.s32 $0x2000;
	s17 =	simm.s32 $0x6000  }
0x7: {  	s18 =	simm.s32 $0x1;
	s19 =	simm.s32 $0x2;
	s20 =	simm.s32 $0x1F00  }
0x8: {  	s21 =	simm.s32 $0x1F80;
	s8 =	smul.u32 $0x13C00, s1;
	s9 =	sand.u32 $0x1, s5  }
0x9: {  	[smem:$0x7FF] =	sst s4;
	s5 =	sadd.s32 $0x6C00, s7;
	s6 =	sadd.s32 $0x1AC00, s7  }
0xa: {  	s12 =	smul.u32 $0x4F000, s1;
	s29 =	sshll.u32 s1, $0x1;
	s31 =	sshll.u32 s1, $0x6  }
0xb: {  	s10 =	smul.u32 $0x13C000, s9;
	_ =	strace $0x80000053;
	s26 =	ssub.s32 $0x2, s9  }
0xc: {  	s9 =	sor.u32 s9, s29;
	s11 =	sshrl.u32 s8, $0x3;
	s28 =	sshrl.u32 s26, $0x1  }
0xd: {  	s30 =	sshrl.u32 s12, $0x2;
	s9 =	smul.u32 $0x5000, s9;
	s8 =	sadd.s32 s8, s10  }
0xe: {  	s11 =	sadd.s32 s11, s7;
	s12 =	sadd.s32 s30, s3;
	s8 =	sshrl.u32 s8, $0x3  }
0xf: {  	s14 =	ssub.s32 s26, s28;
	s12 =	sshrl.u32 s12, $0x3;
	s13 =	sadd.s32 s8, s7  }
0x10: {  	s7 =	sadd.s32 $0x2EC00, s11;
	s8 =	sor.u32 $0x1C03, s31;
	s11 =	smax.u32 s14, $0x1  }
0x11: {  	s14 =	simm.s32 $0x1000;
	s10 =	sadd.s32 $0xCC600, s13;
	s13 =	simm.s32 $0x3  }
.LBB2_1:
0x12: {  	[spmem:s12], [sflag:s8] =	dma.local [hbm:s7], $0x2780  }
0x13: {  	_ =	swait.ge [sflag:s13], $0x2780  }
0x14: {  	[sflag:s13] =	ssyncset.done $0x0  }
0x15: {  	[sflag:s13] =	ssyncadd.s32 $0xFFFFD880  }
0x16: {  	s22 =	simm.s32 $0x0;
	[bflag:$0x0] =	sbarrier.arrive $0xFFFF  }
.LBB2_2:
0x17: {  	s23 =	sshll.u32 s22, $0xC  }
0x18: {  	s23 =	sadd.s32 s9, s23  }
0x19: {  	s23 =	sshrl.u32 s23, $0x3  }
0x1a: {  	s25 =	simm.s32 $0x0;
	s24 =	sadd.s32 s5, s23  }
0x1b: {  	[tilespmem:s25], [sflag:$0x3] =	stream.linear.gather [hbm4b:s24+s25], $0x1000, $0x38;
	[tilespmem:$0x1DC00] =	vst v63  }
0x1c: {  	_ =	swait.ge [sflag:s13], $0x1000  }
0x1d: {  	[sflag:s13] =	ssyncset.done $0x0  }
0x1e: {  	s23 =	sadd.s32 s6, s23;
	[sflag:s13] =	ssyncadd.s32 $0xFFFFF000  }
0x1f: {  	[tilespmem:s14], [sflag:$0x3] =	stream.linear.gather [hbm4b:s23+s25], $0x1000, $0x38;
	[tilespmem:$0x1DC00] =	vst v63  }
0x20: {  	_ =	swait.ge [sflag:s13], $0x1000  }
0x21: {  	[sflag:s13] =	ssyncset.done $0x0  }
0x22: {  	[sflag:s13] =	ssyncadd.s32 $0xFFFFF000  }
0x23: {  	[tilespmem:s16], [sflag:$0x1] =	stream.indirect.gather [hbm4b:s2+s15], $0x80, s25, s15, $0xb8;
	[tilespmem:$0x1DC00] =	vst v63  }
0x24: {  	_ = 	snop  }
0x25: {  	[tilespmem:s17], [sflag:$0x2] =	stream.indirect.gather [hbm4b:s2+s15], $0x80, s15, s15, $0xb8;
	[tilespmem:$0x1DC00] =	vst v63  }
0x26: {  	_ =	swait.ge [sflag:s18], $0x4000  }
0x27: {  	[sflag:s18] =	ssyncset.done $0x0  }
0x28: {  	s29 =	simm.s32 $0x1000;
	[sflag:s18] =	ssyncadd.s32 $0xFFFFC000  }
0x29: {  	[spmem:s3] =	stream.indirect.scatter.add.f32 [tilespmem:s16], [sflag:$0x3], $0x80, s29, s15, $0xb8;
	[tilespmem:$0x1DC00] =	vst v63  }
0x2a: {  	_ =	swait.ge [sflag:s13], $0x4000  }
0x2b: {  	[sflag:s13] =	ssyncset.done $0x0  }
0x2c: {  	s30 =	simm.s32 $0x100;
	[sflag:s13] =	ssyncadd.s32 $0xFFFFC000  }
0x2d: {  	[tilespmem:s16], [sflag:$0x1] =	stream.indirect.gather [hbm4b:s2+s15], $0x80, s30, s15, $0xb8;
	[tilespmem:$0x1DC00] =	vst v63  }
0x2e: {  	_ =	swait.ge [sflag:s19], $0x4000  }
0x2f: {  	[sflag:s19] =	ssyncset.done $0x0  }
0x30: {  	s31 =	simm.s32 $0x1080;
	[sflag:s19] =	ssyncadd.s32 $0xFFFFC000  }
0x31: {  	[spmem:s3] =	stream.indirect.scatter.add.f32 [tilespmem:s17], [sflag:$0x3], $0x80, s31, s15, $0xb8;
	[tilespmem:$0x1DC00] =	vst v63  }
0x32: {  	_ =	swait.ge [sflag:s13], $0x4000  }
0x33: {  	[sflag:s13] =	ssyncset.done $0x0  }
0x34: {  	s24 =	simm.s32 $0x180;
	s23 =	simm.s32 $0x400;
	[sflag:s13] =	ssyncadd.s32 $0xFFFFC000  }
.LBB2_3:
0x35: {  	[tilespmem:s17], [sflag:$0x2] =	stream.indirect.gather [hbm4b:s2+s15], $0x80, s24, s15, $0xb8;
	[tilespmem:$0x1DC00] =	vst v63  }
0x36: {  	s24 =	smov.u32 s23  }
0x37: {  	p0 =	sne.s32 s23, $0x3800;
	s23 =	sadd.s32 $0x400, s23;
	_ =	swait.ge [sflag:s18], $0x4000  }
0x38: {  	s24 =	sshra.s32 s24, $0x2;
	[sflag:s18] =	ssyncset.done $0x0  }
0x39: {  	s25 =	sadd.s32 $0x1000, s24;
	[sflag:s18] =	ssyncadd.s32 $0xFFFFC000  }
0x3a: {  	[spmem:s3] =	stream.indirect.scatter.add.f32 [tilespmem:s16], [sflag:$0x3], $0x80, s25, s15, $0xb8;
	[tilespmem:$0x1DC00] =	vst v63  }
0x3b: {  	_ =	swait.ge [sflag:s13], $0x4000  }
0x3c: {  	[sflag:s13] =	ssyncset.done $0x0  }
0x3d: {  	s25 =	sadd.s32 $0x100, s24;
	[sflag:s13] =	ssyncadd.s32 $0xFFFFC000  }
0x3e: {  	[tilespmem:s16], [sflag:$0x1] =	stream.indirect.gather [hbm4b:s2+s15], $0x80, s25, s15, $0xb8;
	[tilespmem:$0x1DC00] =	vst v63  }
0x3f: {  	_ =	swait.ge [sflag:s19], $0x4000  }
0x40: {  	[sflag:s19] =	ssyncset.done $0x0  }
.Ltmp0:
0x41: {  	s25 =	sadd.s32 $0x1080, s24;
	[sflag:s19] =	ssyncadd.s32 $0xFFFFC000;
	(pc) =	sbr.rel @p0 .LBB2_3-.Ltmp0, $4  }
0x42: {  	[spmem:s3] =	stream.indirect.scatter.add.f32 [tilespmem:s17], [sflag:$0x3], $0x80, s25, s15, $0xb8;
	[tilespmem:$0x1DC00] =	vst v63  }
0x43: {  	_ =	swait.ge [sflag:s13], $0x4000  }
0x44: {  	[sflag:s13] =	ssyncset.done $0x0  }
0x45: {  	s24 =	sadd.s32 $0x180, s24;
	[sflag:s13] =	ssyncadd.s32 $0xFFFFC000  }
0x46: {  	[tilespmem:s17], [sflag:$0x2] =	stream.indirect.gather [hbm4b:s2+s15], $0x80, s24, s15, $0xb8;
	[tilespmem:$0x1DC00] =	vst v63  }
0x47: {  	_ =	swait.ge [sflag:s18], $0x4000  }
0x48: {  	[sflag:s18] =	ssyncset.done $0x0  }
0x49: {  	[sflag:s18] =	ssyncadd.s32 $0xFFFFC000  }
0x4a: {  	[spmem:s3] =	stream.indirect.scatter.add.f32 [tilespmem:s16], [sflag:$0x3], $0x80, s20, s15, $0xb8;
	[tilespmem:$0x1DC00] =	vst v63  }
0x4b: {  	_ =	swait.ge [sflag:s13], $0x4000  }
0x4c: {  	[sflag:s13] =	ssyncset.done $0x0  }
0x4d: {  	[sflag:s13] =	ssyncadd.s32 $0xFFFFC000  }
0x4e: {  	s22 =	sadd.s32 $0x1, s22;
	_ =	swait.ge [sflag:s19], $0x4000  }
0x4f: {  	p0 =	sne.s32 s22, $0x5;
	[sflag:s19] =	ssyncset.done $0x0  }
.Ltmp1:
0x50: {  	[sflag:s19] =	ssyncadd.s32 $0xFFFFC000;
	(pc) =	sbr.rel @p0 .LBB2_2-.Ltmp1, $4  }
0x51: {  	[spmem:s3] =	stream.indirect.scatter.add.f32 [tilespmem:s17], [sflag:$0x3], $0x80, s21, s15, $0xb8;
	[tilespmem:$0x1DC00] =	vst v63  }
0x52: {  	_ =	swait.ge [sflag:s13], $0x4000  }
0x53: {  	[sflag:s13] =	ssyncset.done $0x0  }
0x54: {  	[sflag:s13] =	ssyncadd.s32 $0xFFFFC000  }
0x55: {  	s4 =	sadd.s32 $0x1, s4  }
0x56: {  	p0 =	sne.s32 s4, s11  }
.Ltmp2:
0x57: {  	[bflag:$0x0] =	sbarrier.arrive $0xFFFF;
	(pc) =	sbr.rel @p0 .LBB2_1-.Ltmp2, $4  }
0x58: {  	[hbm:s10], [sflag:s8] =	dma.local [spmem:s12], $0x2780  }
0x59: {  	_ =	swait.ge [sflag:s13], $0x2780  }
0x5a: {  	[sflag:s13] =	ssyncset.done $0x0  }
0x5b: {  	[sflag:s13] =	ssyncadd.s32 $0xFFFFD880  }
0x5c: {  	_ =	sfence.sel $0x180000  }
0x5d: {  	[bflag:$0x0] =	sbarrier.arrive $0xFFFF  }
0x5e: {  	p0 =	sne.s32 s1, $0x0;
	_ =	strace $0x90000053  }
0x5f: {  	s0 =	sadd.s32 @!p0 $0x100000, s0;
	[bflag:$0x2] =	sbarrier.arrive $0xFFFF  }
0x60: {  	[sflag:s0] =	ssyncadd.tile.s32 @!p0 $0x1;
	_ =	shalt  }
.Lfunc_end2:
_tile_overlayer_lowered:
.L_overlay_start_2:
0x61: {  	(tag) =	ssettag $0x2  }
0x62: {  	s0 =	rddreg [dreg:$0x0];
	s2 =	stileid.u32  }
0x63: {  	s1 =	rddreg [dreg:$0x1];
	p0 =	sne.s32 s2, $0x0  }
0x64: {  	s3 =	rddreg [dreg:$0x2];
	[bflag:$0x3] =	sbarrier.arrive $0xFFFF;
	s2 =	simm.s32 @!p0 $0x1C03  }
0x65: {  	[timem:s3], [sflag:s2] =	dma.local @!p0 [hbm:s0], s1  }
0x66: {  	s0 =	simm.s32 @!p0 $0x3  }
0x67: {  	_ =	swait.ge @!p0 [sflag:s0], s1  }
0x68: {  	s1 =	ssub.s32 @!p0 $0x0, s1;
	[sflag:s0] =	ssyncset.done @!p0 $0x0  }
0x69: {  	[sflag:s0] =	ssyncadd.s32 @!p0 s1  }
0x6a: {  	[bflag:$0x3] =	sbarrier.arrive $0xFFFF  }
0x6b: {  	_ =	shalt  }

</sc_bundles>
